<compile_context>
chip_gen: v7x
topology: tpu7x:2x2x1
jax: 0.10.2.dev20260603
libtpu: 0.0.44.dev20260713+nightly
codegen_flags: <defaults>
</compile_context>

<pallas_src>
import functools

import jax
import jax.numpy as jnp
from jax import lax
from jax.experimental import pallas as pl
from jax.experimental.pallas import tpu as pltpu
from jax.experimental.pallas import tpu_sc as plsc

P = 512
PAD = 16
W = P + 2 * PAD
B = 32
L = 16
NCHUNK = W // L
NU = P // L
SLABW = 128

_cached = {}


def _build():
    info = plsc.get_sparse_core_info()
    nc = info.num_cores
    mesh = plsc.VectorSubcoreMesh(core_axis_name="c", subcore_axis_name="s")

    scratch = [
        pltpu.VMEM((P + PAD, SLABW), jnp.float32),
        pltpu.VMEM((5 * L, SLABW), jnp.float32),
        pltpu.VMEM((5 * L, SLABW), jnp.float32),
        pltpu.VMEM((L + 1, W), jnp.float32),
        pltpu.VMEM((L + 1, W), jnp.float32),
    ] + [pltpu.SemaphoreType.DMA] * 5

    @functools.partial(
        pl.kernel,
        mesh=mesh,
        out_type=jax.ShapeDtypeStruct((B, P, W), jnp.float32),
        compiler_params=pltpu.CompilerParams(needs_layout_passes=False),
        scratch_types=scratch,
    )
    def shear_kernel(t01, t02, out, S, T0, T1, O0, O1, sS, sT0, sT1, sO0, sO1):
        b = lax.axis_index("s") * nc + lax.axis_index("c")
        iota = lax.iota(jnp.int32, L)
        zf = jnp.zeros((L,), jnp.float32)
        Tb, Ob = (T0, T1), (O0, O1)
        sT, sO = (sT0, sT1), (sO0, sO1)
        for rr in range(P, P + PAD):
            for cc8 in range(SLABW // L):
                S[rr, pl.ds(L * cc8, L)] = zf
        for Tp in Tb:
            for rr in range(4 * L, 5 * L):
                for cc8 in range(SLABW // L):
                    Tp[rr, pl.ds(L * cc8, L)] = zf

        slab_rows = [P, 400, 272, 144]

        def unit_i0(g):
            return (P - SLABW) - SLABW * (g >> 3) + L * (g & 7)

        def issue_slab(j):
            for s in range(4):
                @pl.when(j == 4 * s)
                def _(s=s):
                    nr = slab_rows[s]
                    pltpu.async_copy(
                        t02.at[b, pl.ds(0, nr), pl.ds(SLABW * s, SLABW)],
                        S.at[pl.ds(0, nr)], sS)
                    pltpu.make_async_copy(
                        t02.at[b, pl.ds(0, nr), pl.ds(0, SLABW)],
                        S.at[pl.ds(0, nr)], sS).wait()

        def issue_in(g, p):
            i0 = unit_i0(g)
            for tt in range(4):
                pltpu.async_copy(
                    t01.at[b, pl.ds(i0, L), pl.ds(SLABW * tt, SLABW)],
                    Tb[p].at[pl.ds(L * tt, L)], sT[p])

        def wait_in(p):
            for tt in range(4):
                pltpu.make_async_copy(
                    t01.at[b, pl.ds(0, L), pl.ds(SLABW * tt, SLABW)],
                    Tb[p].at[pl.ds(L * tt, L)], sT[p]).wait()

        def wait_out(p):
            pltpu.make_async_copy(Ob[p].at[pl.ds(0, L)],
                                  out.at[b, pl.ds(0, L), :], sO[p]).wait()

        def compute_unit(g, p):
            i0 = unit_i0(g)
            q = i0 // L
            cslab = (P - 1) - i0 - SLABW * (g >> 3)
            T, O = Tb[p], Ob[p]

            def row_body(li):
                i = i0 + li
                ccv = (cslab - li) + iota * 0
                liv = li + iota * 0

                @plsc.parallel_loop(0, q + 1, unroll=8,
                                    carry=(PAD + i) - iota)
                def _(m, rv):
                    O[li, pl.ds(m * L, L)] = plsc.load_gather(S, [rv, ccv])
                    return rv - L

                rm = liv - iota
                gS = plsc.load_gather(S, [jnp.maximum(rm, 0), ccv])
                gT = plsc.load_gather(T, [liv, jnp.maximum(iota - li - 1, 0)])
                O[li, pl.ds((q + 1) * L, L)] = jnp.where(rm >= 0, gS, gT)

                cv0 = (L - 1 - li - (q + 2) * L) + iota

                @plsc.parallel_loop(q + 2, NCHUNK, unroll=8)
                def _(m):
                    cv = cv0 + m * L
                    rowT = ((cv >> 7) << 4) + liv
                    O[li, pl.ds(m * L, L)] = plsc.load_gather(
                        T, [rowT, cv & (SLABW - 1)])

            plsc.parallel_loop(0, L, unroll=2)(row_body)
            pltpu.async_copy(O.at[pl.ds(0, L)], out.at[b, pl.ds(i0, L), :],
                             sO[p])

        issue_in(0, 0)
        issue_in(1, 1)

        def pair_body(j, carry):
            issue_slab(j)
            for p in (0, 1):
                g = 2 * j + p
                wait_in(p)

                @pl.when(j > 0)
                def _():
                    wait_out(p)

                compute_unit(g, p)

                @pl.when(j < NU // 2 - 1)
                def _():
                    issue_in(g + 2, p)
            return carry

        lax.fori_loop(0, NU // 2, pair_body, 0)
        wait_out(0)
        wait_out(1)

    return shear_kernel


def kernel(triangle01, triangle02):
    if "k" not in _cached:
        _cached["k"] = _build()
    return _cached["k"](triangle01, triangle02)

# --- scband reference (transcript-rebuilt; emitter-appended) ---
"""Pipeline reference for scband-glue-to-fragment-46566035423847 (READ-ONLY COPY).

The authoritative reference and input builder live on the scoring server;
editing this copy changes nothing except your own understanding.
"""

import jax, jax.numpy as jnp
import numpy as np

PIXEL_COLUMNS = 512
PADDING = 16
BATCH = 32

def setup_inputs(seed: int = 0) -> dict:
    key = jax.random.key(seed)
    k1, k2 = jax.random.split(key)
    triangle01 = jax.random.normal(k1, (BATCH, PIXEL_COLUMNS, PIXEL_COLUMNS), dtype=jnp.float32)
    triangle02 = jax.random.normal(k2, (BATCH, PIXEL_COLUMNS, PIXEL_COLUMNS), dtype=jnp.float32)
    return {"triangle01": triangle01, "triangle02": triangle02}

def reference(triangle01, triangle02):
    P = PIXEL_COLUMNS
    pad = PADDING
    # triangle02.flip(dims=(-1,-2)).transpose(-1,-2)
    t2 = jnp.swapaxes(jnp.flip(triangle02, axis=(-2, -1)), -1, -2)
    cat = jnp.concatenate((t2, triangle01), axis=-1)
    # ZeroPad1d(padding) pads last dim on both sides
    pad_width = [(0, 0)] * (cat.ndim - 1) + [(pad, pad)]
    unsheared = jnp.pad(cat, pad_width)
    # build shear-gather indices (constants)
    indices_bottom = jnp.arange(0, P + 2 * pad, dtype=jnp.int32)[None, :]
    offsets = jnp.arange(P - 1, -1, -1, dtype=jnp.int32)[:, None]
    idx = offsets + indices_bottom  # [P, P + 2*pad]
    idx_b = jnp.broadcast_to(
        idx.reshape((1,) * (unsheared.ndim - 2) + idx.shape),
        unsheared.shape[:-1] + (idx.shape[-1],),
    )
    return jnp.take_along_axis(unsheared, idx_b, axis=-1)

if __name__ == "__main__":
    import jax
    _d = setup_inputs()
    print(jax.jit(kernel)(*tuple(_d.values())))

</pallas_src>

<mosaic_0001>
#map = affine_map<(d0, d1) -> (0, 0, 0)>
module attributes {stable_mosaic.version = 14 : i64} {
  func.func @shear_kernel(%arg0: i32, %arg1: i32, %arg2: memref<32x512x512xf32, #tpu.memory_space<hbm>>, %arg3: memref<32x512x512xf32, #tpu.memory_space<hbm>>, %arg4: memref<32x512x544xf32, #tpu.memory_space<hbm>>, %arg5: memref<528x128xf32, #tpu.memory_space<vmem>>, %arg6: memref<80x128xf32, #tpu.memory_space<vmem>>, %arg7: memref<80x128xf32, #tpu.memory_space<vmem>>, %arg8: memref<17x544xf32, #tpu.memory_space<vmem>>, %arg9: memref<17x544xf32, #tpu.memory_space<vmem>>, %arg10: memref<!tpu.dma_semaphore, #tpu.memory_space<semaphore_mem>>, %arg11: memref<!tpu.dma_semaphore, #tpu.memory_space<semaphore_mem>>, %arg12: memref<!tpu.dma_semaphore, #tpu.memory_space<semaphore_mem>>, %arg13: memref<!tpu.dma_semaphore, #tpu.memory_space<semaphore_mem>>, %arg14: memref<!tpu.dma_semaphore, #tpu.memory_space<semaphore_mem>>) attributes {dimension_semantics = [#tpu.dimension_semantics<core_parallel>, #tpu.dimension_semantics<subcore_parallel>], iteration_bounds = array<i64: 2, 16>, scalar_prefetch = 0 : i64, scratch_operands = 10 : i64, tpu.core_type = #tpu.core_type<sc_vector_subcore>, window_params = [{transform_indices = #map}, {transform_indices = #map}, {transform_indices = #map}]} {
    %mul3A = arith.constant 2 : i32
    %mul3A_0 = arith.muli %arg1, %mul3A : i32
    %add3A = arith.addi %mul3A_0, %arg0 : i32
    %iota3A = tpu.iota {dimensions = array<i32: 0>} : vector<16xi32>
    %broadcast_in_dim3A = arith.constant 0.000000e+00 : f32
    %broadcast_in_dim3A_1 = vector.broadcast %broadcast_in_dim3A : f32 to vector<16xf32>
    %swap3A = arith.constant 512 : i32
    %swap3A_2 = arith.index_cast %swap3A : i32 to index
    %swap3A_3 = arith.constant 0 : index
    %swap3A_4 = tpu.vector_load %arg5[%swap3A_2, %swap3A_3] {strides = array<i32>} : memref<528x128xf32, #tpu.memory_space<vmem>>, vector<16xf32>,
    tpu.vector_store %arg5[%swap3A_2, %swap3A_3], %broadcast_in_dim3A_1 {strides = array<i32>} : memref<528x128xf32, #tpu.memory_space<vmem>>, vector<16xf32>,
    %swap3A_5 = arith.constant 512 : i32
    %swap3A_6 = arith.index_cast %swap3A_5 : i32 to index
    %swap3A_7 = arith.constant 16 : index
    %swap3A_8 = tpu.vector_load %arg5[%swap3A_6, %swap3A_7] {strides = array<i32>} : memref<528x128xf32, #tpu.memory_space<vmem>>, vector<16xf32>,
    tpu.vector_store %arg5[%swap3A_6, %swap3A_7], %broadcast_in_dim3A_1 {strides = array<i32>} : memref<528x128xf32, #tpu.memory_space<vmem>>, vector<16xf32>,
    %swap3A_9 = arith.constant 512 : i32
    %swap3A_10 = arith.index_cast %swap3A_9 : i32 to index
    %swap3A_11 = arith.constant 32 : index
    %swap3A_12 = tpu.vector_load %arg5[%swap3A_10, %swap3A_11] {strides = array<i32>} : memref<528x128xf32, #tpu.memory_space<vmem>>, vector<16xf32>,
    tpu.vector_store %arg5[%swap3A_10, %swap3A_11], %broadcast_in_dim3A_1 {strides = array<i32>} : memref<528x128xf32, #tpu.memory_space<vmem>>, vector<16xf32>,
    %swap3A_13 = arith.constant 512 : i32
    %swap3A_14 = arith.index_cast %swap3A_13 : i32 to index
    %swap3A_15 = arith.constant 48 : index
    %swap3A_16 = tpu.vector_load %arg5[%swap3A_14, %swap3A_15] {strides = array<i32>} : memref<528x128xf32, #tpu.memory_space<vmem>>, vector<16xf32>,
    tpu.vector_store %arg5[%swap3A_14, %swap3A_15], %broadcast_in_dim3A_1 {strides = array<i32>} : memref<528x128xf32, #tpu.memory_space<vmem>>, vector<16xf32>,
    %swap3A_17 = arith.constant 512 : i32
    %swap3A_18 = arith.index_cast %swap3A_17 : i32 to index
    %swap3A_19 = arith.constant 64 : index
    %swap3A_20 = tpu.vector_load %arg5[%swap3A_18, %swap3A_19] {strides = array<i32>} : memref<528x128xf32, #tpu.memory_space<vmem>>, vector<16xf32>,
    tpu.vector_store %arg5[%swap3A_18, %swap3A_19], %broadcast_in_dim3A_1 {strides = array<i32>} : memref<528x128xf32, #tpu.memory_space<vmem>>, vector<16xf32>,
    %swap3A_21 = arith.constant 512 : i32
    %swap3A_22 = arith.index_cast %swap3A_21 : i32 to index
    %swap3A_23 = arith.constant 80 : index
    %swap3A_24 = tpu.vector_load %arg5[%swap3A_22, %swap3A_23] {strides = array<i32>} : memref<528x128xf32, #tpu.memory_space<vmem>>, vector<16xf32>,
    tpu.vector_store %arg5[%swap3A_22, %swap3A_23], %broadcast_in_dim3A_1 {strides = array<i32>} : memref<528x128xf32, #tpu.memory_space<vmem>>, vector<16xf32>,
    %swap3A_25 = arith.constant 512 : i32
    %swap3A_26 = arith.index_cast %swap3A_25 : i32 to index
    %swap3A_27 = arith.constant 96 : index
    %swap3A_28 = tpu.vector_load %arg5[%swap3A_26, %swap3A_27] {strides = array<i32>} : memref<528x128xf32, #tpu.memory_space<vmem>>, vector<16xf32>,
    tpu.vector_store %arg5[%swap3A_26, %swap3A_27], %broadcast_in_dim3A_1 {strides = array<i32>} : memref<528x128xf32, #tpu.memory_space<vmem>>, vector<16xf32>,
    %swap3A_29 = arith.constant 512 : i32
    %swap3A_30 = arith.index_cast %swap3A_29 : i32 to index
    %swap3A_31 = arith.constant 112 : index
    %swap3A_32 = tpu.vector_load %arg5[%swap3A_30, %swap3A_31] {strides = array<i32>} : memref<528x128xf32, #tpu.memory_space<vmem>>, vector<16xf32>,
    tpu.vector_store %arg5[%swap3A_30, %swap3A_31], %broadcast_in_dim3A_1 {strides = array<i32>} : memref<528x128xf32, #tpu.memory_space<vmem>>, vector<16xf32>,
    %swap3A_33 = arith.constant 513 : i32
    %swap3A_34 = arith.index_cast %swap3A_33 : i32 to index
    %swap3A_35 = arith.constant 0 : index
    %swap3A_36 = tpu.vector_load %arg5[%swap3A_34, %swap3A_35] {strides = array<i32>} : memref<528x128xf32, #tpu.memory_space<vmem>>, vector<16xf32>,
    tpu.vector_store %arg5[%swap3A_34, %swap3A_35], %broadcast_in_dim3A_1 {strides = array<i32>} : memref<528x128xf32, #tpu.memory_space<vmem>>, vector<16xf32>,
    %swap3A_37 = arith.constant 513 : i32
    %swap3A_38 = arith.index_cast %swap3A_37 : i32 to index
    %swap3A_39 = arith.constant 16 : index
    %swap3A_40 = tpu.vector_load %arg5[%swap3A_38, %swap3A_39] {strides = array<i32>} : memref<528x128xf32, #tpu.memory_space<vmem>>, vector<16xf32>,
    tpu.vector_store %arg5[%swap3A_38, %swap3A_39], %broadcast_in_dim3A_1 {strides = array<i32>} : memref<528x128xf32, #tpu.memory_space<vmem>>, vector<16xf32>,
    %swap3A_41 = arith.constant 513 : i32
    %swap3A_42 = arith.index_cast %swap3A_41 : i32 to index
    %swap3A_43 = arith.constant 32 : index
    %swap3A_44 = tpu.vector_load %arg5[%swap3A_42, %swap3A_43] {strides = array<i32>} : memref<528x128xf32, #tpu.memory_space<vmem>>, vector<16xf32>,
    tpu.vector_store %arg5[%swap3A_42, %swap3A_43], %broadcast_in_dim3A_1 {strides = array<i32>} : memref<528x128xf32, #tpu.memory_space<vmem>>, vector<16xf32>,
    %swap3A_45 = arith.constant 513 : i32
    %swap3A_46 = arith.index_cast %swap3A_45 : i32 to index
    %swap3A_47 = arith.constant 48 : index
    %swap3A_48 = tpu.vector_load %arg5[%swap3A_46, %swap3A_47] {strides = array<i32>} : memref<528x128xf32, #tpu.memory_space<vmem>>, vector<16xf32>,
    tpu.vector_store %arg5[%swap3A_46, %swap3A_47], %broadcast_in_dim3A_1 {strides = array<i32>} : memref<528x128xf32, #tpu.memory_space<vmem>>, vector<16xf32>,
    %swap3A_49 = arith.constant 513 : i32
    %swap3A_50 = arith.index_cast %swap3A_49 : i32 to index
    %swap3A_51 = arith.constant 64 : index
    %swap3A_52 = tpu.vector_load %arg5[%swap3A_50, %swap3A_51] {strides = array<i32>} : memref<528x128xf32, #tpu.memory_space<vmem>>, vector<16xf32>,
    tpu.vector_store %arg5[%swap3A_50, %swap3A_51], %broadcast_in_dim3A_1 {strides = array<i32>} : memref<528x128xf32, #tpu.memory_space<vmem>>, vector<16xf32>,
    %swap3A_53 = arith.constant 513 : i32
    %swap3A_54 = arith.index_cast %swap3A_53 : i32 to index
    %swap3A_55 = arith.constant 80 : index
    %swap3A_56 = tpu.vector_load %arg5[%swap3A_54, %swap3A_55] {strides = array<i32>} : memref<528x128xf32, #tpu.memory_space<vmem>>, vector<16xf32>,
    tpu.vector_store %arg5[%swap3A_54, %swap3A_55], %broadcast_in_dim3A_1 {strides = array<i32>} : memref<528x128xf32, #tpu.memory_space<vmem>>, vector<16xf32>,
    %swap3A_57 = arith.constant 513 : i32
    %swap3A_58 = arith.index_cast %swap3A_57 : i32 to index
    %swap3A_59 = arith.constant 96 : index
    %swap3A_60 = tpu.vector_load %arg5[%swap3A_58, %swap3A_59] {strides = array<i32>} : memref<528x128xf32, #tpu.memory_space<vmem>>, vector<16xf32>,
    tpu.vector_store %arg5[%swap3A_58, %swap3A_59], %broadcast_in_dim3A_1 {strides = array<i32>} : memref<528x128xf32, #tpu.memory_space<vmem>>, vector<16xf32>,
    %swap3A_61 = arith.constant 513 : i32
    %swap3A_62 = arith.index_cast %swap3A_61 : i32 to index
    %swap3A_63 = arith.constant 112 : index
    %swap3A_64 = tpu.vector_load %arg5[%swap3A_62, %swap3A_63] {strides = array<i32>} : memref<528x128xf32, #tpu.memory_space<vmem>>, vector<16xf32>,
    tpu.vector_store %arg5[%swap3A_62, %swap3A_63], %broadcast_in_dim3A_1 {strides = array<i32>} : memref<528x128xf32, #tpu.memory_space<vmem>>, vector<16xf32>,
    %swap3A_65 = arith.constant 514 : i32
    %swap3A_66 = arith.index_cast %swap3A_65 : i32 to index
    %swap3A_67 = arith.constant 0 : index
    %swap3A_68 = tpu.vector_load %arg5[%swap3A_66, %swap3A_67] {strides = array<i32>} : memref<528x128xf32, #tpu.memory_space<vmem>>, vector<16xf32>,
    tpu.vector_store %arg5[%swap3A_66, %swap3A_67], %broadcast_in_dim3A_1 {strides = array<i32>} : memref<528x128xf32, #tpu.memory_space<vmem>>, vector<16xf32>,
    %swap3A_69 = arith.constant 514 : i32
    %swap3A_70 = arith.index_cast %swap3A_69 : i32 to index
    %swap3A_71 = arith.constant 16 : index
    %swap3A_72 = tpu.vector_load %arg5[%swap3A_70, %swap3A_71] {strides = array<i32>} : memref<528x128xf32, #tpu.memory_space<vmem>>, vector<16xf32>,
    tpu.vector_store %arg5[%swap3A_70, %swap3A_71], %broadcast_in_dim3A_1 {strides = array<i32>} : memref<528x128xf32, #tpu.memory_space<vmem>>, vector<16xf32>,
    %swap3A_73 = arith.constant 514 : i32
    %swap3A_74 = arith.index_cast %swap3A_73 : i32 to index
    %swap3A_75 = arith.constant 32 : index
    %swap3A_76 = tpu.vector_load %arg5[%swap3A_74, %swap3A_75] {strides = array<i32>} : memref<528x128xf32, #tpu.memory_space<vmem>>, vector<16xf32>,
    tpu.vector_store %arg5[%swap3A_74, %swap3A_75], %broadcast_in_dim3A_1 {strides = array<i32>} : memref<528x128xf32, #tpu.memory_space<vmem>>, vector<16xf32>,
    %swap3A_77 = arith.constant 514 : i32
    %swap3A_78 = arith.index_cast %swap3A_77 : i32 to index
    %swap3A_79 = arith.constant 48 : index
    %swap3A_80 = tpu.vector_load %arg5[%swap3A_78, %swap3A_79] {strides = array<i32>} : memref<528x128xf32, #tpu.memory_space<vmem>>, vector<16xf32>,
    tpu.vector_store %arg5[%swap3A_78, %swap3A_79], %broadcast_in_dim3A_1 {strides = array<i32>} : memref<528x128xf32, #tpu.memory_space<vmem>>, vector<16xf32>,
    %swap3A_81 = arith.constant 514 : i32
    %swap3A_82 = arith.index_cast %swap3A_81 : i32 to index
    %swap3A_83 = arith.constant 64 : index
    %swap3A_84 = tpu.vector_load %arg5[%swap3A_82, %swap3A_83] {strides = array<i32>} : memref<528x128xf32, #tpu.memory_space<vmem>>, vector<16xf32>,
    tpu.vector_store %arg5[%swap3A_82, %swap3A_83], %broadcast_in_dim3A_1 {strides = array<i32>} : memref<528x128xf32, #tpu.memory_space<vmem>>, vector<16xf32>,
    %swap3A_85 = arith.constant 514 : i32
    %swap3A_86 = arith.index_cast %swap3A_85 : i32 to index
    %swap3A_87 = arith.constant 80 : index
    %swap3A_88 = tpu.vector_load %arg5[%swap3A_86, %swap3A_87] {strides = array<i32>} : memref<528x128xf32, #tpu.memory_space<vmem>>, vector<16xf32>,
    tpu.vector_store %arg5[%swap3A_86, %swap3A_87], %broadcast_in_dim3A_1 {strides = array<i32>} : memref<528x128xf32, #tpu.memory_space<vmem>>, vector<16xf32>,
    %swap3A_89 = arith.constant 514 : i32
    %swap3A_90 = arith.index_cast %swap3A_89 : i32 to index
    %swap3A_91 = arith.constant 96 : index
    %swap3A_92 = tpu.vector_load %arg5[%swap3A_90, %swap3A_91] {strides = array<i32>} : memref<528x128xf32, #tpu.memory_space<vmem>>, vector<16xf32>,
    tpu.vector_store %arg5[%swap3A_90, %swap3A_91], %broadcast_in_dim3A_1 {strides = array<i32>} : memref<528x128xf32, #tpu.memory_space<vmem>>, vector<16xf32>,
    %swap3A_93 = arith.constant 514 : i32
    %swap3A_94 = arith.index_cast %swap3A_93 : i32 to index
    %swap3A_95 = arith.constant 112 : index
    %swap3A_96 = tpu.vector_load %arg5[%swap3A_94, %swap3A_95] {strides = array<i32>} : memref<528x128xf32, #tpu.memory_space<vmem>>, vector<16xf32>,
    tpu.vector_store %arg5[%swap3A_94, %swap3A_95], %broadcast_in_dim3A_1 {strides = array<i32>} : memref<528x128xf32, #tpu.memory_space<vmem>>, vector<16xf32>,
    %swap3A_97 = arith.constant 515 : i32
    %swap3A_98 = arith.index_cast %swap3A_97 : i32 to index
    %swap3A_99 = arith.constant 0 : index
    %swap3A_100 = tpu.vector_load %arg5[%swap3A_98, %swap3A_99] {strides = array<i32>} : memref<528x128xf32, #tpu.memory_space<vmem>>, vector<16xf32>,
    tpu.vector_store %arg5[%swap3A_98, %swap3A_99], %broadcast_in_dim3A_1 {strides = array<i32>} : memref<528x128xf32, #tpu.memory_space<vmem>>, vector<16xf32>,
    %swap3A_101 = arith.constant 515 : i32
    %swap3A_102 = arith.index_cast %swap3A_101 : i32 to index
    %swap3A_103 = arith.constant 16 : index
    %swap3A_104 = tpu.vector_load %arg5[%swap3A_102, %swap3A_103] {strides = array<i32>} : memref<528x128xf32, #tpu.memory_space<vmem>>, vector<16xf32>,
    tpu.vector_store %arg5[%swap3A_102, %swap3A_103], %broadcast_in_dim3A_1 {strides = array<i32>} : memref<528x128xf32, #tpu.memory_space<vmem>>, vector<16xf32>,
    %swap3A_105 = arith.constant 515 : i32
    %swap3A_106 = arith.index_cast %swap3A_105 : i32 to index
    %swap3A_107 = arith.constant 32 : index
    %swap3A_108 = tpu.vector_load %arg5[%swap3A_106, %swap3A_107] {strides = array<i32>} : memref<528x128xf32, #tpu.memory_space<vmem>>, vector<16xf32>,
    tpu.vector_store %arg5[%swap3A_106, %swap3A_107], %broadcast_in_dim3A_1 {strides = array<i32>} : memref<528x128xf32, #tpu.memory_space<vmem>>, vector<16xf32>,
    %swap3A_109 = arith.constant 515 : i32
    %swap3A_110 = arith.index_cast %swap3A_109 : i32 to index
    %swap3A_111 = arith.constant 48 : index
    %swap3A_112 = tpu.vector_load %arg5[%swap3A_110, %swap3A_111] {strides = array<i32>} : memref<528x128xf32, #tpu.memory_space<vmem>>, vector<16xf32>,
    tpu.vector_store %arg5[%swap3A_110, %swap3A_111], %broadcast_in_dim3A_1 {strides = array<i32>} : memref<528x128xf32, #tpu.memory_space<vmem>>, vector<16xf32>,
    %swap3A_113 = arith.constant 515 : i32
    %swap3A_114 = arith.index_cast %swap3A_113 : i32 to index
    %swap3A_115 = arith.constant 64 : index
    %swap3A_116 = tpu.vector_load %arg5[%swap3A_114, %swap3A_115] {strides = array<i32>} : memref<528x128xf32, #tpu.memory_space<vmem>>, vector<16xf32>,
    tpu.vector_store %arg5[%swap3A_114, %swap3A_115], %broadcast_in_dim3A_1 {strides = array<i32>} : memref<528x128xf32, #tpu.memory_space<vmem>>, vector<16xf32>,
    %swap3A_117 = arith.constant 515 : i32
    %swap3A_118 = arith.index_cast %swap3A_117 : i32 to index
    %swap3A_119 = arith.constant 80 : index
    %swap3A_120 = tpu.vector_load %arg5[%swap3A_118, %swap3A_119] {strides = array<i32>} : memref<528x128xf32, #tpu.memory_space<vmem>>, vector<16xf32>,
    tpu.vector_store %arg5[%swap3A_118, %swap3A_119], %broadcast_in_dim3A_1 {strides = array<i32>} : memref<528x128xf32, #tpu.memory_space<vmem>>, vector<16xf32>,
    %swap3A_121 = arith.constant 515 : i32
    %swap3A_122 = arith.index_cast %swap3A_121 : i32 to index
    %swap3A_123 = arith.constant 96 : index
    %swap3A_124 = tpu.vector_load %arg5[%swap3A_122, %swap3A_123] {strides = array<i32>} : memref<528x128xf32, #tpu.memory_space<vmem>>, vector<16xf32>,
    tpu.vector_store %arg5[%swap3A_122, %swap3A_123], %broadcast_in_dim3A_1 {strides = array<i32>} : memref<528x128xf32, #tpu.memory_space<vmem>>, vector<16xf32>,
    %swap3A_125 = arith.constant 515 : i32
    %swap3A_126 = arith.index_cast %swap3A_125 : i32 to index
    %swap3A_127 = arith.constant 112 : index
    %swap3A_128 = tpu.vector_load %arg5[%swap3A_126, %swap3A_127] {strides = array<i32>} : memref<528x128xf32, #tpu.memory_space<vmem>>, vector<16xf32>,
    tpu.vector_store %arg5[%swap3A_126, %swap3A_127], %broadcast_in_dim3A_1 {strides = array<i32>} : memref<528x128xf32, #tpu.memory_space<vmem>>, vector<16xf32>,
    %swap3A_129 = arith.constant 516 : i32
    %swap3A_130 = arith.index_cast %swap3A_129 : i32 to index
    %swap3A_131 = arith.constant 0 : index
    %swap3A_132 = tpu.vector_load %arg5[%swap3A_130, %swap3A_131] {strides = array<i32>} : memref<528x128xf32, #tpu.memory_space<vmem>>, vector<16xf32>,
    tpu.vector_store %arg5[%swap3A_130, %swap3A_131], %broadcast_in_dim3A_1 {strides = array<i32>} : memref<528x128xf32, #tpu.memory_space<vmem>>, vector<16xf32>,
    %swap3A_133 = arith.constant 516 : i32
    %swap3A_134 = arith.index_cast %swap3A_133 : i32 to index
    %swap3A_135 = arith.constant 16 : index
    %swap3A_136 = tpu.vector_load %arg5[%swap3A_134, %swap3A_135] {strides = array<i32>} : memref<528x128xf32, #tpu.memory_space<vmem>>, vector<16xf32>,
    tpu.vector_store %arg5[%swap3A_134, %swap3A_135], %broadcast_in_dim3A_1 {strides = array<i32>} : memref<528x128xf32, #tpu.memory_space<vmem>>, vector<16xf32>,
    %swap3A_137 = arith.constant 516 : i32
    %swap3A_138 = arith.index_cast %swap3A_137 : i32 to index
    %swap3A_139 = arith.constant 32 : index
    %swap3A_140 = tpu.vector_load %arg5[%swap3A_138, %swap3A_139] {strides = array<i32>} : memref<528x128xf32, #tpu.memory_space<vmem>>, vector<16xf32>,
    tpu.vector_store %arg5[%swap3A_138, %swap3A_139], %broadcast_in_dim3A_1 {strides = array<i32>} : memref<528x128xf32, #tpu.memory_space<vmem>>, vector<16xf32>,
    %swap3A_141 = arith.constant 516 : i32
    %swap3A_142 = arith.index_cast %swap3A_141 : i32 to index
    %swap3A_143 = arith.constant 48 : index
    %swap3A_144 = tpu.vector_load %arg5[%swap3A_142, %swap3A_143] {strides = array<i32>} : memref<528x128xf32, #tpu.memory_space<vmem>>, vector<16xf32>,
    tpu.vector_store %arg5[%swap3A_142, %swap3A_143], %broadcast_in_dim3A_1 {strides = array<i32>} : memref<528x128xf32, #tpu.memory_space<vmem>>, vector<16xf32>,
    %swap3A_145 = arith.constant 516 : i32
    %swap3A_146 = arith.index_cast %swap3A_145 : i32 to index
    %swap3A_147 = arith.constant 64 : index
    %swap3A_148 = tpu.vector_load %arg5[%swap3A_146, %swap3A_147] {strides = array<i32>} : memref<528x128xf32, #tpu.memory_space<vmem>>, vector<16xf32>,
    tpu.vector_store %arg5[%swap3A_146, %swap3A_147], %broadcast_in_dim3A_1 {strides = array<i32>} : memref<528x128xf32, #tpu.memory_space<vmem>>, vector<16xf32>,
    %swap3A_149 = arith.constant 516 : i32
    %swap3A_150 = arith.index_cast %swap3A_149 : i32 to index
    %swap3A_151 = arith.constant 80 : index
    %swap3A_152 = tpu.vector_load %arg5[%swap3A_150, %swap3A_151] {strides = array<i32>} : memref<528x128xf32, #tpu.memory_space<vmem>>, vector<16xf32>,
    tpu.vector_store %arg5[%swap3A_150, %swap3A_151], %broadcast_in_dim3A_1 {strides = array<i32>} : memref<528x128xf32, #tpu.memory_space<vmem>>, vector<16xf32>,
    %swap3A_153 = arith.constant 516 : i32
    %swap3A_154 = arith.index_cast %swap3A_153 : i32 to index
    %swap3A_155 = arith.constant 96 : index
    %swap3A_156 = tpu.vector_load %arg5[%swap3A_154, %swap3A_155] {strides = array<i32>} : memref<528x128xf32, #tpu.memory_space<vmem>>, vector<16xf32>,
    tpu.vector_store %arg5[%swap3A_154, %swap3A_155], %broadcast_in_dim3A_1 {strides = array<i32>} : memref<528x128xf32, #tpu.memory_space<vmem>>, vector<16xf32>,
    %swap3A_157 = arith.constant 516 : i32
    %swap3A_158 = arith.index_cast %swap3A_157 : i32 to index
    %swap3A_159 = arith.constant 112 : index
    %swap3A_160 = tpu.vector_load %arg5[%swap3A_158, %swap3A_159] {strides = array<i32>} : memref<528x128xf32, #tpu.memory_space<vmem>>, vector<16xf32>,
    tpu.vector_store %arg5[%swap3A_158, %swap3A_159], %broadcast_in_dim3A_1 {strides = array<i32>} : memref<528x128xf32, #tpu.memory_space<vmem>>, vector<16xf32>,
    %swap3A_161 = arith.constant 517 : i32
    %swap3A_162 = arith.index_cast %swap3A_161 : i32 to index
    %swap3A_163 = arith.constant 0 : index
    %swap3A_164 = tpu.vector_load %arg5[%swap3A_162, %swap3A_163] {strides = array<i32>} : memref<528x128xf32, #tpu.memory_space<vmem>>, vector<16xf32>,
    tpu.vector_store %arg5[%swap3A_162, %swap3A_163], %broadcast_in_dim3A_1 {strides = array<i32>} : memref<528x128xf32, #tpu.memory_space<vmem>>, vector<16xf32>,
    %swap3A_165 = arith.constant 517 : i32
    %swap3A_166 = arith.index_cast %swap3A_165 : i32 to index
    %swap3A_167 = arith.constant 16 : index
    %swap3A_168 = tpu.vector_load %arg5[%swap3A_166, %swap3A_167] {strides = array<i32>} : memref<528x128xf32, #tpu.memory_space<vmem>>, vector<16xf32>,
    tpu.vector_store %arg5[%swap3A_166, %swap3A_167], %broadcast_in_dim3A_1 {strides = array<i32>} : memref<528x128xf32, #tpu.memory_space<vmem>>, vector<16xf32>,
    %swap3A_169 = arith.constant 517 : i32
    %swap3A_170 = arith.index_cast %swap3A_169 : i32 to index
    %swap3A_171 = arith.constant 32 : index
    %swap3A_172 = tpu.vector_load %arg5[%swap3A_170, %swap3A_171] {strides = array<i32>} : memref<528x128xf32, #tpu.memory_space<vmem>>, vector<16xf32>,
    tpu.vector_store %arg5[%swap3A_170, %swap3A_171], %broadcast_in_dim3A_1 {strides = array<i32>} : memref<528x128xf32, #tpu.memory_space<vmem>>, vector<16xf32>,
    %swap3A_173 = arith.constant 517 : i32
    %swap3A_174 = arith.index_cast %swap3A_173 : i32 to index
    %swap3A_175 = arith.constant 48 : index
    %swap3A_176 = tpu.vector_load %arg5[%swap3A_174, %swap3A_175] {strides = array<i32>} : memref<528x128xf32, #tpu.memory_space<vmem>>, vector<16xf32>,
    tpu.vector_store %arg5[%swap3A_174, %swap3A_175], %broadcast_in_dim3A_1 {strides = array<i32>} : memref<528x128xf32, #tpu.memory_space<vmem>>, vector<16xf32>,
    %swap3A_177 = arith.constant 517 : i32
    %swap3A_178 = arith.index_cast %swap3A_177 : i32 to index
    %swap3A_179 = arith.constant 64 : index
    %swap3A_180 = tpu.vector_load %arg5[%swap3A_178, %swap3A_179] {strides = array<i32>} : memref<528x128xf32, #tpu.memory_space<vmem>>, vector<16xf32>,
    tpu.vector_store %arg5[%swap3A_178, %swap3A_179], %broadcast_in_dim3A_1 {strides = array<i32>} : memref<528x128xf32, #tpu.memory_space<vmem>>, vector<16xf32>,
    %swap3A_181 = arith.constant 517 : i32
    %swap3A_182 = arith.index_cast %swap3A_181 : i32 to index
    %swap3A_183 = arith.constant 80 : index
    %swap3A_184 = tpu.vector_load %arg5[%swap3A_182, %swap3A_183] {strides = array<i32>} : memref<528x128xf32, #tpu.memory_space<vmem>>, vector<16xf32>,
    tpu.vector_store %arg5[%swap3A_182, %swap3A_183], %broadcast_in_dim3A_1 {strides = array<i32>} : memref<528x128xf32, #tpu.memory_space<vmem>>, vector<16xf32>,
    %swap3A_185 = arith.constant 517 : i32
    %swap3A_186 = arith.index_cast %swap3A_185 : i32 to index
    %swap3A_187 = arith.constant 96 : index
    %swap3A_188 = tpu.vector_load %arg5[%swap3A_186, %swap3A_187] {strides = array<i32>} : memref<528x128xf32, #tpu.memory_space<vmem>>, vector<16xf32>,
    tpu.vector_store %arg5[%swap3A_186, %swap3A_187], %broadcast_in_dim3A_1 {strides = array<i32>} : memref<528x128xf32, #tpu.memory_space<vmem>>, vector<16xf32>,
    %swap3A_189 = arith.constant 517 : i32
    %swap3A_190 = arith.index_cast %swap3A_189 : i32 to index
    %swap3A_191 = arith.constant 112 : index
    %swap3A_192 = tpu.vector_load %arg5[%swap3A_190, %swap3A_191] {strides = array<i32>} : memref<528x128xf32, #tpu.memory_space<vmem>>, vector<16xf32>,
    tpu.vector_store %arg5[%swap3A_190, %swap3A_191], %broadcast_in_dim3A_1 {strides = array<i32>} : memref<528x128xf32, #tpu.memory_space<vmem>>, vector<16xf32>,
    %swap3A_193 = arith.constant 518 : i32
    %swap3A_194 = arith.index_cast %swap3A_193 : i32 to index
    %swap3A_195 = arith.constant 0 : index
    %swap3A_196 = tpu.vector_load %arg5[%swap3A_194, %swap3A_195] {strides = array<i32>} : memref<528x128xf32, #tpu.memory_space<vmem>>, vector<16xf32>,
    tpu.vector_store %arg5[%swap3A_194, %swap3A_195], %broadcast_in_dim3A_1 {strides = array<i32>} : memref<528x128xf32, #tpu.memory_space<vmem>>, vector<16xf32>,
    %swap3A_197 = arith.constant 518 : i32
    %swap3A_198 = arith.index_cast %swap3A_197 : i32 to index
    %swap3A_199 = arith.constant 16 : index
    %swap3A_200 = tpu.vector_load %arg5[%swap3A_198, %swap3A_199] {strides = array<i32>} : memref<528x128xf32, #tpu.memory_space<vmem>>, vector<16xf32>,
    tpu.vector_store %arg5[%swap3A_198, %swap3A_199], %broadcast_in_dim3A_1 {strides = array<i32>} : memref<528x128xf32, #tpu.memory_space<vmem>>, vector<16xf32>,
    %swap3A_201 = arith.constant 518 : i32
    %swap3A_202 = arith.index_cast %swap3A_201 : i32 to index
    %swap3A_203 = arith.constant 32 : index
    %swap3A_204 = tpu.vector_load %arg5[%swap3A_202, %swap3A_203] {strides = array<i32>} : memref<528x128xf32, #tpu.memory_space<vmem>>, vector<16xf32>,
    tpu.vector_store %arg5[%swap3A_202, %swap3A_203], %broadcast_in_dim3A_1 {strides = array<i32>} : memref<528x128xf32, #tpu.memory_space<vmem>>, vector<16xf32>,
    %swap3A_205 = arith.constant 518 : i32
    %swap3A_206 = arith.index_cast %swap3A_205 : i32 to index
    %swap3A_207 = arith.constant 48 : index
    %swap3A_208 = tpu.vector_load %arg5[%swap3A_206, %swap3A_207] {strides = array<i32>} : memref<528x128xf32, #tpu.memory_space<vmem>>, vector<16xf32>,
    tpu.vector_store %arg5[%swap3A_206, %swap3A_207], %broadcast_in_dim3A_1 {strides = array<i32>} : memref<528x128xf32, #tpu.memory_space<vmem>>, vector<16xf32>,
    %swap3A_209 = arith.constant 518 : i32
    %swap3A_210 = arith.index_cast %swap3A_209 : i32 to index
    %swap3A_211 = arith.constant 64 : index
    %swap3A_212 = tpu.vector_load %arg5[%swap3A_210, %swap3A_211] {strides = array<i32>} : memref<528x128xf32, #tpu.memory_space<vmem>>, vector<16xf32>,
    tpu.vector_store %arg5[%swap3A_210, %swap3A_211], %broadcast_in_dim3A_1 {strides = array<i32>} : memref<528x128xf32, #tpu.memory_space<vmem>>, vector<16xf32>,
    %swap3A_213 = arith.constant 518 : i32
    %swap3A_214 = arith.index_cast %swap3A_213 : i32 to index
    %swap3A_215 = arith.constant 80 : index
    %swap3A_216 = tpu.vector_load %arg5[%swap3A_214, %swap3A_215] {strides = array<i32>} : memref<528x128xf32, #tpu.memory_space<vmem>>, vector<16xf32>,
    tpu.vector_store %arg5[%swap3A_214, %swap3A_215], %broadcast_in_dim3A_1 {strides = array<i32>} : memref<528x128xf32, #tpu.memory_space<vmem>>, vector<16xf32>,
    %swap3A_217 = arith.constant 518 : i32
    %swap3A_218 = arith.index_cast %swap3A_217 : i32 to index
    %swap3A_219 = arith.constant 96 : index
    %swap3A_220 = tpu.vector_load %arg5[%swap3A_218, %swap3A_219] {strides = array<i32>} : memref<528x128xf32, #tpu.memory_space<vmem>>, vector<16xf32>,
    tpu.vector_store %arg5[%swap3A_218, %swap3A_219], %broadcast_in_dim3A_1 {strides = array<i32>} : memref<528x128xf32, #tpu.memory_space<vmem>>, vector<16xf32>,
    %swap3A_221 = arith.constant 518 : i32
    %swap3A_222 = arith.index_cast %swap3A_221 : i32 to index
    %swap3A_223 = arith.constant 112 : index
    %swap3A_224 = tpu.vector_load %arg5[%swap3A_222, %swap3A_223] {strides = array<i32>} : memref<528x128xf32, #tpu.memory_space<vmem>>, vector<16xf32>,
    tpu.vector_store %arg5[%swap3A_222, %swap3A_223], %broadcast_in_dim3A_1 {strides = array<i32>} : memref<528x128xf32, #tpu.memory_space<vmem>>, vector<16xf32>,
    %swap3A_225 = arith.constant 519 : i32
    %swap3A_226 = arith.index_cast %swap3A_225 : i32 to index
    %swap3A_227 = arith.constant 0 : index
    %swap3A_228 = tpu.vector_load %arg5[%swap3A_226, %swap3A_227] {strides = array<i32>} : memref<528x128xf32, #tpu.memory_space<vmem>>, vector<16xf32>,
    tpu.vector_store %arg5[%swap3A_226, %swap3A_227], %broadcast_in_dim3A_1 {strides = array<i32>} : memref<528x128xf32, #tpu.memory_space<vmem>>, vector<16xf32>,
    %swap3A_229 = arith.constant 519 : i32
    %swap3A_230 = arith.index_cast %swap3A_229 : i32 to index
    %swap3A_231 = arith.constant 16 : index
    %swap3A_232 = tpu.vector_load %arg5[%swap3A_230, %swap3A_231] {strides = array<i32>} : memref<528x128xf32, #tpu.memory_space<vmem>>, vector<16xf32>,
    tpu.vector_store %arg5[%swap3A_230, %swap3A_231], %broadcast_in_dim3A_1 {strides = array<i32>} : memref<528x128xf32, #tpu.memory_space<vmem>>, vector<16xf32>,
    %swap3A_233 = arith.constant 519 : i32
    %swap3A_234 = arith.index_cast %swap3A_233 : i32 to index
    %swap3A_235 = arith.constant 32 : index
    %swap3A_236 = tpu.vector_load %arg5[%swap3A_234, %swap3A_235] {strides = array<i32>} : memref<528x128xf32, #tpu.memory_space<vmem>>, vector<16xf32>,
    tpu.vector_store %arg5[%swap3A_234, %swap3A_235], %broadcast_in_dim3A_1 {strides = array<i32>} : memref<528x128xf32, #tpu.memory_space<vmem>>, vector<16xf32>,
    %swap3A_237 = arith.constant 519 : i32
    %swap3A_238 = arith.index_cast %swap3A_237 : i32 to index
    %swap3A_239 = arith.constant 48 : index
    %swap3A_240 = tpu.vector_load %arg5[%swap3A_238, %swap3A_239] {strides = array<i32>} : memref<528x128xf32, #tpu.memory_space<vmem>>, vector<16xf32>,
    tpu.vector_store %arg5[%swap3A_238, %swap3A_239], %broadcast_in_dim3A_1 {strides = array<i32>} : memref<528x128xf32, #tpu.memory_space<vmem>>, vector<16xf32>,
    %swap3A_241 = arith.constant 519 : i32
    %swap3A_242 = arith.index_cast %swap3A_241 : i32 to index
    %swap3A_243 = arith.constant 64 : index
    %swap3A_244 = tpu.vector_load %arg5[%swap3A_242, %swap3A_243] {strides = array<i32>} : memref<528x128xf32, #tpu.memory_space<vmem>>, vector<16xf32>,
    tpu.vector_store %arg5[%swap3A_242, %swap3A_243], %broadcast_in_dim3A_1 {strides = array<i32>} : memref<528x128xf32, #tpu.memory_space<vmem>>, vector<16xf32>,
    %swap3A_245 = arith.constant 519 : i32
    %swap3A_246 = arith.index_cast %swap3A_245 : i32 to index
    %swap3A_247 = arith.constant 80 : index
    %swap3A_248 = tpu.vector_load %arg5[%swap3A_246, %swap3A_247] {strides = array<i32>} : memref<528x128xf32, #tpu.memory_space<vmem>>, vector<16xf32>,
    tpu.vector_store %arg5[%swap3A_246, %swap3A_247], %broadcast_in_dim3A_1 {strides = array<i32>} : memref<528x128xf32, #tpu.memory_space<vmem>>, vector<16xf32>,
    %swap3A_249 = arith.constant 519 : i32
    %swap3A_250 = arith.index_cast %swap3A_249 : i32 to index
    %swap3A_251 = arith.constant 96 : index
    %swap3A_252 = tpu.vector_load %arg5[%swap3A_250, %swap3A_251] {strides = array<i32>} : memref<528x128xf32, #tpu.memory_space<vmem>>, vector<16xf32>,
    tpu.vector_store %arg5[%swap3A_250, %swap3A_251], %broadcast_in_dim3A_1 {strides = array<i32>} : memref<528x128xf32, #tpu.memory_space<vmem>>, vector<16xf32>,
    %swap3A_253 = arith.constant 519 : i32
    %swap3A_254 = arith.index_cast %swap3A_253 : i32 to index
    %swap3A_255 = arith.constant 112 : index
    %swap3A_256 = tpu.vector_load %arg5[%swap3A_254, %swap3A_255] {strides = array<i32>} : memref<528x128xf32, #tpu.memory_space<vmem>>, vector<16xf32>,
    tpu.vector_store %arg5[%swap3A_254, %swap3A_255], %broadcast_in_dim3A_1 {strides = array<i32>} : memref<528x128xf32, #tpu.memory_space<vmem>>, vector<16xf32>,
    %swap3A_257 = arith.constant 520 : i32
    %swap3A_258 = arith.index_cast %swap3A_257 : i32 to index
    %swap3A_259 = arith.constant 0 : index
    %swap3A_260 = tpu.vector_load %arg5[%swap3A_258, %swap3A_259] {strides = array<i32>} : memref<528x128xf32, #tpu.memory_space<vmem>>, vector<16xf32>,
    tpu.vector_store %arg5[%swap3A_258, %swap3A_259], %broadcast_in_dim3A_1 {strides = array<i32>} : memref<528x128xf32, #tpu.memory_space<vmem>>, vector<16xf32>,
    %swap3A_261 = arith.constant 520 : i32
    %swap3A_262 = arith.index_cast %swap3A_261 : i32 to index
    %swap3A_263 = arith.constant 16 : index
    %swap3A_264 = tpu.vector_load %arg5[%swap3A_262, %swap3A_263] {strides = array<i32>} : memref<528x128xf32, #tpu.memory_space<vmem>>, vector<16xf32>,
    tpu.vector_store %arg5[%swap3A_262, %swap3A_263], %broadcast_in_dim3A_1 {strides = array<i32>} : memref<528x128xf32, #tpu.memory_space<vmem>>, vector<16xf32>,
    %swap3A_265 = arith.constant 520 : i32
    %swap3A_266 = arith.index_cast %swap3A_265 : i32 to index
    %swap3A_267 = arith.constant 32 : index
    %swap3A_268 = tpu.vector_load %arg5[%swap3A_266, %swap3A_267] {strides = array<i32>} : memref<528x128xf32, #tpu.memory_space<vmem>>, vector<16xf32>,
    tpu.vector_store %arg5[%swap3A_266, %swap3A_267], %broadcast_in_dim3A_1 {strides = array<i32>} : memref<528x128xf32, #tpu.memory_space<vmem>>, vector<16xf32>,
    %swap3A_269 = arith.constant 520 : i32
    %swap3A_270 = arith.index_cast %swap3A_269 : i32 to index
    %swap3A_271 = arith.constant 48 : index
    %swap3A_272 = tpu.vector_load %arg5[%swap3A_270, %swap3A_271] {strides = array<i32>} : memref<528x128xf32, #tpu.memory_space<vmem>>, vector<16xf32>,
    tpu.vector_store %arg5[%swap3A_270, %swap3A_271], %broadcast_in_dim3A_1 {strides = array<i32>} : memref<528x128xf32, #tpu.memory_space<vmem>>, vector<16xf32>,
    %swap3A_273 = arith.constant 520 : i32
    %swap3A_274 = arith.index_cast %swap3A_273 : i32 to index
    %swap3A_275 = arith.constant 64 : index
    %swap3A_276 = tpu.vector_load %arg5[%swap3A_274, %swap3A_275] {strides = array<i32>} : memref<528x128xf32, #tpu.memory_space<vmem>>, vector<16xf32>,
    tpu.vector_store %arg5[%swap3A_274, %swap3A_275], %broadcast_in_dim3A_1 {strides = array<i32>} : memref<528x128xf32, #tpu.memory_space<vmem>>, vector<16xf32>,
    %swap3A_277 = arith.constant 520 : i32
    %swap3A_278 = arith.index_cast %swap3A_277 : i32 to index
    %swap3A_279 = arith.constant 80 : index
    %swap3A_280 = tpu.vector_load %arg5[%swap3A_278, %swap3A_279] {strides = array<i32>} : memref<528x128xf32, #tpu.memory_space<vmem>>, vector<16xf32>,
    tpu.vector_store %arg5[%swap3A_278, %swap3A_279], %broadcast_in_dim3A_1 {strides = array<i32>} : memref<528x128xf32, #tpu.memory_space<vmem>>, vector<16xf32>,
    %swap3A_281 = arith.constant 520 : i32
    %swap3A_282 = arith.index_cast %swap3A_281 : i32 to index
    %swap3A_283 = arith.constant 96 : index
    %swap3A_284 = tpu.vector_load %arg5[%swap3A_282, %swap3A_283] {strides = array<i32>} : memref<528x128xf32, #tpu.memory_space<vmem>>, vector<16xf32>,
    tpu.vector_store %arg5[%swap3A_282, %swap3A_283], %broadcast_in_dim3A_1 {strides = array<i32>} : memref<528x128xf32, #tpu.memory_space<vmem>>, vector<16xf32>,
    %swap3A_285 = arith.constant 520 : i32
    %swap3A_286 = arith.index_cast %swap3A_285 : i32 to index
    %swap3A_287 = arith.constant 112 : index
    %swap3A_288 = tpu.vector_load %arg5[%swap3A_286, %swap3A_287] {strides = array<i32>} : memref<528x128xf32, #tpu.memory_space<vmem>>, vector<16xf32>,
    tpu.vector_store %arg5[%swap3A_286, %swap3A_287], %broadcast_in_dim3A_1 {strides = array<i32>} : memref<528x128xf32, #tpu.memory_space<vmem>>, vector<16xf32>,
    %swap3A_289 = arith.constant 521 : i32
    %swap3A_290 = arith.index_cast %swap3A_289 : i32 to index
    %swap3A_291 = arith.constant 0 : index
    %swap3A_292 = tpu.vector_load %arg5[%swap3A_290, %swap3A_291] {strides = array<i32>} : memref<528x128xf32, #tpu.memory_space<vmem>>, vector<16xf32>,
    tpu.vector_store %arg5[%swap3A_290, %swap3A_291], %broadcast_in_dim3A_1 {strides = array<i32>} : memref<528x128xf32, #tpu.memory_space<vmem>>, vector<16xf32>,
    %swap3A_293 = arith.constant 521 : i32
    %swap3A_294 = arith.index_cast %swap3A_293 : i32 to index
    %swap3A_295 = arith.constant 16 : index
    %swap3A_296 = tpu.vector_load %arg5[%swap3A_294, %swap3A_295] {strides = array<i32>} : memref<528x128xf32, #tpu.memory_space<vmem>>, vector<16xf32>,
    tpu.vector_store %arg5[%swap3A_294, %swap3A_295], %broadcast_in_dim3A_1 {strides = array<i32>} : memref<528x128xf32, #tpu.memory_space<vmem>>, vector<16xf32>,
    %swap3A_297 = arith.constant 521 : i32
    %swap3A_298 = arith.index_cast %swap3A_297 : i32 to index
    %swap3A_299 = arith.constant 32 : index
    %swap3A_300 = tpu.vector_load %arg5[%swap3A_298, %swap3A_299] {strides = array<i32>} : memref<528x128xf32, #tpu.memory_space<vmem>>, vector<16xf32>,
    tpu.vector_store %arg5[%swap3A_298, %swap3A_299], %broadcast_in_dim3A_1 {strides = array<i32>} : memref<528x128xf32, #tpu.memory_space<vmem>>, vector<16xf32>,
    %swap3A_301 = arith.constant 521 : i32
    %swap3A_302 = arith.index_cast %swap3A_301 : i32 to index
    %swap3A_303 = arith.constant 48 : index
    %swap3A_304 = tpu.vector_load %arg5[%swap3A_302, %swap3A_303] {strides = array<i32>} : memref<528x128xf32, #tpu.memory_space<vmem>>, vector<16xf32>,
    tpu.vector_store %arg5[%swap3A_302, %swap3A_303], %broadcast_in_dim3A_1 {strides = array<i32>} : memref<528x128xf32, #tpu.memory_space<vmem>>, vector<16xf32>,
    %swap3A_305 = arith.constant 521 : i32
    %swap3A_306 = arith.index_cast %swap3A_305 : i32 to index
    %swap3A_307 = arith.constant 64 : index
    %swap3A_308 = tpu.vector_load %arg5[%swap3A_306, %swap3A_307] {strides = array<i32>} : memref<528x128xf32, #tpu.memory_space<vmem>>, vector<16xf32>,
    tpu.vector_store %arg5[%swap3A_306, %swap3A_307], %broadcast_in_dim3A_1 {strides = array<i32>} : memref<528x128xf32, #tpu.memory_space<vmem>>, vector<16xf32>,
    %swap3A_309 = arith.constant 521 : i32
    %swap3A_310 = arith.index_cast %swap3A_309 : i32 to index
    %swap3A_311 = arith.constant 80 : index
    %swap3A_312 = tpu.vector_load %arg5[%swap3A_310, %swap3A_311] {strides = array<i32>} : memref<528x128xf32, #tpu.memory_space<vmem>>, vector<16xf32>,
    tpu.vector_store %arg5[%swap3A_310, %swap3A_311], %broadcast_in_dim3A_1 {strides = array<i32>} : memref<528x128xf32, #tpu.memory_space<vmem>>, vector<16xf32>,
    %swap3A_313 = arith.constant 521 : i32
    %swap3A_314 = arith.index_cast %swap3A_313 : i32 to index
    %swap3A_315 = arith.constant 96 : index
    %swap3A_316 = tpu.vector_load %arg5[%swap3A_314, %swap3A_315] {strides = array<i32>} : memref<528x128xf32, #tpu.memory_space<vmem>>, vector<16xf32>,
    tpu.vector_store %arg5[%swap3A_314, %swap3A_315], %broadcast_in_dim3A_1 {strides = array<i32>} : memref<528x128xf32, #tpu.memory_space<vmem>>, vector<16xf32>,
    %swap3A_317 = arith.constant 521 : i32
    %swap3A_318 = arith.index_cast %swap3A_317 : i32 to index
    %swap3A_319 = arith.constant 112 : index
    %swap3A_320 = tpu.vector_load %arg5[%swap3A_318, %swap3A_319] {strides = array<i32>} : memref<528x128xf32, #tpu.memory_space<vmem>>, vector<16xf32>,
    tpu.vector_store %arg5[%swap3A_318, %swap3A_319], %broadcast_in_dim3A_1 {strides = array<i32>} : memref<528x128xf32, #tpu.memory_space<vmem>>, vector<16xf32>,
    %swap3A_321 = arith.constant 522 : i32
    %swap3A_322 = arith.index_cast %swap3A_321 : i32 to index
    %swap3A_323 = arith.constant 0 : index
    %swap3A_324 = tpu.vector_load %arg5[%swap3A_322, %swap3A_323] {strides = array<i32>} : memref<528x128xf32, #tpu.memory_space<vmem>>, vector<16xf32>,
    tpu.vector_store %arg5[%swap3A_322, %swap3A_323], %broadcast_in_dim3A_1 {strides = array<i32>} : memref<528x128xf32, #tpu.memory_space<vmem>>, vector<16xf32>,
    %swap3A_325 = arith.constant 522 : i32
    %swap3A_326 = arith.index_cast %swap3A_325 : i32 to index
    %swap3A_327 = arith.constant 16 : index
    %swap3A_328 = tpu.vector_load %arg5[%swap3A_326, %swap3A_327] {strides = array<i32>} : memref<528x128xf32, #tpu.memory_space<vmem>>, vector<16xf32>,
    tpu.vector_store %arg5[%swap3A_326, %swap3A_327], %broadcast_in_dim3A_1 {strides = array<i32>} : memref<528x128xf32, #tpu.memory_space<vmem>>, vector<16xf32>,
    %swap3A_329 = arith.constant 522 : i32
    %swap3A_330 = arith.index_cast %swap3A_329 : i32 to index
    %swap3A_331 = arith.constant 32 : index
    %swap3A_332 = tpu.vector_load %arg5[%swap3A_330, %swap3A_331] {strides = array<i32>} : memref<528x128xf32, #tpu.memory_space<vmem>>, vector<16xf32>,
    tpu.vector_store %arg5[%swap3A_330, %swap3A_331], %broadcast_in_dim3A_1 {strides = array<i32>} : memref<528x128xf32, #tpu.memory_space<vmem>>, vector<16xf32>,
    %swap3A_333 = arith.constant 522 : i32
    %swap3A_334 = arith.index_cast %swap3A_333 : i32 to index
    %swap3A_335 = arith.constant 48 : index
    %swap3A_336 = tpu.vector_load %arg5[%swap3A_334, %swap3A_335] {strides = array<i32>} : memref<528x128xf32, #tpu.memory_space<vmem>>, vector<16xf32>,
    tpu.vector_store %arg5[%swap3A_334, %swap3A_335], %broadcast_in_dim3A_1 {strides = array<i32>} : memref<528x128xf32, #tpu.memory_space<vmem>>, vector<16xf32>,
    %swap3A_337 = arith.constant 522 : i32
    %swap3A_338 = arith.index_cast %swap3A_337 : i32 to index
    %swap3A_339 = arith.constant 64 : index
    %swap3A_340 = tpu.vector_load %arg5[%swap3A_338, %swap3A_339] {strides = array<i32>} : memref<528x128xf32, #tpu.memory_space<vmem>>, vector<16xf32>,
    tpu.vector_store %arg5[%swap3A_338, %swap3A_339], %broadcast_in_dim3A_1 {strides = array<i32>} : memref<528x128xf32, #tpu.memory_space<vmem>>, vector<16xf32>,
    %swap3A_341 = arith.constant 522 : i32
    %swap3A_342 = arith.index_cast %swap3A_341 : i32 to index
    %swap3A_343 = arith.constant 80 : index
    %swap3A_344 = tpu.vector_load %arg5[%swap3A_342, %swap3A_343] {strides = array<i32>} : memref<528x128xf32, #tpu.memory_space<vmem>>, vector<16xf32>,
    tpu.vector_store %arg5[%swap3A_342, %swap3A_343], %broadcast_in_dim3A_1 {strides = array<i32>} : memref<528x128xf32, #tpu.memory_space<vmem>>, vector<16xf32>,
    %swap3A_345 = arith.constant 522 : i32
    %swap3A_346 = arith.index_cast %swap3A_345 : i32 to index
    %swap3A_347 = arith.constant 96 : index
    %swap3A_348 = tpu.vector_load %arg5[%swap3A_346, %swap3A_347] {strides = array<i32>} : memref<528x128xf32, #tpu.memory_space<vmem>>, vector<16xf32>,
    tpu.vector_store %arg5[%swap3A_346, %swap3A_347], %broadcast_in_dim3A_1 {strides = array<i32>} : memref<528x128xf32, #tpu.memory_space<vmem>>, vector<16xf32>,
    %swap3A_349 = arith.constant 522 : i32
    %swap3A_350 = arith.index_cast %swap3A_349 : i32 to index
    %swap3A_351 = arith.constant 112 : index
    %swap3A_352 = tpu.vector_load %arg5[%swap3A_350, %swap3A_351] {strides = array<i32>} : memref<528x128xf32, #tpu.memory_space<vmem>>, vector<16xf32>,
    tpu.vector_store %arg5[%swap3A_350, %swap3A_351], %broadcast_in_dim3A_1 {strides = array<i32>} : memref<528x128xf32, #tpu.memory_space<vmem>>, vector<16xf32>,
    %swap3A_353 = arith.constant 523 : i32
    %swap3A_354 = arith.index_cast %swap3A_353 : i32 to index
    %swap3A_355 = arith.constant 0 : index
    %swap3A_356 = tpu.vector_load %arg5[%swap3A_354, %swap3A_355] {strides = array<i32>} : memref<528x128xf32, #tpu.memory_space<vmem>>, vector<16xf32>,
    tpu.vector_store %arg5[%swap3A_354, %swap3A_355], %broadcast_in_dim3A_1 {strides = array<i32>} : memref<528x128xf32, #tpu.memory_space<vmem>>, vector<16xf32>,
    %swap3A_357 = arith.constant 523 : i32
    %swap3A_358 = arith.index_cast %swap3A_357 : i32 to index
    %swap3A_359 = arith.constant 16 : index
    %swap3A_360 = tpu.vector_load %arg5[%swap3A_358, %swap3A_359] {strides = array<i32>} : memref<528x128xf32, #tpu.memory_space<vmem>>, vector<16xf32>,
    tpu.vector_store %arg5[%swap3A_358, %swap3A_359], %broadcast_in_dim3A_1 {strides = array<i32>} : memref<528x128xf32, #tpu.memory_space<vmem>>, vector<16xf32>,
    %swap3A_361 = arith.constant 523 : i32
    %swap3A_362 = arith.index_cast %swap3A_361 : i32 to index
    %swap3A_363 = arith.constant 32 : index
    %swap3A_364 = tpu.vector_load %arg5[%swap3A_362, %swap3A_363] {strides = array<i32>} : memref<528x128xf32, #tpu.memory_space<vmem>>, vector<16xf32>,
    tpu.vector_store %arg5[%swap3A_362, %swap3A_363], %broadcast_in_dim3A_1 {strides = array<i32>} : memref<528x128xf32, #tpu.memory_space<vmem>>, vector<16xf32>,
    %swap3A_365 = arith.constant 523 : i32
    %swap3A_366 = arith.index_cast %swap3A_365 : i32 to index
    %swap3A_367 = arith.constant 48 : index
    %swap3A_368 = tpu.vector_load %arg5[%swap3A_366, %swap3A_367] {strides = array<i32>} : memref<528x128xf32, #tpu.memory_space<vmem>>, vector<16xf32>,
    tpu.vector_store %arg5[%swap3A_366, %swap3A_367], %broadcast_in_dim3A_1 {strides = array<i32>} : memref<528x128xf32, #tpu.memory_space<vmem>>, vector<16xf32>,
    %swap3A_369 = arith.constant 523 : i32
    %swap3A_370 = arith.index_cast %swap3A_369 : i32 to index
    %swap3A_371 = arith.constant 64 : index
    %swap3A_372 = tpu.vector_load %arg5[%swap3A_370, %swap3A_371] {strides = array<i32>} : memref<528x128xf32, #tpu.memory_space<vmem>>, vector<16xf32>,
    tpu.vector_store %arg5[%swap3A_370, %swap3A_371], %broadcast_in_dim3A_1 {strides = array<i32>} : memref<528x128xf32, #tpu.memory_space<vmem>>, vector<16xf32>,
    %swap3A_373 = arith.constant 523 : i32
    %swap3A_374 = arith.index_cast %swap3A_373 : i32 to index
    %swap3A_375 = arith.constant 80 : index
    %swap3A_376 = tpu.vector_load %arg5[%swap3A_374, %swap3A_375] {strides = array<i32>} : memref<528x128xf32, #tpu.memory_space<vmem>>, vector<16xf32>,
    tpu.vector_store %arg5[%swap3A_374, %swap3A_375], %broadcast_in_dim3A_1 {strides = array<i32>} : memref<528x128xf32, #tpu.memory_space<vmem>>, vector<16xf32>,
    %swap3A_377 = arith.constant 523 : i32
    %swap3A_378 = arith.index_cast %swap3A_377 : i32 to index
    %swap3A_379 = arith.constant 96 : index
    %swap3A_380 = tpu.vector_load %arg5[%swap3A_378, %swap3A_379] {strides = array<i32>} : memref<528x128xf32, #tpu.memory_space<vmem>>, vector<16xf32>,
    tpu.vector_store %arg5[%swap3A_378, %swap3A_379], %broadcast_in_dim3A_1 {strides = array<i32>} : memref<528x128xf32, #tpu.memory_space<vmem>>, vector<16xf32>,
    %swap3A_381 = arith.constant 523 : i32
    %swap3A_382 = arith.index_cast %swap3A_381 : i32 to index
    %swap3A_383 = arith.constant 112 : index
    %swap3A_384 = tpu.vector_load %arg5[%swap3A_382, %swap3A_383] {strides = array<i32>} : memref<528x128xf32, #tpu.memory_space<vmem>>, vector<16xf32>,
    tpu.vector_store %arg5[%swap3A_382, %swap3A_383], %broadcast_in_dim3A_1 {strides = array<i32>} : memref<528x128xf32, #tpu.memory_space<vmem>>, vector<16xf32>,
    %swap3A_385 = arith.constant 524 : i32
    %swap3A_386 = arith.index_cast %swap3A_385 : i32 to index
    %swap3A_387 = arith.constant 0 : index
    %swap3A_388 = tpu.vector_load %arg5[%swap3A_386, %swap3A_387] {strides = array<i32>} : memref<528x128xf32, #tpu.memory_space<vmem>>, vector<16xf32>,
    tpu.vector_store %arg5[%swap3A_386, %swap3A_387], %broadcast_in_dim3A_1 {strides = array<i32>} : memref<528x128xf32, #tpu.memory_space<vmem>>, vector<16xf32>,
    %swap3A_389 = arith.constant 524 : i32
    %swap3A_390 = arith.index_cast %swap3A_389 : i32 to index
    %swap3A_391 = arith.constant 16 : index
    %swap3A_392 = tpu.vector_load %arg5[%swap3A_390, %swap3A_391] {strides = array<i32>} : memref<528x128xf32, #tpu.memory_space<vmem>>, vector<16xf32>,
    tpu.vector_store %arg5[%swap3A_390, %swap3A_391], %broadcast_in_dim3A_1 {strides = array<i32>} : memref<528x128xf32, #tpu.memory_space<vmem>>, vector<16xf32>,
    %swap3A_393 = arith.constant 524 : i32
    %swap3A_394 = arith.index_cast %swap3A_393 : i32 to index
    %swap3A_395 = arith.constant 32 : index
    %swap3A_396 = tpu.vector_load %arg5[%swap3A_394, %swap3A_395] {strides = array<i32>} : memref<528x128xf32, #tpu.memory_space<vmem>>, vector<16xf32>,
    tpu.vector_store %arg5[%swap3A_394, %swap3A_395], %broadcast_in_dim3A_1 {strides = array<i32>} : memref<528x128xf32, #tpu.memory_space<vmem>>, vector<16xf32>,
    %swap3A_397 = arith.constant 524 : i32
    %swap3A_398 = arith.index_cast %swap3A_397 : i32 to index
    %swap3A_399 = arith.constant 48 : index
    %swap3A_400 = tpu.vector_load %arg5[%swap3A_398, %swap3A_399] {strides = array<i32>} : memref<528x128xf32, #tpu.memory_space<vmem>>, vector<16xf32>,
    tpu.vector_store %arg5[%swap3A_398, %swap3A_399], %broadcast_in_dim3A_1 {strides = array<i32>} : memref<528x128xf32, #tpu.memory_space<vmem>>, vector<16xf32>,
    %swap3A_401 = arith.constant 524 : i32
    %swap3A_402 = arith.index_cast %swap3A_401 : i32 to index
    %swap3A_403 = arith.constant 64 : index
    %swap3A_404 = tpu.vector_load %arg5[%swap3A_402, %swap3A_403] {strides = array<i32>} : memref<528x128xf32, #tpu.memory_space<vmem>>, vector<16xf32>,
    tpu.vector_store %arg5[%swap3A_402, %swap3A_403], %broadcast_in_dim3A_1 {strides = array<i32>} : memref<528x128xf32, #tpu.memory_space<vmem>>, vector<16xf32>,
    %swap3A_405 = arith.constant 524 : i32
    %swap3A_406 = arith.index_cast %swap3A_405 : i32 to index
    %swap3A_407 = arith.constant 80 : index
    %swap3A_408 = tpu.vector_load %arg5[%swap3A_406, %swap3A_407] {strides = array<i32>} : memref<528x128xf32, #tpu.memory_space<vmem>>, vector<16xf32>,
    tpu.vector_store %arg5[%swap3A_406, %swap3A_407], %broadcast_in_dim3A_1 {strides = array<i32>} : memref<528x128xf32, #tpu.memory_space<vmem>>, vector<16xf32>,
    %swap3A_409 = arith.constant 524 : i32
    %swap3A_410 = arith.index_cast %swap3A_409 : i32 to index
    %swap3A_411 = arith.constant 96 : index
    %swap3A_412 = tpu.vector_load %arg5[%swap3A_410, %swap3A_411] {strides = array<i32>} : memref<528x128xf32, #tpu.memory_space<vmem>>, vector<16xf32>,
    tpu.vector_store %arg5[%swap3A_410, %swap3A_411], %broadcast_in_dim3A_1 {strides = array<i32>} : memref<528x128xf32, #tpu.memory_space<vmem>>, vector<16xf32>,
    %swap3A_413 = arith.constant 524 : i32
    %swap3A_414 = arith.index_cast %swap3A_413 : i32 to index
    %swap3A_415 = arith.constant 112 : index
    %swap3A_416 = tpu.vector_load %arg5[%swap3A_414, %swap3A_415] {strides = array<i32>} : memref<528x128xf32, #tpu.memory_space<vmem>>, vector<16xf32>,
    tpu.vector_store %arg5[%swap3A_414, %swap3A_415], %broadcast_in_dim3A_1 {strides = array<i32>} : memref<528x128xf32, #tpu.memory_space<vmem>>, vector<16xf32>,
    %swap3A_417 = arith.constant 525 : i32
    %swap3A_418 = arith.index_cast %swap3A_417 : i32 to index
    %swap3A_419 = arith.constant 0 : index
    %swap3A_420 = tpu.vector_load %arg5[%swap3A_418, %swap3A_419] {strides = array<i32>} : memref<528x128xf32, #tpu.memory_space<vmem>>, vector<16xf32>,
    tpu.vector_store %arg5[%swap3A_418, %swap3A_419], %broadcast_in_dim3A_1 {strides = array<i32>} : memref<528x128xf32, #tpu.memory_space<vmem>>, vector<16xf32>,
    %swap3A_421 = arith.constant 525 : i32
    %swap3A_422 = arith.index_cast %swap3A_421 : i32 to index
    %swap3A_423 = arith.constant 16 : index
    %swap3A_424 = tpu.vector_load %arg5[%swap3A_422, %swap3A_423] {strides = array<i32>} : memref<528x128xf32, #tpu.memory_space<vmem>>, vector<16xf32>,
    tpu.vector_store %arg5[%swap3A_422, %swap3A_423], %broadcast_in_dim3A_1 {strides = array<i32>} : memref<528x128xf32, #tpu.memory_space<vmem>>, vector<16xf32>,
    %swap3A_425 = arith.constant 525 : i32
    %swap3A_426 = arith.index_cast %swap3A_425 : i32 to index
    %swap3A_427 = arith.constant 32 : index
    %swap3A_428 = tpu.vector_load %arg5[%swap3A_426, %swap3A_427] {strides = array<i32>} : memref<528x128xf32, #tpu.memory_space<vmem>>, vector<16xf32>,
    tpu.vector_store %arg5[%swap3A_426, %swap3A_427], %broadcast_in_dim3A_1 {strides = array<i32>} : memref<528x128xf32, #tpu.memory_space<vmem>>, vector<16xf32>,
    %swap3A_429 = arith.constant 525 : i32
    %swap3A_430 = arith.index_cast %swap3A_429 : i32 to index
    %swap3A_431 = arith.constant 48 : index
    %swap3A_432 = tpu.vector_load %arg5[%swap3A_430, %swap3A_431] {strides = array<i32>} : memref<528x128xf32, #tpu.memory_space<vmem>>, vector<16xf32>,
    tpu.vector_store %arg5[%swap3A_430, %swap3A_431], %broadcast_in_dim3A_1 {strides = array<i32>} : memref<528x128xf32, #tpu.memory_space<vmem>>, vector<16xf32>,
    %swap3A_433 = arith.constant 525 : i32
    %swap3A_434 = arith.index_cast %swap3A_433 : i32 to index
    %swap3A_435 = arith.constant 64 : index
    %swap3A_436 = tpu.vector_load %arg5[%swap3A_434, %swap3A_435] {strides = array<i32>} : memref<528x128xf32, #tpu.memory_space<vmem>>, vector<16xf32>,
    tpu.vector_store %arg5[%swap3A_434, %swap3A_435], %broadcast_in_dim3A_1 {strides = array<i32>} : memref<528x128xf32, #tpu.memory_space<vmem>>, vector<16xf32>,
    %swap3A_437 = arith.constant 525 : i32
    %swap3A_438 = arith.index_cast %swap3A_437 : i32 to index
    %swap3A_439 = arith.constant 80 : index
    %swap3A_440 = tpu.vector_load %arg5[%swap3A_438, %swap3A_439] {strides = array<i32>} : memref<528x128xf32, #tpu.memory_space<vmem>>, vector<16xf32>,
    tpu.vector_store %arg5[%swap3A_438, %swap3A_439], %broadcast_in_dim3A_1 {strides = array<i32>} : memref<528x128xf32, #tpu.memory_space<vmem>>, vector<16xf32>,
    %swap3A_441 = arith.constant 525 : i32
    %swap3A_442 = arith.index_cast %swap3A_441 : i32 to index
    %swap3A_443 = arith.constant 96 : index
    %swap3A_444 = tpu.vector_load %arg5[%swap3A_442, %swap3A_443] {strides = array<i32>} : memref<528x128xf32, #tpu.memory_space<vmem>>, vector<16xf32>,
    tpu.vector_store %arg5[%swap3A_442, %swap3A_443], %broadcast_in_dim3A_1 {strides = array<i32>} : memref<528x128xf32, #tpu.memory_space<vmem>>, vector<16xf32>,
    %swap3A_445 = arith.constant 525 : i32
    %swap3A_446 = arith.index_cast %swap3A_445 : i32 to index
    %swap3A_447 = arith.constant 112 : index
    %swap3A_448 = tpu.vector_load %arg5[%swap3A_446, %swap3A_447] {strides = array<i32>} : memref<528x128xf32, #tpu.memory_space<vmem>>, vector<16xf32>,
    tpu.vector_store %arg5[%swap3A_446, %swap3A_447], %broadcast_in_dim3A_1 {strides = array<i32>} : memref<528x128xf32, #tpu.memory_space<vmem>>, vector<16xf32>,
    %swap3A_449 = arith.constant 526 : i32
    %swap3A_450 = arith.index_cast %swap3A_449 : i32 to index
    %swap3A_451 = arith.constant 0 : index
    %swap3A_452 = tpu.vector_load %arg5[%swap3A_450, %swap3A_451] {strides = array<i32>} : memref<528x128xf32, #tpu.memory_space<vmem>>, vector<16xf32>,
    tpu.vector_store %arg5[%swap3A_450, %swap3A_451], %broadcast_in_dim3A_1 {strides = array<i32>} : memref<528x128xf32, #tpu.memory_space<vmem>>, vector<16xf32>,
    %swap3A_453 = arith.constant 526 : i32
    %swap3A_454 = arith.index_cast %swap3A_453 : i32 to index
    %swap3A_455 = arith.constant 16 : index
    %swap3A_456 = tpu.vector_load %arg5[%swap3A_454, %swap3A_455] {strides = array<i32>} : memref<528x128xf32, #tpu.memory_space<vmem>>, vector<16xf32>,
    tpu.vector_store %arg5[%swap3A_454, %swap3A_455], %broadcast_in_dim3A_1 {strides = array<i32>} : memref<528x128xf32, #tpu.memory_space<vmem>>, vector<16xf32>,
    %swap3A_457 = arith.constant 526 : i32
    %swap3A_458 = arith.index_cast %swap3A_457 : i32 to index
    %swap3A_459 = arith.constant 32 : index
    %swap3A_460 = tpu.vector_load %arg5[%swap3A_458, %swap3A_459] {strides = array<i32>} : memref<528x128xf32, #tpu.memory_space<vmem>>, vector<16xf32>,
    tpu.vector_store %arg5[%swap3A_458, %swap3A_459], %broadcast_in_dim3A_1 {strides = array<i32>} : memref<528x128xf32, #tpu.memory_space<vmem>>, vector<16xf32>,
    %swap3A_461 = arith.constant 526 : i32
    %swap3A_462 = arith.index_cast %swap3A_461 : i32 to index
    %swap3A_463 = arith.constant 48 : index
    %swap3A_464 = tpu.vector_load %arg5[%swap3A_462, %swap3A_463] {strides = array<i32>} : memref<528x128xf32, #tpu.memory_space<vmem>>, vector<16xf32>,
    tpu.vector_store %arg5[%swap3A_462, %swap3A_463], %broadcast_in_dim3A_1 {strides = array<i32>} : memref<528x128xf32, #tpu.memory_space<vmem>>, vector<16xf32>,
    %swap3A_465 = arith.constant 526 : i32
    %swap3A_466 = arith.index_cast %swap3A_465 : i32 to index
    %swap3A_467 = arith.constant 64 : index
    %swap3A_468 = tpu.vector_load %arg5[%swap3A_466, %swap3A_467] {strides = array<i32>} : memref<528x128xf32, #tpu.memory_space<vmem>>, vector<16xf32>,
    tpu.vector_store %arg5[%swap3A_466, %swap3A_467], %broadcast_in_dim3A_1 {strides = array<i32>} : memref<528x128xf32, #tpu.memory_space<vmem>>, vector<16xf32>,
    %swap3A_469 = arith.constant 526 : i32
    %swap3A_470 = arith.index_cast %swap3A_469 : i32 to index
    %swap3A_471 = arith.constant 80 : index
    %swap3A_472 = tpu.vector_load %arg5[%swap3A_470, %swap3A_471] {strides = array<i32>} : memref<528x128xf32, #tpu.memory_space<vmem>>, vector<16xf32>,
    tpu.vector_store %arg5[%swap3A_470, %swap3A_471], %broadcast_in_dim3A_1 {strides = array<i32>} : memref<528x128xf32, #tpu.memory_space<vmem>>, vector<16xf32>,
    %swap3A_473 = arith.constant 526 : i32
    %swap3A_474 = arith.index_cast %swap3A_473 : i32 to index
    %swap3A_475 = arith.constant 96 : index
    %swap3A_476 = tpu.vector_load %arg5[%swap3A_474, %swap3A_475] {strides = array<i32>} : memref<528x128xf32, #tpu.memory_space<vmem>>, vector<16xf32>,
    tpu.vector_store %arg5[%swap3A_474, %swap3A_475], %broadcast_in_dim3A_1 {strides = array<i32>} : memref<528x128xf32, #tpu.memory_space<vmem>>, vector<16xf32>,
    %swap3A_477 = arith.constant 526 : i32
    %swap3A_478 = arith.index_cast %swap3A_477 : i32 to index
    %swap3A_479 = arith.constant 112 : index
    %swap3A_480 = tpu.vector_load %arg5[%swap3A_478, %swap3A_479] {strides = array<i32>} : memref<528x128xf32, #tpu.memory_space<vmem>>, vector<16xf32>,
    tpu.vector_store %arg5[%swap3A_478, %swap3A_479], %broadcast_in_dim3A_1 {strides = array<i32>} : memref<528x128xf32, #tpu.memory_space<vmem>>, vector<16xf32>,
    %swap3A_481 = arith.constant 527 : i32
    %swap3A_482 = arith.index_cast %swap3A_481 : i32 to index
    %swap3A_483 = arith.constant 0 : index
    %swap3A_484 = tpu.vector_load %arg5[%swap3A_482, %swap3A_483] {strides = array<i32>} : memref<528x128xf32, #tpu.memory_space<vmem>>, vector<16xf32>,
    tpu.vector_store %arg5[%swap3A_482, %swap3A_483], %broadcast_in_dim3A_1 {strides = array<i32>} : memref<528x128xf32, #tpu.memory_space<vmem>>, vector<16xf32>,
    %swap3A_485 = arith.constant 527 : i32
    %swap3A_486 = arith.index_cast %swap3A_485 : i32 to index
    %swap3A_487 = arith.constant 16 : index
    %swap3A_488 = tpu.vector_load %arg5[%swap3A_486, %swap3A_487] {strides = array<i32>} : memref<528x128xf32, #tpu.memory_space<vmem>>, vector<16xf32>,
    tpu.vector_store %arg5[%swap3A_486, %swap3A_487], %broadcast_in_dim3A_1 {strides = array<i32>} : memref<528x128xf32, #tpu.memory_space<vmem>>, vector<16xf32>,
    %swap3A_489 = arith.constant 527 : i32
    %swap3A_490 = arith.index_cast %swap3A_489 : i32 to index
    %swap3A_491 = arith.constant 32 : index
    %swap3A_492 = tpu.vector_load %arg5[%swap3A_490, %swap3A_491] {strides = array<i32>} : memref<528x128xf32, #tpu.memory_space<vmem>>, vector<16xf32>,
    tpu.vector_store %arg5[%swap3A_490, %swap3A_491], %broadcast_in_dim3A_1 {strides = array<i32>} : memref<528x128xf32, #tpu.memory_space<vmem>>, vector<16xf32>,
    %swap3A_493 = arith.constant 527 : i32
    %swap3A_494 = arith.index_cast %swap3A_493 : i32 to index
    %swap3A_495 = arith.constant 48 : index
    %swap3A_496 = tpu.vector_load %arg5[%swap3A_494, %swap3A_495] {strides = array<i32>} : memref<528x128xf32, #tpu.memory_space<vmem>>, vector<16xf32>,
    tpu.vector_store %arg5[%swap3A_494, %swap3A_495], %broadcast_in_dim3A_1 {strides = array<i32>} : memref<528x128xf32, #tpu.memory_space<vmem>>, vector<16xf32>,
    %swap3A_497 = arith.constant 527 : i32
    %swap3A_498 = arith.index_cast %swap3A_497 : i32 to index
    %swap3A_499 = arith.constant 64 : index
    %swap3A_500 = tpu.vector_load %arg5[%swap3A_498, %swap3A_499] {strides = array<i32>} : memref<528x128xf32, #tpu.memory_space<vmem>>, vector<16xf32>,
    tpu.vector_store %arg5[%swap3A_498, %swap3A_499], %broadcast_in_dim3A_1 {strides = array<i32>} : memref<528x128xf32, #tpu.memory_space<vmem>>, vector<16xf32>,
    %swap3A_501 = arith.constant 527 : i32
    %swap3A_502 = arith.index_cast %swap3A_501 : i32 to index
    %swap3A_503 = arith.constant 80 : index
    %swap3A_504 = tpu.vector_load %arg5[%swap3A_502, %swap3A_503] {strides = array<i32>} : memref<528x128xf32, #tpu.memory_space<vmem>>, vector<16xf32>,
    tpu.vector_store %arg5[%swap3A_502, %swap3A_503], %broadcast_in_dim3A_1 {strides = array<i32>} : memref<528x128xf32, #tpu.memory_space<vmem>>, vector<16xf32>,
    %swap3A_505 = arith.constant 527 : i32
    %swap3A_506 = arith.index_cast %swap3A_505 : i32 to index
    %swap3A_507 = arith.constant 96 : index
    %swap3A_508 = tpu.vector_load %arg5[%swap3A_506, %swap3A_507] {strides = array<i32>} : memref<528x128xf32, #tpu.memory_space<vmem>>, vector<16xf32>,
    tpu.vector_store %arg5[%swap3A_506, %swap3A_507], %broadcast_in_dim3A_1 {strides = array<i32>} : memref<528x128xf32, #tpu.memory_space<vmem>>, vector<16xf32>,
    %swap3A_509 = arith.constant 527 : i32
    %swap3A_510 = arith.index_cast %swap3A_509 : i32 to index
    %swap3A_511 = arith.constant 112 : index
    %swap3A_512 = tpu.vector_load %arg5[%swap3A_510, %swap3A_511] {strides = array<i32>} : memref<528x128xf32, #tpu.memory_space<vmem>>, vector<16xf32>,
    tpu.vector_store %arg5[%swap3A_510, %swap3A_511], %broadcast_in_dim3A_1 {strides = array<i32>} : memref<528x128xf32, #tpu.memory_space<vmem>>, vector<16xf32>,
    %swap3A_513 = arith.constant 64 : i32
    %swap3A_514 = arith.index_cast %swap3A_513 : i32 to index
    %swap3A_515 = arith.constant 0 : index
    %swap3A_516 = tpu.vector_load %arg6[%swap3A_514, %swap3A_515] {strides = array<i32>} : memref<80x128xf32, #tpu.memory_space<vmem>>, vector<16xf32>,
    tpu.vector_store %arg6[%swap3A_514, %swap3A_515], %broadcast_in_dim3A_1 {strides = array<i32>} : memref<80x128xf32, #tpu.memory_space<vmem>>, vector<16xf32>,
    %swap3A_517 = arith.constant 64 : i32
    %swap3A_518 = arith.index_cast %swap3A_517 : i32 to index
    %swap3A_519 = arith.constant 16 : index
    %swap3A_520 = tpu.vector_load %arg6[%swap3A_518, %swap3A_519] {strides = array<i32>} : memref<80x128xf32, #tpu.memory_space<vmem>>, vector<16xf32>,
    tpu.vector_store %arg6[%swap3A_518, %swap3A_519], %broadcast_in_dim3A_1 {strides = array<i32>} : memref<80x128xf32, #tpu.memory_space<vmem>>, vector<16xf32>,
    %swap3A_521 = arith.constant 64 : i32
    %swap3A_522 = arith.index_cast %swap3A_521 : i32 to index
    %swap3A_523 = arith.constant 32 : index
    %swap3A_524 = tpu.vector_load %arg6[%swap3A_522, %swap3A_523] {strides = array<i32>} : memref<80x128xf32, #tpu.memory_space<vmem>>, vector<16xf32>,
    tpu.vector_store %arg6[%swap3A_522, %swap3A_523], %broadcast_in_dim3A_1 {strides = array<i32>} : memref<80x128xf32, #tpu.memory_space<vmem>>, vector<16xf32>,
    %swap3A_525 = arith.constant 64 : i32
    %swap3A_526 = arith.index_cast %swap3A_525 : i32 to index
    %swap3A_527 = arith.constant 48 : index
    %swap3A_528 = tpu.vector_load %arg6[%swap3A_526, %swap3A_527] {strides = array<i32>} : memref<80x128xf32, #tpu.memory_space<vmem>>, vector<16xf32>,
    tpu.vector_store %arg6[%swap3A_526, %swap3A_527], %broadcast_in_dim3A_1 {strides = array<i32>} : memref<80x128xf32, #tpu.memory_space<vmem>>, vector<16xf32>,
    %swap3A_529 = arith.constant 64 : i32
    %swap3A_530 = arith.index_cast %swap3A_529 : i32 to index
    %swap3A_531 = arith.constant 64 : index
    %swap3A_532 = tpu.vector_load %arg6[%swap3A_530, %swap3A_531] {strides = array<i32>} : memref<80x128xf32, #tpu.memory_space<vmem>>, vector<16xf32>,
    tpu.vector_store %arg6[%swap3A_530, %swap3A_531], %broadcast_in_dim3A_1 {strides = array<i32>} : memref<80x128xf32, #tpu.memory_space<vmem>>, vector<16xf32>,
    %swap3A_533 = arith.constant 64 : i32
    %swap3A_534 = arith.index_cast %swap3A_533 : i32 to index
    %swap3A_535 = arith.constant 80 : index
    %swap3A_536 = tpu.vector_load %arg6[%swap3A_534, %swap3A_535] {strides = array<i32>} : memref<80x128xf32, #tpu.memory_space<vmem>>, vector<16xf32>,
    tpu.vector_store %arg6[%swap3A_534, %swap3A_535], %broadcast_in_dim3A_1 {strides = array<i32>} : memref<80x128xf32, #tpu.memory_space<vmem>>, vector<16xf32>,
    %swap3A_537 = arith.constant 64 : i32
    %swap3A_538 = arith.index_cast %swap3A_537 : i32 to index
    %swap3A_539 = arith.constant 96 : index
    %swap3A_540 = tpu.vector_load %arg6[%swap3A_538, %swap3A_539] {strides = array<i32>} : memref<80x128xf32, #tpu.memory_space<vmem>>, vector<16xf32>,
    tpu.vector_store %arg6[%swap3A_538, %swap3A_539], %broadcast_in_dim3A_1 {strides = array<i32>} : memref<80x128xf32, #tpu.memory_space<vmem>>, vector<16xf32>,
    %swap3A_541 = arith.constant 64 : i32
    %swap3A_542 = arith.index_cast %swap3A_541 : i32 to index
    %swap3A_543 = arith.constant 112 : index
    %swap3A_544 = tpu.vector_load %arg6[%swap3A_542, %swap3A_543] {strides = array<i32>} : memref<80x128xf32, #tpu.memory_space<vmem>>, vector<16xf32>,
    tpu.vector_store %arg6[%swap3A_542, %swap3A_543], %broadcast_in_dim3A_1 {strides = array<i32>} : memref<80x128xf32, #tpu.memory_space<vmem>>, vector<16xf32>,
    %swap3A_545 = arith.constant 65 : i32
    %swap3A_546 = arith.index_cast %swap3A_545 : i32 to index
    %swap3A_547 = arith.constant 0 : index
    %swap3A_548 = tpu.vector_load %arg6[%swap3A_546, %swap3A_547] {strides = array<i32>} : memref<80x128xf32, #tpu.memory_space<vmem>>, vector<16xf32>,
    tpu.vector_store %arg6[%swap3A_546, %swap3A_547], %broadcast_in_dim3A_1 {strides = array<i32>} : memref<80x128xf32, #tpu.memory_space<vmem>>, vector<16xf32>,
    %swap3A_549 = arith.constant 65 : i32
    %swap3A_550 = arith.index_cast %swap3A_549 : i32 to index
    %swap3A_551 = arith.constant 16 : index
    %swap3A_552 = tpu.vector_load %arg6[%swap3A_550, %swap3A_551] {strides = array<i32>} : memref<80x128xf32, #tpu.memory_space<vmem>>, vector<16xf32>,
    tpu.vector_store %arg6[%swap3A_550, %swap3A_551], %broadcast_in_dim3A_1 {strides = array<i32>} : memref<80x128xf32, #tpu.memory_space<vmem>>, vector<16xf32>,
    %swap3A_553 = arith.constant 65 : i32
    %swap3A_554 = arith.index_cast %swap3A_553 : i32 to index
    %swap3A_555 = arith.constant 32 : index
    %swap3A_556 = tpu.vector_load %arg6[%swap3A_554, %swap3A_555] {strides = array<i32>} : memref<80x128xf32, #tpu.memory_space<vmem>>, vector<16xf32>,
    tpu.vector_store %arg6[%swap3A_554, %swap3A_555], %broadcast_in_dim3A_1 {strides = array<i32>} : memref<80x128xf32, #tpu.memory_space<vmem>>, vector<16xf32>,
    %swap3A_557 = arith.constant 65 : i32
    %swap3A_558 = arith.index_cast %swap3A_557 : i32 to index
    %swap3A_559 = arith.constant 48 : index
    %swap3A_560 = tpu.vector_load %arg6[%swap3A_558, %swap3A_559] {strides = array<i32>} : memref<80x128xf32, #tpu.memory_space<vmem>>, vector<16xf32>,
    tpu.vector_store %arg6[%swap3A_558, %swap3A_559], %broadcast_in_dim3A_1 {strides = array<i32>} : memref<80x128xf32, #tpu.memory_space<vmem>>, vector<16xf32>,
    %swap3A_561 = arith.constant 65 : i32
    %swap3A_562 = arith.index_cast %swap3A_561 : i32 to index
    %swap3A_563 = arith.constant 64 : index
    %swap3A_564 = tpu.vector_load %arg6[%swap3A_562, %swap3A_563] {strides = array<i32>} : memref<80x128xf32, #tpu.memory_space<vmem>>, vector<16xf32>,
    tpu.vector_store %arg6[%swap3A_562, %swap3A_563], %broadcast_in_dim3A_1 {strides = array<i32>} : memref<80x128xf32, #tpu.memory_space<vmem>>, vector<16xf32>,
    %swap3A_565 = arith.constant 65 : i32
    %swap3A_566 = arith.index_cast %swap3A_565 : i32 to index
    %swap3A_567 = arith.constant 80 : index
    %swap3A_568 = tpu.vector_load %arg6[%swap3A_566, %swap3A_567] {strides = array<i32>} : memref<80x128xf32, #tpu.memory_space<vmem>>, vector<16xf32>,
    tpu.vector_store %arg6[%swap3A_566, %swap3A_567], %broadcast_in_dim3A_1 {strides = array<i32>} : memref<80x128xf32, #tpu.memory_space<vmem>>, vector<16xf32>,
    %swap3A_569 = arith.constant 65 : i32
    %swap3A_570 = arith.index_cast %swap3A_569 : i32 to index
    %swap3A_571 = arith.constant 96 : index
    %swap3A_572 = tpu.vector_load %arg6[%swap3A_570, %swap3A_571] {strides = array<i32>} : memref<80x128xf32, #tpu.memory_space<vmem>>, vector<16xf32>,
    tpu.vector_store %arg6[%swap3A_570, %swap3A_571], %broadcast_in_dim3A_1 {strides = array<i32>} : memref<80x128xf32, #tpu.memory_space<vmem>>, vector<16xf32>,
    %swap3A_573 = arith.constant 65 : i32
    %swap3A_574 = arith.index_cast %swap3A_573 : i32 to index
    %swap3A_575 = arith.constant 112 : index
    %swap3A_576 = tpu.vector_load %arg6[%swap3A_574, %swap3A_575] {strides = array<i32>} : memref<80x128xf32, #tpu.memory_space<vmem>>, vector<16xf32>,
    tpu.vector_store %arg6[%swap3A_574, %swap3A_575], %broadcast_in_dim3A_1 {strides = array<i32>} : memref<80x128xf32, #tpu.memory_space<vmem>>, vector<16xf32>,
    %swap3A_577 = arith.constant 66 : i32
    %swap3A_578 = arith.index_cast %swap3A_577 : i32 to index
    %swap3A_579 = arith.constant 0 : index
    %swap3A_580 = tpu.vector_load %arg6[%swap3A_578, %swap3A_579] {strides = array<i32>} : memref<80x128xf32, #tpu.memory_space<vmem>>, vector<16xf32>,
    tpu.vector_store %arg6[%swap3A_578, %swap3A_579], %broadcast_in_dim3A_1 {strides = array<i32>} : memref<80x128xf32, #tpu.memory_space<vmem>>, vector<16xf32>,
    %swap3A_581 = arith.constant 66 : i32
    %swap3A_582 = arith.index_cast %swap3A_581 : i32 to index
    %swap3A_583 = arith.constant 16 : index
    %swap3A_584 = tpu.vector_load %arg6[%swap3A_582, %swap3A_583] {strides = array<i32>} : memref<80x128xf32, #tpu.memory_space<vmem>>, vector<16xf32>,
    tpu.vector_store %arg6[%swap3A_582, %swap3A_583], %broadcast_in_dim3A_1 {strides = array<i32>} : memref<80x128xf32, #tpu.memory_space<vmem>>, vector<16xf32>,
    %swap3A_585 = arith.constant 66 : i32
    %swap3A_586 = arith.index_cast %swap3A_585 : i32 to index
    %swap3A_587 = arith.constant 32 : index
    %swap3A_588 = tpu.vector_load %arg6[%swap3A_586, %swap3A_587] {strides = array<i32>} : memref<80x128xf32, #tpu.memory_space<vmem>>, vector<16xf32>,
    tpu.vector_store %arg6[%swap3A_586, %swap3A_587], %broadcast_in_dim3A_1 {strides = array<i32>} : memref<80x128xf32, #tpu.memory_space<vmem>>, vector<16xf32>,
    %swap3A_589 = arith.constant 66 : i32
    %swap3A_590 = arith.index_cast %swap3A_589 : i32 to index
    %swap3A_591 = arith.constant 48 : index
    %swap3A_592 = tpu.vector_load %arg6[%swap3A_590, %swap3A_591] {strides = array<i32>} : memref<80x128xf32, #tpu.memory_space<vmem>>, vector<16xf32>,
    tpu.vector_store %arg6[%swap3A_590, %swap3A_591], %broadcast_in_dim3A_1 {strides = array<i32>} : memref<80x128xf32, #tpu.memory_space<vmem>>, vector<16xf32>,
    %swap3A_593 = arith.constant 66 : i32
    %swap3A_594 = arith.index_cast %swap3A_593 : i32 to index
    %swap3A_595 = arith.constant 64 : index
    %swap3A_596 = tpu.vector_load %arg6[%swap3A_594, %swap3A_595] {strides = array<i32>} : memref<80x128xf32, #tpu.memory_space<vmem>>, vector<16xf32>,
    tpu.vector_store %arg6[%swap3A_594, %swap3A_595], %broadcast_in_dim3A_1 {strides = array<i32>} : memref<80x128xf32, #tpu.memory_space<vmem>>, vector<16xf32>,
    %swap3A_597 = arith.constant 66 : i32
    %swap3A_598 = arith.index_cast %swap3A_597 : i32 to index
    %swap3A_599 = arith.constant 80 : index
    %swap3A_600 = tpu.vector_load %arg6[%swap3A_598, %swap3A_599] {strides = array<i32>} : memref<80x128xf32, #tpu.memory_space<vmem>>, vector<16xf32>,
    tpu.vector_store %arg6[%swap3A_598, %swap3A_599], %broadcast_in_dim3A_1 {strides = array<i32>} : memref<80x128xf32, #tpu.memory_space<vmem>>, vector<16xf32>,
    %swap3A_601 = arith.constant 66 : i32
    %swap3A_602 = arith.index_cast %swap3A_601 : i32 to index
    %swap3A_603 = arith.constant 96 : index
    %swap3A_604 = tpu.vector_load %arg6[%swap3A_602, %swap3A_603] {strides = array<i32>} : memref<80x128xf32, #tpu.memory_space<vmem>>, vector<16xf32>,
    tpu.vector_store %arg6[%swap3A_602, %swap3A_603], %broadcast_in_dim3A_1 {strides = array<i32>} : memref<80x128xf32, #tpu.memory_space<vmem>>, vector<16xf32>,
    %swap3A_605 = arith.constant 66 : i32
    %swap3A_606 = arith.index_cast %swap3A_605 : i32 to index
    %swap3A_607 = arith.constant 112 : index
    %swap3A_608 = tpu.vector_load %arg6[%swap3A_606, %swap3A_607] {strides = array<i32>} : memref<80x128xf32, #tpu.memory_space<vmem>>, vector<16xf32>,
    tpu.vector_store %arg6[%swap3A_606, %swap3A_607], %broadcast_in_dim3A_1 {strides = array<i32>} : memref<80x128xf32, #tpu.memory_space<vmem>>, vector<16xf32>,
    %swap3A_609 = arith.constant 67 : i32
    %swap3A_610 = arith.index_cast %swap3A_609 : i32 to index
    %swap3A_611 = arith.constant 0 : index
    %swap3A_612 = tpu.vector_load %arg6[%swap3A_610, %swap3A_611] {strides = array<i32>} : memref<80x128xf32, #tpu.memory_space<vmem>>, vector<16xf32>,
    tpu.vector_store %arg6[%swap3A_610, %swap3A_611], %broadcast_in_dim3A_1 {strides = array<i32>} : memref<80x128xf32, #tpu.memory_space<vmem>>, vector<16xf32>,
    %swap3A_613 = arith.constant 67 : i32
    %swap3A_614 = arith.index_cast %swap3A_613 : i32 to index
    %swap3A_615 = arith.constant 16 : index
    %swap3A_616 = tpu.vector_load %arg6[%swap3A_614, %swap3A_615] {strides = array<i32>} : memref<80x128xf32, #tpu.memory_space<vmem>>, vector<16xf32>,
    tpu.vector_store %arg6[%swap3A_614, %swap3A_615], %broadcast_in_dim3A_1 {strides = array<i32>} : memref<80x128xf32, #tpu.memory_space<vmem>>, vector<16xf32>,
    %swap3A_617 = arith.constant 67 : i32
    %swap3A_618 = arith.index_cast %swap3A_617 : i32 to index
    %swap3A_619 = arith.constant 32 : index
    %swap3A_620 = tpu.vector_load %arg6[%swap3A_618, %swap3A_619] {strides = array<i32>} : memref<80x128xf32, #tpu.memory_space<vmem>>, vector<16xf32>,
    tpu.vector_store %arg6[%swap3A_618, %swap3A_619], %broadcast_in_dim3A_1 {strides = array<i32>} : memref<80x128xf32, #tpu.memory_space<vmem>>, vector<16xf32>,
    %swap3A_621 = arith.constant 67 : i32
    %swap3A_622 = arith.index_cast %swap3A_621 : i32 to index
    %swap3A_623 = arith.constant 48 : index
    %swap3A_624 = tpu.vector_load %arg6[%swap3A_622, %swap3A_623] {strides = array<i32>} : memref<80x128xf32, #tpu.memory_space<vmem>>, vector<16xf32>,
    tpu.vector_store %arg6[%swap3A_622, %swap3A_623], %broadcast_in_dim3A_1 {strides = array<i32>} : memref<80x128xf32, #tpu.memory_space<vmem>>, vector<16xf32>,
    %swap3A_625 = arith.constant 67 : i32
    %swap3A_626 = arith.index_cast %swap3A_625 : i32 to index
    %swap3A_627 = arith.constant 64 : index
    %swap3A_628 = tpu.vector_load %arg6[%swap3A_626, %swap3A_627] {strides = array<i32>} : memref<80x128xf32, #tpu.memory_space<vmem>>, vector<16xf32>,
    tpu.vector_store %arg6[%swap3A_626, %swap3A_627], %broadcast_in_dim3A_1 {strides = array<i32>} : memref<80x128xf32, #tpu.memory_space<vmem>>, vector<16xf32>,
    %swap3A_629 = arith.constant 67 : i32
    %swap3A_630 = arith.index_cast %swap3A_629 : i32 to index
    %swap3A_631 = arith.constant 80 : index
    %swap3A_632 = tpu.vector_load %arg6[%swap3A_630, %swap3A_631] {strides = array<i32>} : memref<80x128xf32, #tpu.memory_space<vmem>>, vector<16xf32>,
    tpu.vector_store %arg6[%swap3A_630, %swap3A_631], %broadcast_in_dim3A_1 {strides = array<i32>} : memref<80x128xf32, #tpu.memory_space<vmem>>, vector<16xf32>,
    %swap3A_633 = arith.constant 67 : i32
    %swap3A_634 = arith.index_cast %swap3A_633 : i32 to index
    %swap3A_635 = arith.constant 96 : index
    %swap3A_636 = tpu.vector_load %arg6[%swap3A_634, %swap3A_635] {strides = array<i32>} : memref<80x128xf32, #tpu.memory_space<vmem>>, vector<16xf32>,
    tpu.vector_store %arg6[%swap3A_634, %swap3A_635], %broadcast_in_dim3A_1 {strides = array<i32>} : memref<80x128xf32, #tpu.memory_space<vmem>>, vector<16xf32>,
    %swap3A_637 = arith.constant 67 : i32
    %swap3A_638 = arith.index_cast %swap3A_637 : i32 to index
    %swap3A_639 = arith.constant 112 : index
    %swap3A_640 = tpu.vector_load %arg6[%swap3A_638, %swap3A_639] {strides = array<i32>} : memref<80x128xf32, #tpu.memory_space<vmem>>, vector<16xf32>,
    tpu.vector_store %arg6[%swap3A_638, %swap3A_639], %broadcast_in_dim3A_1 {strides = array<i32>} : memref<80x128xf32, #tpu.memory_space<vmem>>, vector<16xf32>,
    %swap3A_641 = arith.constant 68 : i32
    %swap3A_642 = arith.index_cast %swap3A_641 : i32 to index
    %swap3A_643 = arith.constant 0 : index
    %swap3A_644 = tpu.vector_load %arg6[%swap3A_642, %swap3A_643] {strides = array<i32>} : memref<80x128xf32, #tpu.memory_space<vmem>>, vector<16xf32>,
    tpu.vector_store %arg6[%swap3A_642, %swap3A_643], %broadcast_in_dim3A_1 {strides = array<i32>} : memref<80x128xf32, #tpu.memory_space<vmem>>, vector<16xf32>,
    %swap3A_645 = arith.constant 68 : i32
    %swap3A_646 = arith.index_cast %swap3A_645 : i32 to index
    %swap3A_647 = arith.constant 16 : index
    %swap3A_648 = tpu.vector_load %arg6[%swap3A_646, %swap3A_647] {strides = array<i32>} : memref<80x128xf32, #tpu.memory_space<vmem>>, vector<16xf32>,
    tpu.vector_store %arg6[%swap3A_646, %swap3A_647], %broadcast_in_dim3A_1 {strides = array<i32>} : memref<80x128xf32, #tpu.memory_space<vmem>>, vector<16xf32>,
    %swap3A_649 = arith.constant 68 : i32
    %swap3A_650 = arith.index_cast %swap3A_649 : i32 to index
    %swap3A_651 = arith.constant 32 : index
    %swap3A_652 = tpu.vector_load %arg6[%swap3A_650, %swap3A_651] {strides = array<i32>} : memref<80x128xf32, #tpu.memory_space<vmem>>, vector<16xf32>,
    tpu.vector_store %arg6[%swap3A_650, %swap3A_651], %broadcast_in_dim3A_1 {strides = array<i32>} : memref<80x128xf32, #tpu.memory_space<vmem>>, vector<16xf32>,
    %swap3A_653 = arith.constant 68 : i32
    %swap3A_654 = arith.index_cast %swap3A_653 : i32 to index
    %swap3A_655 = arith.constant 48 : index
    %swap3A_656 = tpu.vector_load %arg6[%swap3A_654, %swap3A_655] {strides = array<i32>} : memref<80x128xf32, #tpu.memory_space<vmem>>, vector<16xf32>,
    tpu.vector_store %arg6[%swap3A_654, %swap3A_655], %broadcast_in_dim3A_1 {strides = array<i32>} : memref<80x128xf32, #tpu.memory_space<vmem>>, vector<16xf32>,
    %swap3A_657 = arith.constant 68 : i32
    %swap3A_658 = arith.index_cast %swap3A_657 : i32 to index
    %swap3A_659 = arith.constant 64 : index
    %swap3A_660 = tpu.vector_load %arg6[%swap3A_658, %swap3A_659] {strides = array<i32>} : memref<80x128xf32, #tpu.memory_space<vmem>>, vector<16xf32>,
    tpu.vector_store %arg6[%swap3A_658, %swap3A_659], %broadcast_in_dim3A_1 {strides = array<i32>} : memref<80x128xf32, #tpu.memory_space<vmem>>, vector<16xf32>,
    %swap3A_661 = arith.constant 68 : i32
    %swap3A_662 = arith.index_cast %swap3A_661 : i32 to index
    %swap3A_663 = arith.constant 80 : index
    %swap3A_664 = tpu.vector_load %arg6[%swap3A_662, %swap3A_663] {strides = array<i32>} : memref<80x128xf32, #tpu.memory_space<vmem>>, vector<16xf32>,
    tpu.vector_store %arg6[%swap3A_662, %swap3A_663], %broadcast_in_dim3A_1 {strides = array<i32>} : memref<80x128xf32, #tpu.memory_space<vmem>>, vector<16xf32>,
    %swap3A_665 = arith.constant 68 : i32
    %swap3A_666 = arith.index_cast %swap3A_665 : i32 to index
    %swap3A_667 = arith.constant 96 : index
    %swap3A_668 = tpu.vector_load %arg6[%swap3A_666, %swap3A_667] {strides = array<i32>} : memref<80x128xf32, #tpu.memory_space<vmem>>, vector<16xf32>,
    tpu.vector_store %arg6[%swap3A_666, %swap3A_667], %broadcast_in_dim3A_1 {strides = array<i32>} : memref<80x128xf32, #tpu.memory_space<vmem>>, vector<16xf32>,
    %swap3A_669 = arith.constant 68 : i32
    %swap3A_670 = arith.index_cast %swap3A_669 : i32 to index
    %swap3A_671 = arith.constant 112 : index
    %swap3A_672 = tpu.vector_load %arg6[%swap3A_670, %swap3A_671] {strides = array<i32>} : memref<80x128xf32, #tpu.memory_space<vmem>>, vector<16xf32>,
    tpu.vector_store %arg6[%swap3A_670, %swap3A_671], %broadcast_in_dim3A_1 {strides = array<i32>} : memref<80x128xf32, #tpu.memory_space<vmem>>, vector<16xf32>,
    %swap3A_673 = arith.constant 69 : i32
    %swap3A_674 = arith.index_cast %swap3A_673 : i32 to index
    %swap3A_675 = arith.constant 0 : index
    %swap3A_676 = tpu.vector_load %arg6[%swap3A_674, %swap3A_675] {strides = array<i32>} : memref<80x128xf32, #tpu.memory_space<vmem>>, vector<16xf32>,
    tpu.vector_store %arg6[%swap3A_674, %swap3A_675], %broadcast_in_dim3A_1 {strides = array<i32>} : memref<80x128xf32, #tpu.memory_space<vmem>>, vector<16xf32>,
    %swap3A_677 = arith.constant 69 : i32
    %swap3A_678 = arith.index_cast %swap3A_677 : i32 to index
    %swap3A_679 = arith.constant 16 : index
    %swap3A_680 = tpu.vector_load %arg6[%swap3A_678, %swap3A_679] {strides = array<i32>} : memref<80x128xf32, #tpu.memory_space<vmem>>, vector<16xf32>,
    tpu.vector_store %arg6[%swap3A_678, %swap3A_679], %broadcast_in_dim3A_1 {strides = array<i32>} : memref<80x128xf32, #tpu.memory_space<vmem>>, vector<16xf32>,
    %swap3A_681 = arith.constant 69 : i32
    %swap3A_682 = arith.index_cast %swap3A_681 : i32 to index
    %swap3A_683 = arith.constant 32 : index
    %swap3A_684 = tpu.vector_load %arg6[%swap3A_682, %swap3A_683] {strides = array<i32>} : memref<80x128xf32, #tpu.memory_space<vmem>>, vector<16xf32>,
    tpu.vector_store %arg6[%swap3A_682, %swap3A_683], %broadcast_in_dim3A_1 {strides = array<i32>} : memref<80x128xf32, #tpu.memory_space<vmem>>, vector<16xf32>,
    %swap3A_685 = arith.constant 69 : i32
    %swap3A_686 = arith.index_cast %swap3A_685 : i32 to index
    %swap3A_687 = arith.constant 48 : index
    %swap3A_688 = tpu.vector_load %arg6[%swap3A_686, %swap3A_687] {strides = array<i32>} : memref<80x128xf32, #tpu.memory_space<vmem>>, vector<16xf32>,
    tpu.vector_store %arg6[%swap3A_686, %swap3A_687], %broadcast_in_dim3A_1 {strides = array<i32>} : memref<80x128xf32, #tpu.memory_space<vmem>>, vector<16xf32>,
    %swap3A_689 = arith.constant 69 : i32
    %swap3A_690 = arith.index_cast %swap3A_689 : i32 to index
    %swap3A_691 = arith.constant 64 : index
    %swap3A_692 = tpu.vector_load %arg6[%swap3A_690, %swap3A_691] {strides = array<i32>} : memref<80x128xf32, #tpu.memory_space<vmem>>, vector<16xf32>,
    tpu.vector_store %arg6[%swap3A_690, %swap3A_691], %broadcast_in_dim3A_1 {strides = array<i32>} : memref<80x128xf32, #tpu.memory_space<vmem>>, vector<16xf32>,
    %swap3A_693 = arith.constant 69 : i32
    %swap3A_694 = arith.index_cast %swap3A_693 : i32 to index
    %swap3A_695 = arith.constant 80 : index
    %swap3A_696 = tpu.vector_load %arg6[%swap3A_694, %swap3A_695] {strides = array<i32>} : memref<80x128xf32, #tpu.memory_space<vmem>>, vector<16xf32>,
    tpu.vector_store %arg6[%swap3A_694, %swap3A_695], %broadcast_in_dim3A_1 {strides = array<i32>} : memref<80x128xf32, #tpu.memory_space<vmem>>, vector<16xf32>,
    %swap3A_697 = arith.constant 69 : i32
    %swap3A_698 = arith.index_cast %swap3A_697 : i32 to index
    %swap3A_699 = arith.constant 96 : index
    %swap3A_700 = tpu.vector_load %arg6[%swap3A_698, %swap3A_699] {strides = array<i32>} : memref<80x128xf32, #tpu.memory_space<vmem>>, vector<16xf32>,
    tpu.vector_store %arg6[%swap3A_698, %swap3A_699], %broadcast_in_dim3A_1 {strides = array<i32>} : memref<80x128xf32, #tpu.memory_space<vmem>>, vector<16xf32>,
    %swap3A_701 = arith.constant 69 : i32
    %swap3A_702 = arith.index_cast %swap3A_701 : i32 to index
    %swap3A_703 = arith.constant 112 : index
    %swap3A_704 = tpu.vector_load %arg6[%swap3A_702, %swap3A_703] {strides = array<i32>} : memref<80x128xf32, #tpu.memory_space<vmem>>, vector<16xf32>,
    tpu.vector_store %arg6[%swap3A_702, %swap3A_703], %broadcast_in_dim3A_1 {strides = array<i32>} : memref<80x128xf32, #tpu.memory_space<vmem>>, vector<16xf32>,
    %swap3A_705 = arith.constant 70 : i32
    %swap3A_706 = arith.index_cast %swap3A_705 : i32 to index
    %swap3A_707 = arith.constant 0 : index
    %swap3A_708 = tpu.vector_load %arg6[%swap3A_706, %swap3A_707] {strides = array<i32>} : memref<80x128xf32, #tpu.memory_space<vmem>>, vector<16xf32>,
    tpu.vector_store %arg6[%swap3A_706, %swap3A_707], %broadcast_in_dim3A_1 {strides = array<i32>} : memref<80x128xf32, #tpu.memory_space<vmem>>, vector<16xf32>,
    %swap3A_709 = arith.constant 70 : i32
    %swap3A_710 = arith.index_cast %swap3A_709 : i32 to index
    %swap3A_711 = arith.constant 16 : index
    %swap3A_712 = tpu.vector_load %arg6[%swap3A_710, %swap3A_711] {strides = array<i32>} : memref<80x128xf32, #tpu.memory_space<vmem>>, vector<16xf32>,
    tpu.vector_store %arg6[%swap3A_710, %swap3A_711], %broadcast_in_dim3A_1 {strides = array<i32>} : memref<80x128xf32, #tpu.memory_space<vmem>>, vector<16xf32>,
    %swap3A_713 = arith.constant 70 : i32
    %swap3A_714 = arith.index_cast %swap3A_713 : i32 to index
    %swap3A_715 = arith.constant 32 : index
    %swap3A_716 = tpu.vector_load %arg6[%swap3A_714, %swap3A_715] {strides = array<i32>} : memref<80x128xf32, #tpu.memory_space<vmem>>, vector<16xf32>,
    tpu.vector_store %arg6[%swap3A_714, %swap3A_715], %broadcast_in_dim3A_1 {strides = array<i32>} : memref<80x128xf32, #tpu.memory_space<vmem>>, vector<16xf32>,
    %swap3A_717 = arith.constant 70 : i32
    %swap3A_718 = arith.index_cast %swap3A_717 : i32 to index
    %swap3A_719 = arith.constant 48 : index
    %swap3A_720 = tpu.vector_load %arg6[%swap3A_718, %swap3A_719] {strides = array<i32>} : memref<80x128xf32, #tpu.memory_space<vmem>>, vector<16xf32>,
    tpu.vector_store %arg6[%swap3A_718, %swap3A_719], %broadcast_in_dim3A_1 {strides = array<i32>} : memref<80x128xf32, #tpu.memory_space<vmem>>, vector<16xf32>,
    %swap3A_721 = arith.constant 70 : i32
    %swap3A_722 = arith.index_cast %swap3A_721 : i32 to index
    %swap3A_723 = arith.constant 64 : index
    %swap3A_724 = tpu.vector_load %arg6[%swap3A_722, %swap3A_723] {strides = array<i32>} : memref<80x128xf32, #tpu.memory_space<vmem>>, vector<16xf32>,
    tpu.vector_store %arg6[%swap3A_722, %swap3A_723], %broadcast_in_dim3A_1 {strides = array<i32>} : memref<80x128xf32, #tpu.memory_space<vmem>>, vector<16xf32>,
    %swap3A_725 = arith.constant 70 : i32
    %swap3A_726 = arith.index_cast %swap3A_725 : i32 to index
    %swap3A_727 = arith.constant 80 : index
    %swap3A_728 = tpu.vector_load %arg6[%swap3A_726, %swap3A_727] {strides = array<i32>} : memref<80x128xf32, #tpu.memory_space<vmem>>, vector<16xf32>,
    tpu.vector_store %arg6[%swap3A_726, %swap3A_727], %broadcast_in_dim3A_1 {strides = array<i32>} : memref<80x128xf32, #tpu.memory_space<vmem>>, vector<16xf32>,
    %swap3A_729 = arith.constant 70 : i32
    %swap3A_730 = arith.index_cast %swap3A_729 : i32 to index
    %swap3A_731 = arith.constant 96 : index
    %swap3A_732 = tpu.vector_load %arg6[%swap3A_730, %swap3A_731] {strides = array<i32>} : memref<80x128xf32, #tpu.memory_space<vmem>>, vector<16xf32>,
    tpu.vector_store %arg6[%swap3A_730, %swap3A_731], %broadcast_in_dim3A_1 {strides = array<i32>} : memref<80x128xf32, #tpu.memory_space<vmem>>, vector<16xf32>,
    %swap3A_733 = arith.constant 70 : i32
    %swap3A_734 = arith.index_cast %swap3A_733 : i32 to index
    %swap3A_735 = arith.constant 112 : index
    %swap3A_736 = tpu.vector_load %arg6[%swap3A_734, %swap3A_735] {strides = array<i32>} : memref<80x128xf32, #tpu.memory_space<vmem>>, vector<16xf32>,
    tpu.vector_store %arg6[%swap3A_734, %swap3A_735], %broadcast_in_dim3A_1 {strides = array<i32>} : memref<80x128xf32, #tpu.memory_space<vmem>>, vector<16xf32>,
    %swap3A_737 = arith.constant 71 : i32
    %swap3A_738 = arith.index_cast %swap3A_737 : i32 to index
    %swap3A_739 = arith.constant 0 : index
    %swap3A_740 = tpu.vector_load %arg6[%swap3A_738, %swap3A_739] {strides = array<i32>} : memref<80x128xf32, #tpu.memory_space<vmem>>, vector<16xf32>,
    tpu.vector_store %arg6[%swap3A_738, %swap3A_739], %broadcast_in_dim3A_1 {strides = array<i32>} : memref<80x128xf32, #tpu.memory_space<vmem>>, vector<16xf32>,
    %swap3A_741 = arith.constant 71 : i32
    %swap3A_742 = arith.index_cast %swap3A_741 : i32 to index
    %swap3A_743 = arith.constant 16 : index
    %swap3A_744 = tpu.vector_load %arg6[%swap3A_742, %swap3A_743] {strides = array<i32>} : memref<80x128xf32, #tpu.memory_space<vmem>>, vector<16xf32>,
    tpu.vector_store %arg6[%swap3A_742, %swap3A_743], %broadcast_in_dim3A_1 {strides = array<i32>} : memref<80x128xf32, #tpu.memory_space<vmem>>, vector<16xf32>,
    %swap3A_745 = arith.constant 71 : i32
    %swap3A_746 = arith.index_cast %swap3A_745 : i32 to index
    %swap3A_747 = arith.constant 32 : index
    %swap3A_748 = tpu.vector_load %arg6[%swap3A_746, %swap3A_747] {strides = array<i32>} : memref<80x128xf32, #tpu.memory_space<vmem>>, vector<16xf32>,
    tpu.vector_store %arg6[%swap3A_746, %swap3A_747], %broadcast_in_dim3A_1 {strides = array<i32>} : memref<80x128xf32, #tpu.memory_space<vmem>>, vector<16xf32>,
    %swap3A_749 = arith.constant 71 : i32
    %swap3A_750 = arith.index_cast %swap3A_749 : i32 to index
    %swap3A_751 = arith.constant 48 : index
    %swap3A_752 = tpu.vector_load %arg6[%swap3A_750, %swap3A_751] {strides = array<i32>} : memref<80x128xf32, #tpu.memory_space<vmem>>, vector<16xf32>,
    tpu.vector_store %arg6[%swap3A_750, %swap3A_751], %broadcast_in_dim3A_1 {strides = array<i32>} : memref<80x128xf32, #tpu.memory_space<vmem>>, vector<16xf32>,
    %swap3A_753 = arith.constant 71 : i32
    %swap3A_754 = arith.index_cast %swap3A_753 : i32 to index
    %swap3A_755 = arith.constant 64 : index
    %swap3A_756 = tpu.vector_load %arg6[%swap3A_754, %swap3A_755] {strides = array<i32>} : memref<80x128xf32, #tpu.memory_space<vmem>>, vector<16xf32>,
    tpu.vector_store %arg6[%swap3A_754, %swap3A_755], %broadcast_in_dim3A_1 {strides = array<i32>} : memref<80x128xf32, #tpu.memory_space<vmem>>, vector<16xf32>,
    %swap3A_757 = arith.constant 71 : i32
    %swap3A_758 = arith.index_cast %swap3A_757 : i32 to index
    %swap3A_759 = arith.constant 80 : index
    %swap3A_760 = tpu.vector_load %arg6[%swap3A_758, %swap3A_759] {strides = array<i32>} : memref<80x128xf32, #tpu.memory_space<vmem>>, vector<16xf32>,
    tpu.vector_store %arg6[%swap3A_758, %swap3A_759], %broadcast_in_dim3A_1 {strides = array<i32>} : memref<80x128xf32, #tpu.memory_space<vmem>>, vector<16xf32>,
    %swap3A_761 = arith.constant 71 : i32
    %swap3A_762 = arith.index_cast %swap3A_761 : i32 to index
    %swap3A_763 = arith.constant 96 : index
    %swap3A_764 = tpu.vector_load %arg6[%swap3A_762, %swap3A_763] {strides = array<i32>} : memref<80x128xf32, #tpu.memory_space<vmem>>, vector<16xf32>,
    tpu.vector_store %arg6[%swap3A_762, %swap3A_763], %broadcast_in_dim3A_1 {strides = array<i32>} : memref<80x128xf32, #tpu.memory_space<vmem>>, vector<16xf32>,
    %swap3A_765 = arith.constant 71 : i32
    %swap3A_766 = arith.index_cast %swap3A_765 : i32 to index
    %swap3A_767 = arith.constant 112 : index
    %swap3A_768 = tpu.vector_load %arg6[%swap3A_766, %swap3A_767] {strides = array<i32>} : memref<80x128xf32, #tpu.memory_space<vmem>>, vector<16xf32>,
    tpu.vector_store %arg6[%swap3A_766, %swap3A_767], %broadcast_in_dim3A_1 {strides = array<i32>} : memref<80x128xf32, #tpu.memory_space<vmem>>, vector<16xf32>,
    %swap3A_769 = arith.constant 72 : i32
    %swap3A_770 = arith.index_cast %swap3A_769 : i32 to index
    %swap3A_771 = arith.constant 0 : index
    %swap3A_772 = tpu.vector_load %arg6[%swap3A_770, %swap3A_771] {strides = array<i32>} : memref<80x128xf32, #tpu.memory_space<vmem>>, vector<16xf32>,
    tpu.vector_store %arg6[%swap3A_770, %swap3A_771], %broadcast_in_dim3A_1 {strides = array<i32>} : memref<80x128xf32, #tpu.memory_space<vmem>>, vector<16xf32>,
    %swap3A_773 = arith.constant 72 : i32
    %swap3A_774 = arith.index_cast %swap3A_773 : i32 to index
    %swap3A_775 = arith.constant 16 : index
    %swap3A_776 = tpu.vector_load %arg6[%swap3A_774, %swap3A_775] {strides = array<i32>} : memref<80x128xf32, #tpu.memory_space<vmem>>, vector<16xf32>,
    tpu.vector_store %arg6[%swap3A_774, %swap3A_775], %broadcast_in_dim3A_1 {strides = array<i32>} : memref<80x128xf32, #tpu.memory_space<vmem>>, vector<16xf32>,
    %swap3A_777 = arith.constant 72 : i32
    %swap3A_778 = arith.index_cast %swap3A_777 : i32 to index
    %swap3A_779 = arith.constant 32 : index
    %swap3A_780 = tpu.vector_load %arg6[%swap3A_778, %swap3A_779] {strides = array<i32>} : memref<80x128xf32, #tpu.memory_space<vmem>>, vector<16xf32>,
    tpu.vector_store %arg6[%swap3A_778, %swap3A_779], %broadcast_in_dim3A_1 {strides = array<i32>} : memref<80x128xf32, #tpu.memory_space<vmem>>, vector<16xf32>,
    %swap3A_781 = arith.constant 72 : i32
    %swap3A_782 = arith.index_cast %swap3A_781 : i32 to index
    %swap3A_783 = arith.constant 48 : index
    %swap3A_784 = tpu.vector_load %arg6[%swap3A_782, %swap3A_783] {strides = array<i32>} : memref<80x128xf32, #tpu.memory_space<vmem>>, vector<16xf32>,
    tpu.vector_store %arg6[%swap3A_782, %swap3A_783], %broadcast_in_dim3A_1 {strides = array<i32>} : memref<80x128xf32, #tpu.memory_space<vmem>>, vector<16xf32>,
    %swap3A_785 = arith.constant 72 : i32
    %swap3A_786 = arith.index_cast %swap3A_785 : i32 to index
    %swap3A_787 = arith.constant 64 : index
    %swap3A_788 = tpu.vector_load %arg6[%swap3A_786, %swap3A_787] {strides = array<i32>} : memref<80x128xf32, #tpu.memory_space<vmem>>, vector<16xf32>,
    tpu.vector_store %arg6[%swap3A_786, %swap3A_787], %broadcast_in_dim3A_1 {strides = array<i32>} : memref<80x128xf32, #tpu.memory_space<vmem>>, vector<16xf32>,
    %swap3A_789 = arith.constant 72 : i32
    %swap3A_790 = arith.index_cast %swap3A_789 : i32 to index
    %swap3A_791 = arith.constant 80 : index
    %swap3A_792 = tpu.vector_load %arg6[%swap3A_790, %swap3A_791] {strides = array<i32>} : memref<80x128xf32, #tpu.memory_space<vmem>>, vector<16xf32>,
    tpu.vector_store %arg6[%swap3A_790, %swap3A_791], %broadcast_in_dim3A_1 {strides = array<i32>} : memref<80x128xf32, #tpu.memory_space<vmem>>, vector<16xf32>,
    %swap3A_793 = arith.constant 72 : i32
    %swap3A_794 = arith.index_cast %swap3A_793 : i32 to index
    %swap3A_795 = arith.constant 96 : index
    %swap3A_796 = tpu.vector_load %arg6[%swap3A_794, %swap3A_795] {strides = array<i32>} : memref<80x128xf32, #tpu.memory_space<vmem>>, vector<16xf32>,
    tpu.vector_store %arg6[%swap3A_794, %swap3A_795], %broadcast_in_dim3A_1 {strides = array<i32>} : memref<80x128xf32, #tpu.memory_space<vmem>>, vector<16xf32>,
    %swap3A_797 = arith.constant 72 : i32
    %swap3A_798 = arith.index_cast %swap3A_797 : i32 to index
    %swap3A_799 = arith.constant 112 : index
    %swap3A_800 = tpu.vector_load %arg6[%swap3A_798, %swap3A_799] {strides = array<i32>} : memref<80x128xf32, #tpu.memory_space<vmem>>, vector<16xf32>,
    tpu.vector_store %arg6[%swap3A_798, %swap3A_799], %broadcast_in_dim3A_1 {strides = array<i32>} : memref<80x128xf32, #tpu.memory_space<vmem>>, vector<16xf32>,
    %swap3A_801 = arith.constant 73 : i32
    %swap3A_802 = arith.index_cast %swap3A_801 : i32 to index
    %swap3A_803 = arith.constant 0 : index
    %swap3A_804 = tpu.vector_load %arg6[%swap3A_802, %swap3A_803] {strides = array<i32>} : memref<80x128xf32, #tpu.memory_space<vmem>>, vector<16xf32>,
    tpu.vector_store %arg6[%swap3A_802, %swap3A_803], %broadcast_in_dim3A_1 {strides = array<i32>} : memref<80x128xf32, #tpu.memory_space<vmem>>, vector<16xf32>,
    %swap3A_805 = arith.constant 73 : i32
    %swap3A_806 = arith.index_cast %swap3A_805 : i32 to index
    %swap3A_807 = arith.constant 16 : index
    %swap3A_808 = tpu.vector_load %arg6[%swap3A_806, %swap3A_807] {strides = array<i32>} : memref<80x128xf32, #tpu.memory_space<vmem>>, vector<16xf32>,
    tpu.vector_store %arg6[%swap3A_806, %swap3A_807], %broadcast_in_dim3A_1 {strides = array<i32>} : memref<80x128xf32, #tpu.memory_space<vmem>>, vector<16xf32>,
    %swap3A_809 = arith.constant 73 : i32
    %swap3A_810 = arith.index_cast %swap3A_809 : i32 to index
    %swap3A_811 = arith.constant 32 : index
    %swap3A_812 = tpu.vector_load %arg6[%swap3A_810, %swap3A_811] {strides = array<i32>} : memref<80x128xf32, #tpu.memory_space<vmem>>, vector<16xf32>,
    tpu.vector_store %arg6[%swap3A_810, %swap3A_811], %broadcast_in_dim3A_1 {strides = array<i32>} : memref<80x128xf32, #tpu.memory_space<vmem>>, vector<16xf32>,
    %swap3A_813 = arith.constant 73 : i32
    %swap3A_814 = arith.index_cast %swap3A_813 : i32 to index
    %swap3A_815 = arith.constant 48 : index
    %swap3A_816 = tpu.vector_load %arg6[%swap3A_814, %swap3A_815] {strides = array<i32>} : memref<80x128xf32, #tpu.memory_space<vmem>>, vector<16xf32>,
    tpu.vector_store %arg6[%swap3A_814, %swap3A_815], %broadcast_in_dim3A_1 {strides = array<i32>} : memref<80x128xf32, #tpu.memory_space<vmem>>, vector<16xf32>,
    %swap3A_817 = arith.constant 73 : i32
    %swap3A_818 = arith.index_cast %swap3A_817 : i32 to index
    %swap3A_819 = arith.constant 64 : index
    %swap3A_820 = tpu.vector_load %arg6[%swap3A_818, %swap3A_819] {strides = array<i32>} : memref<80x128xf32, #tpu.memory_space<vmem>>, vector<16xf32>,
    tpu.vector_store %arg6[%swap3A_818, %swap3A_819], %broadcast_in_dim3A_1 {strides = array<i32>} : memref<80x128xf32, #tpu.memory_space<vmem>>, vector<16xf32>,
    %swap3A_821 = arith.constant 73 : i32
    %swap3A_822 = arith.index_cast %swap3A_821 : i32 to index
    %swap3A_823 = arith.constant 80 : index
    %swap3A_824 = tpu.vector_load %arg6[%swap3A_822, %swap3A_823] {strides = array<i32>} : memref<80x128xf32, #tpu.memory_space<vmem>>, vector<16xf32>,
    tpu.vector_store %arg6[%swap3A_822, %swap3A_823], %broadcast_in_dim3A_1 {strides = array<i32>} : memref<80x128xf32, #tpu.memory_space<vmem>>, vector<16xf32>,
    %swap3A_825 = arith.constant 73 : i32
    %swap3A_826 = arith.index_cast %swap3A_825 : i32 to index
    %swap3A_827 = arith.constant 96 : index
    %swap3A_828 = tpu.vector_load %arg6[%swap3A_826, %swap3A_827] {strides = array<i32>} : memref<80x128xf32, #tpu.memory_space<vmem>>, vector<16xf32>,
    tpu.vector_store %arg6[%swap3A_826, %swap3A_827], %broadcast_in_dim3A_1 {strides = array<i32>} : memref<80x128xf32, #tpu.memory_space<vmem>>, vector<16xf32>,
    %swap3A_829 = arith.constant 73 : i32
    %swap3A_830 = arith.index_cast %swap3A_829 : i32 to index
    %swap3A_831 = arith.constant 112 : index
    %swap3A_832 = tpu.vector_load %arg6[%swap3A_830, %swap3A_831] {strides = array<i32>} : memref<80x128xf32, #tpu.memory_space<vmem>>, vector<16xf32>,
    tpu.vector_store %arg6[%swap3A_830, %swap3A_831], %broadcast_in_dim3A_1 {strides = array<i32>} : memref<80x128xf32, #tpu.memory_space<vmem>>, vector<16xf32>,
    %swap3A_833 = arith.constant 74 : i32
    %swap3A_834 = arith.index_cast %swap3A_833 : i32 to index
    %swap3A_835 = arith.constant 0 : index
    %swap3A_836 = tpu.vector_load %arg6[%swap3A_834, %swap3A_835] {strides = array<i32>} : memref<80x128xf32, #tpu.memory_space<vmem>>, vector<16xf32>,
    tpu.vector_store %arg6[%swap3A_834, %swap3A_835], %broadcast_in_dim3A_1 {strides = array<i32>} : memref<80x128xf32, #tpu.memory_space<vmem>>, vector<16xf32>,
    %swap3A_837 = arith.constant 74 : i32
    %swap3A_838 = arith.index_cast %swap3A_837 : i32 to index
    %swap3A_839 = arith.constant 16 : index
    %swap3A_840 = tpu.vector_load %arg6[%swap3A_838, %swap3A_839] {strides = array<i32>} : memref<80x128xf32, #tpu.memory_space<vmem>>, vector<16xf32>,
    tpu.vector_store %arg6[%swap3A_838, %swap3A_839], %broadcast_in_dim3A_1 {strides = array<i32>} : memref<80x128xf32, #tpu.memory_space<vmem>>, vector<16xf32>,
    %swap3A_841 = arith.constant 74 : i32
    %swap3A_842 = arith.index_cast %swap3A_841 : i32 to index
    %swap3A_843 = arith.constant 32 : index
    %swap3A_844 = tpu.vector_load %arg6[%swap3A_842, %swap3A_843] {strides = array<i32>} : memref<80x128xf32, #tpu.memory_space<vmem>>, vector<16xf32>,
    tpu.vector_store %arg6[%swap3A_842, %swap3A_843], %broadcast_in_dim3A_1 {strides = array<i32>} : memref<80x128xf32, #tpu.memory_space<vmem>>, vector<16xf32>,
    %swap3A_845 = arith.constant 74 : i32
    %swap3A_846 = arith.index_cast %swap3A_845 : i32 to index
    %swap3A_847 = arith.constant 48 : index
    %swap3A_848 = tpu.vector_load %arg6[%swap3A_846, %swap3A_847] {strides = array<i32>} : memref<80x128xf32, #tpu.memory_space<vmem>>, vector<16xf32>,
    tpu.vector_store %arg6[%swap3A_846, %swap3A_847], %broadcast_in_dim3A_1 {strides = array<i32>} : memref<80x128xf32, #tpu.memory_space<vmem>>, vector<16xf32>,
    %swap3A_849 = arith.constant 74 : i32
    %swap3A_850 = arith.index_cast %swap3A_849 : i32 to index
    %swap3A_851 = arith.constant 64 : index
    %swap3A_852 = tpu.vector_load %arg6[%swap3A_850, %swap3A_851] {strides = array<i32>} : memref<80x128xf32, #tpu.memory_space<vmem>>, vector<16xf32>,
    tpu.vector_store %arg6[%swap3A_850, %swap3A_851], %broadcast_in_dim3A_1 {strides = array<i32>} : memref<80x128xf32, #tpu.memory_space<vmem>>, vector<16xf32>,
    %swap3A_853 = arith.constant 74 : i32
    %swap3A_854 = arith.index_cast %swap3A_853 : i32 to index
    %swap3A_855 = arith.constant 80 : index
    %swap3A_856 = tpu.vector_load %arg6[%swap3A_854, %swap3A_855] {strides = array<i32>} : memref<80x128xf32, #tpu.memory_space<vmem>>, vector<16xf32>,
    tpu.vector_store %arg6[%swap3A_854, %swap3A_855], %broadcast_in_dim3A_1 {strides = array<i32>} : memref<80x128xf32, #tpu.memory_space<vmem>>, vector<16xf32>,
    %swap3A_857 = arith.constant 74 : i32
    %swap3A_858 = arith.index_cast %swap3A_857 : i32 to index
    %swap3A_859 = arith.constant 96 : index
    %swap3A_860 = tpu.vector_load %arg6[%swap3A_858, %swap3A_859] {strides = array<i32>} : memref<80x128xf32, #tpu.memory_space<vmem>>, vector<16xf32>,
    tpu.vector_store %arg6[%swap3A_858, %swap3A_859], %broadcast_in_dim3A_1 {strides = array<i32>} : memref<80x128xf32, #tpu.memory_space<vmem>>, vector<16xf32>,
    %swap3A_861 = arith.constant 74 : i32
    %swap3A_862 = arith.index_cast %swap3A_861 : i32 to index
    %swap3A_863 = arith.constant 112 : index
    %swap3A_864 = tpu.vector_load %arg6[%swap3A_862, %swap3A_863] {strides = array<i32>} : memref<80x128xf32, #tpu.memory_space<vmem>>, vector<16xf32>,
    tpu.vector_store %arg6[%swap3A_862, %swap3A_863], %broadcast_in_dim3A_1 {strides = array<i32>} : memref<80x128xf32, #tpu.memory_space<vmem>>, vector<16xf32>,
    %swap3A_865 = arith.constant 75 : i32
    %swap3A_866 = arith.index_cast %swap3A_865 : i32 to index
    %swap3A_867 = arith.constant 0 : index
    %swap3A_868 = tpu.vector_load %arg6[%swap3A_866, %swap3A_867] {strides = array<i32>} : memref<80x128xf32, #tpu.memory_space<vmem>>, vector<16xf32>,
    tpu.vector_store %arg6[%swap3A_866, %swap3A_867], %broadcast_in_dim3A_1 {strides = array<i32>} : memref<80x128xf32, #tpu.memory_space<vmem>>, vector<16xf32>,
    %swap3A_869 = arith.constant 75 : i32
    %swap3A_870 = arith.index_cast %swap3A_869 : i32 to index
    %swap3A_871 = arith.constant 16 : index
    %swap3A_872 = tpu.vector_load %arg6[%swap3A_870, %swap3A_871] {strides = array<i32>} : memref<80x128xf32, #tpu.memory_space<vmem>>, vector<16xf32>,
    tpu.vector_store %arg6[%swap3A_870, %swap3A_871], %broadcast_in_dim3A_1 {strides = array<i32>} : memref<80x128xf32, #tpu.memory_space<vmem>>, vector<16xf32>,
    %swap3A_873 = arith.constant 75 : i32
    %swap3A_874 = arith.index_cast %swap3A_873 : i32 to index
    %swap3A_875 = arith.constant 32 : index
    %swap3A_876 = tpu.vector_load %arg6[%swap3A_874, %swap3A_875] {strides = array<i32>} : memref<80x128xf32, #tpu.memory_space<vmem>>, vector<16xf32>,
    tpu.vector_store %arg6[%swap3A_874, %swap3A_875], %broadcast_in_dim3A_1 {strides = array<i32>} : memref<80x128xf32, #tpu.memory_space<vmem>>, vector<16xf32>,
    %swap3A_877 = arith.constant 75 : i32
    %swap3A_878 = arith.index_cast %swap3A_877 : i32 to index
    %swap3A_879 = arith.constant 48 : index
    %swap3A_880 = tpu.vector_load %arg6[%swap3A_878, %swap3A_879] {strides = array<i32>} : memref<80x128xf32, #tpu.memory_space<vmem>>, vector<16xf32>,
    tpu.vector_store %arg6[%swap3A_878, %swap3A_879], %broadcast_in_dim3A_1 {strides = array<i32>} : memref<80x128xf32, #tpu.memory_space<vmem>>, vector<16xf32>,
    %swap3A_881 = arith.constant 75 : i32
    %swap3A_882 = arith.index_cast %swap3A_881 : i32 to index
    %swap3A_883 = arith.constant 64 : index
    %swap3A_884 = tpu.vector_load %arg6[%swap3A_882, %swap3A_883] {strides = array<i32>} : memref<80x128xf32, #tpu.memory_space<vmem>>, vector<16xf32>,
    tpu.vector_store %arg6[%swap3A_882, %swap3A_883], %broadcast_in_dim3A_1 {strides = array<i32>} : memref<80x128xf32, #tpu.memory_space<vmem>>, vector<16xf32>,
    %swap3A_885 = arith.constant 75 : i32
    %swap3A_886 = arith.index_cast %swap3A_885 : i32 to index
    %swap3A_887 = arith.constant 80 : index
    %swap3A_888 = tpu.vector_load %arg6[%swap3A_886, %swap3A_887] {strides = array<i32>} : memref<80x128xf32, #tpu.memory_space<vmem>>, vector<16xf32>,
    tpu.vector_store %arg6[%swap3A_886, %swap3A_887], %broadcast_in_dim3A_1 {strides = array<i32>} : memref<80x128xf32, #tpu.memory_space<vmem>>, vector<16xf32>,
    %swap3A_889 = arith.constant 75 : i32
    %swap3A_890 = arith.index_cast %swap3A_889 : i32 to index
    %swap3A_891 = arith.constant 96 : index
    %swap3A_892 = tpu.vector_load %arg6[%swap3A_890, %swap3A_891] {strides = array<i32>} : memref<80x128xf32, #tpu.memory_space<vmem>>, vector<16xf32>,
    tpu.vector_store %arg6[%swap3A_890, %swap3A_891], %broadcast_in_dim3A_1 {strides = array<i32>} : memref<80x128xf32, #tpu.memory_space<vmem>>, vector<16xf32>,
    %swap3A_893 = arith.constant 75 : i32
    %swap3A_894 = arith.index_cast %swap3A_893 : i32 to index
    %swap3A_895 = arith.constant 112 : index
    %swap3A_896 = tpu.vector_load %arg6[%swap3A_894, %swap3A_895] {strides = array<i32>} : memref<80x128xf32, #tpu.memory_space<vmem>>, vector<16xf32>,
    tpu.vector_store %arg6[%swap3A_894, %swap3A_895], %broadcast_in_dim3A_1 {strides = array<i32>} : memref<80x128xf32, #tpu.memory_space<vmem>>, vector<16xf32>,
    %swap3A_897 = arith.constant 76 : i32
    %swap3A_898 = arith.index_cast %swap3A_897 : i32 to index
    %swap3A_899 = arith.constant 0 : index
    %swap3A_900 = tpu.vector_load %arg6[%swap3A_898, %swap3A_899] {strides = array<i32>} : memref<80x128xf32, #tpu.memory_space<vmem>>, vector<16xf32>,
    tpu.vector_store %arg6[%swap3A_898, %swap3A_899], %broadcast_in_dim3A_1 {strides = array<i32>} : memref<80x128xf32, #tpu.memory_space<vmem>>, vector<16xf32>,
    %swap3A_901 = arith.constant 76 : i32
    %swap3A_902 = arith.index_cast %swap3A_901 : i32 to index
    %swap3A_903 = arith.constant 16 : index
    %swap3A_904 = tpu.vector_load %arg6[%swap3A_902, %swap3A_903] {strides = array<i32>} : memref<80x128xf32, #tpu.memory_space<vmem>>, vector<16xf32>,
    tpu.vector_store %arg6[%swap3A_902, %swap3A_903], %broadcast_in_dim3A_1 {strides = array<i32>} : memref<80x128xf32, #tpu.memory_space<vmem>>, vector<16xf32>,
    %swap3A_905 = arith.constant 76 : i32
    %swap3A_906 = arith.index_cast %swap3A_905 : i32 to index
    %swap3A_907 = arith.constant 32 : index
    %swap3A_908 = tpu.vector_load %arg6[%swap3A_906, %swap3A_907] {strides = array<i32>} : memref<80x128xf32, #tpu.memory_space<vmem>>, vector<16xf32>,
    tpu.vector_store %arg6[%swap3A_906, %swap3A_907], %broadcast_in_dim3A_1 {strides = array<i32>} : memref<80x128xf32, #tpu.memory_space<vmem>>, vector<16xf32>,
    %swap3A_909 = arith.constant 76 : i32
    %swap3A_910 = arith.index_cast %swap3A_909 : i32 to index
    %swap3A_911 = arith.constant 48 : index
    %swap3A_912 = tpu.vector_load %arg6[%swap3A_910, %swap3A_911] {strides = array<i32>} : memref<80x128xf32, #tpu.memory_space<vmem>>, vector<16xf32>,
    tpu.vector_store %arg6[%swap3A_910, %swap3A_911], %broadcast_in_dim3A_1 {strides = array<i32>} : memref<80x128xf32, #tpu.memory_space<vmem>>, vector<16xf32>,
    %swap3A_913 = arith.constant 76 : i32
    %swap3A_914 = arith.index_cast %swap3A_913 : i32 to index
    %swap3A_915 = arith.constant 64 : index
    %swap3A_916 = tpu.vector_load %arg6[%swap3A_914, %swap3A_915] {strides = array<i32>} : memref<80x128xf32, #tpu.memory_space<vmem>>, vector<16xf32>,
    tpu.vector_store %arg6[%swap3A_914, %swap3A_915], %broadcast_in_dim3A_1 {strides = array<i32>} : memref<80x128xf32, #tpu.memory_space<vmem>>, vector<16xf32>,
    %swap3A_917 = arith.constant 76 : i32
    %swap3A_918 = arith.index_cast %swap3A_917 : i32 to index
    %swap3A_919 = arith.constant 80 : index
    %swap3A_920 = tpu.vector_load %arg6[%swap3A_918, %swap3A_919] {strides = array<i32>} : memref<80x128xf32, #tpu.memory_space<vmem>>, vector<16xf32>,
    tpu.vector_store %arg6[%swap3A_918, %swap3A_919], %broadcast_in_dim3A_1 {strides = array<i32>} : memref<80x128xf32, #tpu.memory_space<vmem>>, vector<16xf32>,
    %swap3A_921 = arith.constant 76 : i32
    %swap3A_922 = arith.index_cast %swap3A_921 : i32 to index
    %swap3A_923 = arith.constant 96 : index
    %swap3A_924 = tpu.vector_load %arg6[%swap3A_922, %swap3A_923] {strides = array<i32>} : memref<80x128xf32, #tpu.memory_space<vmem>>, vector<16xf32>,
    tpu.vector_store %arg6[%swap3A_922, %swap3A_923], %broadcast_in_dim3A_1 {strides = array<i32>} : memref<80x128xf32, #tpu.memory_space<vmem>>, vector<16xf32>,
    %swap3A_925 = arith.constant 76 : i32
    %swap3A_926 = arith.index_cast %swap3A_925 : i32 to index
    %swap3A_927 = arith.constant 112 : index
    %swap3A_928 = tpu.vector_load %arg6[%swap3A_926, %swap3A_927] {strides = array<i32>} : memref<80x128xf32, #tpu.memory_space<vmem>>, vector<16xf32>,
    tpu.vector_store %arg6[%swap3A_926, %swap3A_927], %broadcast_in_dim3A_1 {strides = array<i32>} : memref<80x128xf32, #tpu.memory_space<vmem>>, vector<16xf32>,
    %swap3A_929 = arith.constant 77 : i32
    %swap3A_930 = arith.index_cast %swap3A_929 : i32 to index
    %swap3A_931 = arith.constant 0 : index
    %swap3A_932 = tpu.vector_load %arg6[%swap3A_930, %swap3A_931] {strides = array<i32>} : memref<80x128xf32, #tpu.memory_space<vmem>>, vector<16xf32>,
    tpu.vector_store %arg6[%swap3A_930, %swap3A_931], %broadcast_in_dim3A_1 {strides = array<i32>} : memref<80x128xf32, #tpu.memory_space<vmem>>, vector<16xf32>,
    %swap3A_933 = arith.constant 77 : i32
    %swap3A_934 = arith.index_cast %swap3A_933 : i32 to index
    %swap3A_935 = arith.constant 16 : index
    %swap3A_936 = tpu.vector_load %arg6[%swap3A_934, %swap3A_935] {strides = array<i32>} : memref<80x128xf32, #tpu.memory_space<vmem>>, vector<16xf32>,
    tpu.vector_store %arg6[%swap3A_934, %swap3A_935], %broadcast_in_dim3A_1 {strides = array<i32>} : memref<80x128xf32, #tpu.memory_space<vmem>>, vector<16xf32>,
    %swap3A_937 = arith.constant 77 : i32
    %swap3A_938 = arith.index_cast %swap3A_937 : i32 to index
    %swap3A_939 = arith.constant 32 : index
    %swap3A_940 = tpu.vector_load %arg6[%swap3A_938, %swap3A_939] {strides = array<i32>} : memref<80x128xf32, #tpu.memory_space<vmem>>, vector<16xf32>,
    tpu.vector_store %arg6[%swap3A_938, %swap3A_939], %broadcast_in_dim3A_1 {strides = array<i32>} : memref<80x128xf32, #tpu.memory_space<vmem>>, vector<16xf32>,
    %swap3A_941 = arith.constant 77 : i32
    %swap3A_942 = arith.index_cast %swap3A_941 : i32 to index
    %swap3A_943 = arith.constant 48 : index
    %swap3A_944 = tpu.vector_load %arg6[%swap3A_942, %swap3A_943] {strides = array<i32>} : memref<80x128xf32, #tpu.memory_space<vmem>>, vector<16xf32>,
    tpu.vector_store %arg6[%swap3A_942, %swap3A_943], %broadcast_in_dim3A_1 {strides = array<i32>} : memref<80x128xf32, #tpu.memory_space<vmem>>, vector<16xf32>,
    %swap3A_945 = arith.constant 77 : i32
    %swap3A_946 = arith.index_cast %swap3A_945 : i32 to index
    %swap3A_947 = arith.constant 64 : index
    %swap3A_948 = tpu.vector_load %arg6[%swap3A_946, %swap3A_947] {strides = array<i32>} : memref<80x128xf32, #tpu.memory_space<vmem>>, vector<16xf32>,
    tpu.vector_store %arg6[%swap3A_946, %swap3A_947], %broadcast_in_dim3A_1 {strides = array<i32>} : memref<80x128xf32, #tpu.memory_space<vmem>>, vector<16xf32>,
    %swap3A_949 = arith.constant 77 : i32
    %swap3A_950 = arith.index_cast %swap3A_949 : i32 to index
    %swap3A_951 = arith.constant 80 : index
    %swap3A_952 = tpu.vector_load %arg6[%swap3A_950, %swap3A_951] {strides = array<i32>} : memref<80x128xf32, #tpu.memory_space<vmem>>, vector<16xf32>,
    tpu.vector_store %arg6[%swap3A_950, %swap3A_951], %broadcast_in_dim3A_1 {strides = array<i32>} : memref<80x128xf32, #tpu.memory_space<vmem>>, vector<16xf32>,
    %swap3A_953 = arith.constant 77 : i32
    %swap3A_954 = arith.index_cast %swap3A_953 : i32 to index
    %swap3A_955 = arith.constant 96 : index
    %swap3A_956 = tpu.vector_load %arg6[%swap3A_954, %swap3A_955] {strides = array<i32>} : memref<80x128xf32, #tpu.memory_space<vmem>>, vector<16xf32>,
    tpu.vector_store %arg6[%swap3A_954, %swap3A_955], %broadcast_in_dim3A_1 {strides = array<i32>} : memref<80x128xf32, #tpu.memory_space<vmem>>, vector<16xf32>,
    %swap3A_957 = arith.constant 77 : i32
    %swap3A_958 = arith.index_cast %swap3A_957 : i32 to index
    %swap3A_959 = arith.constant 112 : index
    %swap3A_960 = tpu.vector_load %arg6[%swap3A_958, %swap3A_959] {strides = array<i32>} : memref<80x128xf32, #tpu.memory_space<vmem>>, vector<16xf32>,
    tpu.vector_store %arg6[%swap3A_958, %swap3A_959], %broadcast_in_dim3A_1 {strides = array<i32>} : memref<80x128xf32, #tpu.memory_space<vmem>>, vector<16xf32>,
    %swap3A_961 = arith.constant 78 : i32
    %swap3A_962 = arith.index_cast %swap3A_961 : i32 to index
    %swap3A_963 = arith.constant 0 : index
    %swap3A_964 = tpu.vector_load %arg6[%swap3A_962, %swap3A_963] {strides = array<i32>} : memref<80x128xf32, #tpu.memory_space<vmem>>, vector<16xf32>,
    tpu.vector_store %arg6[%swap3A_962, %swap3A_963], %broadcast_in_dim3A_1 {strides = array<i32>} : memref<80x128xf32, #tpu.memory_space<vmem>>, vector<16xf32>,
    %swap3A_965 = arith.constant 78 : i32
    %swap3A_966 = arith.index_cast %swap3A_965 : i32 to index
    %swap3A_967 = arith.constant 16 : index
    %swap3A_968 = tpu.vector_load %arg6[%swap3A_966, %swap3A_967] {strides = array<i32>} : memref<80x128xf32, #tpu.memory_space<vmem>>, vector<16xf32>,
    tpu.vector_store %arg6[%swap3A_966, %swap3A_967], %broadcast_in_dim3A_1 {strides = array<i32>} : memref<80x128xf32, #tpu.memory_space<vmem>>, vector<16xf32>,
    %swap3A_969 = arith.constant 78 : i32
    %swap3A_970 = arith.index_cast %swap3A_969 : i32 to index
    %swap3A_971 = arith.constant 32 : index
    %swap3A_972 = tpu.vector_load %arg6[%swap3A_970, %swap3A_971] {strides = array<i32>} : memref<80x128xf32, #tpu.memory_space<vmem>>, vector<16xf32>,
    tpu.vector_store %arg6[%swap3A_970, %swap3A_971], %broadcast_in_dim3A_1 {strides = array<i32>} : memref<80x128xf32, #tpu.memory_space<vmem>>, vector<16xf32>,
    %swap3A_973 = arith.constant 78 : i32
    %swap3A_974 = arith.index_cast %swap3A_973 : i32 to index
    %swap3A_975 = arith.constant 48 : index
    %swap3A_976 = tpu.vector_load %arg6[%swap3A_974, %swap3A_975] {strides = array<i32>} : memref<80x128xf32, #tpu.memory_space<vmem>>, vector<16xf32>,
    tpu.vector_store %arg6[%swap3A_974, %swap3A_975], %broadcast_in_dim3A_1 {strides = array<i32>} : memref<80x128xf32, #tpu.memory_space<vmem>>, vector<16xf32>,
    %swap3A_977 = arith.constant 78 : i32
    %swap3A_978 = arith.index_cast %swap3A_977 : i32 to index
    %swap3A_979 = arith.constant 64 : index
    %swap3A_980 = tpu.vector_load %arg6[%swap3A_978, %swap3A_979] {strides = array<i32>} : memref<80x128xf32, #tpu.memory_space<vmem>>, vector<16xf32>,
    tpu.vector_store %arg6[%swap3A_978, %swap3A_979], %broadcast_in_dim3A_1 {strides = array<i32>} : memref<80x128xf32, #tpu.memory_space<vmem>>, vector<16xf32>,
    %swap3A_981 = arith.constant 78 : i32
    %swap3A_982 = arith.index_cast %swap3A_981 : i32 to index
    %swap3A_983 = arith.constant 80 : index
    %swap3A_984 = tpu.vector_load %arg6[%swap3A_982, %swap3A_983] {strides = array<i32>} : memref<80x128xf32, #tpu.memory_space<vmem>>, vector<16xf32>,
    tpu.vector_store %arg6[%swap3A_982, %swap3A_983], %broadcast_in_dim3A_1 {strides = array<i32>} : memref<80x128xf32, #tpu.memory_space<vmem>>, vector<16xf32>,
    %swap3A_985 = arith.constant 78 : i32
    %swap3A_986 = arith.index_cast %swap3A_985 : i32 to index
    %swap3A_987 = arith.constant 96 : index
    %swap3A_988 = tpu.vector_load %arg6[%swap3A_986, %swap3A_987] {strides = array<i32>} : memref<80x128xf32, #tpu.memory_space<vmem>>, vector<16xf32>,
    tpu.vector_store %arg6[%swap3A_986, %swap3A_987], %broadcast_in_dim3A_1 {strides = array<i32>} : memref<80x128xf32, #tpu.memory_space<vmem>>, vector<16xf32>,
    %swap3A_989 = arith.constant 78 : i32
    %swap3A_990 = arith.index_cast %swap3A_989 : i32 to index
    %swap3A_991 = arith.constant 112 : index
    %swap3A_992 = tpu.vector_load %arg6[%swap3A_990, %swap3A_991] {strides = array<i32>} : memref<80x128xf32, #tpu.memory_space<vmem>>, vector<16xf32>,
    tpu.vector_store %arg6[%swap3A_990, %swap3A_991], %broadcast_in_dim3A_1 {strides = array<i32>} : memref<80x128xf32, #tpu.memory_space<vmem>>, vector<16xf32>,
    %swap3A_993 = arith.constant 79 : i32
    %swap3A_994 = arith.index_cast %swap3A_993 : i32 to index
    %swap3A_995 = arith.constant 0 : index
    %swap3A_996 = tpu.vector_load %arg6[%swap3A_994, %swap3A_995] {strides = array<i32>} : memref<80x128xf32, #tpu.memory_space<vmem>>, vector<16xf32>,
    tpu.vector_store %arg6[%swap3A_994, %swap3A_995], %broadcast_in_dim3A_1 {strides = array<i32>} : memref<80x128xf32, #tpu.memory_space<vmem>>, vector<16xf32>,
    %swap3A_997 = arith.constant 79 : i32
    %swap3A_998 = arith.index_cast %swap3A_997 : i32 to index
    %swap3A_999 = arith.constant 16 : index
    %swap3A_1000 = tpu.vector_load %arg6[%swap3A_998, %swap3A_999] {strides = array<i32>} : memref<80x128xf32, #tpu.memory_space<vmem>>, vector<16xf32>,
    tpu.vector_store %arg6[%swap3A_998, %swap3A_999], %broadcast_in_dim3A_1 {strides = array<i32>} : memref<80x128xf32, #tpu.memory_space<vmem>>, vector<16xf32>,
    %swap3A_1001 = arith.constant 79 : i32
    %swap3A_1002 = arith.index_cast %swap3A_1001 : i32 to index
    %swap3A_1003 = arith.constant 32 : index
    %swap3A_1004 = tpu.vector_load %arg6[%swap3A_1002, %swap3A_1003] {strides = array<i32>} : memref<80x128xf32, #tpu.memory_space<vmem>>, vector<16xf32>,
    tpu.vector_store %arg6[%swap3A_1002, %swap3A_1003], %broadcast_in_dim3A_1 {strides = array<i32>} : memref<80x128xf32, #tpu.memory_space<vmem>>, vector<16xf32>,
    %swap3A_1005 = arith.constant 79 : i32
    %swap3A_1006 = arith.index_cast %swap3A_1005 : i32 to index
    %swap3A_1007 = arith.constant 48 : index
    %swap3A_1008 = tpu.vector_load %arg6[%swap3A_1006, %swap3A_1007] {strides = array<i32>} : memref<80x128xf32, #tpu.memory_space<vmem>>, vector<16xf32>,
    tpu.vector_store %arg6[%swap3A_1006, %swap3A_1007], %broadcast_in_dim3A_1 {strides = array<i32>} : memref<80x128xf32, #tpu.memory_space<vmem>>, vector<16xf32>,
    %swap3A_1009 = arith.constant 79 : i32
    %swap3A_1010 = arith.index_cast %swap3A_1009 : i32 to index
    %swap3A_1011 = arith.constant 64 : index
    %swap3A_1012 = tpu.vector_load %arg6[%swap3A_1010, %swap3A_1011] {strides = array<i32>} : memref<80x128xf32, #tpu.memory_space<vmem>>, vector<16xf32>,
    tpu.vector_store %arg6[%swap3A_1010, %swap3A_1011], %broadcast_in_dim3A_1 {strides = array<i32>} : memref<80x128xf32, #tpu.memory_space<vmem>>, vector<16xf32>,
    %swap3A_1013 = arith.constant 79 : i32
    %swap3A_1014 = arith.index_cast %swap3A_1013 : i32 to index
    %swap3A_1015 = arith.constant 80 : index
    %swap3A_1016 = tpu.vector_load %arg6[%swap3A_1014, %swap3A_1015] {strides = array<i32>} : memref<80x128xf32, #tpu.memory_space<vmem>>, vector<16xf32>,
    tpu.vector_store %arg6[%swap3A_1014, %swap3A_1015], %broadcast_in_dim3A_1 {strides = array<i32>} : memref<80x128xf32, #tpu.memory_space<vmem>>, vector<16xf32>,
    %swap3A_1017 = arith.constant 79 : i32
    %swap3A_1018 = arith.index_cast %swap3A_1017 : i32 to index
    %swap3A_1019 = arith.constant 96 : index
    %swap3A_1020 = tpu.vector_load %arg6[%swap3A_1018, %swap3A_1019] {strides = array<i32>} : memref<80x128xf32, #tpu.memory_space<vmem>>, vector<16xf32>,
    tpu.vector_store %arg6[%swap3A_1018, %swap3A_1019], %broadcast_in_dim3A_1 {strides = array<i32>} : memref<80x128xf32, #tpu.memory_space<vmem>>, vector<16xf32>,
    %swap3A_1021 = arith.constant 79 : i32
    %swap3A_1022 = arith.index_cast %swap3A_1021 : i32 to index
    %swap3A_1023 = arith.constant 112 : index
    %swap3A_1024 = tpu.vector_load %arg6[%swap3A_1022, %swap3A_1023] {strides = array<i32>} : memref<80x128xf32, #tpu.memory_space<vmem>>, vector<16xf32>,
    tpu.vector_store %arg6[%swap3A_1022, %swap3A_1023], %broadcast_in_dim3A_1 {strides = array<i32>} : memref<80x128xf32, #tpu.memory_space<vmem>>, vector<16xf32>,
    %swap3A_1025 = arith.constant 64 : i32
    %swap3A_1026 = arith.index_cast %swap3A_1025 : i32 to index
    %swap3A_1027 = arith.constant 0 : index
    %swap3A_1028 = tpu.vector_load %arg7[%swap3A_1026, %swap3A_1027] {strides = array<i32>} : memref<80x128xf32, #tpu.memory_space<vmem>>, vector<16xf32>,
    tpu.vector_store %arg7[%swap3A_1026, %swap3A_1027], %broadcast_in_dim3A_1 {strides = array<i32>} : memref<80x128xf32, #tpu.memory_space<vmem>>, vector<16xf32>,
    %swap3A_1029 = arith.constant 64 : i32
    %swap3A_1030 = arith.index_cast %swap3A_1029 : i32 to index
    %swap3A_1031 = arith.constant 16 : index
    %swap3A_1032 = tpu.vector_load %arg7[%swap3A_1030, %swap3A_1031] {strides = array<i32>} : memref<80x128xf32, #tpu.memory_space<vmem>>, vector<16xf32>,
    tpu.vector_store %arg7[%swap3A_1030, %swap3A_1031], %broadcast_in_dim3A_1 {strides = array<i32>} : memref<80x128xf32, #tpu.memory_space<vmem>>, vector<16xf32>,
    %swap3A_1033 = arith.constant 64 : i32
    %swap3A_1034 = arith.index_cast %swap3A_1033 : i32 to index
    %swap3A_1035 = arith.constant 32 : index
    %swap3A_1036 = tpu.vector_load %arg7[%swap3A_1034, %swap3A_1035] {strides = array<i32>} : memref<80x128xf32, #tpu.memory_space<vmem>>, vector<16xf32>,
    tpu.vector_store %arg7[%swap3A_1034, %swap3A_1035], %broadcast_in_dim3A_1 {strides = array<i32>} : memref<80x128xf32, #tpu.memory_space<vmem>>, vector<16xf32>,
    %swap3A_1037 = arith.constant 64 : i32
    %swap3A_1038 = arith.index_cast %swap3A_1037 : i32 to index
    %swap3A_1039 = arith.constant 48 : index
    %swap3A_1040 = tpu.vector_load %arg7[%swap3A_1038, %swap3A_1039] {strides = array<i32>} : memref<80x128xf32, #tpu.memory_space<vmem>>, vector<16xf32>,
    tpu.vector_store %arg7[%swap3A_1038, %swap3A_1039], %broadcast_in_dim3A_1 {strides = array<i32>} : memref<80x128xf32, #tpu.memory_space<vmem>>, vector<16xf32>,
    %swap3A_1041 = arith.constant 64 : i32
    %swap3A_1042 = arith.index_cast %swap3A_1041 : i32 to index
    %swap3A_1043 = arith.constant 64 : index
    %swap3A_1044 = tpu.vector_load %arg7[%swap3A_1042, %swap3A_1043] {strides = array<i32>} : memref<80x128xf32, #tpu.memory_space<vmem>>, vector<16xf32>,
    tpu.vector_store %arg7[%swap3A_1042, %swap3A_1043], %broadcast_in_dim3A_1 {strides = array<i32>} : memref<80x128xf32, #tpu.memory_space<vmem>>, vector<16xf32>,
    %swap3A_1045 = arith.constant 64 : i32
    %swap3A_1046 = arith.index_cast %swap3A_1045 : i32 to index
    %swap3A_1047 = arith.constant 80 : index
    %swap3A_1048 = tpu.vector_load %arg7[%swap3A_1046, %swap3A_1047] {strides = array<i32>} : memref<80x128xf32, #tpu.memory_space<vmem>>, vector<16xf32>,
    tpu.vector_store %arg7[%swap3A_1046, %swap3A_1047], %broadcast_in_dim3A_1 {strides = array<i32>} : memref<80x128xf32, #tpu.memory_space<vmem>>, vector<16xf32>,
    %swap3A_1049 = arith.constant 64 : i32
    %swap3A_1050 = arith.index_cast %swap3A_1049 : i32 to index
    %swap3A_1051 = arith.constant 96 : index
    %swap3A_1052 = tpu.vector_load %arg7[%swap3A_1050, %swap3A_1051] {strides = array<i32>} : memref<80x128xf32, #tpu.memory_space<vmem>>, vector<16xf32>,
    tpu.vector_store %arg7[%swap3A_1050, %swap3A_1051], %broadcast_in_dim3A_1 {strides = array<i32>} : memref<80x128xf32, #tpu.memory_space<vmem>>, vector<16xf32>,
    %swap3A_1053 = arith.constant 64 : i32
    %swap3A_1054 = arith.index_cast %swap3A_1053 : i32 to index
    %swap3A_1055 = arith.constant 112 : index
    %swap3A_1056 = tpu.vector_load %arg7[%swap3A_1054, %swap3A_1055] {strides = array<i32>} : memref<80x128xf32, #tpu.memory_space<vmem>>, vector<16xf32>,
    tpu.vector_store %arg7[%swap3A_1054, %swap3A_1055], %broadcast_in_dim3A_1 {strides = array<i32>} : memref<80x128xf32, #tpu.memory_space<vmem>>, vector<16xf32>,
    %swap3A_1057 = arith.constant 65 : i32
    %swap3A_1058 = arith.index_cast %swap3A_1057 : i32 to index
    %swap3A_1059 = arith.constant 0 : index
    %swap3A_1060 = tpu.vector_load %arg7[%swap3A_1058, %swap3A_1059] {strides = array<i32>} : memref<80x128xf32, #tpu.memory_space<vmem>>, vector<16xf32>,
    tpu.vector_store %arg7[%swap3A_1058, %swap3A_1059], %broadcast_in_dim3A_1 {strides = array<i32>} : memref<80x128xf32, #tpu.memory_space<vmem>>, vector<16xf32>,
    %swap3A_1061 = arith.constant 65 : i32
    %swap3A_1062 = arith.index_cast %swap3A_1061 : i32 to index
    %swap3A_1063 = arith.constant 16 : index
    %swap3A_1064 = tpu.vector_load %arg7[%swap3A_1062, %swap3A_1063] {strides = array<i32>} : memref<80x128xf32, #tpu.memory_space<vmem>>, vector<16xf32>,
    tpu.vector_store %arg7[%swap3A_1062, %swap3A_1063], %broadcast_in_dim3A_1 {strides = array<i32>} : memref<80x128xf32, #tpu.memory_space<vmem>>, vector<16xf32>,
    %swap3A_1065 = arith.constant 65 : i32
    %swap3A_1066 = arith.index_cast %swap3A_1065 : i32 to index
    %swap3A_1067 = arith.constant 32 : index
    %swap3A_1068 = tpu.vector_load %arg7[%swap3A_1066, %swap3A_1067] {strides = array<i32>} : memref<80x128xf32, #tpu.memory_space<vmem>>, vector<16xf32>,
    tpu.vector_store %arg7[%swap3A_1066, %swap3A_1067], %broadcast_in_dim3A_1 {strides = array<i32>} : memref<80x128xf32, #tpu.memory_space<vmem>>, vector<16xf32>,
    %swap3A_1069 = arith.constant 65 : i32
    %swap3A_1070 = arith.index_cast %swap3A_1069 : i32 to index
    %swap3A_1071 = arith.constant 48 : index
    %swap3A_1072 = tpu.vector_load %arg7[%swap3A_1070, %swap3A_1071] {strides = array<i32>} : memref<80x128xf32, #tpu.memory_space<vmem>>, vector<16xf32>,
    tpu.vector_store %arg7[%swap3A_1070, %swap3A_1071], %broadcast_in_dim3A_1 {strides = array<i32>} : memref<80x128xf32, #tpu.memory_space<vmem>>, vector<16xf32>,
    %swap3A_1073 = arith.constant 65 : i32
    %swap3A_1074 = arith.index_cast %swap3A_1073 : i32 to index
    %swap3A_1075 = arith.constant 64 : index
    %swap3A_1076 = tpu.vector_load %arg7[%swap3A_1074, %swap3A_1075] {strides = array<i32>} : memref<80x128xf32, #tpu.memory_space<vmem>>, vector<16xf32>,
    tpu.vector_store %arg7[%swap3A_1074, %swap3A_1075], %broadcast_in_dim3A_1 {strides = array<i32>} : memref<80x128xf32, #tpu.memory_space<vmem>>, vector<16xf32>,
    %swap3A_1077 = arith.constant 65 : i32
    %swap3A_1078 = arith.index_cast %swap3A_1077 : i32 to index
    %swap3A_1079 = arith.constant 80 : index
    %swap3A_1080 = tpu.vector_load %arg7[%swap3A_1078, %swap3A_1079] {strides = array<i32>} : memref<80x128xf32, #tpu.memory_space<vmem>>, vector<16xf32>,
    tpu.vector_store %arg7[%swap3A_1078, %swap3A_1079], %broadcast_in_dim3A_1 {strides = array<i32>} : memref<80x128xf32, #tpu.memory_space<vmem>>, vector<16xf32>,
    %swap3A_1081 = arith.constant 65 : i32
    %swap3A_1082 = arith.index_cast %swap3A_1081 : i32 to index
    %swap3A_1083 = arith.constant 96 : index
    %swap3A_1084 = tpu.vector_load %arg7[%swap3A_1082, %swap3A_1083] {strides = array<i32>} : memref<80x128xf32, #tpu.memory_space<vmem>>, vector<16xf32>,
    tpu.vector_store %arg7[%swap3A_1082, %swap3A_1083], %broadcast_in_dim3A_1 {strides = array<i32>} : memref<80x128xf32, #tpu.memory_space<vmem>>, vector<16xf32>,
    %swap3A_1085 = arith.constant 65 : i32
    %swap3A_1086 = arith.index_cast %swap3A_1085 : i32 to index
    %swap3A_1087 = arith.constant 112 : index
    %swap3A_1088 = tpu.vector_load %arg7[%swap3A_1086, %swap3A_1087] {strides = array<i32>} : memref<80x128xf32, #tpu.memory_space<vmem>>, vector<16xf32>,
    tpu.vector_store %arg7[%swap3A_1086, %swap3A_1087], %broadcast_in_dim3A_1 {strides = array<i32>} : memref<80x128xf32, #tpu.memory_space<vmem>>, vector<16xf32>,
    %swap3A_1089 = arith.constant 66 : i32
    %swap3A_1090 = arith.index_cast %swap3A_1089 : i32 to index
    %swap3A_1091 = arith.constant 0 : index
    %swap3A_1092 = tpu.vector_load %arg7[%swap3A_1090, %swap3A_1091] {strides = array<i32>} : memref<80x128xf32, #tpu.memory_space<vmem>>, vector<16xf32>,
    tpu.vector_store %arg7[%swap3A_1090, %swap3A_1091], %broadcast_in_dim3A_1 {strides = array<i32>} : memref<80x128xf32, #tpu.memory_space<vmem>>, vector<16xf32>,
    %swap3A_1093 = arith.constant 66 : i32
    %swap3A_1094 = arith.index_cast %swap3A_1093 : i32 to index
    %swap3A_1095 = arith.constant 16 : index
    %swap3A_1096 = tpu.vector_load %arg7[%swap3A_1094, %swap3A_1095] {strides = array<i32>} : memref<80x128xf32, #tpu.memory_space<vmem>>, vector<16xf32>,
    tpu.vector_store %arg7[%swap3A_1094, %swap3A_1095], %broadcast_in_dim3A_1 {strides = array<i32>} : memref<80x128xf32, #tpu.memory_space<vmem>>, vector<16xf32>,
    %swap3A_1097 = arith.constant 66 : i32
    %swap3A_1098 = arith.index_cast %swap3A_1097 : i32 to index
    %swap3A_1099 = arith.constant 32 : index
    %swap3A_1100 = tpu.vector_load %arg7[%swap3A_1098, %swap3A_1099] {strides = array<i32>} : memref<80x128xf32, #tpu.memory_space<vmem>>, vector<16xf32>,
    tpu.vector_store %arg7[%swap3A_1098, %swap3A_1099], %broadcast_in_dim3A_1 {strides = array<i32>} : memref<80x128xf32, #tpu.memory_space<vmem>>, vector<16xf32>,
    %swap3A_1101 = arith.constant 66 : i32
    %swap3A_1102 = arith.index_cast %swap3A_1101 : i32 to index
    %swap3A_1103 = arith.constant 48 : index
    %swap3A_1104 = tpu.vector_load %arg7[%swap3A_1102, %swap3A_1103] {strides = array<i32>} : memref<80x128xf32, #tpu.memory_space<vmem>>, vector<16xf32>,
    tpu.vector_store %arg7[%swap3A_1102, %swap3A_1103], %broadcast_in_dim3A_1 {strides = array<i32>} : memref<80x128xf32, #tpu.memory_space<vmem>>, vector<16xf32>,
    %swap3A_1105 = arith.constant 66 : i32
    %swap3A_1106 = arith.index_cast %swap3A_1105 : i32 to index
    %swap3A_1107 = arith.constant 64 : index
    %swap3A_1108 = tpu.vector_load %arg7[%swap3A_1106, %swap3A_1107] {strides = array<i32>} : memref<80x128xf32, #tpu.memory_space<vmem>>, vector<16xf32>,
    tpu.vector_store %arg7[%swap3A_1106, %swap3A_1107], %broadcast_in_dim3A_1 {strides = array<i32>} : memref<80x128xf32, #tpu.memory_space<vmem>>, vector<16xf32>,
    %swap3A_1109 = arith.constant 66 : i32
    %swap3A_1110 = arith.index_cast %swap3A_1109 : i32 to index
    %swap3A_1111 = arith.constant 80 : index
    %swap3A_1112 = tpu.vector_load %arg7[%swap3A_1110, %swap3A_1111] {strides = array<i32>} : memref<80x128xf32, #tpu.memory_space<vmem>>, vector<16xf32>,
    tpu.vector_store %arg7[%swap3A_1110, %swap3A_1111], %broadcast_in_dim3A_1 {strides = array<i32>} : memref<80x128xf32, #tpu.memory_space<vmem>>, vector<16xf32>,
    %swap3A_1113 = arith.constant 66 : i32
    %swap3A_1114 = arith.index_cast %swap3A_1113 : i32 to index
    %swap3A_1115 = arith.constant 96 : index
    %swap3A_1116 = tpu.vector_load %arg7[%swap3A_1114, %swap3A_1115] {strides = array<i32>} : memref<80x128xf32, #tpu.memory_space<vmem>>, vector<16xf32>,
    tpu.vector_store %arg7[%swap3A_1114, %swap3A_1115], %broadcast_in_dim3A_1 {strides = array<i32>} : memref<80x128xf32, #tpu.memory_space<vmem>>, vector<16xf32>,
    %swap3A_1117 = arith.constant 66 : i32
    %swap3A_1118 = arith.index_cast %swap3A_1117 : i32 to index
    %swap3A_1119 = arith.constant 112 : index
    %swap3A_1120 = tpu.vector_load %arg7[%swap3A_1118, %swap3A_1119] {strides = array<i32>} : memref<80x128xf32, #tpu.memory_space<vmem>>, vector<16xf32>,
    tpu.vector_store %arg7[%swap3A_1118, %swap3A_1119], %broadcast_in_dim3A_1 {strides = array<i32>} : memref<80x128xf32, #tpu.memory_space<vmem>>, vector<16xf32>,
    %swap3A_1121 = arith.constant 67 : i32
    %swap3A_1122 = arith.index_cast %swap3A_1121 : i32 to index
    %swap3A_1123 = arith.constant 0 : index
    %swap3A_1124 = tpu.vector_load %arg7[%swap3A_1122, %swap3A_1123] {strides = array<i32>} : memref<80x128xf32, #tpu.memory_space<vmem>>, vector<16xf32>,
    tpu.vector_store %arg7[%swap3A_1122, %swap3A_1123], %broadcast_in_dim3A_1 {strides = array<i32>} : memref<80x128xf32, #tpu.memory_space<vmem>>, vector<16xf32>,
    %swap3A_1125 = arith.constant 67 : i32
    %swap3A_1126 = arith.index_cast %swap3A_1125 : i32 to index
    %swap3A_1127 = arith.constant 16 : index
    %swap3A_1128 = tpu.vector_load %arg7[%swap3A_1126, %swap3A_1127] {strides = array<i32>} : memref<80x128xf32, #tpu.memory_space<vmem>>, vector<16xf32>,
    tpu.vector_store %arg7[%swap3A_1126, %swap3A_1127], %broadcast_in_dim3A_1 {strides = array<i32>} : memref<80x128xf32, #tpu.memory_space<vmem>>, vector<16xf32>,
    %swap3A_1129 = arith.constant 67 : i32
    %swap3A_1130 = arith.index_cast %swap3A_1129 : i32 to index
    %swap3A_1131 = arith.constant 32 : index
    %swap3A_1132 = tpu.vector_load %arg7[%swap3A_1130, %swap3A_1131] {strides = array<i32>} : memref<80x128xf32, #tpu.memory_space<vmem>>, vector<16xf32>,
    tpu.vector_store %arg7[%swap3A_1130, %swap3A_1131], %broadcast_in_dim3A_1 {strides = array<i32>} : memref<80x128xf32, #tpu.memory_space<vmem>>, vector<16xf32>,
    %swap3A_1133 = arith.constant 67 : i32
    %swap3A_1134 = arith.index_cast %swap3A_1133 : i32 to index
    %swap3A_1135 = arith.constant 48 : index
    %swap3A_1136 = tpu.vector_load %arg7[%swap3A_1134, %swap3A_1135] {strides = array<i32>} : memref<80x128xf32, #tpu.memory_space<vmem>>, vector<16xf32>,
    tpu.vector_store %arg7[%swap3A_1134, %swap3A_1135], %broadcast_in_dim3A_1 {strides = array<i32>} : memref<80x128xf32, #tpu.memory_space<vmem>>, vector<16xf32>,
    %swap3A_1137 = arith.constant 67 : i32
    %swap3A_1138 = arith.index_cast %swap3A_1137 : i32 to index
    %swap3A_1139 = arith.constant 64 : index
    %swap3A_1140 = tpu.vector_load %arg7[%swap3A_1138, %swap3A_1139] {strides = array<i32>} : memref<80x128xf32, #tpu.memory_space<vmem>>, vector<16xf32>,
    tpu.vector_store %arg7[%swap3A_1138, %swap3A_1139], %broadcast_in_dim3A_1 {strides = array<i32>} : memref<80x128xf32, #tpu.memory_space<vmem>>, vector<16xf32>,
    %swap3A_1141 = arith.constant 67 : i32
    %swap3A_1142 = arith.index_cast %swap3A_1141 : i32 to index
    %swap3A_1143 = arith.constant 80 : index
    %swap3A_1144 = tpu.vector_load %arg7[%swap3A_1142, %swap3A_1143] {strides = array<i32>} : memref<80x128xf32, #tpu.memory_space<vmem>>, vector<16xf32>,
    tpu.vector_store %arg7[%swap3A_1142, %swap3A_1143], %broadcast_in_dim3A_1 {strides = array<i32>} : memref<80x128xf32, #tpu.memory_space<vmem>>, vector<16xf32>,
    %swap3A_1145 = arith.constant 67 : i32
    %swap3A_1146 = arith.index_cast %swap3A_1145 : i32 to index
    %swap3A_1147 = arith.constant 96 : index
    %swap3A_1148 = tpu.vector_load %arg7[%swap3A_1146, %swap3A_1147] {strides = array<i32>} : memref<80x128xf32, #tpu.memory_space<vmem>>, vector<16xf32>,
    tpu.vector_store %arg7[%swap3A_1146, %swap3A_1147], %broadcast_in_dim3A_1 {strides = array<i32>} : memref<80x128xf32, #tpu.memory_space<vmem>>, vector<16xf32>,
    %swap3A_1149 = arith.constant 67 : i32
    %swap3A_1150 = arith.index_cast %swap3A_1149 : i32 to index
    %swap3A_1151 = arith.constant 112 : index
    %swap3A_1152 = tpu.vector_load %arg7[%swap3A_1150, %swap3A_1151] {strides = array<i32>} : memref<80x128xf32, #tpu.memory_space<vmem>>, vector<16xf32>,
    tpu.vector_store %arg7[%swap3A_1150, %swap3A_1151], %broadcast_in_dim3A_1 {strides = array<i32>} : memref<80x128xf32, #tpu.memory_space<vmem>>, vector<16xf32>,
    %swap3A_1153 = arith.constant 68 : i32
    %swap3A_1154 = arith.index_cast %swap3A_1153 : i32 to index
    %swap3A_1155 = arith.constant 0 : index
    %swap3A_1156 = tpu.vector_load %arg7[%swap3A_1154, %swap3A_1155] {strides = array<i32>} : memref<80x128xf32, #tpu.memory_space<vmem>>, vector<16xf32>,
    tpu.vector_store %arg7[%swap3A_1154, %swap3A_1155], %broadcast_in_dim3A_1 {strides = array<i32>} : memref<80x128xf32, #tpu.memory_space<vmem>>, vector<16xf32>,
    %swap3A_1157 = arith.constant 68 : i32
    %swap3A_1158 = arith.index_cast %swap3A_1157 : i32 to index
    %swap3A_1159 = arith.constant 16 : index
    %swap3A_1160 = tpu.vector_load %arg7[%swap3A_1158, %swap3A_1159] {strides = array<i32>} : memref<80x128xf32, #tpu.memory_space<vmem>>, vector<16xf32>,
    tpu.vector_store %arg7[%swap3A_1158, %swap3A_1159], %broadcast_in_dim3A_1 {strides = array<i32>} : memref<80x128xf32, #tpu.memory_space<vmem>>, vector<16xf32>,
    %swap3A_1161 = arith.constant 68 : i32
    %swap3A_1162 = arith.index_cast %swap3A_1161 : i32 to index
    %swap3A_1163 = arith.constant 32 : index
    %swap3A_1164 = tpu.vector_load %arg7[%swap3A_1162, %swap3A_1163] {strides = array<i32>} : memref<80x128xf32, #tpu.memory_space<vmem>>, vector<16xf32>,
    tpu.vector_store %arg7[%swap3A_1162, %swap3A_1163], %broadcast_in_dim3A_1 {strides = array<i32>} : memref<80x128xf32, #tpu.memory_space<vmem>>, vector<16xf32>,
    %swap3A_1165 = arith.constant 68 : i32
    %swap3A_1166 = arith.index_cast %swap3A_1165 : i32 to index
    %swap3A_1167 = arith.constant 48 : index
    %swap3A_1168 = tpu.vector_load %arg7[%swap3A_1166, %swap3A_1167] {strides = array<i32>} : memref<80x128xf32, #tpu.memory_space<vmem>>, vector<16xf32>,
    tpu.vector_store %arg7[%swap3A_1166, %swap3A_1167], %broadcast_in_dim3A_1 {strides = array<i32>} : memref<80x128xf32, #tpu.memory_space<vmem>>, vector<16xf32>,
    %swap3A_1169 = arith.constant 68 : i32
    %swap3A_1170 = arith.index_cast %swap3A_1169 : i32 to index
    %swap3A_1171 = arith.constant 64 : index
    %swap3A_1172 = tpu.vector_load %arg7[%swap3A_1170, %swap3A_1171] {strides = array<i32>} : memref<80x128xf32, #tpu.memory_space<vmem>>, vector<16xf32>,
    tpu.vector_store %arg7[%swap3A_1170, %swap3A_1171], %broadcast_in_dim3A_1 {strides = array<i32>} : memref<80x128xf32, #tpu.memory_space<vmem>>, vector<16xf32>,
    %swap3A_1173 = arith.constant 68 : i32
    %swap3A_1174 = arith.index_cast %swap3A_1173 : i32 to index
    %swap3A_1175 = arith.constant 80 : index
    %swap3A_1176 = tpu.vector_load %arg7[%swap3A_1174, %swap3A_1175] {strides = array<i32>} : memref<80x128xf32, #tpu.memory_space<vmem>>, vector<16xf32>,
    tpu.vector_store %arg7[%swap3A_1174, %swap3A_1175], %broadcast_in_dim3A_1 {strides = array<i32>} : memref<80x128xf32, #tpu.memory_space<vmem>>, vector<16xf32>,
    %swap3A_1177 = arith.constant 68 : i32
    %swap3A_1178 = arith.index_cast %swap3A_1177 : i32 to index
    %swap3A_1179 = arith.constant 96 : index
    %swap3A_1180 = tpu.vector_load %arg7[%swap3A_1178, %swap3A_1179] {strides = array<i32>} : memref<80x128xf32, #tpu.memory_space<vmem>>, vector<16xf32>,
    tpu.vector_store %arg7[%swap3A_1178, %swap3A_1179], %broadcast_in_dim3A_1 {strides = array<i32>} : memref<80x128xf32, #tpu.memory_space<vmem>>, vector<16xf32>,
    %swap3A_1181 = arith.constant 68 : i32
    %swap3A_1182 = arith.index_cast %swap3A_1181 : i32 to index
    %swap3A_1183 = arith.constant 112 : index
    %swap3A_1184 = tpu.vector_load %arg7[%swap3A_1182, %swap3A_1183] {strides = array<i32>} : memref<80x128xf32, #tpu.memory_space<vmem>>, vector<16xf32>,
    tpu.vector_store %arg7[%swap3A_1182, %swap3A_1183], %broadcast_in_dim3A_1 {strides = array<i32>} : memref<80x128xf32, #tpu.memory_space<vmem>>, vector<16xf32>,
    %swap3A_1185 = arith.constant 69 : i32
    %swap3A_1186 = arith.index_cast %swap3A_1185 : i32 to index
    %swap3A_1187 = arith.constant 0 : index
    %swap3A_1188 = tpu.vector_load %arg7[%swap3A_1186, %swap3A_1187] {strides = array<i32>} : memref<80x128xf32, #tpu.memory_space<vmem>>, vector<16xf32>,
    tpu.vector_store %arg7[%swap3A_1186, %swap3A_1187], %broadcast_in_dim3A_1 {strides = array<i32>} : memref<80x128xf32, #tpu.memory_space<vmem>>, vector<16xf32>,
    %swap3A_1189 = arith.constant 69 : i32
    %swap3A_1190 = arith.index_cast %swap3A_1189 : i32 to index
    %swap3A_1191 = arith.constant 16 : index
    %swap3A_1192 = tpu.vector_load %arg7[%swap3A_1190, %swap3A_1191] {strides = array<i32>} : memref<80x128xf32, #tpu.memory_space<vmem>>, vector<16xf32>,
    tpu.vector_store %arg7[%swap3A_1190, %swap3A_1191], %broadcast_in_dim3A_1 {strides = array<i32>} : memref<80x128xf32, #tpu.memory_space<vmem>>, vector<16xf32>,
    %swap3A_1193 = arith.constant 69 : i32
    %swap3A_1194 = arith.index_cast %swap3A_1193 : i32 to index
    %swap3A_1195 = arith.constant 32 : index
    %swap3A_1196 = tpu.vector_load %arg7[%swap3A_1194, %swap3A_1195] {strides = array<i32>} : memref<80x128xf32, #tpu.memory_space<vmem>>, vector<16xf32>,
    tpu.vector_store %arg7[%swap3A_1194, %swap3A_1195], %broadcast_in_dim3A_1 {strides = array<i32>} : memref<80x128xf32, #tpu.memory_space<vmem>>, vector<16xf32>,
    %swap3A_1197 = arith.constant 69 : i32
    %swap3A_1198 = arith.index_cast %swap3A_1197 : i32 to index
    %swap3A_1199 = arith.constant 48 : index
    %swap3A_1200 = tpu.vector_load %arg7[%swap3A_1198, %swap3A_1199] {strides = array<i32>} : memref<80x128xf32, #tpu.memory_space<vmem>>, vector<16xf32>,
    tpu.vector_store %arg7[%swap3A_1198, %swap3A_1199], %broadcast_in_dim3A_1 {strides = array<i32>} : memref<80x128xf32, #tpu.memory_space<vmem>>, vector<16xf32>,
    %swap3A_1201 = arith.constant 69 : i32
    %swap3A_1202 = arith.index_cast %swap3A_1201 : i32 to index
    %swap3A_1203 = arith.constant 64 : index
    %swap3A_1204 = tpu.vector_load %arg7[%swap3A_1202, %swap3A_1203] {strides = array<i32>} : memref<80x128xf32, #tpu.memory_space<vmem>>, vector<16xf32>,
    tpu.vector_store %arg7[%swap3A_1202, %swap3A_1203], %broadcast_in_dim3A_1 {strides = array<i32>} : memref<80x128xf32, #tpu.memory_space<vmem>>, vector<16xf32>,
    %swap3A_1205 = arith.constant 69 : i32
    %swap3A_1206 = arith.index_cast %swap3A_1205 : i32 to index
    %swap3A_1207 = arith.constant 80 : index
    %swap3A_1208 = tpu.vector_load %arg7[%swap3A_1206, %swap3A_1207] {strides = array<i32>} : memref<80x128xf32, #tpu.memory_space<vmem>>, vector<16xf32>,
    tpu.vector_store %arg7[%swap3A_1206, %swap3A_1207], %broadcast_in_dim3A_1 {strides = array<i32>} : memref<80x128xf32, #tpu.memory_space<vmem>>, vector<16xf32>,
    %swap3A_1209 = arith.constant 69 : i32
    %swap3A_1210 = arith.index_cast %swap3A_1209 : i32 to index
    %swap3A_1211 = arith.constant 96 : index
    %swap3A_1212 = tpu.vector_load %arg7[%swap3A_1210, %swap3A_1211] {strides = array<i32>} : memref<80x128xf32, #tpu.memory_space<vmem>>, vector<16xf32>,
    tpu.vector_store %arg7[%swap3A_1210, %swap3A_1211], %broadcast_in_dim3A_1 {strides = array<i32>} : memref<80x128xf32, #tpu.memory_space<vmem>>, vector<16xf32>,
    %swap3A_1213 = arith.constant 69 : i32
    %swap3A_1214 = arith.index_cast %swap3A_1213 : i32 to index
    %swap3A_1215 = arith.constant 112 : index
    %swap3A_1216 = tpu.vector_load %arg7[%swap3A_1214, %swap3A_1215] {strides = array<i32>} : memref<80x128xf32, #tpu.memory_space<vmem>>, vector<16xf32>,
    tpu.vector_store %arg7[%swap3A_1214, %swap3A_1215], %broadcast_in_dim3A_1 {strides = array<i32>} : memref<80x128xf32, #tpu.memory_space<vmem>>, vector<16xf32>,
    %swap3A_1217 = arith.constant 70 : i32
    %swap3A_1218 = arith.index_cast %swap3A_1217 : i32 to index
    %swap3A_1219 = arith.constant 0 : index
    %swap3A_1220 = tpu.vector_load %arg7[%swap3A_1218, %swap3A_1219] {strides = array<i32>} : memref<80x128xf32, #tpu.memory_space<vmem>>, vector<16xf32>,
    tpu.vector_store %arg7[%swap3A_1218, %swap3A_1219], %broadcast_in_dim3A_1 {strides = array<i32>} : memref<80x128xf32, #tpu.memory_space<vmem>>, vector<16xf32>,
    %swap3A_1221 = arith.constant 70 : i32
    %swap3A_1222 = arith.index_cast %swap3A_1221 : i32 to index
    %swap3A_1223 = arith.constant 16 : index
    %swap3A_1224 = tpu.vector_load %arg7[%swap3A_1222, %swap3A_1223] {strides = array<i32>} : memref<80x128xf32, #tpu.memory_space<vmem>>, vector<16xf32>,
    tpu.vector_store %arg7[%swap3A_1222, %swap3A_1223], %broadcast_in_dim3A_1 {strides = array<i32>} : memref<80x128xf32, #tpu.memory_space<vmem>>, vector<16xf32>,
    %swap3A_1225 = arith.constant 70 : i32
    %swap3A_1226 = arith.index_cast %swap3A_1225 : i32 to index
    %swap3A_1227 = arith.constant 32 : index
    %swap3A_1228 = tpu.vector_load %arg7[%swap3A_1226, %swap3A_1227] {strides = array<i32>} : memref<80x128xf32, #tpu.memory_space<vmem>>, vector<16xf32>,
    tpu.vector_store %arg7[%swap3A_1226, %swap3A_1227], %broadcast_in_dim3A_1 {strides = array<i32>} : memref<80x128xf32, #tpu.memory_space<vmem>>, vector<16xf32>,
    %swap3A_1229 = arith.constant 70 : i32
    %swap3A_1230 = arith.index_cast %swap3A_1229 : i32 to index
    %swap3A_1231 = arith.constant 48 : index
    %swap3A_1232 = tpu.vector_load %arg7[%swap3A_1230, %swap3A_1231] {strides = array<i32>} : memref<80x128xf32, #tpu.memory_space<vmem>>, vector<16xf32>,
    tpu.vector_store %arg7[%swap3A_1230, %swap3A_1231], %broadcast_in_dim3A_1 {strides = array<i32>} : memref<80x128xf32, #tpu.memory_space<vmem>>, vector<16xf32>,
    %swap3A_1233 = arith.constant 70 : i32
    %swap3A_1234 = arith.index_cast %swap3A_1233 : i32 to index
    %swap3A_1235 = arith.constant 64 : index
    %swap3A_1236 = tpu.vector_load %arg7[%swap3A_1234, %swap3A_1235] {strides = array<i32>} : memref<80x128xf32, #tpu.memory_space<vmem>>, vector<16xf32>,
    tpu.vector_store %arg7[%swap3A_1234, %swap3A_1235], %broadcast_in_dim3A_1 {strides = array<i32>} : memref<80x128xf32, #tpu.memory_space<vmem>>, vector<16xf32>,
    %swap3A_1237 = arith.constant 70 : i32
    %swap3A_1238 = arith.index_cast %swap3A_1237 : i32 to index
    %swap3A_1239 = arith.constant 80 : index
    %swap3A_1240 = tpu.vector_load %arg7[%swap3A_1238, %swap3A_1239] {strides = array<i32>} : memref<80x128xf32, #tpu.memory_space<vmem>>, vector<16xf32>,
    tpu.vector_store %arg7[%swap3A_1238, %swap3A_1239], %broadcast_in_dim3A_1 {strides = array<i32>} : memref<80x128xf32, #tpu.memory_space<vmem>>, vector<16xf32>,
    %swap3A_1241 = arith.constant 70 : i32
    %swap3A_1242 = arith.index_cast %swap3A_1241 : i32 to index
    %swap3A_1243 = arith.constant 96 : index
    %swap3A_1244 = tpu.vector_load %arg7[%swap3A_1242, %swap3A_1243] {strides = array<i32>} : memref<80x128xf32, #tpu.memory_space<vmem>>, vector<16xf32>,
    tpu.vector_store %arg7[%swap3A_1242, %swap3A_1243], %broadcast_in_dim3A_1 {strides = array<i32>} : memref<80x128xf32, #tpu.memory_space<vmem>>, vector<16xf32>,
    %swap3A_1245 = arith.constant 70 : i32
    %swap3A_1246 = arith.index_cast %swap3A_1245 : i32 to index
    %swap3A_1247 = arith.constant 112 : index
    %swap3A_1248 = tpu.vector_load %arg7[%swap3A_1246, %swap3A_1247] {strides = array<i32>} : memref<80x128xf32, #tpu.memory_space<vmem>>, vector<16xf32>,
    tpu.vector_store %arg7[%swap3A_1246, %swap3A_1247], %broadcast_in_dim3A_1 {strides = array<i32>} : memref<80x128xf32, #tpu.memory_space<vmem>>, vector<16xf32>,
    %swap3A_1249 = arith.constant 71 : i32
    %swap3A_1250 = arith.index_cast %swap3A_1249 : i32 to index
    %swap3A_1251 = arith.constant 0 : index
    %swap3A_1252 = tpu.vector_load %arg7[%swap3A_1250, %swap3A_1251] {strides = array<i32>} : memref<80x128xf32, #tpu.memory_space<vmem>>, vector<16xf32>,
    tpu.vector_store %arg7[%swap3A_1250, %swap3A_1251], %broadcast_in_dim3A_1 {strides = array<i32>} : memref<80x128xf32, #tpu.memory_space<vmem>>, vector<16xf32>,
    %swap3A_1253 = arith.constant 71 : i32
    %swap3A_1254 = arith.index_cast %swap3A_1253 : i32 to index
    %swap3A_1255 = arith.constant 16 : index
    %swap3A_1256 = tpu.vector_load %arg7[%swap3A_1254, %swap3A_1255] {strides = array<i32>} : memref<80x128xf32, #tpu.memory_space<vmem>>, vector<16xf32>,
    tpu.vector_store %arg7[%swap3A_1254, %swap3A_1255], %broadcast_in_dim3A_1 {strides = array<i32>} : memref<80x128xf32, #tpu.memory_space<vmem>>, vector<16xf32>,
    %swap3A_1257 = arith.constant 71 : i32
    %swap3A_1258 = arith.index_cast %swap3A_1257 : i32 to index
    %swap3A_1259 = arith.constant 32 : index
    %swap3A_1260 = tpu.vector_load %arg7[%swap3A_1258, %swap3A_1259] {strides = array<i32>} : memref<80x128xf32, #tpu.memory_space<vmem>>, vector<16xf32>,
    tpu.vector_store %arg7[%swap3A_1258, %swap3A_1259], %broadcast_in_dim3A_1 {strides = array<i32>} : memref<80x128xf32, #tpu.memory_space<vmem>>, vector<16xf32>,
    %swap3A_1261 = arith.constant 71 : i32
    %swap3A_1262 = arith.index_cast %swap3A_1261 : i32 to index
    %swap3A_1263 = arith.constant 48 : index
    %swap3A_1264 = tpu.vector_load %arg7[%swap3A_1262, %swap3A_1263] {strides = array<i32>} : memref<80x128xf32, #tpu.memory_space<vmem>>, vector<16xf32>,
    tpu.vector_store %arg7[%swap3A_1262, %swap3A_1263], %broadcast_in_dim3A_1 {strides = array<i32>} : memref<80x128xf32, #tpu.memory_space<vmem>>, vector<16xf32>,
    %swap3A_1265 = arith.constant 71 : i32
    %swap3A_1266 = arith.index_cast %swap3A_1265 : i32 to index
    %swap3A_1267 = arith.constant 64 : index
    %swap3A_1268 = tpu.vector_load %arg7[%swap3A_1266, %swap3A_1267] {strides = array<i32>} : memref<80x128xf32, #tpu.memory_space<vmem>>, vector<16xf32>,
    tpu.vector_store %arg7[%swap3A_1266, %swap3A_1267], %broadcast_in_dim3A_1 {strides = array<i32>} : memref<80x128xf32, #tpu.memory_space<vmem>>, vector<16xf32>,
    %swap3A_1269 = arith.constant 71 : i32
    %swap3A_1270 = arith.index_cast %swap3A_1269 : i32 to index
    %swap3A_1271 = arith.constant 80 : index
    %swap3A_1272 = tpu.vector_load %arg7[%swap3A_1270, %swap3A_1271] {strides = array<i32>} : memref<80x128xf32, #tpu.memory_space<vmem>>, vector<16xf32>,
    tpu.vector_store %arg7[%swap3A_1270, %swap3A_1271], %broadcast_in_dim3A_1 {strides = array<i32>} : memref<80x128xf32, #tpu.memory_space<vmem>>, vector<16xf32>,
    %swap3A_1273 = arith.constant 71 : i32
    %swap3A_1274 = arith.index_cast %swap3A_1273 : i32 to index
    %swap3A_1275 = arith.constant 96 : index
    %swap3A_1276 = tpu.vector_load %arg7[%swap3A_1274, %swap3A_1275] {strides = array<i32>} : memref<80x128xf32, #tpu.memory_space<vmem>>, vector<16xf32>,
    tpu.vector_store %arg7[%swap3A_1274, %swap3A_1275], %broadcast_in_dim3A_1 {strides = array<i32>} : memref<80x128xf32, #tpu.memory_space<vmem>>, vector<16xf32>,
    %swap3A_1277 = arith.constant 71 : i32
    %swap3A_1278 = arith.index_cast %swap3A_1277 : i32 to index
    %swap3A_1279 = arith.constant 112 : index
    %swap3A_1280 = tpu.vector_load %arg7[%swap3A_1278, %swap3A_1279] {strides = array<i32>} : memref<80x128xf32, #tpu.memory_space<vmem>>, vector<16xf32>,
    tpu.vector_store %arg7[%swap3A_1278, %swap3A_1279], %broadcast_in_dim3A_1 {strides = array<i32>} : memref<80x128xf32, #tpu.memory_space<vmem>>, vector<16xf32>,
    %swap3A_1281 = arith.constant 72 : i32
    %swap3A_1282 = arith.index_cast %swap3A_1281 : i32 to index
    %swap3A_1283 = arith.constant 0 : index
    %swap3A_1284 = tpu.vector_load %arg7[%swap3A_1282, %swap3A_1283] {strides = array<i32>} : memref<80x128xf32, #tpu.memory_space<vmem>>, vector<16xf32>,
    tpu.vector_store %arg7[%swap3A_1282, %swap3A_1283], %broadcast_in_dim3A_1 {strides = array<i32>} : memref<80x128xf32, #tpu.memory_space<vmem>>, vector<16xf32>,
    %swap3A_1285 = arith.constant 72 : i32
    %swap3A_1286 = arith.index_cast %swap3A_1285 : i32 to index
    %swap3A_1287 = arith.constant 16 : index
    %swap3A_1288 = tpu.vector_load %arg7[%swap3A_1286, %swap3A_1287] {strides = array<i32>} : memref<80x128xf32, #tpu.memory_space<vmem>>, vector<16xf32>,
    tpu.vector_store %arg7[%swap3A_1286, %swap3A_1287], %broadcast_in_dim3A_1 {strides = array<i32>} : memref<80x128xf32, #tpu.memory_space<vmem>>, vector<16xf32>,
    %swap3A_1289 = arith.constant 72 : i32
    %swap3A_1290 = arith.index_cast %swap3A_1289 : i32 to index
    %swap3A_1291 = arith.constant 32 : index
    %swap3A_1292 = tpu.vector_load %arg7[%swap3A_1290, %swap3A_1291] {strides = array<i32>} : memref<80x128xf32, #tpu.memory_space<vmem>>, vector<16xf32>,
    tpu.vector_store %arg7[%swap3A_1290, %swap3A_1291], %broadcast_in_dim3A_1 {strides = array<i32>} : memref<80x128xf32, #tpu.memory_space<vmem>>, vector<16xf32>,
    %swap3A_1293 = arith.constant 72 : i32
    %swap3A_1294 = arith.index_cast %swap3A_1293 : i32 to index
    %swap3A_1295 = arith.constant 48 : index
    %swap3A_1296 = tpu.vector_load %arg7[%swap3A_1294, %swap3A_1295] {strides = array<i32>} : memref<80x128xf32, #tpu.memory_space<vmem>>, vector<16xf32>,
    tpu.vector_store %arg7[%swap3A_1294, %swap3A_1295], %broadcast_in_dim3A_1 {strides = array<i32>} : memref<80x128xf32, #tpu.memory_space<vmem>>, vector<16xf32>,
    %swap3A_1297 = arith.constant 72 : i32
    %swap3A_1298 = arith.index_cast %swap3A_1297 : i32 to index
    %swap3A_1299 = arith.constant 64 : index
    %swap3A_1300 = tpu.vector_load %arg7[%swap3A_1298, %swap3A_1299] {strides = array<i32>} : memref<80x128xf32, #tpu.memory_space<vmem>>, vector<16xf32>,
    tpu.vector_store %arg7[%swap3A_1298, %swap3A_1299], %broadcast_in_dim3A_1 {strides = array<i32>} : memref<80x128xf32, #tpu.memory_space<vmem>>, vector<16xf32>,
    %swap3A_1301 = arith.constant 72 : i32
    %swap3A_1302 = arith.index_cast %swap3A_1301 : i32 to index
    %swap3A_1303 = arith.constant 80 : index
    %swap3A_1304 = tpu.vector_load %arg7[%swap3A_1302, %swap3A_1303] {strides = array<i32>} : memref<80x128xf32, #tpu.memory_space<vmem>>, vector<16xf32>,
    tpu.vector_store %arg7[%swap3A_1302, %swap3A_1303], %broadcast_in_dim3A_1 {strides = array<i32>} : memref<80x128xf32, #tpu.memory_space<vmem>>, vector<16xf32>,
    %swap3A_1305 = arith.constant 72 : i32
    %swap3A_1306 = arith.index_cast %swap3A_1305 : i32 to index
    %swap3A_1307 = arith.constant 96 : index
    %swap3A_1308 = tpu.vector_load %arg7[%swap3A_1306, %swap3A_1307] {strides = array<i32>} : memref<80x128xf32, #tpu.memory_space<vmem>>, vector<16xf32>,
    tpu.vector_store %arg7[%swap3A_1306, %swap3A_1307], %broadcast_in_dim3A_1 {strides = array<i32>} : memref<80x128xf32, #tpu.memory_space<vmem>>, vector<16xf32>,
    %swap3A_1309 = arith.constant 72 : i32
    %swap3A_1310 = arith.index_cast %swap3A_1309 : i32 to index
    %swap3A_1311 = arith.constant 112 : index
    %swap3A_1312 = tpu.vector_load %arg7[%swap3A_1310, %swap3A_1311] {strides = array<i32>} : memref<80x128xf32, #tpu.memory_space<vmem>>, vector<16xf32>,
    tpu.vector_store %arg7[%swap3A_1310, %swap3A_1311], %broadcast_in_dim3A_1 {strides = array<i32>} : memref<80x128xf32, #tpu.memory_space<vmem>>, vector<16xf32>,
    %swap3A_1313 = arith.constant 73 : i32
    %swap3A_1314 = arith.index_cast %swap3A_1313 : i32 to index
    %swap3A_1315 = arith.constant 0 : index
    %swap3A_1316 = tpu.vector_load %arg7[%swap3A_1314, %swap3A_1315] {strides = array<i32>} : memref<80x128xf32, #tpu.memory_space<vmem>>, vector<16xf32>,
    tpu.vector_store %arg7[%swap3A_1314, %swap3A_1315], %broadcast_in_dim3A_1 {strides = array<i32>} : memref<80x128xf32, #tpu.memory_space<vmem>>, vector<16xf32>,
    %swap3A_1317 = arith.constant 73 : i32
    %swap3A_1318 = arith.index_cast %swap3A_1317 : i32 to index
    %swap3A_1319 = arith.constant 16 : index
    %swap3A_1320 = tpu.vector_load %arg7[%swap3A_1318, %swap3A_1319] {strides = array<i32>} : memref<80x128xf32, #tpu.memory_space<vmem>>, vector<16xf32>,
    tpu.vector_store %arg7[%swap3A_1318, %swap3A_1319], %broadcast_in_dim3A_1 {strides = array<i32>} : memref<80x128xf32, #tpu.memory_space<vmem>>, vector<16xf32>,
    %swap3A_1321 = arith.constant 73 : i32
    %swap3A_1322 = arith.index_cast %swap3A_1321 : i32 to index
    %swap3A_1323 = arith.constant 32 : index
    %swap3A_1324 = tpu.vector_load %arg7[%swap3A_1322, %swap3A_1323] {strides = array<i32>} : memref<80x128xf32, #tpu.memory_space<vmem>>, vector<16xf32>,
    tpu.vector_store %arg7[%swap3A_1322, %swap3A_1323], %broadcast_in_dim3A_1 {strides = array<i32>} : memref<80x128xf32, #tpu.memory_space<vmem>>, vector<16xf32>,
    %swap3A_1325 = arith.constant 73 : i32
    %swap3A_1326 = arith.index_cast %swap3A_1325 : i32 to index
    %swap3A_1327 = arith.constant 48 : index
    %swap3A_1328 = tpu.vector_load %arg7[%swap3A_1326, %swap3A_1327] {strides = array<i32>} : memref<80x128xf32, #tpu.memory_space<vmem>>, vector<16xf32>,
    tpu.vector_store %arg7[%swap3A_1326, %swap3A_1327], %broadcast_in_dim3A_1 {strides = array<i32>} : memref<80x128xf32, #tpu.memory_space<vmem>>, vector<16xf32>,
    %swap3A_1329 = arith.constant 73 : i32
    %swap3A_1330 = arith.index_cast %swap3A_1329 : i32 to index
    %swap3A_1331 = arith.constant 64 : index
    %swap3A_1332 = tpu.vector_load %arg7[%swap3A_1330, %swap3A_1331] {strides = array<i32>} : memref<80x128xf32, #tpu.memory_space<vmem>>, vector<16xf32>,
    tpu.vector_store %arg7[%swap3A_1330, %swap3A_1331], %broadcast_in_dim3A_1 {strides = array<i32>} : memref<80x128xf32, #tpu.memory_space<vmem>>, vector<16xf32>,
    %swap3A_1333 = arith.constant 73 : i32
    %swap3A_1334 = arith.index_cast %swap3A_1333 : i32 to index
    %swap3A_1335 = arith.constant 80 : index
    %swap3A_1336 = tpu.vector_load %arg7[%swap3A_1334, %swap3A_1335] {strides = array<i32>} : memref<80x128xf32, #tpu.memory_space<vmem>>, vector<16xf32>,
    tpu.vector_store %arg7[%swap3A_1334, %swap3A_1335], %broadcast_in_dim3A_1 {strides = array<i32>} : memref<80x128xf32, #tpu.memory_space<vmem>>, vector<16xf32>,
    %swap3A_1337 = arith.constant 73 : i32
    %swap3A_1338 = arith.index_cast %swap3A_1337 : i32 to index
    %swap3A_1339 = arith.constant 96 : index
    %swap3A_1340 = tpu.vector_load %arg7[%swap3A_1338, %swap3A_1339] {strides = array<i32>} : memref<80x128xf32, #tpu.memory_space<vmem>>, vector<16xf32>,
    tpu.vector_store %arg7[%swap3A_1338, %swap3A_1339], %broadcast_in_dim3A_1 {strides = array<i32>} : memref<80x128xf32, #tpu.memory_space<vmem>>, vector<16xf32>,
    %swap3A_1341 = arith.constant 73 : i32
    %swap3A_1342 = arith.index_cast %swap3A_1341 : i32 to index
    %swap3A_1343 = arith.constant 112 : index
    %swap3A_1344 = tpu.vector_load %arg7[%swap3A_1342, %swap3A_1343] {strides = array<i32>} : memref<80x128xf32, #tpu.memory_space<vmem>>, vector<16xf32>,
    tpu.vector_store %arg7[%swap3A_1342, %swap3A_1343], %broadcast_in_dim3A_1 {strides = array<i32>} : memref<80x128xf32, #tpu.memory_space<vmem>>, vector<16xf32>,
    %swap3A_1345 = arith.constant 74 : i32
    %swap3A_1346 = arith.index_cast %swap3A_1345 : i32 to index
    %swap3A_1347 = arith.constant 0 : index
    %swap3A_1348 = tpu.vector_load %arg7[%swap3A_1346, %swap3A_1347] {strides = array<i32>} : memref<80x128xf32, #tpu.memory_space<vmem>>, vector<16xf32>,
    tpu.vector_store %arg7[%swap3A_1346, %swap3A_1347], %broadcast_in_dim3A_1 {strides = array<i32>} : memref<80x128xf32, #tpu.memory_space<vmem>>, vector<16xf32>,
    %swap3A_1349 = arith.constant 74 : i32
    %swap3A_1350 = arith.index_cast %swap3A_1349 : i32 to index
    %swap3A_1351 = arith.constant 16 : index
    %swap3A_1352 = tpu.vector_load %arg7[%swap3A_1350, %swap3A_1351] {strides = array<i32>} : memref<80x128xf32, #tpu.memory_space<vmem>>, vector<16xf32>,
    tpu.vector_store %arg7[%swap3A_1350, %swap3A_1351], %broadcast_in_dim3A_1 {strides = array<i32>} : memref<80x128xf32, #tpu.memory_space<vmem>>, vector<16xf32>,
    %swap3A_1353 = arith.constant 74 : i32
    %swap3A_1354 = arith.index_cast %swap3A_1353 : i32 to index
    %swap3A_1355 = arith.constant 32 : index
    %swap3A_1356 = tpu.vector_load %arg7[%swap3A_1354, %swap3A_1355] {strides = array<i32>} : memref<80x128xf32, #tpu.memory_space<vmem>>, vector<16xf32>,
    tpu.vector_store %arg7[%swap3A_1354, %swap3A_1355], %broadcast_in_dim3A_1 {strides = array<i32>} : memref<80x128xf32, #tpu.memory_space<vmem>>, vector<16xf32>,
    %swap3A_1357 = arith.constant 74 : i32
    %swap3A_1358 = arith.index_cast %swap3A_1357 : i32 to index
    %swap3A_1359 = arith.constant 48 : index
    %swap3A_1360 = tpu.vector_load %arg7[%swap3A_1358, %swap3A_1359] {strides = array<i32>} : memref<80x128xf32, #tpu.memory_space<vmem>>, vector<16xf32>,
    tpu.vector_store %arg7[%swap3A_1358, %swap3A_1359], %broadcast_in_dim3A_1 {strides = array<i32>} : memref<80x128xf32, #tpu.memory_space<vmem>>, vector<16xf32>,
    %swap3A_1361 = arith.constant 74 : i32
    %swap3A_1362 = arith.index_cast %swap3A_1361 : i32 to index
    %swap3A_1363 = arith.constant 64 : index
    %swap3A_1364 = tpu.vector_load %arg7[%swap3A_1362, %swap3A_1363] {strides = array<i32>} : memref<80x128xf32, #tpu.memory_space<vmem>>, vector<16xf32>,
    tpu.vector_store %arg7[%swap3A_1362, %swap3A_1363], %broadcast_in_dim3A_1 {strides = array<i32>} : memref<80x128xf32, #tpu.memory_space<vmem>>, vector<16xf32>,
    %swap3A_1365 = arith.constant 74 : i32
    %swap3A_1366 = arith.index_cast %swap3A_1365 : i32 to index
    %swap3A_1367 = arith.constant 80 : index
    %swap3A_1368 = tpu.vector_load %arg7[%swap3A_1366, %swap3A_1367] {strides = array<i32>} : memref<80x128xf32, #tpu.memory_space<vmem>>, vector<16xf32>,
    tpu.vector_store %arg7[%swap3A_1366, %swap3A_1367], %broadcast_in_dim3A_1 {strides = array<i32>} : memref<80x128xf32, #tpu.memory_space<vmem>>, vector<16xf32>,
    %swap3A_1369 = arith.constant 74 : i32
    %swap3A_1370 = arith.index_cast %swap3A_1369 : i32 to index
    %swap3A_1371 = arith.constant 96 : index
    %swap3A_1372 = tpu.vector_load %arg7[%swap3A_1370, %swap3A_1371] {strides = array<i32>} : memref<80x128xf32, #tpu.memory_space<vmem>>, vector<16xf32>,
    tpu.vector_store %arg7[%swap3A_1370, %swap3A_1371], %broadcast_in_dim3A_1 {strides = array<i32>} : memref<80x128xf32, #tpu.memory_space<vmem>>, vector<16xf32>,
    %swap3A_1373 = arith.constant 74 : i32
    %swap3A_1374 = arith.index_cast %swap3A_1373 : i32 to index
    %swap3A_1375 = arith.constant 112 : index
    %swap3A_1376 = tpu.vector_load %arg7[%swap3A_1374, %swap3A_1375] {strides = array<i32>} : memref<80x128xf32, #tpu.memory_space<vmem>>, vector<16xf32>,
    tpu.vector_store %arg7[%swap3A_1374, %swap3A_1375], %broadcast_in_dim3A_1 {strides = array<i32>} : memref<80x128xf32, #tpu.memory_space<vmem>>, vector<16xf32>,
    %swap3A_1377 = arith.constant 75 : i32
    %swap3A_1378 = arith.index_cast %swap3A_1377 : i32 to index
    %swap3A_1379 = arith.constant 0 : index
    %swap3A_1380 = tpu.vector_load %arg7[%swap3A_1378, %swap3A_1379] {strides = array<i32>} : memref<80x128xf32, #tpu.memory_space<vmem>>, vector<16xf32>,
    tpu.vector_store %arg7[%swap3A_1378, %swap3A_1379], %broadcast_in_dim3A_1 {strides = array<i32>} : memref<80x128xf32, #tpu.memory_space<vmem>>, vector<16xf32>,
    %swap3A_1381 = arith.constant 75 : i32
    %swap3A_1382 = arith.index_cast %swap3A_1381 : i32 to index
    %swap3A_1383 = arith.constant 16 : index
    %swap3A_1384 = tpu.vector_load %arg7[%swap3A_1382, %swap3A_1383] {strides = array<i32>} : memref<80x128xf32, #tpu.memory_space<vmem>>, vector<16xf32>,
    tpu.vector_store %arg7[%swap3A_1382, %swap3A_1383], %broadcast_in_dim3A_1 {strides = array<i32>} : memref<80x128xf32, #tpu.memory_space<vmem>>, vector<16xf32>,
    %swap3A_1385 = arith.constant 75 : i32
    %swap3A_1386 = arith.index_cast %swap3A_1385 : i32 to index
    %swap3A_1387 = arith.constant 32 : index
    %swap3A_1388 = tpu.vector_load %arg7[%swap3A_1386, %swap3A_1387] {strides = array<i32>} : memref<80x128xf32, #tpu.memory_space<vmem>>, vector<16xf32>,
    tpu.vector_store %arg7[%swap3A_1386, %swap3A_1387], %broadcast_in_dim3A_1 {strides = array<i32>} : memref<80x128xf32, #tpu.memory_space<vmem>>, vector<16xf32>,
    %swap3A_1389 = arith.constant 75 : i32
    %swap3A_1390 = arith.index_cast %swap3A_1389 : i32 to index
    %swap3A_1391 = arith.constant 48 : index
    %swap3A_1392 = tpu.vector_load %arg7[%swap3A_1390, %swap3A_1391] {strides = array<i32>} : memref<80x128xf32, #tpu.memory_space<vmem>>, vector<16xf32>,
    tpu.vector_store %arg7[%swap3A_1390, %swap3A_1391], %broadcast_in_dim3A_1 {strides = array<i32>} : memref<80x128xf32, #tpu.memory_space<vmem>>, vector<16xf32>,
    %swap3A_1393 = arith.constant 75 : i32
    %swap3A_1394 = arith.index_cast %swap3A_1393 : i32 to index
    %swap3A_1395 = arith.constant 64 : index
    %swap3A_1396 = tpu.vector_load %arg7[%swap3A_1394, %swap3A_1395] {strides = array<i32>} : memref<80x128xf32, #tpu.memory_space<vmem>>, vector<16xf32>,
    tpu.vector_store %arg7[%swap3A_1394, %swap3A_1395], %broadcast_in_dim3A_1 {strides = array<i32>} : memref<80x128xf32, #tpu.memory_space<vmem>>, vector<16xf32>,
    %swap3A_1397 = arith.constant 75 : i32
    %swap3A_1398 = arith.index_cast %swap3A_1397 : i32 to index
    %swap3A_1399 = arith.constant 80 : index
    %swap3A_1400 = tpu.vector_load %arg7[%swap3A_1398, %swap3A_1399] {strides = array<i32>} : memref<80x128xf32, #tpu.memory_space<vmem>>, vector<16xf32>,
    tpu.vector_store %arg7[%swap3A_1398, %swap3A_1399], %broadcast_in_dim3A_1 {strides = array<i32>} : memref<80x128xf32, #tpu.memory_space<vmem>>, vector<16xf32>,
    %swap3A_1401 = arith.constant 75 : i32
    %swap3A_1402 = arith.index_cast %swap3A_1401 : i32 to index
    %swap3A_1403 = arith.constant 96 : index
    %swap3A_1404 = tpu.vector_load %arg7[%swap3A_1402, %swap3A_1403] {strides = array<i32>} : memref<80x128xf32, #tpu.memory_space<vmem>>, vector<16xf32>,
    tpu.vector_store %arg7[%swap3A_1402, %swap3A_1403], %broadcast_in_dim3A_1 {strides = array<i32>} : memref<80x128xf32, #tpu.memory_space<vmem>>, vector<16xf32>,
    %swap3A_1405 = arith.constant 75 : i32
    %swap3A_1406 = arith.index_cast %swap3A_1405 : i32 to index
    %swap3A_1407 = arith.constant 112 : index
    %swap3A_1408 = tpu.vector_load %arg7[%swap3A_1406, %swap3A_1407] {strides = array<i32>} : memref<80x128xf32, #tpu.memory_space<vmem>>, vector<16xf32>,
    tpu.vector_store %arg7[%swap3A_1406, %swap3A_1407], %broadcast_in_dim3A_1 {strides = array<i32>} : memref<80x128xf32, #tpu.memory_space<vmem>>, vector<16xf32>,
    %swap3A_1409 = arith.constant 76 : i32
    %swap3A_1410 = arith.index_cast %swap3A_1409 : i32 to index
    %swap3A_1411 = arith.constant 0 : index
    %swap3A_1412 = tpu.vector_load %arg7[%swap3A_1410, %swap3A_1411] {strides = array<i32>} : memref<80x128xf32, #tpu.memory_space<vmem>>, vector<16xf32>,
    tpu.vector_store %arg7[%swap3A_1410, %swap3A_1411], %broadcast_in_dim3A_1 {strides = array<i32>} : memref<80x128xf32, #tpu.memory_space<vmem>>, vector<16xf32>,
    %swap3A_1413 = arith.constant 76 : i32
    %swap3A_1414 = arith.index_cast %swap3A_1413 : i32 to index
    %swap3A_1415 = arith.constant 16 : index
    %swap3A_1416 = tpu.vector_load %arg7[%swap3A_1414, %swap3A_1415] {strides = array<i32>} : memref<80x128xf32, #tpu.memory_space<vmem>>, vector<16xf32>,
    tpu.vector_store %arg7[%swap3A_1414, %swap3A_1415], %broadcast_in_dim3A_1 {strides = array<i32>} : memref<80x128xf32, #tpu.memory_space<vmem>>, vector<16xf32>,
    %swap3A_1417 = arith.constant 76 : i32
    %swap3A_1418 = arith.index_cast %swap3A_1417 : i32 to index
    %swap3A_1419 = arith.constant 32 : index
    %swap3A_1420 = tpu.vector_load %arg7[%swap3A_1418, %swap3A_1419] {strides = array<i32>} : memref<80x128xf32, #tpu.memory_space<vmem>>, vector<16xf32>,
    tpu.vector_store %arg7[%swap3A_1418, %swap3A_1419], %broadcast_in_dim3A_1 {strides = array<i32>} : memref<80x128xf32, #tpu.memory_space<vmem>>, vector<16xf32>,
    %swap3A_1421 = arith.constant 76 : i32
    %swap3A_1422 = arith.index_cast %swap3A_1421 : i32 to index
    %swap3A_1423 = arith.constant 48 : index
    %swap3A_1424 = tpu.vector_load %arg7[%swap3A_1422, %swap3A_1423] {strides = array<i32>} : memref<80x128xf32, #tpu.memory_space<vmem>>, vector<16xf32>,
    tpu.vector_store %arg7[%swap3A_1422, %swap3A_1423], %broadcast_in_dim3A_1 {strides = array<i32>} : memref<80x128xf32, #tpu.memory_space<vmem>>, vector<16xf32>,
    %swap3A_1425 = arith.constant 76 : i32
    %swap3A_1426 = arith.index_cast %swap3A_1425 : i32 to index
    %swap3A_1427 = arith.constant 64 : index
    %swap3A_1428 = tpu.vector_load %arg7[%swap3A_1426, %swap3A_1427] {strides = array<i32>} : memref<80x128xf32, #tpu.memory_space<vmem>>, vector<16xf32>,
    tpu.vector_store %arg7[%swap3A_1426, %swap3A_1427], %broadcast_in_dim3A_1 {strides = array<i32>} : memref<80x128xf32, #tpu.memory_space<vmem>>, vector<16xf32>,
    %swap3A_1429 = arith.constant 76 : i32
    %swap3A_1430 = arith.index_cast %swap3A_1429 : i32 to index
    %swap3A_1431 = arith.constant 80 : index
    %swap3A_1432 = tpu.vector_load %arg7[%swap3A_1430, %swap3A_1431] {strides = array<i32>} : memref<80x128xf32, #tpu.memory_space<vmem>>, vector<16xf32>,
    tpu.vector_store %arg7[%swap3A_1430, %swap3A_1431], %broadcast_in_dim3A_1 {strides = array<i32>} : memref<80x128xf32, #tpu.memory_space<vmem>>, vector<16xf32>,
    %swap3A_1433 = arith.constant 76 : i32
    %swap3A_1434 = arith.index_cast %swap3A_1433 : i32 to index
    %swap3A_1435 = arith.constant 96 : index
    %swap3A_1436 = tpu.vector_load %arg7[%swap3A_1434, %swap3A_1435] {strides = array<i32>} : memref<80x128xf32, #tpu.memory_space<vmem>>, vector<16xf32>,
    tpu.vector_store %arg7[%swap3A_1434, %swap3A_1435], %broadcast_in_dim3A_1 {strides = array<i32>} : memref<80x128xf32, #tpu.memory_space<vmem>>, vector<16xf32>,
    %swap3A_1437 = arith.constant 76 : i32
    %swap3A_1438 = arith.index_cast %swap3A_1437 : i32 to index
    %swap3A_1439 = arith.constant 112 : index
    %swap3A_1440 = tpu.vector_load %arg7[%swap3A_1438, %swap3A_1439] {strides = array<i32>} : memref<80x128xf32, #tpu.memory_space<vmem>>, vector<16xf32>,
    tpu.vector_store %arg7[%swap3A_1438, %swap3A_1439], %broadcast_in_dim3A_1 {strides = array<i32>} : memref<80x128xf32, #tpu.memory_space<vmem>>, vector<16xf32>,
    %swap3A_1441 = arith.constant 77 : i32
    %swap3A_1442 = arith.index_cast %swap3A_1441 : i32 to index
    %swap3A_1443 = arith.constant 0 : index
    %swap3A_1444 = tpu.vector_load %arg7[%swap3A_1442, %swap3A_1443] {strides = array<i32>} : memref<80x128xf32, #tpu.memory_space<vmem>>, vector<16xf32>,
    tpu.vector_store %arg7[%swap3A_1442, %swap3A_1443], %broadcast_in_dim3A_1 {strides = array<i32>} : memref<80x128xf32, #tpu.memory_space<vmem>>, vector<16xf32>,
    %swap3A_1445 = arith.constant 77 : i32
    %swap3A_1446 = arith.index_cast %swap3A_1445 : i32 to index
    %swap3A_1447 = arith.constant 16 : index
    %swap3A_1448 = tpu.vector_load %arg7[%swap3A_1446, %swap3A_1447] {strides = array<i32>} : memref<80x128xf32, #tpu.memory_space<vmem>>, vector<16xf32>,
    tpu.vector_store %arg7[%swap3A_1446, %swap3A_1447], %broadcast_in_dim3A_1 {strides = array<i32>} : memref<80x128xf32, #tpu.memory_space<vmem>>, vector<16xf32>,
    %swap3A_1449 = arith.constant 77 : i32
    %swap3A_1450 = arith.index_cast %swap3A_1449 : i32 to index
    %swap3A_1451 = arith.constant 32 : index
    %swap3A_1452 = tpu.vector_load %arg7[%swap3A_1450, %swap3A_1451] {strides = array<i32>} : memref<80x128xf32, #tpu.memory_space<vmem>>, vector<16xf32>,
    tpu.vector_store %arg7[%swap3A_1450, %swap3A_1451], %broadcast_in_dim3A_1 {strides = array<i32>} : memref<80x128xf32, #tpu.memory_space<vmem>>, vector<16xf32>,
    %swap3A_1453 = arith.constant 77 : i32
    %swap3A_1454 = arith.index_cast %swap3A_1453 : i32 to index
    %swap3A_1455 = arith.constant 48 : index
    %swap3A_1456 = tpu.vector_load %arg7[%swap3A_1454, %swap3A_1455] {strides = array<i32>} : memref<80x128xf32, #tpu.memory_space<vmem>>, vector<16xf32>,
    tpu.vector_store %arg7[%swap3A_1454, %swap3A_1455], %broadcast_in_dim3A_1 {strides = array<i32>} : memref<80x128xf32, #tpu.memory_space<vmem>>, vector<16xf32>,
    %swap3A_1457 = arith.constant 77 : i32
    %swap3A_1458 = arith.index_cast %swap3A_1457 : i32 to index
    %swap3A_1459 = arith.constant 64 : index
    %swap3A_1460 = tpu.vector_load %arg7[%swap3A_1458, %swap3A_1459] {strides = array<i32>} : memref<80x128xf32, #tpu.memory_space<vmem>>, vector<16xf32>,
    tpu.vector_store %arg7[%swap3A_1458, %swap3A_1459], %broadcast_in_dim3A_1 {strides = array<i32>} : memref<80x128xf32, #tpu.memory_space<vmem>>, vector<16xf32>,
    %swap3A_1461 = arith.constant 77 : i32
    %swap3A_1462 = arith.index_cast %swap3A_1461 : i32 to index
    %swap3A_1463 = arith.constant 80 : index
    %swap3A_1464 = tpu.vector_load %arg7[%swap3A_1462, %swap3A_1463] {strides = array<i32>} : memref<80x128xf32, #tpu.memory_space<vmem>>, vector<16xf32>,
    tpu.vector_store %arg7[%swap3A_1462, %swap3A_1463], %broadcast_in_dim3A_1 {strides = array<i32>} : memref<80x128xf32, #tpu.memory_space<vmem>>, vector<16xf32>,
    %swap3A_1465 = arith.constant 77 : i32
    %swap3A_1466 = arith.index_cast %swap3A_1465 : i32 to index
    %swap3A_1467 = arith.constant 96 : index
    %swap3A_1468 = tpu.vector_load %arg7[%swap3A_1466, %swap3A_1467] {strides = array<i32>} : memref<80x128xf32, #tpu.memory_space<vmem>>, vector<16xf32>,
    tpu.vector_store %arg7[%swap3A_1466, %swap3A_1467], %broadcast_in_dim3A_1 {strides = array<i32>} : memref<80x128xf32, #tpu.memory_space<vmem>>, vector<16xf32>,
    %swap3A_1469 = arith.constant 77 : i32
    %swap3A_1470 = arith.index_cast %swap3A_1469 : i32 to index
    %swap3A_1471 = arith.constant 112 : index
    %swap3A_1472 = tpu.vector_load %arg7[%swap3A_1470, %swap3A_1471] {strides = array<i32>} : memref<80x128xf32, #tpu.memory_space<vmem>>, vector<16xf32>,
    tpu.vector_store %arg7[%swap3A_1470, %swap3A_1471], %broadcast_in_dim3A_1 {strides = array<i32>} : memref<80x128xf32, #tpu.memory_space<vmem>>, vector<16xf32>,
    %swap3A_1473 = arith.constant 78 : i32
    %swap3A_1474 = arith.index_cast %swap3A_1473 : i32 to index
    %swap3A_1475 = arith.constant 0 : index
    %swap3A_1476 = tpu.vector_load %arg7[%swap3A_1474, %swap3A_1475] {strides = array<i32>} : memref<80x128xf32, #tpu.memory_space<vmem>>, vector<16xf32>,
    tpu.vector_store %arg7[%swap3A_1474, %swap3A_1475], %broadcast_in_dim3A_1 {strides = array<i32>} : memref<80x128xf32, #tpu.memory_space<vmem>>, vector<16xf32>,
    %swap3A_1477 = arith.constant 78 : i32
    %swap3A_1478 = arith.index_cast %swap3A_1477 : i32 to index
    %swap3A_1479 = arith.constant 16 : index
    %swap3A_1480 = tpu.vector_load %arg7[%swap3A_1478, %swap3A_1479] {strides = array<i32>} : memref<80x128xf32, #tpu.memory_space<vmem>>, vector<16xf32>,
    tpu.vector_store %arg7[%swap3A_1478, %swap3A_1479], %broadcast_in_dim3A_1 {strides = array<i32>} : memref<80x128xf32, #tpu.memory_space<vmem>>, vector<16xf32>,
    %swap3A_1481 = arith.constant 78 : i32
    %swap3A_1482 = arith.index_cast %swap3A_1481 : i32 to index
    %swap3A_1483 = arith.constant 32 : index
    %swap3A_1484 = tpu.vector_load %arg7[%swap3A_1482, %swap3A_1483] {strides = array<i32>} : memref<80x128xf32, #tpu.memory_space<vmem>>, vector<16xf32>,
    tpu.vector_store %arg7[%swap3A_1482, %swap3A_1483], %broadcast_in_dim3A_1 {strides = array<i32>} : memref<80x128xf32, #tpu.memory_space<vmem>>, vector<16xf32>,
    %swap3A_1485 = arith.constant 78 : i32
    %swap3A_1486 = arith.index_cast %swap3A_1485 : i32 to index
    %swap3A_1487 = arith.constant 48 : index
    %swap3A_1488 = tpu.vector_load %arg7[%swap3A_1486, %swap3A_1487] {strides = array<i32>} : memref<80x128xf32, #tpu.memory_space<vmem>>, vector<16xf32>,
    tpu.vector_store %arg7[%swap3A_1486, %swap3A_1487], %broadcast_in_dim3A_1 {strides = array<i32>} : memref<80x128xf32, #tpu.memory_space<vmem>>, vector<16xf32>,
    %swap3A_1489 = arith.constant 78 : i32
    %swap3A_1490 = arith.index_cast %swap3A_1489 : i32 to index
    %swap3A_1491 = arith.constant 64 : index
    %swap3A_1492 = tpu.vector_load %arg7[%swap3A_1490, %swap3A_1491] {strides = array<i32>} : memref<80x128xf32, #tpu.memory_space<vmem>>, vector<16xf32>,
    tpu.vector_store %arg7[%swap3A_1490, %swap3A_1491], %broadcast_in_dim3A_1 {strides = array<i32>} : memref<80x128xf32, #tpu.memory_space<vmem>>, vector<16xf32>,
    %swap3A_1493 = arith.constant 78 : i32
    %swap3A_1494 = arith.index_cast %swap3A_1493 : i32 to index
    %swap3A_1495 = arith.constant 80 : index
    %swap3A_1496 = tpu.vector_load %arg7[%swap3A_1494, %swap3A_1495] {strides = array<i32>} : memref<80x128xf32, #tpu.memory_space<vmem>>, vector<16xf32>,
    tpu.vector_store %arg7[%swap3A_1494, %swap3A_1495], %broadcast_in_dim3A_1 {strides = array<i32>} : memref<80x128xf32, #tpu.memory_space<vmem>>, vector<16xf32>,
    %swap3A_1497 = arith.constant 78 : i32
    %swap3A_1498 = arith.index_cast %swap3A_1497 : i32 to index
    %swap3A_1499 = arith.constant 96 : index
    %swap3A_1500 = tpu.vector_load %arg7[%swap3A_1498, %swap3A_1499] {strides = array<i32>} : memref<80x128xf32, #tpu.memory_space<vmem>>, vector<16xf32>,
    tpu.vector_store %arg7[%swap3A_1498, %swap3A_1499], %broadcast_in_dim3A_1 {strides = array<i32>} : memref<80x128xf32, #tpu.memory_space<vmem>>, vector<16xf32>,
    %swap3A_1501 = arith.constant 78 : i32
    %swap3A_1502 = arith.index_cast %swap3A_1501 : i32 to index
    %swap3A_1503 = arith.constant 112 : index
    %swap3A_1504 = tpu.vector_load %arg7[%swap3A_1502, %swap3A_1503] {strides = array<i32>} : memref<80x128xf32, #tpu.memory_space<vmem>>, vector<16xf32>,
    tpu.vector_store %arg7[%swap3A_1502, %swap3A_1503], %broadcast_in_dim3A_1 {strides = array<i32>} : memref<80x128xf32, #tpu.memory_space<vmem>>, vector<16xf32>,
    %swap3A_1505 = arith.constant 79 : i32
    %swap3A_1506 = arith.index_cast %swap3A_1505 : i32 to index
    %swap3A_1507 = arith.constant 0 : index
    %swap3A_1508 = tpu.vector_load %arg7[%swap3A_1506, %swap3A_1507] {strides = array<i32>} : memref<80x128xf32, #tpu.memory_space<vmem>>, vector<16xf32>,
    tpu.vector_store %arg7[%swap3A_1506, %swap3A_1507], %broadcast_in_dim3A_1 {strides = array<i32>} : memref<80x128xf32, #tpu.memory_space<vmem>>, vector<16xf32>,
    %swap3A_1509 = arith.constant 79 : i32
    %swap3A_1510 = arith.index_cast %swap3A_1509 : i32 to index
    %swap3A_1511 = arith.constant 16 : index
    %swap3A_1512 = tpu.vector_load %arg7[%swap3A_1510, %swap3A_1511] {strides = array<i32>} : memref<80x128xf32, #tpu.memory_space<vmem>>, vector<16xf32>,
    tpu.vector_store %arg7[%swap3A_1510, %swap3A_1511], %broadcast_in_dim3A_1 {strides = array<i32>} : memref<80x128xf32, #tpu.memory_space<vmem>>, vector<16xf32>,
    %swap3A_1513 = arith.constant 79 : i32
    %swap3A_1514 = arith.index_cast %swap3A_1513 : i32 to index
    %swap3A_1515 = arith.constant 32 : index
    %swap3A_1516 = tpu.vector_load %arg7[%swap3A_1514, %swap3A_1515] {strides = array<i32>} : memref<80x128xf32, #tpu.memory_space<vmem>>, vector<16xf32>,
    tpu.vector_store %arg7[%swap3A_1514, %swap3A_1515], %broadcast_in_dim3A_1 {strides = array<i32>} : memref<80x128xf32, #tpu.memory_space<vmem>>, vector<16xf32>,
    %swap3A_1517 = arith.constant 79 : i32
    %swap3A_1518 = arith.index_cast %swap3A_1517 : i32 to index
    %swap3A_1519 = arith.constant 48 : index
    %swap3A_1520 = tpu.vector_load %arg7[%swap3A_1518, %swap3A_1519] {strides = array<i32>} : memref<80x128xf32, #tpu.memory_space<vmem>>, vector<16xf32>,
    tpu.vector_store %arg7[%swap3A_1518, %swap3A_1519], %broadcast_in_dim3A_1 {strides = array<i32>} : memref<80x128xf32, #tpu.memory_space<vmem>>, vector<16xf32>,
    %swap3A_1521 = arith.constant 79 : i32
    %swap3A_1522 = arith.index_cast %swap3A_1521 : i32 to index
    %swap3A_1523 = arith.constant 64 : index
    %swap3A_1524 = tpu.vector_load %arg7[%swap3A_1522, %swap3A_1523] {strides = array<i32>} : memref<80x128xf32, #tpu.memory_space<vmem>>, vector<16xf32>,
    tpu.vector_store %arg7[%swap3A_1522, %swap3A_1523], %broadcast_in_dim3A_1 {strides = array<i32>} : memref<80x128xf32, #tpu.memory_space<vmem>>, vector<16xf32>,
    %swap3A_1525 = arith.constant 79 : i32
    %swap3A_1526 = arith.index_cast %swap3A_1525 : i32 to index
    %swap3A_1527 = arith.constant 80 : index
    %swap3A_1528 = tpu.vector_load %arg7[%swap3A_1526, %swap3A_1527] {strides = array<i32>} : memref<80x128xf32, #tpu.memory_space<vmem>>, vector<16xf32>,
    tpu.vector_store %arg7[%swap3A_1526, %swap3A_1527], %broadcast_in_dim3A_1 {strides = array<i32>} : memref<80x128xf32, #tpu.memory_space<vmem>>, vector<16xf32>,
    %swap3A_1529 = arith.constant 79 : i32
    %swap3A_1530 = arith.index_cast %swap3A_1529 : i32 to index
    %swap3A_1531 = arith.constant 96 : index
    %swap3A_1532 = tpu.vector_load %arg7[%swap3A_1530, %swap3A_1531] {strides = array<i32>} : memref<80x128xf32, #tpu.memory_space<vmem>>, vector<16xf32>,
    tpu.vector_store %arg7[%swap3A_1530, %swap3A_1531], %broadcast_in_dim3A_1 {strides = array<i32>} : memref<80x128xf32, #tpu.memory_space<vmem>>, vector<16xf32>,
    %swap3A_1533 = arith.constant 79 : i32
    %swap3A_1534 = arith.index_cast %swap3A_1533 : i32 to index
    %swap3A_1535 = arith.constant 112 : index
    %swap3A_1536 = tpu.vector_load %arg7[%swap3A_1534, %swap3A_1535] {strides = array<i32>} : memref<80x128xf32, #tpu.memory_space<vmem>>, vector<16xf32>,
    tpu.vector_store %arg7[%swap3A_1534, %swap3A_1535], %broadcast_in_dim3A_1 {strides = array<i32>} : memref<80x128xf32, #tpu.memory_space<vmem>>, vector<16xf32>,
    %dma_start3A = arith.constant 0 : i32
    %dma_start3A_1537 = arith.constant 0 : i32
    %dma_start3A_1538 = tpu.memref_slice %arg6[%dma_start3A, %dma_start3A_1537] : memref<80x128xf32, #tpu.memory_space<vmem>> -> memref<16x128xf32, #tpu.memory_space<vmem>>
    %dma_start3A_1539 = arith.constant 384 : i32
    %dma_start3A_1540 = arith.constant 0 : i32
    %dma_start3A_1541 = tpu.memref_slice %arg2[%add3A, %dma_start3A_1539, %dma_start3A_1540] : memref<32x512x512xf32, #tpu.memory_space<hbm>> -> memref<1x16x128xf32, #tpu.memory_space<hbm>>
    %dma_start3A_1542 = tpu.memref_squeeze %dma_start3A_1541 : memref<1x16x128xf32, #tpu.memory_space<hbm>> -> memref<16x128xf32, #tpu.memory_space<hbm>>
    %dma_start3A_1543 = arith.constant 0 : i32
    %dma_start3A_1544 = arith.constant 0 : i32
    %dma_start3A_1545 = tpu.memref_slice %arg6[%dma_start3A_1543, %dma_start3A_1544] : memref<80x128xf32, #tpu.memory_space<vmem>> -> memref<16x128xf32, #tpu.memory_space<vmem>>
    %dma_start3A_1546 = arith.constant 384 : i32
    %dma_start3A_1547 = arith.constant 0 : i32
    %dma_start3A_1548 = tpu.memref_slice %arg2[%add3A, %dma_start3A_1546, %dma_start3A_1547] : memref<32x512x512xf32, #tpu.memory_space<hbm>> -> memref<1x16x128xf32, #tpu.memory_space<hbm>>
    %dma_start3A_1549 = tpu.memref_squeeze %dma_start3A_1548 : memref<1x16x128xf32, #tpu.memory_space<hbm>> -> memref<16x128xf32, #tpu.memory_space<hbm>>
    tpu.enqueue_dma source(%dma_start3A_1549 : memref<16x128xf32, #tpu.memory_space<hbm>>) target(%dma_start3A_1545 : memref<16x128xf32, #tpu.memory_space<vmem>>) target_semaphore(%arg11 : memref<!tpu.dma_semaphore, #tpu.memory_space<semaphore_mem>>)
    %dma_start3A_1550 = arith.constant 16 : i32
    %dma_start3A_1551 = arith.constant 0 : i32
    %dma_start3A_1552 = tpu.memref_slice %arg6[%dma_start3A_1550, %dma_start3A_1551] : memref<80x128xf32, #tpu.memory_space<vmem>> -> memref<16x128xf32, #tpu.memory_space<vmem>>
    %dma_start3A_1553 = arith.constant 384 : i32
    %dma_start3A_1554 = arith.constant 128 : i32
    %dma_start3A_1555 = tpu.memref_slice %arg2[%add3A, %dma_start3A_1553, %dma_start3A_1554] : memref<32x512x512xf32, #tpu.memory_space<hbm>> -> memref<1x16x128xf32, #tpu.memory_space<hbm>>
    %dma_start3A_1556 = tpu.memref_squeeze %dma_start3A_1555 : memref<1x16x128xf32, #tpu.memory_space<hbm>> -> memref<16x128xf32, #tpu.memory_space<hbm>>
    %dma_start3A_1557 = arith.constant 16 : i32
    %dma_start3A_1558 = arith.constant 0 : i32
    %dma_start3A_1559 = tpu.memref_slice %arg6[%dma_start3A_1557, %dma_start3A_1558] : memref<80x128xf32, #tpu.memory_space<vmem>> -> memref<16x128xf32, #tpu.memory_space<vmem>>
    %dma_start3A_1560 = arith.constant 384 : i32
    %dma_start3A_1561 = arith.constant 128 : i32
    %dma_start3A_1562 = tpu.memref_slice %arg2[%add3A, %dma_start3A_1560, %dma_start3A_1561] : memref<32x512x512xf32, #tpu.memory_space<hbm>> -> memref<1x16x128xf32, #tpu.memory_space<hbm>>
    %dma_start3A_1563 = tpu.memref_squeeze %dma_start3A_1562 : memref<1x16x128xf32, #tpu.memory_space<hbm>> -> memref<16x128xf32, #tpu.memory_space<hbm>>
    tpu.enqueue_dma source(%dma_start3A_1563 : memref<16x128xf32, #tpu.memory_space<hbm>>) target(%dma_start3A_1559 : memref<16x128xf32, #tpu.memory_space<vmem>>) target_semaphore(%arg11 : memref<!tpu.dma_semaphore, #tpu.memory_space<semaphore_mem>>)
    %dma_start3A_1564 = arith.constant 32 : i32
    %dma_start3A_1565 = arith.constant 0 : i32
    %dma_start3A_1566 = tpu.memref_slice %arg6[%dma_start3A_1564, %dma_start3A_1565] : memref<80x128xf32, #tpu.memory_space<vmem>> -> memref<16x128xf32, #tpu.memory_space<vmem>>
    %dma_start3A_1567 = arith.constant 384 : i32
    %dma_start3A_1568 = arith.constant 256 : i32
    %dma_start3A_1569 = tpu.memref_slice %arg2[%add3A, %dma_start3A_1567, %dma_start3A_1568] : memref<32x512x512xf32, #tpu.memory_space<hbm>> -> memref<1x16x128xf32, #tpu.memory_space<hbm>>
    %dma_start3A_1570 = tpu.memref_squeeze %dma_start3A_1569 : memref<1x16x128xf32, #tpu.memory_space<hbm>> -> memref<16x128xf32, #tpu.memory_space<hbm>>
    %dma_start3A_1571 = arith.constant 32 : i32
    %dma_start3A_1572 = arith.constant 0 : i32
    %dma_start3A_1573 = tpu.memref_slice %arg6[%dma_start3A_1571, %dma_start3A_1572] : memref<80x128xf32, #tpu.memory_space<vmem>> -> memref<16x128xf32, #tpu.memory_space<vmem>>
    %dma_start3A_1574 = arith.constant 384 : i32
    %dma_start3A_1575 = arith.constant 256 : i32
    %dma_start3A_1576 = tpu.memref_slice %arg2[%add3A, %dma_start3A_1574, %dma_start3A_1575] : memref<32x512x512xf32, #tpu.memory_space<hbm>> -> memref<1x16x128xf32, #tpu.memory_space<hbm>>
    %dma_start3A_1577 = tpu.memref_squeeze %dma_start3A_1576 : memref<1x16x128xf32, #tpu.memory_space<hbm>> -> memref<16x128xf32, #tpu.memory_space<hbm>>
    tpu.enqueue_dma source(%dma_start3A_1577 : memref<16x128xf32, #tpu.memory_space<hbm>>) target(%dma_start3A_1573 : memref<16x128xf32, #tpu.memory_space<vmem>>) target_semaphore(%arg11 : memref<!tpu.dma_semaphore, #tpu.memory_space<semaphore_mem>>)
    %dma_start3A_1578 = arith.constant 48 : i32
    %dma_start3A_1579 = arith.constant 0 : i32
    %dma_start3A_1580 = tpu.memref_slice %arg6[%dma_start3A_1578, %dma_start3A_1579] : memref<80x128xf32, #tpu.memory_space<vmem>> -> memref<16x128xf32, #tpu.memory_space<vmem>>
    %dma_start3A_1581 = arith.constant 384 : i32
    %dma_start3A_1582 = arith.constant 384 : i32
    %dma_start3A_1583 = tpu.memref_slice %arg2[%add3A, %dma_start3A_1581, %dma_start3A_1582] : memref<32x512x512xf32, #tpu.memory_space<hbm>> -> memref<1x16x128xf32, #tpu.memory_space<hbm>>
    %dma_start3A_1584 = tpu.memref_squeeze %dma_start3A_1583 : memref<1x16x128xf32, #tpu.memory_space<hbm>> -> memref<16x128xf32, #tpu.memory_space<hbm>>
    %dma_start3A_1585 = arith.constant 48 : i32
    %dma_start3A_1586 = arith.constant 0 : i32
    %dma_start3A_1587 = tpu.memref_slice %arg6[%dma_start3A_1585, %dma_start3A_1586] : memref<80x128xf32, #tpu.memory_space<vmem>> -> memref<16x128xf32, #tpu.memory_space<vmem>>
    %dma_start3A_1588 = arith.constant 384 : i32
    %dma_start3A_1589 = arith.constant 384 : i32
    %dma_start3A_1590 = tpu.memref_slice %arg2[%add3A, %dma_start3A_1588, %dma_start3A_1589] : memref<32x512x512xf32, #tpu.memory_space<hbm>> -> memref<1x16x128xf32, #tpu.memory_space<hbm>>
    %dma_start3A_1591 = tpu.memref_squeeze %dma_start3A_1590 : memref<1x16x128xf32, #tpu.memory_space<hbm>> -> memref<16x128xf32, #tpu.memory_space<hbm>>
    tpu.enqueue_dma source(%dma_start3A_1591 : memref<16x128xf32, #tpu.memory_space<hbm>>) target(%dma_start3A_1587 : memref<16x128xf32, #tpu.memory_space<vmem>>) target_semaphore(%arg11 : memref<!tpu.dma_semaphore, #tpu.memory_space<semaphore_mem>>)
    %dma_start3A_1592 = arith.constant 0 : i32
    %dma_start3A_1593 = arith.constant 0 : i32
    %dma_start3A_1594 = tpu.memref_slice %arg7[%dma_start3A_1592, %dma_start3A_1593] : memref<80x128xf32, #tpu.memory_space<vmem>> -> memref<16x128xf32, #tpu.memory_space<vmem>>
    %dma_start3A_1595 = arith.constant 400 : i32
    %dma_start3A_1596 = arith.constant 0 : i32
    %dma_start3A_1597 = tpu.memref_slice %arg2[%add3A, %dma_start3A_1595, %dma_start3A_1596] : memref<32x512x512xf32, #tpu.memory_space<hbm>> -> memref<1x16x128xf32, #tpu.memory_space<hbm>>
    %dma_start3A_1598 = tpu.memref_squeeze %dma_start3A_1597 : memref<1x16x128xf32, #tpu.memory_space<hbm>> -> memref<16x128xf32, #tpu.memory_space<hbm>>
    %dma_start3A_1599 = arith.constant 0 : i32
    %dma_start3A_1600 = arith.constant 0 : i32
    %dma_start3A_1601 = tpu.memref_slice %arg7[%dma_start3A_1599, %dma_start3A_1600] : memref<80x128xf32, #tpu.memory_space<vmem>> -> memref<16x128xf32, #tpu.memory_space<vmem>>
    %dma_start3A_1602 = arith.constant 400 : i32
    %dma_start3A_1603 = arith.constant 0 : i32
    %dma_start3A_1604 = tpu.memref_slice %arg2[%add3A, %dma_start3A_1602, %dma_start3A_1603] : memref<32x512x512xf32, #tpu.memory_space<hbm>> -> memref<1x16x128xf32, #tpu.memory_space<hbm>>
    %dma_start3A_1605 = tpu.memref_squeeze %dma_start3A_1604 : memref<1x16x128xf32, #tpu.memory_space<hbm>> -> memref<16x128xf32, #tpu.memory_space<hbm>>
    tpu.enqueue_dma source(%dma_start3A_1605 : memref<16x128xf32, #tpu.memory_space<hbm>>) target(%dma_start3A_1601 : memref<16x128xf32, #tpu.memory_space<vmem>>) target_semaphore(%arg12 : memref<!tpu.dma_semaphore, #tpu.memory_space<semaphore_mem>>)
    %dma_start3A_1606 = arith.constant 16 : i32
    %dma_start3A_1607 = arith.constant 0 : i32
    %dma_start3A_1608 = tpu.memref_slice %arg7[%dma_start3A_1606, %dma_start3A_1607] : memref<80x128xf32, #tpu.memory_space<vmem>> -> memref<16x128xf32, #tpu.memory_space<vmem>>
    %dma_start3A_1609 = arith.constant 400 : i32
    %dma_start3A_1610 = arith.constant 128 : i32
    %dma_start3A_1611 = tpu.memref_slice %arg2[%add3A, %dma_start3A_1609, %dma_start3A_1610] : memref<32x512x512xf32, #tpu.memory_space<hbm>> -> memref<1x16x128xf32, #tpu.memory_space<hbm>>
    %dma_start3A_1612 = tpu.memref_squeeze %dma_start3A_1611 : memref<1x16x128xf32, #tpu.memory_space<hbm>> -> memref<16x128xf32, #tpu.memory_space<hbm>>
    %dma_start3A_1613 = arith.constant 16 : i32
    %dma_start3A_1614 = arith.constant 0 : i32
    %dma_start3A_1615 = tpu.memref_slice %arg7[%dma_start3A_1613, %dma_start3A_1614] : memref<80x128xf32, #tpu.memory_space<vmem>> -> memref<16x128xf32, #tpu.memory_space<vmem>>
    %dma_start3A_1616 = arith.constant 400 : i32
    %dma_start3A_1617 = arith.constant 128 : i32
    %dma_start3A_1618 = tpu.memref_slice %arg2[%add3A, %dma_start3A_1616, %dma_start3A_1617] : memref<32x512x512xf32, #tpu.memory_space<hbm>> -> memref<1x16x128xf32, #tpu.memory_space<hbm>>
    %dma_start3A_1619 = tpu.memref_squeeze %dma_start3A_1618 : memref<1x16x128xf32, #tpu.memory_space<hbm>> -> memref<16x128xf32, #tpu.memory_space<hbm>>
    tpu.enqueue_dma source(%dma_start3A_1619 : memref<16x128xf32, #tpu.memory_space<hbm>>) target(%dma_start3A_1615 : memref<16x128xf32, #tpu.memory_space<vmem>>) target_semaphore(%arg12 : memref<!tpu.dma_semaphore, #tpu.memory_space<semaphore_mem>>)
    %dma_start3A_1620 = arith.constant 32 : i32
    %dma_start3A_1621 = arith.constant 0 : i32
    %dma_start3A_1622 = tpu.memref_slice %arg7[%dma_start3A_1620, %dma_start3A_1621] : memref<80x128xf32, #tpu.memory_space<vmem>> -> memref<16x128xf32, #tpu.memory_space<vmem>>
    %dma_start3A_1623 = arith.constant 400 : i32
    %dma_start3A_1624 = arith.constant 256 : i32
    %dma_start3A_1625 = tpu.memref_slice %arg2[%add3A, %dma_start3A_1623, %dma_start3A_1624] : memref<32x512x512xf32, #tpu.memory_space<hbm>> -> memref<1x16x128xf32, #tpu.memory_space<hbm>>
    %dma_start3A_1626 = tpu.memref_squeeze %dma_start3A_1625 : memref<1x16x128xf32, #tpu.memory_space<hbm>> -> memref<16x128xf32, #tpu.memory_space<hbm>>
    %dma_start3A_1627 = arith.constant 32 : i32
    %dma_start3A_1628 = arith.constant 0 : i32
    %dma_start3A_1629 = tpu.memref_slice %arg7[%dma_start3A_1627, %dma_start3A_1628] : memref<80x128xf32, #tpu.memory_space<vmem>> -> memref<16x128xf32, #tpu.memory_space<vmem>>
    %dma_start3A_1630 = arith.constant 400 : i32
    %dma_start3A_1631 = arith.constant 256 : i32
    %dma_start3A_1632 = tpu.memref_slice %arg2[%add3A, %dma_start3A_1630, %dma_start3A_1631] : memref<32x512x512xf32, #tpu.memory_space<hbm>> -> memref<1x16x128xf32, #tpu.memory_space<hbm>>
    %dma_start3A_1633 = tpu.memref_squeeze %dma_start3A_1632 : memref<1x16x128xf32, #tpu.memory_space<hbm>> -> memref<16x128xf32, #tpu.memory_space<hbm>>
    tpu.enqueue_dma source(%dma_start3A_1633 : memref<16x128xf32, #tpu.memory_space<hbm>>) target(%dma_start3A_1629 : memref<16x128xf32, #tpu.memory_space<vmem>>) target_semaphore(%arg12 : memref<!tpu.dma_semaphore, #tpu.memory_space<semaphore_mem>>)
    %dma_start3A_1634 = arith.constant 48 : i32
    %dma_start3A_1635 = arith.constant 0 : i32
    %dma_start3A_1636 = tpu.memref_slice %arg7[%dma_start3A_1634, %dma_start3A_1635] : memref<80x128xf32, #tpu.memory_space<vmem>> -> memref<16x128xf32, #tpu.memory_space<vmem>>
    %dma_start3A_1637 = arith.constant 400 : i32
    %dma_start3A_1638 = arith.constant 384 : i32
    %dma_start3A_1639 = tpu.memref_slice %arg2[%add3A, %dma_start3A_1637, %dma_start3A_1638] : memref<32x512x512xf32, #tpu.memory_space<hbm>> -> memref<1x16x128xf32, #tpu.memory_space<hbm>>
    %dma_start3A_1640 = tpu.memref_squeeze %dma_start3A_1639 : memref<1x16x128xf32, #tpu.memory_space<hbm>> -> memref<16x128xf32, #tpu.memory_space<hbm>>
    %dma_start3A_1641 = arith.constant 48 : i32
    %dma_start3A_1642 = arith.constant 0 : i32
    %dma_start3A_1643 = tpu.memref_slice %arg7[%dma_start3A_1641, %dma_start3A_1642] : memref<80x128xf32, #tpu.memory_space<vmem>> -> memref<16x128xf32, #tpu.memory_space<vmem>>
    %dma_start3A_1644 = arith.constant 400 : i32
    %dma_start3A_1645 = arith.constant 384 : i32
    %dma_start3A_1646 = tpu.memref_slice %arg2[%add3A, %dma_start3A_1644, %dma_start3A_1645] : memref<32x512x512xf32, #tpu.memory_space<hbm>> -> memref<1x16x128xf32, #tpu.memory_space<hbm>>
    %dma_start3A_1647 = tpu.memref_squeeze %dma_start3A_1646 : memref<1x16x128xf32, #tpu.memory_space<hbm>> -> memref<16x128xf32, #tpu.memory_space<hbm>>
    tpu.enqueue_dma source(%dma_start3A_1647 : memref<16x128xf32, #tpu.memory_space<hbm>>) target(%dma_start3A_1643 : memref<16x128xf32, #tpu.memory_space<vmem>>) target_semaphore(%arg12 : memref<!tpu.dma_semaphore, #tpu.memory_space<semaphore_mem>>)
    %scan3A = arith.constant 0 : i32
    %scan3A_1648 = arith.constant 0 : i32
    %scan3A_1649 = arith.constant 16 : i32
    %scan3A_1650 = arith.addi %scan3A_1648, %scan3A_1649 : i32
    %scan3A_1651 = arith.constant 1 : i32
    scf.for %scan3A_1680 = %scan3A_1648 to %scan3A_1650 step %scan3A_1651  : i32 {
      %eq3A = arith.constant 0 : i32
      %eq3A_1681 = arith.cmpi eq, %scan3A_1680, %eq3A : i32
      %convert_element_type3A = arith.extui %eq3A_1681 : i1 to i32
      %cond3A = arith.constant 0 : i32
      %cond3A_1682 = arith.cmpi ne, %convert_element_type3A, %cond3A : i32
      scf.if %cond3A_1682 {
        %dma_start3A_1940 = arith.constant 0 : i32
        %dma_start3A_1941 = arith.constant 0 : i32
        %dma_start3A_1942 = tpu.memref_slice %arg5[%dma_start3A_1940, %dma_start3A_1941] : memref<528x128xf32, #tpu.memory_space<vmem>> -> memref<512x128xf32, #tpu.memory_space<vmem>>
        %dma_start3A_1943 = arith.constant 0 : i32
        %dma_start3A_1944 = arith.constant 0 : i32
        %dma_start3A_1945 = tpu.memref_slice %arg3[%add3A, %dma_start3A_1943, %dma_start3A_1944] : memref<32x512x512xf32, #tpu.memory_space<hbm>> -> memref<1x512x128xf32, #tpu.memory_space<hbm>>
        %dma_start3A_1946 = tpu.memref_squeeze %dma_start3A_1945 : memref<1x512x128xf32, #tpu.memory_space<hbm>> -> memref<512x128xf32, #tpu.memory_space<hbm>>
        %dma_start3A_1947 = arith.constant 0 : i32
        %dma_start3A_1948 = arith.constant 0 : i32
        %dma_start3A_1949 = tpu.memref_slice %arg5[%dma_start3A_1947, %dma_start3A_1948] : memref<528x128xf32, #tpu.memory_space<vmem>> -> memref<512x128xf32, #tpu.memory_space<vmem>>
        %dma_start3A_1950 = arith.constant 0 : i32
        %dma_start3A_1951 = arith.constant 0 : i32
        %dma_start3A_1952 = tpu.memref_slice %arg3[%add3A, %dma_start3A_1950, %dma_start3A_1951] : memref<32x512x512xf32, #tpu.memory_space<hbm>> -> memref<1x512x128xf32, #tpu.memory_space<hbm>>
        %dma_start3A_1953 = tpu.memref_squeeze %dma_start3A_1952 : memref<1x512x128xf32, #tpu.memory_space<hbm>> -> memref<512x128xf32, #tpu.memory_space<hbm>>
        tpu.enqueue_dma source(%dma_start3A_1953 : memref<512x128xf32, #tpu.memory_space<hbm>>) target(%dma_start3A_1949 : memref<512x128xf32, #tpu.memory_space<vmem>>) target_semaphore(%arg10 : memref<!tpu.dma_semaphore, #tpu.memory_space<semaphore_mem>>)
        %dma_wait3A_1954 = arith.constant 0 : i32
        %dma_wait3A_1955 = arith.constant 0 : i32
        %dma_wait3A_1956 = tpu.memref_slice %arg5[%dma_wait3A_1954, %dma_wait3A_1955] : memref<528x128xf32, #tpu.memory_space<vmem>> -> memref<512x128xf32, #tpu.memory_space<vmem>>
        %dma_wait3A_1957 = arith.constant 0 : i32
        %dma_wait3A_1958 = arith.constant 0 : i32
        %dma_wait3A_1959 = tpu.memref_slice %arg3[%add3A, %dma_wait3A_1957, %dma_wait3A_1958] : memref<32x512x512xf32, #tpu.memory_space<hbm>> -> memref<1x512x128xf32, #tpu.memory_space<hbm>>
        %dma_wait3A_1960 = tpu.memref_squeeze %dma_wait3A_1959 : memref<1x512x128xf32, #tpu.memory_space<hbm>> -> memref<512x128xf32, #tpu.memory_space<hbm>>
        %dma_wait3A_1961 = arith.constant 0 : i32
        %dma_wait3A_1962 = arith.constant 0 : i32
        %dma_wait3A_1963 = tpu.memref_slice %arg5[%dma_wait3A_1961, %dma_wait3A_1962] : memref<528x128xf32, #tpu.memory_space<vmem>> -> memref<512x128xf32, #tpu.memory_space<vmem>>
        %dma_wait3A_1964 = arith.constant 0 : i32
        %dma_wait3A_1965 = arith.constant 0 : i32
        %dma_wait3A_1966 = tpu.memref_slice %arg3[%add3A, %dma_wait3A_1964, %dma_wait3A_1965] : memref<32x512x512xf32, #tpu.memory_space<hbm>> -> memref<1x512x128xf32, #tpu.memory_space<hbm>>
        %dma_wait3A_1967 = tpu.memref_squeeze %dma_wait3A_1966 : memref<1x512x128xf32, #tpu.memory_space<hbm>> -> memref<512x128xf32, #tpu.memory_space<hbm>>
        tpu.wait_dma2 semaphore(%arg10 : memref<!tpu.dma_semaphore, #tpu.memory_space<semaphore_mem>>) src(%dma_wait3A_1967 : memref<512x128xf32, #tpu.memory_space<hbm>>) dst(%dma_wait3A_1963 : memref<512x128xf32, #tpu.memory_space<vmem>>)
      } else {
      }
      %eq3A_1683 = arith.constant 4 : i32
      %eq3A_1684 = arith.cmpi eq, %scan3A_1680, %eq3A_1683 : i32
      %convert_element_type3A_1685 = arith.extui %eq3A_1684 : i1 to i32
      %cond3A_1686 = arith.constant 0 : i32
      %cond3A_1687 = arith.cmpi ne, %convert_element_type3A_1685, %cond3A_1686 : i32
      scf.if %cond3A_1687 {
        %dma_start3A_1940 = arith.constant 0 : i32
        %dma_start3A_1941 = arith.constant 0 : i32
        %dma_start3A_1942 = tpu.memref_slice %arg5[%dma_start3A_1940, %dma_start3A_1941] : memref<528x128xf32, #tpu.memory_space<vmem>> -> memref<400x128xf32, #tpu.memory_space<vmem>>
        %dma_start3A_1943 = arith.constant 0 : i32
        %dma_start3A_1944 = arith.constant 128 : i32
        %dma_start3A_1945 = tpu.memref_slice %arg3[%add3A, %dma_start3A_1943, %dma_start3A_1944] : memref<32x512x512xf32, #tpu.memory_space<hbm>> -> memref<1x400x128xf32, #tpu.memory_space<hbm>>
        %dma_start3A_1946 = tpu.memref_squeeze %dma_start3A_1945 : memref<1x400x128xf32, #tpu.memory_space<hbm>> -> memref<400x128xf32, #tpu.memory_space<hbm>>
        %dma_start3A_1947 = arith.constant 0 : i32
        %dma_start3A_1948 = arith.constant 0 : i32
        %dma_start3A_1949 = tpu.memref_slice %arg5[%dma_start3A_1947, %dma_start3A_1948] : memref<528x128xf32, #tpu.memory_space<vmem>> -> memref<400x128xf32, #tpu.memory_space<vmem>>
        %dma_start3A_1950 = arith.constant 0 : i32
        %dma_start3A_1951 = arith.constant 128 : i32
        %dma_start3A_1952 = tpu.memref_slice %arg3[%add3A, %dma_start3A_1950, %dma_start3A_1951] : memref<32x512x512xf32, #tpu.memory_space<hbm>> -> memref<1x400x128xf32, #tpu.memory_space<hbm>>
        %dma_start3A_1953 = tpu.memref_squeeze %dma_start3A_1952 : memref<1x400x128xf32, #tpu.memory_space<hbm>> -> memref<400x128xf32, #tpu.memory_space<hbm>>
        tpu.enqueue_dma source(%dma_start3A_1953 : memref<400x128xf32, #tpu.memory_space<hbm>>) target(%dma_start3A_1949 : memref<400x128xf32, #tpu.memory_space<vmem>>) target_semaphore(%arg10 : memref<!tpu.dma_semaphore, #tpu.memory_space<semaphore_mem>>)
        %dma_wait3A_1954 = arith.constant 0 : i32
        %dma_wait3A_1955 = arith.constant 0 : i32
        %dma_wait3A_1956 = tpu.memref_slice %arg5[%dma_wait3A_1954, %dma_wait3A_1955] : memref<528x128xf32, #tpu.memory_space<vmem>> -> memref<400x128xf32, #tpu.memory_space<vmem>>
        %dma_wait3A_1957 = arith.constant 0 : i32
        %dma_wait3A_1958 = arith.constant 0 : i32
        %dma_wait3A_1959 = tpu.memref_slice %arg3[%add3A, %dma_wait3A_1957, %dma_wait3A_1958] : memref<32x512x512xf32, #tpu.memory_space<hbm>> -> memref<1x400x128xf32, #tpu.memory_space<hbm>>
        %dma_wait3A_1960 = tpu.memref_squeeze %dma_wait3A_1959 : memref<1x400x128xf32, #tpu.memory_space<hbm>> -> memref<400x128xf32, #tpu.memory_space<hbm>>
        %dma_wait3A_1961 = arith.constant 0 : i32
        %dma_wait3A_1962 = arith.constant 0 : i32
        %dma_wait3A_1963 = tpu.memref_slice %arg5[%dma_wait3A_1961, %dma_wait3A_1962] : memref<528x128xf32, #tpu.memory_space<vmem>> -> memref<400x128xf32, #tpu.memory_space<vmem>>
        %dma_wait3A_1964 = arith.constant 0 : i32
        %dma_wait3A_1965 = arith.constant 0 : i32
        %dma_wait3A_1966 = tpu.memref_slice %arg3[%add3A, %dma_wait3A_1964, %dma_wait3A_1965] : memref<32x512x512xf32, #tpu.memory_space<hbm>> -> memref<1x400x128xf32, #tpu.memory_space<hbm>>
        %dma_wait3A_1967 = tpu.memref_squeeze %dma_wait3A_1966 : memref<1x400x128xf32, #tpu.memory_space<hbm>> -> memref<400x128xf32, #tpu.memory_space<hbm>>
        tpu.wait_dma2 semaphore(%arg10 : memref<!tpu.dma_semaphore, #tpu.memory_space<semaphore_mem>>) src(%dma_wait3A_1967 : memref<400x128xf32, #tpu.memory_space<hbm>>) dst(%dma_wait3A_1963 : memref<400x128xf32, #tpu.memory_space<vmem>>)
      } else {
      }
      %eq3A_1688 = arith.constant 8 : i32
      %eq3A_1689 = arith.cmpi eq, %scan3A_1680, %eq3A_1688 : i32
      %convert_element_type3A_1690 = arith.extui %eq3A_1689 : i1 to i32
      %cond3A_1691 = arith.constant 0 : i32
      %cond3A_1692 = arith.cmpi ne, %convert_element_type3A_1690, %cond3A_1691 : i32
      scf.if %cond3A_1692 {
        %dma_start3A_1940 = arith.constant 0 : i32
        %dma_start3A_1941 = arith.constant 0 : i32
        %dma_start3A_1942 = tpu.memref_slice %arg5[%dma_start3A_1940, %dma_start3A_1941] : memref<528x128xf32, #tpu.memory_space<vmem>> -> memref<272x128xf32, #tpu.memory_space<vmem>>
        %dma_start3A_1943 = arith.constant 0 : i32
        %dma_start3A_1944 = arith.constant 256 : i32
        %dma_start3A_1945 = tpu.memref_slice %arg3[%add3A, %dma_start3A_1943, %dma_start3A_1944] : memref<32x512x512xf32, #tpu.memory_space<hbm>> -> memref<1x272x128xf32, #tpu.memory_space<hbm>>
        %dma_start3A_1946 = tpu.memref_squeeze %dma_start3A_1945 : memref<1x272x128xf32, #tpu.memory_space<hbm>> -> memref<272x128xf32, #tpu.memory_space<hbm>>
        %dma_start3A_1947 = arith.constant 0 : i32
        %dma_start3A_1948 = arith.constant 0 : i32
        %dma_start3A_1949 = tpu.memref_slice %arg5[%dma_start3A_1947, %dma_start3A_1948] : memref<528x128xf32, #tpu.memory_space<vmem>> -> memref<272x128xf32, #tpu.memory_space<vmem>>
        %dma_start3A_1950 = arith.constant 0 : i32
        %dma_start3A_1951 = arith.constant 256 : i32
        %dma_start3A_1952 = tpu.memref_slice %arg3[%add3A, %dma_start3A_1950, %dma_start3A_1951] : memref<32x512x512xf32, #tpu.memory_space<hbm>> -> memref<1x272x128xf32, #tpu.memory_space<hbm>>
        %dma_start3A_1953 = tpu.memref_squeeze %dma_start3A_1952 : memref<1x272x128xf32, #tpu.memory_space<hbm>> -> memref<272x128xf32, #tpu.memory_space<hbm>>
        tpu.enqueue_dma source(%dma_start3A_1953 : memref<272x128xf32, #tpu.memory_space<hbm>>) target(%dma_start3A_1949 : memref<272x128xf32, #tpu.memory_space<vmem>>) target_semaphore(%arg10 : memref<!tpu.dma_semaphore, #tpu.memory_space<semaphore_mem>>)
        %dma_wait3A_1954 = arith.constant 0 : i32
        %dma_wait3A_1955 = arith.constant 0 : i32
        %dma_wait3A_1956 = tpu.memref_slice %arg5[%dma_wait3A_1954, %dma_wait3A_1955] : memref<528x128xf32, #tpu.memory_space<vmem>> -> memref<272x128xf32, #tpu.memory_space<vmem>>
        %dma_wait3A_1957 = arith.constant 0 : i32
        %dma_wait3A_1958 = arith.constant 0 : i32
        %dma_wait3A_1959 = tpu.memref_slice %arg3[%add3A, %dma_wait3A_1957, %dma_wait3A_1958] : memref<32x512x512xf32, #tpu.memory_space<hbm>> -> memref<1x272x128xf32, #tpu.memory_space<hbm>>
        %dma_wait3A_1960 = tpu.memref_squeeze %dma_wait3A_1959 : memref<1x272x128xf32, #tpu.memory_space<hbm>> -> memref<272x128xf32, #tpu.memory_space<hbm>>
        %dma_wait3A_1961 = arith.constant 0 : i32
        %dma_wait3A_1962 = arith.constant 0 : i32
        %dma_wait3A_1963 = tpu.memref_slice %arg5[%dma_wait3A_1961, %dma_wait3A_1962] : memref<528x128xf32, #tpu.memory_space<vmem>> -> memref<272x128xf32, #tpu.memory_space<vmem>>
        %dma_wait3A_1964 = arith.constant 0 : i32
        %dma_wait3A_1965 = arith.constant 0 : i32
        %dma_wait3A_1966 = tpu.memref_slice %arg3[%add3A, %dma_wait3A_1964, %dma_wait3A_1965] : memref<32x512x512xf32, #tpu.memory_space<hbm>> -> memref<1x272x128xf32, #tpu.memory_space<hbm>>
        %dma_wait3A_1967 = tpu.memref_squeeze %dma_wait3A_1966 : memref<1x272x128xf32, #tpu.memory_space<hbm>> -> memref<272x128xf32, #tpu.memory_space<hbm>>
        tpu.wait_dma2 semaphore(%arg10 : memref<!tpu.dma_semaphore, #tpu.memory_space<semaphore_mem>>) src(%dma_wait3A_1967 : memref<272x128xf32, #tpu.memory_space<hbm>>) dst(%dma_wait3A_1963 : memref<272x128xf32, #tpu.memory_space<vmem>>)
      } else {
      }
      %eq3A_1693 = arith.constant 12 : i32
      %eq3A_1694 = arith.cmpi eq, %scan3A_1680, %eq3A_1693 : i32
      %convert_element_type3A_1695 = arith.extui %eq3A_1694 : i1 to i32
      %cond3A_1696 = arith.constant 0 : i32
      %cond3A_1697 = arith.cmpi ne, %convert_element_type3A_1695, %cond3A_1696 : i32
      scf.if %cond3A_1697 {
        %dma_start3A_1940 = arith.constant 0 : i32
        %dma_start3A_1941 = arith.constant 0 : i32
        %dma_start3A_1942 = tpu.memref_slice %arg5[%dma_start3A_1940, %dma_start3A_1941] : memref<528x128xf32, #tpu.memory_space<vmem>> -> memref<144x128xf32, #tpu.memory_space<vmem>>
        %dma_start3A_1943 = arith.constant 0 : i32
        %dma_start3A_1944 = arith.constant 384 : i32
        %dma_start3A_1945 = tpu.memref_slice %arg3[%add3A, %dma_start3A_1943, %dma_start3A_1944] : memref<32x512x512xf32, #tpu.memory_space<hbm>> -> memref<1x144x128xf32, #tpu.memory_space<hbm>>
        %dma_start3A_1946 = tpu.memref_squeeze %dma_start3A_1945 : memref<1x144x128xf32, #tpu.memory_space<hbm>> -> memref<144x128xf32, #tpu.memory_space<hbm>>
        %dma_start3A_1947 = arith.constant 0 : i32
        %dma_start3A_1948 = arith.constant 0 : i32
        %dma_start3A_1949 = tpu.memref_slice %arg5[%dma_start3A_1947, %dma_start3A_1948] : memref<528x128xf32, #tpu.memory_space<vmem>> -> memref<144x128xf32, #tpu.memory_space<vmem>>
        %dma_start3A_1950 = arith.constant 0 : i32
        %dma_start3A_1951 = arith.constant 384 : i32
        %dma_start3A_1952 = tpu.memref_slice %arg3[%add3A, %dma_start3A_1950, %dma_start3A_1951] : memref<32x512x512xf32, #tpu.memory_space<hbm>> -> memref<1x144x128xf32, #tpu.memory_space<hbm>>
        %dma_start3A_1953 = tpu.memref_squeeze %dma_start3A_1952 : memref<1x144x128xf32, #tpu.memory_space<hbm>> -> memref<144x128xf32, #tpu.memory_space<hbm>>
        tpu.enqueue_dma source(%dma_start3A_1953 : memref<144x128xf32, #tpu.memory_space<hbm>>) target(%dma_start3A_1949 : memref<144x128xf32, #tpu.memory_space<vmem>>) target_semaphore(%arg10 : memref<!tpu.dma_semaphore, #tpu.memory_space<semaphore_mem>>)
        %dma_wait3A_1954 = arith.constant 0 : i32
        %dma_wait3A_1955 = arith.constant 0 : i32
        %dma_wait3A_1956 = tpu.memref_slice %arg5[%dma_wait3A_1954, %dma_wait3A_1955] : memref<528x128xf32, #tpu.memory_space<vmem>> -> memref<144x128xf32, #tpu.memory_space<vmem>>
        %dma_wait3A_1957 = arith.constant 0 : i32
        %dma_wait3A_1958 = arith.constant 0 : i32
        %dma_wait3A_1959 = tpu.memref_slice %arg3[%add3A, %dma_wait3A_1957, %dma_wait3A_1958] : memref<32x512x512xf32, #tpu.memory_space<hbm>> -> memref<1x144x128xf32, #tpu.memory_space<hbm>>
        %dma_wait3A_1960 = tpu.memref_squeeze %dma_wait3A_1959 : memref<1x144x128xf32, #tpu.memory_space<hbm>> -> memref<144x128xf32, #tpu.memory_space<hbm>>
        %dma_wait3A_1961 = arith.constant 0 : i32
        %dma_wait3A_1962 = arith.constant 0 : i32
        %dma_wait3A_1963 = tpu.memref_slice %arg5[%dma_wait3A_1961, %dma_wait3A_1962] : memref<528x128xf32, #tpu.memory_space<vmem>> -> memref<144x128xf32, #tpu.memory_space<vmem>>
        %dma_wait3A_1964 = arith.constant 0 : i32
        %dma_wait3A_1965 = arith.constant 0 : i32
        %dma_wait3A_1966 = tpu.memref_slice %arg3[%add3A, %dma_wait3A_1964, %dma_wait3A_1965] : memref<32x512x512xf32, #tpu.memory_space<hbm>> -> memref<1x144x128xf32, #tpu.memory_space<hbm>>
        %dma_wait3A_1967 = tpu.memref_squeeze %dma_wait3A_1966 : memref<1x144x128xf32, #tpu.memory_space<hbm>> -> memref<144x128xf32, #tpu.memory_space<hbm>>
        tpu.wait_dma2 semaphore(%arg10 : memref<!tpu.dma_semaphore, #tpu.memory_space<semaphore_mem>>) src(%dma_wait3A_1967 : memref<144x128xf32, #tpu.memory_space<hbm>>) dst(%dma_wait3A_1963 : memref<144x128xf32, #tpu.memory_space<vmem>>)
      } else {
      }
      %mul3A_1698 = arith.constant 2 : i32
      %mul3A_1699 = arith.muli %mul3A_1698, %scan3A_1680 : i32
      %add3A_1700 = arith.constant 0 : i32
      %add3A_1701 = arith.addi %mul3A_1699, %add3A_1700 : i32
      %dma_wait3A_1702 = arith.constant 0 : i32
      %dma_wait3A_1703 = arith.constant 0 : i32
      %dma_wait3A_1704 = tpu.memref_slice %arg6[%dma_wait3A_1702, %dma_wait3A_1703] : memref<80x128xf32, #tpu.memory_space<vmem>> -> memref<16x128xf32, #tpu.memory_space<vmem>>
      %dma_wait3A_1705 = arith.constant 0 : i32
      %dma_wait3A_1706 = arith.constant 0 : i32
      %dma_wait3A_1707 = tpu.memref_slice %arg2[%add3A, %dma_wait3A_1705, %dma_wait3A_1706] : memref<32x512x512xf32, #tpu.memory_space<hbm>> -> memref<1x16x128xf32, #tpu.memory_space<hbm>>
      %dma_wait3A_1708 = tpu.memref_squeeze %dma_wait3A_1707 : memref<1x16x128xf32, #tpu.memory_space<hbm>> -> memref<16x128xf32, #tpu.memory_space<hbm>>
      %dma_wait3A_1709 = arith.constant 0 : i32
      %dma_wait3A_1710 = arith.constant 0 : i32
      %dma_wait3A_1711 = tpu.memref_slice %arg6[%dma_wait3A_1709, %dma_wait3A_1710] : memref<80x128xf32, #tpu.memory_space<vmem>> -> memref<16x128xf32, #tpu.memory_space<vmem>>
      %dma_wait3A_1712 = arith.constant 0 : i32
      %dma_wait3A_1713 = arith.constant 0 : i32
      %dma_wait3A_1714 = tpu.memref_slice %arg2[%add3A, %dma_wait3A_1712, %dma_wait3A_1713] : memref<32x512x512xf32, #tpu.memory_space<hbm>> -> memref<1x16x128xf32, #tpu.memory_space<hbm>>
      %dma_wait3A_1715 = tpu.memref_squeeze %dma_wait3A_1714 : memref<1x16x128xf32, #tpu.memory_space<hbm>> -> memref<16x128xf32, #tpu.memory_space<hbm>>
      tpu.wait_dma2 semaphore(%arg11 : memref<!tpu.dma_semaphore, #tpu.memory_space<semaphore_mem>>) src(%dma_wait3A_1715 : memref<16x128xf32, #tpu.memory_space<hbm>>) dst(%dma_wait3A_1711 : memref<16x128xf32, #tpu.memory_space<vmem>>)
      %dma_wait3A_1716 = arith.constant 16 : i32
      %dma_wait3A_1717 = arith.constant 0 : i32
      %dma_wait3A_1718 = tpu.memref_slice %arg6[%dma_wait3A_1716, %dma_wait3A_1717] : memref<80x128xf32, #tpu.memory_space<vmem>> -> memref<16x128xf32, #tpu.memory_space<vmem>>
      %dma_wait3A_1719 = arith.constant 0 : i32
      %dma_wait3A_1720 = arith.constant 128 : i32
      %dma_wait3A_1721 = tpu.memref_slice %arg2[%add3A, %dma_wait3A_1719, %dma_wait3A_1720] : memref<32x512x512xf32, #tpu.memory_space<hbm>> -> memref<1x16x128xf32, #tpu.memory_space<hbm>>
      %dma_wait3A_1722 = tpu.memref_squeeze %dma_wait3A_1721 : memref<1x16x128xf32, #tpu.memory_space<hbm>> -> memref<16x128xf32, #tpu.memory_space<hbm>>
      %dma_wait3A_1723 = arith.constant 16 : i32
      %dma_wait3A_1724 = arith.constant 0 : i32
      %dma_wait3A_1725 = tpu.memref_slice %arg6[%dma_wait3A_1723, %dma_wait3A_1724] : memref<80x128xf32, #tpu.memory_space<vmem>> -> memref<16x128xf32, #tpu.memory_space<vmem>>
      %dma_wait3A_1726 = arith.constant 0 : i32
      %dma_wait3A_1727 = arith.constant 128 : i32
      %dma_wait3A_1728 = tpu.memref_slice %arg2[%add3A, %dma_wait3A_1726, %dma_wait3A_1727] : memref<32x512x512xf32, #tpu.memory_space<hbm>> -> memref<1x16x128xf32, #tpu.memory_space<hbm>>
      %dma_wait3A_1729 = tpu.memref_squeeze %dma_wait3A_1728 : memref<1x16x128xf32, #tpu.memory_space<hbm>> -> memref<16x128xf32, #tpu.memory_space<hbm>>
      tpu.wait_dma2 semaphore(%arg11 : memref<!tpu.dma_semaphore, #tpu.memory_space<semaphore_mem>>) src(%dma_wait3A_1729 : memref<16x128xf32, #tpu.memory_space<hbm>>) dst(%dma_wait3A_1725 : memref<16x128xf32, #tpu.memory_space<vmem>>)
      %dma_wait3A_1730 = arith.constant 32 : i32
      %dma_wait3A_1731 = arith.constant 0 : i32
      %dma_wait3A_1732 = tpu.memref_slice %arg6[%dma_wait3A_1730, %dma_wait3A_1731] : memref<80x128xf32, #tpu.memory_space<vmem>> -> memref<16x128xf32, #tpu.memory_space<vmem>>
      %dma_wait3A_1733 = arith.constant 0 : i32
      %dma_wait3A_1734 = arith.constant 256 : i32
      %dma_wait3A_1735 = tpu.memref_slice %arg2[%add3A, %dma_wait3A_1733, %dma_wait3A_1734] : memref<32x512x512xf32, #tpu.memory_space<hbm>> -> memref<1x16x128xf32, #tpu.memory_space<hbm>>
      %dma_wait3A_1736 = tpu.memref_squeeze %dma_wait3A_1735 : memref<1x16x128xf32, #tpu.memory_space<hbm>> -> memref<16x128xf32, #tpu.memory_space<hbm>>
      %dma_wait3A_1737 = arith.constant 32 : i32
      %dma_wait3A_1738 = arith.constant 0 : i32
      %dma_wait3A_1739 = tpu.memref_slice %arg6[%dma_wait3A_1737, %dma_wait3A_1738] : memref<80x128xf32, #tpu.memory_space<vmem>> -> memref<16x128xf32, #tpu.memory_space<vmem>>
      %dma_wait3A_1740 = arith.constant 0 : i32
      %dma_wait3A_1741 = arith.constant 256 : i32
      %dma_wait3A_1742 = tpu.memref_slice %arg2[%add3A, %dma_wait3A_1740, %dma_wait3A_1741] : memref<32x512x512xf32, #tpu.memory_space<hbm>> -> memref<1x16x128xf32, #tpu.memory_space<hbm>>
      %dma_wait3A_1743 = tpu.memref_squeeze %dma_wait3A_1742 : memref<1x16x128xf32, #tpu.memory_space<hbm>> -> memref<16x128xf32, #tpu.memory_space<hbm>>
      tpu.wait_dma2 semaphore(%arg11 : memref<!tpu.dma_semaphore, #tpu.memory_space<semaphore_mem>>) src(%dma_wait3A_1743 : memref<16x128xf32, #tpu.memory_space<hbm>>) dst(%dma_wait3A_1739 : memref<16x128xf32, #tpu.memory_space<vmem>>)
      %dma_wait3A_1744 = arith.constant 48 : i32
      %dma_wait3A_1745 = arith.constant 0 : i32
      %dma_wait3A_1746 = tpu.memref_slice %arg6[%dma_wait3A_1744, %dma_wait3A_1745] : memref<80x128xf32, #tpu.memory_space<vmem>> -> memref<16x128xf32, #tpu.memory_space<vmem>>
      %dma_wait3A_1747 = arith.constant 0 : i32
      %dma_wait3A_1748 = arith.constant 384 : i32
      %dma_wait3A_1749 = tpu.memref_slice %arg2[%add3A, %dma_wait3A_1747, %dma_wait3A_1748] : memref<32x512x512xf32, #tpu.memory_space<hbm>> -> memref<1x16x128xf32, #tpu.memory_space<hbm>>
      %dma_wait3A_1750 = tpu.memref_squeeze %dma_wait3A_1749 : memref<1x16x128xf32, #tpu.memory_space<hbm>> -> memref<16x128xf32, #tpu.memory_space<hbm>>
      %dma_wait3A_1751 = arith.constant 48 : i32
      %dma_wait3A_1752 = arith.constant 0 : i32
      %dma_wait3A_1753 = tpu.memref_slice %arg6[%dma_wait3A_1751, %dma_wait3A_1752] : memref<80x128xf32, #tpu.memory_space<vmem>> -> memref<16x128xf32, #tpu.memory_space<vmem>>
      %dma_wait3A_1754 = arith.constant 0 : i32
      %dma_wait3A_1755 = arith.constant 384 : i32
      %dma_wait3A_1756 = tpu.memref_slice %arg2[%add3A, %dma_wait3A_1754, %dma_wait3A_1755] : memref<32x512x512xf32, #tpu.memory_space<hbm>> -> memref<1x16x128xf32, #tpu.memory_space<hbm>>
      %dma_wait3A_1757 = tpu.memref_squeeze %dma_wait3A_1756 : memref<1x16x128xf32, #tpu.memory_space<hbm>> -> memref<16x128xf32, #tpu.memory_space<hbm>>
      tpu.wait_dma2 semaphore(%arg11 : memref<!tpu.dma_semaphore, #tpu.memory_space<semaphore_mem>>) src(%dma_wait3A_1757 : memref<16x128xf32, #tpu.memory_space<hbm>>) dst(%dma_wait3A_1753 : memref<16x128xf32, #tpu.memory_space<vmem>>)
      %gt3A = arith.constant 0 : i32
      %gt3A_1758 = arith.cmpi sgt, %scan3A_1680, %gt3A : i32
      %convert_element_type3A_1759 = arith.extui %gt3A_1758 : i1 to i32
      %cond3A_1760 = arith.constant 0 : i32
      %cond3A_1761 = arith.cmpi ne, %convert_element_type3A_1759, %cond3A_1760 : i32
      scf.if %cond3A_1761 {
        %dma_wait3A_1940 = arith.constant 0 : i32
        %dma_wait3A_1941 = arith.constant 0 : i32
        %dma_wait3A_1942 = tpu.memref_slice %arg8[%dma_wait3A_1940, %dma_wait3A_1941] : memref<17x544xf32, #tpu.memory_space<vmem>> -> memref<16x544xf32, #tpu.memory_space<vmem>>
        %dma_wait3A_1943 = arith.constant 0 : i32
        %dma_wait3A_1944 = arith.constant 0 : i32
        %dma_wait3A_1945 = tpu.memref_slice %arg4[%add3A, %dma_wait3A_1943, %dma_wait3A_1944] : memref<32x512x544xf32, #tpu.memory_space<hbm>> -> memref<1x16x544xf32, #tpu.memory_space<hbm>>
        %dma_wait3A_1946 = tpu.memref_squeeze %dma_wait3A_1945 : memref<1x16x544xf32, #tpu.memory_space<hbm>> -> memref<16x544xf32, #tpu.memory_space<hbm>>
        %dma_wait3A_1947 = arith.constant 0 : i32
        %dma_wait3A_1948 = arith.constant 0 : i32
        %dma_wait3A_1949 = tpu.memref_slice %arg4[%add3A, %dma_wait3A_1947, %dma_wait3A_1948] : memref<32x512x544xf32, #tpu.memory_space<hbm>> -> memref<1x16x544xf32, #tpu.memory_space<hbm>>
        %dma_wait3A_1950 = tpu.memref_squeeze %dma_wait3A_1949 : memref<1x16x544xf32, #tpu.memory_space<hbm>> -> memref<16x544xf32, #tpu.memory_space<hbm>>
        %dma_wait3A_1951 = arith.constant 0 : i32
        %dma_wait3A_1952 = arith.constant 0 : i32
        %dma_wait3A_1953 = tpu.memref_slice %arg8[%dma_wait3A_1951, %dma_wait3A_1952] : memref<17x544xf32, #tpu.memory_space<vmem>> -> memref<16x544xf32, #tpu.memory_space<vmem>>
        tpu.wait_dma2 semaphore(%arg13 : memref<!tpu.dma_semaphore, #tpu.memory_space<semaphore_mem>>) src(%dma_wait3A_1953 : memref<16x544xf32, #tpu.memory_space<vmem>>) dst(%dma_wait3A_1950 : memref<16x544xf32, #tpu.memory_space<hbm>>)
      } else {
      }
      %shift_right_arithmetic3A = arith.constant 3 : i32
      %shift_right_arithmetic3A_1762 = arith.shrsi %add3A_1701, %shift_right_arithmetic3A : i32
      %mul3A_1763 = arith.constant 128 : i32
      %mul3A_1764 = arith.muli %mul3A_1763, %shift_right_arithmetic3A_1762 : i32
      %sub3A = arith.constant 384 : i32
      %sub3A_1765 = arith.subi %sub3A, %mul3A_1764 : i32
      %and3A = arith.constant 7 : i32
      %and3A_1766 = arith.andi %add3A_1701, %and3A : i32
      %mul3A_1767 = arith.constant 16 : i32
      %mul3A_1768 = arith.muli %mul3A_1767, %and3A_1766 : i32
      %add3A_1769 = arith.addi %sub3A_1765, %mul3A_1768 : i32
      %jit3A = arith.constant 16 : i32
      %div3A = arith.divsi %add3A_1769, %jit3A : i32
      %sign3A = arith.constant 0 : i32
      %sign3A_1770 = arith.cmpi sgt, %add3A_1769, %sign3A : i32
      %sign3A_1771 = arith.extui %sign3A_1770 : i1 to i32
      %sign3A_1772 = arith.constant 0 : i32
      %sign3A_1773 = arith.cmpi slt, %add3A_1769, %sign3A_1772 : i32
      %sign3A_1774 = arith.extui %sign3A_1773 : i1 to i32
      %sign3A_1775 = arith.subi %sign3A_1771, %sign3A_1774 : i32
      %sign3A_1776 = arith.constant 0 : i32
      %sign3A_1777 = arith.cmpi sgt, %jit3A, %sign3A_1776 : i32
      %sign3A_1778 = arith.extui %sign3A_1777 : i1 to i32
      %sign3A_1779 = arith.constant 0 : i32
      %sign3A_1780 = arith.cmpi slt, %jit3A, %sign3A_1779 : i32
      %sign3A_1781 = arith.extui %sign3A_1780 : i1 to i32
      %sign3A_1782 = arith.subi %sign3A_1778, %sign3A_1781 : i32
      %ne3A = arith.cmpi ne, %sign3A_1775, %sign3A_1782 : i32
      %rem3A = arith.remsi %add3A_1769, %jit3A : i32
      %ne3A_1783 = arith.constant 0 : i32
      %ne3A_1784 = arith.cmpi ne, %rem3A, %ne3A_1783 : i32
      %and3A_1785 = arith.andi %ne3A, %ne3A_1784 : i1
      %sub3A_1786 = arith.constant 1 : i32
      %sub3A_1787 = arith.subi %div3A, %sub3A_1786 : i32
      %select_n3A = arith.select %and3A_1785, %sub3A_1787, %div3A : i32
      %sub3A_1788 = arith.constant 511 : i32
      %sub3A_1789 = arith.subi %sub3A_1788, %add3A_1769 : i32
      %shift_right_arithmetic3A_1790 = arith.constant 3 : i32
      %shift_right_arithmetic3A_1791 = arith.shrsi %add3A_1701, %shift_right_arithmetic3A_1790 : i32
      %mul3A_1792 = arith.constant 128 : i32
      %mul3A_1793 = arith.muli %mul3A_1792, %shift_right_arithmetic3A_1791 : i32
      %sub3A_1794 = arith.subi %sub3A_1789, %mul3A_1793 : i32
      %parallel_loop3A = arith.constant 0 : i32
      %parallel_loop3A_1795 = arith.constant 16 : i32
      %parallel_loop3A_1796 = arith.constant 1 : i32
      scf.for %parallel_loop3A_1940 = %parallel_loop3A to %parallel_loop3A_1795 step %parallel_loop3A_1796  : i32 {
        %parallel_loop3A_1941 = arith.addi %add3A_1769, %parallel_loop3A_1940 : i32
        %parallel_loop3A_1942 = arith.subi %sub3A_1794, %parallel_loop3A_1940 : i32
        %parallel_loop3A_1943 = arith.constant 0 : i32
        %parallel_loop3A_1944 = vector.broadcast %parallel_loop3A_1943 : i32 to vector<16xi32>
        %parallel_loop3A_1945 = arith.muli %iota3A, %parallel_loop3A_1944 : vector<16xi32>
        %parallel_loop3A_1946 = vector.broadcast %parallel_loop3A_1942 : i32 to vector<16xi32>
        %parallel_loop3A_1947 = arith.addi %parallel_loop3A_1946, %parallel_loop3A_1945 : vector<16xi32>
        %parallel_loop3A_1948 = arith.constant 0 : i32
        %parallel_loop3A_1949 = vector.broadcast %parallel_loop3A_1948 : i32 to vector<16xi32>
        %parallel_loop3A_1950 = arith.muli %iota3A, %parallel_loop3A_1949 : vector<16xi32>
        %parallel_loop3A_1951 = vector.broadcast %parallel_loop3A_1940 : i32 to vector<16xi32>
        %parallel_loop3A_1952 = arith.addi %parallel_loop3A_1951, %parallel_loop3A_1950 : vector<16xi32>
        %parallel_loop3A_1953 = arith.constant 1 : i32
        %parallel_loop3A_1954 = arith.addi %select_n3A, %parallel_loop3A_1953 : i32
        %parallel_loop3A_1955 = arith.constant 16 : i32
        %parallel_loop3A_1956 = arith.addi %parallel_loop3A_1955, %parallel_loop3A_1941 : i32
        %parallel_loop3A_1957 = vector.broadcast %parallel_loop3A_1956 : i32 to vector<16xi32>
        %parallel_loop3A_1958 = arith.subi %parallel_loop3A_1957, %iota3A : vector<16xi32>
        %parallel_loop3A_1959 = arith.constant 0 : i32
        %parallel_loop3A_1960 = arith.constant 1 : i32
        %parallel_loop3A_1961 = scf.for %parallel_loop3A_2000 = %parallel_loop3A_1959 to %parallel_loop3A_1954 step %parallel_loop3A_1960 iter_args(%parallel_loop3A_2001 = %parallel_loop3A_1958) -> (vector<16xi32>)  : i32 {
          %parallel_loop3A_2002 = tpu.vector_load_idx %arg5[%parallel_loop3A_2001, %parallel_loop3A_1947] : memref<528x128xf32, #tpu.memory_space<vmem>>[vector<16xi32>, vector<16xi32>], vector<16xf32>,
          %parallel_loop3A_2003 = arith.constant 16 : i32
          %parallel_loop3A_2004 = arith.muli %parallel_loop3A_2000, %parallel_loop3A_2003 : i32
          %parallel_loop3A_2005 = arith.index_cast %parallel_loop3A_1940 : i32 to index
          %parallel_loop3A_2006 = arith.index_cast %parallel_loop3A_2004 : i32 to index
          %parallel_loop3A_2007 = tpu.vector_load %arg8[%parallel_loop3A_2005, %parallel_loop3A_2006] {strides = array<i32>} : memref<17x544xf32, #tpu.memory_space<vmem>>, vector<16xf32>,
          tpu.vector_store %arg8[%parallel_loop3A_2005, %parallel_loop3A_2006], %parallel_loop3A_2002 {strides = array<i32>} : memref<17x544xf32, #tpu.memory_space<vmem>>, vector<16xf32>,
          %parallel_loop3A_2008 = arith.constant 16 : i32
          %parallel_loop3A_2009 = vector.broadcast %parallel_loop3A_2008 : i32 to vector<16xi32>
          %parallel_loop3A_2010 = arith.subi %parallel_loop3A_2001, %parallel_loop3A_2009 : vector<16xi32>
          scf.yield %parallel_loop3A_2010 : vector<16xi32>
        } {sc.loop_unroll_factor = 8 : i64, sc.parallel_access}
        %parallel_loop3A_1962 = arith.subi %parallel_loop3A_1952, %iota3A : vector<16xi32>
        %parallel_loop3A_1963 = arith.constant 0 : i32
        %parallel_loop3A_1964 = vector.broadcast %parallel_loop3A_1963 : i32 to vector<16xi32>
        %parallel_loop3A_1965 = arith.maxsi %parallel_loop3A_1962, %parallel_loop3A_1964 : vector<16xi32>
        %parallel_loop3A_1966 = tpu.vector_load_idx %arg5[%parallel_loop3A_1965, %parallel_loop3A_1947] : memref<528x128xf32, #tpu.memory_space<vmem>>[vector<16xi32>, vector<16xi32>], vector<16xf32>,
        %parallel_loop3A_1967 = vector.broadcast %parallel_loop3A_1940 : i32 to vector<16xi32>
        %parallel_loop3A_1968 = arith.subi %iota3A, %parallel_loop3A_1967 : vector<16xi32>
        %parallel_loop3A_1969 = arith.constant 1 : i32
        %parallel_loop3A_1970 = vector.broadcast %parallel_loop3A_1969 : i32 to vector<16xi32>
        %parallel_loop3A_1971 = arith.subi %parallel_loop3A_1968, %parallel_loop3A_1970 : vector<16xi32>
        %parallel_loop3A_1972 = arith.constant 0 : i32
        %parallel_loop3A_1973 = vector.broadcast %parallel_loop3A_1972 : i32 to vector<16xi32>
        %parallel_loop3A_1974 = arith.maxsi %parallel_loop3A_1971, %parallel_loop3A_1973 : vector<16xi32>
        %parallel_loop3A_1975 = tpu.vector_load_idx %arg6[%parallel_loop3A_1952, %parallel_loop3A_1974] : memref<80x128xf32, #tpu.memory_space<vmem>>[vector<16xi32>, vector<16xi32>], vector<16xf32>,
        %parallel_loop3A_1976 = arith.constant 0 : i32
        %parallel_loop3A_1977 = vector.broadcast %parallel_loop3A_1976 : i32 to vector<16xi32>
        %parallel_loop3A_1978 = arith.cmpi sge, %parallel_loop3A_1962, %parallel_loop3A_1977 : vector<16xi32>
        %parallel_loop3A_1979 = arith.select %parallel_loop3A_1978, %parallel_loop3A_1966, %parallel_loop3A_1975 : vector<16xi1>, vector<16xf32>
        %parallel_loop3A_1980 = arith.constant 1 : i32
        %parallel_loop3A_1981 = arith.addi %select_n3A, %parallel_loop3A_1980 : i32
        %parallel_loop3A_1982 = arith.constant 16 : i32
        %parallel_loop3A_1983 = arith.muli %parallel_loop3A_1981, %parallel_loop3A_1982 : i32
        %parallel_loop3A_1984 = arith.index_cast %parallel_loop3A_1940 : i32 to index
        %parallel_loop3A_1985 = arith.index_cast %parallel_loop3A_1983 : i32 to index
        %parallel_loop3A_1986 = tpu.vector_load %arg8[%parallel_loop3A_1984, %parallel_loop3A_1985] {strides = array<i32>} : memref<17x544xf32, #tpu.memory_space<vmem>>, vector<16xf32>,
        tpu.vector_store %arg8[%parallel_loop3A_1984, %parallel_loop3A_1985], %parallel_loop3A_1979 {strides = array<i32>} : memref<17x544xf32, #tpu.memory_space<vmem>>, vector<16xf32>,
        %parallel_loop3A_1987 = arith.constant 15 : i32
        %parallel_loop3A_1988 = arith.subi %parallel_loop3A_1987, %parallel_loop3A_1940 : i32
        %parallel_loop3A_1989 = arith.constant 2 : i32
        %parallel_loop3A_1990 = arith.addi %select_n3A, %parallel_loop3A_1989 : i32
        %parallel_loop3A_1991 = arith.constant 16 : i32
        %parallel_loop3A_1992 = arith.muli %parallel_loop3A_1990, %parallel_loop3A_1991 : i32
        %parallel_loop3A_1993 = arith.subi %parallel_loop3A_1988, %parallel_loop3A_1992 : i32
        %parallel_loop3A_1994 = vector.broadcast %parallel_loop3A_1993 : i32 to vector<16xi32>
        %parallel_loop3A_1995 = arith.addi %parallel_loop3A_1994, %iota3A : vector<16xi32>
        %parallel_loop3A_1996 = arith.constant 2 : i32
        %parallel_loop3A_1997 = arith.addi %select_n3A, %parallel_loop3A_1996 : i32
        %parallel_loop3A_1998 = arith.constant 34 : i32
        %parallel_loop3A_1999 = arith.constant 1 : i32
        scf.for %parallel_loop3A_2000 = %parallel_loop3A_1997 to %parallel_loop3A_1998 step %parallel_loop3A_1999  : i32 {
          %parallel_loop3A_2001 = arith.constant 16 : i32
          %parallel_loop3A_2002 = arith.muli %parallel_loop3A_2000, %parallel_loop3A_2001 : i32
          %parallel_loop3A_2003 = vector.broadcast %parallel_loop3A_2002 : i32 to vector<16xi32>
          %parallel_loop3A_2004 = arith.addi %parallel_loop3A_1995, %parallel_loop3A_2003 : vector<16xi32>
          %parallel_loop3A_2005 = arith.constant 7 : i32
          %parallel_loop3A_2006 = vector.broadcast %parallel_loop3A_2005 : i32 to vector<16xi32>
          %parallel_loop3A_2007 = arith.shrsi %parallel_loop3A_2004, %parallel_loop3A_2006 : vector<16xi32>
          %parallel_loop3A_2008 = arith.constant 4 : i32
          %parallel_loop3A_2009 = vector.broadcast %parallel_loop3A_2008 : i32 to vector<16xi32>
          %parallel_loop3A_2010 = arith.shli %parallel_loop3A_2007, %parallel_loop3A_2009 : vector<16xi32>
          %parallel_loop3A_2011 = arith.addi %parallel_loop3A_2010, %parallel_loop3A_1952 : vector<16xi32>
          %parallel_loop3A_2012 = arith.constant 127 : i32
          %parallel_loop3A_2013 = vector.broadcast %parallel_loop3A_2012 : i32 to vector<16xi32>
          %parallel_loop3A_2014 = arith.andi %parallel_loop3A_2004, %parallel_loop3A_2013 : vector<16xi32>
          %parallel_loop3A_2015 = tpu.vector_load_idx %arg6[%parallel_loop3A_2011, %parallel_loop3A_2014] : memref<80x128xf32, #tpu.memory_space<vmem>>[vector<16xi32>, vector<16xi32>], vector<16xf32>,
          %parallel_loop3A_2016 = arith.constant 16 : i32
          %parallel_loop3A_2017 = arith.muli %parallel_loop3A_2000, %parallel_loop3A_2016 : i32
          %parallel_loop3A_2018 = arith.index_cast %parallel_loop3A_1940 : i32 to index
          %parallel_loop3A_2019 = arith.index_cast %parallel_loop3A_2017 : i32 to index
          %parallel_loop3A_2020 = tpu.vector_load %arg8[%parallel_loop3A_2018, %parallel_loop3A_2019] {strides = array<i32>} : memref<17x544xf32, #tpu.memory_space<vmem>>, vector<16xf32>,
          tpu.vector_store %arg8[%parallel_loop3A_2018, %parallel_loop3A_2019], %parallel_loop3A_2015 {strides = array<i32>} : memref<17x544xf32, #tpu.memory_space<vmem>>, vector<16xf32>,
        } {sc.loop_unroll_factor = 8 : i64, sc.parallel_access}
      } {sc.loop_unroll_factor = 2 : i64, sc.parallel_access}
      %dma_start3A_1797 = arith.constant 0 : i32
      %dma_start3A_1798 = arith.constant 0 : i32
      %dma_start3A_1799 = tpu.memref_slice %arg8[%dma_start3A_1797, %dma_start3A_1798] : memref<17x544xf32, #tpu.memory_space<vmem>> -> memref<16x544xf32, #tpu.memory_space<vmem>>
      %dma_start3A_1800 = arith.constant 0 : i32
      %dma_start3A_1801 = tpu.memref_slice %arg4[%add3A, %add3A_1769, %dma_start3A_1800] : memref<32x512x544xf32, #tpu.memory_space<hbm>> -> memref<1x16x544xf32, #tpu.memory_space<hbm>>
      %dma_start3A_1802 = tpu.memref_squeeze %dma_start3A_1801 : memref<1x16x544xf32, #tpu.memory_space<hbm>> -> memref<16x544xf32, #tpu.memory_space<hbm>>
      %dma_start3A_1803 = arith.constant 0 : i32
      %dma_start3A_1804 = tpu.memref_slice %arg4[%add3A, %add3A_1769, %dma_start3A_1803] : memref<32x512x544xf32, #tpu.memory_space<hbm>> -> memref<1x16x544xf32, #tpu.memory_space<hbm>>
      %dma_start3A_1805 = tpu.memref_squeeze %dma_start3A_1804 : memref<1x16x544xf32, #tpu.memory_space<hbm>> -> memref<16x544xf32, #tpu.memory_space<hbm>>
      %dma_start3A_1806 = arith.constant 0 : i32
      %dma_start3A_1807 = arith.constant 0 : i32
      %dma_start3A_1808 = tpu.memref_slice %arg8[%dma_start3A_1806, %dma_start3A_1807] : memref<17x544xf32, #tpu.memory_space<vmem>> -> memref<16x544xf32, #tpu.memory_space<vmem>>
      tpu.enqueue_dma source(%dma_start3A_1808 : memref<16x544xf32, #tpu.memory_space<vmem>>) target(%dma_start3A_1805 : memref<16x544xf32, #tpu.memory_space<hbm>>) target_semaphore(%arg13 : memref<!tpu.dma_semaphore, #tpu.memory_space<semaphore_mem>>)
      %lt3A = arith.constant 15 : i32
      %lt3A_1809 = arith.cmpi slt, %scan3A_1680, %lt3A : i32
      %convert_element_type3A_1810 = arith.extui %lt3A_1809 : i1 to i32
      %cond3A_1811 = arith.constant 0 : i32
      %cond3A_1812 = arith.cmpi ne, %convert_element_type3A_1810, %cond3A_1811 : i32
      scf.if %cond3A_1812 {
        %add3A_1940 = arith.constant 2 : i32
        %add3A_1941 = arith.addi %add3A_1701, %add3A_1940 : i32
        %shift_right_arithmetic3A_1942 = arith.constant 3 : i32
        %shift_right_arithmetic3A_1943 = arith.shrsi %add3A_1941, %shift_right_arithmetic3A_1942 : i32
        %mul3A_1944 = arith.constant 128 : i32
        %mul3A_1945 = arith.muli %mul3A_1944, %shift_right_arithmetic3A_1943 : i32
        %sub3A_1946 = arith.constant 384 : i32
        %sub3A_1947 = arith.subi %sub3A_1946, %mul3A_1945 : i32
        %and3A_1948 = arith.constant 7 : i32
        %and3A_1949 = arith.andi %add3A_1941, %and3A_1948 : i32
        %mul3A_1950 = arith.constant 16 : i32
        %mul3A_1951 = arith.muli %mul3A_1950, %and3A_1949 : i32
        %add3A_1952 = arith.addi %sub3A_1947, %mul3A_1951 : i32
        %dma_start3A_1953 = arith.constant 0 : i32
        %dma_start3A_1954 = arith.constant 0 : i32
        %dma_start3A_1955 = tpu.memref_slice %arg6[%dma_start3A_1953, %dma_start3A_1954] : memref<80x128xf32, #tpu.memory_space<vmem>> -> memref<16x128xf32, #tpu.memory_space<vmem>>
        %dma_start3A_1956 = arith.constant 0 : i32
        %dma_start3A_1957 = tpu.memref_slice %arg2[%add3A, %add3A_1952, %dma_start3A_1956] : memref<32x512x512xf32, #tpu.memory_space<hbm>> -> memref<1x16x128xf32, #tpu.memory_space<hbm>>
        %dma_start3A_1958 = tpu.memref_squeeze %dma_start3A_1957 : memref<1x16x128xf32, #tpu.memory_space<hbm>> -> memref<16x128xf32, #tpu.memory_space<hbm>>
        %dma_start3A_1959 = arith.constant 0 : i32
        %dma_start3A_1960 = arith.constant 0 : i32
        %dma_start3A_1961 = tpu.memref_slice %arg6[%dma_start3A_1959, %dma_start3A_1960] : memref<80x128xf32, #tpu.memory_space<vmem>> -> memref<16x128xf32, #tpu.memory_space<vmem>>
        %dma_start3A_1962 = arith.constant 0 : i32
        %dma_start3A_1963 = tpu.memref_slice %arg2[%add3A, %add3A_1952, %dma_start3A_1962] : memref<32x512x512xf32, #tpu.memory_space<hbm>> -> memref<1x16x128xf32, #tpu.memory_space<hbm>>
        %dma_start3A_1964 = tpu.memref_squeeze %dma_start3A_1963 : memref<1x16x128xf32, #tpu.memory_space<hbm>> -> memref<16x128xf32, #tpu.memory_space<hbm>>
        tpu.enqueue_dma source(%dma_start3A_1964 : memref<16x128xf32, #tpu.memory_space<hbm>>) target(%dma_start3A_1961 : memref<16x128xf32, #tpu.memory_space<vmem>>) target_semaphore(%arg11 : memref<!tpu.dma_semaphore, #tpu.memory_space<semaphore_mem>>)
        %dma_start3A_1965 = arith.constant 16 : i32
        %dma_start3A_1966 = arith.constant 0 : i32
        %dma_start3A_1967 = tpu.memref_slice %arg6[%dma_start3A_1965, %dma_start3A_1966] : memref<80x128xf32, #tpu.memory_space<vmem>> -> memref<16x128xf32, #tpu.memory_space<vmem>>
        %dma_start3A_1968 = arith.constant 128 : i32
        %dma_start3A_1969 = tpu.memref_slice %arg2[%add3A, %add3A_1952, %dma_start3A_1968] : memref<32x512x512xf32, #tpu.memory_space<hbm>> -> memref<1x16x128xf32, #tpu.memory_space<hbm>>
        %dma_start3A_1970 = tpu.memref_squeeze %dma_start3A_1969 : memref<1x16x128xf32, #tpu.memory_space<hbm>> -> memref<16x128xf32, #tpu.memory_space<hbm>>
        %dma_start3A_1971 = arith.constant 16 : i32
        %dma_start3A_1972 = arith.constant 0 : i32
        %dma_start3A_1973 = tpu.memref_slice %arg6[%dma_start3A_1971, %dma_start3A_1972] : memref<80x128xf32, #tpu.memory_space<vmem>> -> memref<16x128xf32, #tpu.memory_space<vmem>>
        %dma_start3A_1974 = arith.constant 128 : i32
        %dma_start3A_1975 = tpu.memref_slice %arg2[%add3A, %add3A_1952, %dma_start3A_1974] : memref<32x512x512xf32, #tpu.memory_space<hbm>> -> memref<1x16x128xf32, #tpu.memory_space<hbm>>
        %dma_start3A_1976 = tpu.memref_squeeze %dma_start3A_1975 : memref<1x16x128xf32, #tpu.memory_space<hbm>> -> memref<16x128xf32, #tpu.memory_space<hbm>>
        tpu.enqueue_dma source(%dma_start3A_1976 : memref<16x128xf32, #tpu.memory_space<hbm>>) target(%dma_start3A_1973 : memref<16x128xf32, #tpu.memory_space<vmem>>) target_semaphore(%arg11 : memref<!tpu.dma_semaphore, #tpu.memory_space<semaphore_mem>>)
        %dma_start3A_1977 = arith.constant 32 : i32
        %dma_start3A_1978 = arith.constant 0 : i32
        %dma_start3A_1979 = tpu.memref_slice %arg6[%dma_start3A_1977, %dma_start3A_1978] : memref<80x128xf32, #tpu.memory_space<vmem>> -> memref<16x128xf32, #tpu.memory_space<vmem>>
        %dma_start3A_1980 = arith.constant 256 : i32
        %dma_start3A_1981 = tpu.memref_slice %arg2[%add3A, %add3A_1952, %dma_start3A_1980] : memref<32x512x512xf32, #tpu.memory_space<hbm>> -> memref<1x16x128xf32, #tpu.memory_space<hbm>>
        %dma_start3A_1982 = tpu.memref_squeeze %dma_start3A_1981 : memref<1x16x128xf32, #tpu.memory_space<hbm>> -> memref<16x128xf32, #tpu.memory_space<hbm>>
        %dma_start3A_1983 = arith.constant 32 : i32
        %dma_start3A_1984 = arith.constant 0 : i32
        %dma_start3A_1985 = tpu.memref_slice %arg6[%dma_start3A_1983, %dma_start3A_1984] : memref<80x128xf32, #tpu.memory_space<vmem>> -> memref<16x128xf32, #tpu.memory_space<vmem>>
        %dma_start3A_1986 = arith.constant 256 : i32
        %dma_start3A_1987 = tpu.memref_slice %arg2[%add3A, %add3A_1952, %dma_start3A_1986] : memref<32x512x512xf32, #tpu.memory_space<hbm>> -> memref<1x16x128xf32, #tpu.memory_space<hbm>>
        %dma_start3A_1988 = tpu.memref_squeeze %dma_start3A_1987 : memref<1x16x128xf32, #tpu.memory_space<hbm>> -> memref<16x128xf32, #tpu.memory_space<hbm>>
        tpu.enqueue_dma source(%dma_start3A_1988 : memref<16x128xf32, #tpu.memory_space<hbm>>) target(%dma_start3A_1985 : memref<16x128xf32, #tpu.memory_space<vmem>>) target_semaphore(%arg11 : memref<!tpu.dma_semaphore, #tpu.memory_space<semaphore_mem>>)
        %dma_start3A_1989 = arith.constant 48 : i32
        %dma_start3A_1990 = arith.constant 0 : i32
        %dma_start3A_1991 = tpu.memref_slice %arg6[%dma_start3A_1989, %dma_start3A_1990] : memref<80x128xf32, #tpu.memory_space<vmem>> -> memref<16x128xf32, #tpu.memory_space<vmem>>
        %dma_start3A_1992 = arith.constant 384 : i32
        %dma_start3A_1993 = tpu.memref_slice %arg2[%add3A, %add3A_1952, %dma_start3A_1992] : memref<32x512x512xf32, #tpu.memory_space<hbm>> -> memref<1x16x128xf32, #tpu.memory_space<hbm>>
        %dma_start3A_1994 = tpu.memref_squeeze %dma_start3A_1993 : memref<1x16x128xf32, #tpu.memory_space<hbm>> -> memref<16x128xf32, #tpu.memory_space<hbm>>
        %dma_start3A_1995 = arith.constant 48 : i32
        %dma_start3A_1996 = arith.constant 0 : i32
        %dma_start3A_1997 = tpu.memref_slice %arg6[%dma_start3A_1995, %dma_start3A_1996] : memref<80x128xf32, #tpu.memory_space<vmem>> -> memref<16x128xf32, #tpu.memory_space<vmem>>
        %dma_start3A_1998 = arith.constant 384 : i32
        %dma_start3A_1999 = tpu.memref_slice %arg2[%add3A, %add3A_1952, %dma_start3A_1998] : memref<32x512x512xf32, #tpu.memory_space<hbm>> -> memref<1x16x128xf32, #tpu.memory_space<hbm>>
        %dma_start3A_2000 = tpu.memref_squeeze %dma_start3A_1999 : memref<1x16x128xf32, #tpu.memory_space<hbm>> -> memref<16x128xf32, #tpu.memory_space<hbm>>
        tpu.enqueue_dma source(%dma_start3A_2000 : memref<16x128xf32, #tpu.memory_space<hbm>>) target(%dma_start3A_1997 : memref<16x128xf32, #tpu.memory_space<vmem>>) target_semaphore(%arg11 : memref<!tpu.dma_semaphore, #tpu.memory_space<semaphore_mem>>)
      } else {
      }
      %mul3A_1813 = arith.constant 2 : i32
      %mul3A_1814 = arith.muli %mul3A_1813, %scan3A_1680 : i32
      %add3A_1815 = arith.constant 1 : i32
      %add3A_1816 = arith.addi %mul3A_1814, %add3A_1815 : i32
      %dma_wait3A_1817 = arith.constant 0 : i32
      %dma_wait3A_1818 = arith.constant 0 : i32
      %dma_wait3A_1819 = tpu.memref_slice %arg7[%dma_wait3A_1817, %dma_wait3A_1818] : memref<80x128xf32, #tpu.memory_space<vmem>> -> memref<16x128xf32, #tpu.memory_space<vmem>>
      %dma_wait3A_1820 = arith.constant 0 : i32
      %dma_wait3A_1821 = arith.constant 0 : i32
      %dma_wait3A_1822 = tpu.memref_slice %arg2[%add3A, %dma_wait3A_1820, %dma_wait3A_1821] : memref<32x512x512xf32, #tpu.memory_space<hbm>> -> memref<1x16x128xf32, #tpu.memory_space<hbm>>
      %dma_wait3A_1823 = tpu.memref_squeeze %dma_wait3A_1822 : memref<1x16x128xf32, #tpu.memory_space<hbm>> -> memref<16x128xf32, #tpu.memory_space<hbm>>
      %dma_wait3A_1824 = arith.constant 0 : i32
      %dma_wait3A_1825 = arith.constant 0 : i32
      %dma_wait3A_1826 = tpu.memref_slice %arg7[%dma_wait3A_1824, %dma_wait3A_1825] : memref<80x128xf32, #tpu.memory_space<vmem>> -> memref<16x128xf32, #tpu.memory_space<vmem>>
      %dma_wait3A_1827 = arith.constant 0 : i32
      %dma_wait3A_1828 = arith.constant 0 : i32
      %dma_wait3A_1829 = tpu.memref_slice %arg2[%add3A, %dma_wait3A_1827, %dma_wait3A_1828] : memref<32x512x512xf32, #tpu.memory_space<hbm>> -> memref<1x16x128xf32, #tpu.memory_space<hbm>>
      %dma_wait3A_1830 = tpu.memref_squeeze %dma_wait3A_1829 : memref<1x16x128xf32, #tpu.memory_space<hbm>> -> memref<16x128xf32, #tpu.memory_space<hbm>>
      tpu.wait_dma2 semaphore(%arg12 : memref<!tpu.dma_semaphore, #tpu.memory_space<semaphore_mem>>) src(%dma_wait3A_1830 : memref<16x128xf32, #tpu.memory_space<hbm>>) dst(%dma_wait3A_1826 : memref<16x128xf32, #tpu.memory_space<vmem>>)
      %dma_wait3A_1831 = arith.constant 16 : i32
      %dma_wait3A_1832 = arith.constant 0 : i32
      %dma_wait3A_1833 = tpu.memref_slice %arg7[%dma_wait3A_1831, %dma_wait3A_1832] : memref<80x128xf32, #tpu.memory_space<vmem>> -> memref<16x128xf32, #tpu.memory_space<vmem>>
      %dma_wait3A_1834 = arith.constant 0 : i32
      %dma_wait3A_1835 = arith.constant 128 : i32
      %dma_wait3A_1836 = tpu.memref_slice %arg2[%add3A, %dma_wait3A_1834, %dma_wait3A_1835] : memref<32x512x512xf32, #tpu.memory_space<hbm>> -> memref<1x16x128xf32, #tpu.memory_space<hbm>>
      %dma_wait3A_1837 = tpu.memref_squeeze %dma_wait3A_1836 : memref<1x16x128xf32, #tpu.memory_space<hbm>> -> memref<16x128xf32, #tpu.memory_space<hbm>>
      %dma_wait3A_1838 = arith.constant 16 : i32
      %dma_wait3A_1839 = arith.constant 0 : i32
      %dma_wait3A_1840 = tpu.memref_slice %arg7[%dma_wait3A_1838, %dma_wait3A_1839] : memref<80x128xf32, #tpu.memory_space<vmem>> -> memref<16x128xf32, #tpu.memory_space<vmem>>
      %dma_wait3A_1841 = arith.constant 0 : i32
      %dma_wait3A_1842 = arith.constant 128 : i32
      %dma_wait3A_1843 = tpu.memref_slice %arg2[%add3A, %dma_wait3A_1841, %dma_wait3A_1842] : memref<32x512x512xf32, #tpu.memory_space<hbm>> -> memref<1x16x128xf32, #tpu.memory_space<hbm>>
      %dma_wait3A_1844 = tpu.memref_squeeze %dma_wait3A_1843 : memref<1x16x128xf32, #tpu.memory_space<hbm>> -> memref<16x128xf32, #tpu.memory_space<hbm>>
      tpu.wait_dma2 semaphore(%arg12 : memref<!tpu.dma_semaphore, #tpu.memory_space<semaphore_mem>>) src(%dma_wait3A_1844 : memref<16x128xf32, #tpu.memory_space<hbm>>) dst(%dma_wait3A_1840 : memref<16x128xf32, #tpu.memory_space<vmem>>)
      %dma_wait3A_1845 = arith.constant 32 : i32
      %dma_wait3A_1846 = arith.constant 0 : i32
      %dma_wait3A_1847 = tpu.memref_slice %arg7[%dma_wait3A_1845, %dma_wait3A_1846] : memref<80x128xf32, #tpu.memory_space<vmem>> -> memref<16x128xf32, #tpu.memory_space<vmem>>
      %dma_wait3A_1848 = arith.constant 0 : i32
      %dma_wait3A_1849 = arith.constant 256 : i32
      %dma_wait3A_1850 = tpu.memref_slice %arg2[%add3A, %dma_wait3A_1848, %dma_wait3A_1849] : memref<32x512x512xf32, #tpu.memory_space<hbm>> -> memref<1x16x128xf32, #tpu.memory_space<hbm>>
      %dma_wait3A_1851 = tpu.memref_squeeze %dma_wait3A_1850 : memref<1x16x128xf32, #tpu.memory_space<hbm>> -> memref<16x128xf32, #tpu.memory_space<hbm>>
      %dma_wait3A_1852 = arith.constant 32 : i32
      %dma_wait3A_1853 = arith.constant 0 : i32
      %dma_wait3A_1854 = tpu.memref_slice %arg7[%dma_wait3A_1852, %dma_wait3A_1853] : memref<80x128xf32, #tpu.memory_space<vmem>> -> memref<16x128xf32, #tpu.memory_space<vmem>>
      %dma_wait3A_1855 = arith.constant 0 : i32
      %dma_wait3A_1856 = arith.constant 256 : i32
      %dma_wait3A_1857 = tpu.memref_slice %arg2[%add3A, %dma_wait3A_1855, %dma_wait3A_1856] : memref<32x512x512xf32, #tpu.memory_space<hbm>> -> memref<1x16x128xf32, #tpu.memory_space<hbm>>
      %dma_wait3A_1858 = tpu.memref_squeeze %dma_wait3A_1857 : memref<1x16x128xf32, #tpu.memory_space<hbm>> -> memref<16x128xf32, #tpu.memory_space<hbm>>
      tpu.wait_dma2 semaphore(%arg12 : memref<!tpu.dma_semaphore, #tpu.memory_space<semaphore_mem>>) src(%dma_wait3A_1858 : memref<16x128xf32, #tpu.memory_space<hbm>>) dst(%dma_wait3A_1854 : memref<16x128xf32, #tpu.memory_space<vmem>>)
      %dma_wait3A_1859 = arith.constant 48 : i32
      %dma_wait3A_1860 = arith.constant 0 : i32
      %dma_wait3A_1861 = tpu.memref_slice %arg7[%dma_wait3A_1859, %dma_wait3A_1860] : memref<80x128xf32, #tpu.memory_space<vmem>> -> memref<16x128xf32, #tpu.memory_space<vmem>>
      %dma_wait3A_1862 = arith.constant 0 : i32
      %dma_wait3A_1863 = arith.constant 384 : i32
      %dma_wait3A_1864 = tpu.memref_slice %arg2[%add3A, %dma_wait3A_1862, %dma_wait3A_1863] : memref<32x512x512xf32, #tpu.memory_space<hbm>> -> memref<1x16x128xf32, #tpu.memory_space<hbm>>
      %dma_wait3A_1865 = tpu.memref_squeeze %dma_wait3A_1864 : memref<1x16x128xf32, #tpu.memory_space<hbm>> -> memref<16x128xf32, #tpu.memory_space<hbm>>
      %dma_wait3A_1866 = arith.constant 48 : i32
      %dma_wait3A_1867 = arith.constant 0 : i32
      %dma_wait3A_1868 = tpu.memref_slice %arg7[%dma_wait3A_1866, %dma_wait3A_1867] : memref<80x128xf32, #tpu.memory_space<vmem>> -> memref<16x128xf32, #tpu.memory_space<vmem>>
      %dma_wait3A_1869 = arith.constant 0 : i32
      %dma_wait3A_1870 = arith.constant 384 : i32
      %dma_wait3A_1871 = tpu.memref_slice %arg2[%add3A, %dma_wait3A_1869, %dma_wait3A_1870] : memref<32x512x512xf32, #tpu.memory_space<hbm>> -> memref<1x16x128xf32, #tpu.memory_space<hbm>>
      %dma_wait3A_1872 = tpu.memref_squeeze %dma_wait3A_1871 : memref<1x16x128xf32, #tpu.memory_space<hbm>> -> memref<16x128xf32, #tpu.memory_space<hbm>>
      tpu.wait_dma2 semaphore(%arg12 : memref<!tpu.dma_semaphore, #tpu.memory_space<semaphore_mem>>) src(%dma_wait3A_1872 : memref<16x128xf32, #tpu.memory_space<hbm>>) dst(%dma_wait3A_1868 : memref<16x128xf32, #tpu.memory_space<vmem>>)
      %gt3A_1873 = arith.constant 0 : i32
      %gt3A_1874 = arith.cmpi sgt, %scan3A_1680, %gt3A_1873 : i32
      %convert_element_type3A_1875 = arith.extui %gt3A_1874 : i1 to i32
      %cond3A_1876 = arith.constant 0 : i32
      %cond3A_1877 = arith.cmpi ne, %convert_element_type3A_1875, %cond3A_1876 : i32
      scf.if %cond3A_1877 {
        %dma_wait3A_1940 = arith.constant 0 : i32
        %dma_wait3A_1941 = arith.constant 0 : i32
        %dma_wait3A_1942 = tpu.memref_slice %arg9[%dma_wait3A_1940, %dma_wait3A_1941] : memref<17x544xf32, #tpu.memory_space<vmem>> -> memref<16x544xf32, #tpu.memory_space<vmem>>
        %dma_wait3A_1943 = arith.constant 0 : i32
        %dma_wait3A_1944 = arith.constant 0 : i32
        %dma_wait3A_1945 = tpu.memref_slice %arg4[%add3A, %dma_wait3A_1943, %dma_wait3A_1944] : memref<32x512x544xf32, #tpu.memory_space<hbm>> -> memref<1x16x544xf32, #tpu.memory_space<hbm>>
        %dma_wait3A_1946 = tpu.memref_squeeze %dma_wait3A_1945 : memref<1x16x544xf32, #tpu.memory_space<hbm>> -> memref<16x544xf32, #tpu.memory_space<hbm>>
        %dma_wait3A_1947 = arith.constant 0 : i32
        %dma_wait3A_1948 = arith.constant 0 : i32
        %dma_wait3A_1949 = tpu.memref_slice %arg4[%add3A, %dma_wait3A_1947, %dma_wait3A_1948] : memref<32x512x544xf32, #tpu.memory_space<hbm>> -> memref<1x16x544xf32, #tpu.memory_space<hbm>>
        %dma_wait3A_1950 = tpu.memref_squeeze %dma_wait3A_1949 : memref<1x16x544xf32, #tpu.memory_space<hbm>> -> memref<16x544xf32, #tpu.memory_space<hbm>>
        %dma_wait3A_1951 = arith.constant 0 : i32
        %dma_wait3A_1952 = arith.constant 0 : i32
        %dma_wait3A_1953 = tpu.memref_slice %arg9[%dma_wait3A_1951, %dma_wait3A_1952] : memref<17x544xf32, #tpu.memory_space<vmem>> -> memref<16x544xf32, #tpu.memory_space<vmem>>
        tpu.wait_dma2 semaphore(%arg14 : memref<!tpu.dma_semaphore, #tpu.memory_space<semaphore_mem>>) src(%dma_wait3A_1953 : memref<16x544xf32, #tpu.memory_space<vmem>>) dst(%dma_wait3A_1950 : memref<16x544xf32, #tpu.memory_space<hbm>>)
      } else {
      }
      %shift_right_arithmetic3A_1878 = arith.constant 3 : i32
      %shift_right_arithmetic3A_1879 = arith.shrsi %add3A_1816, %shift_right_arithmetic3A_1878 : i32
      %mul3A_1880 = arith.constant 128 : i32
      %mul3A_1881 = arith.muli %mul3A_1880, %shift_right_arithmetic3A_1879 : i32
      %sub3A_1882 = arith.constant 384 : i32
      %sub3A_1883 = arith.subi %sub3A_1882, %mul3A_1881 : i32
      %and3A_1884 = arith.constant 7 : i32
      %and3A_1885 = arith.andi %add3A_1816, %and3A_1884 : i32
      %mul3A_1886 = arith.constant 16 : i32
      %mul3A_1887 = arith.muli %mul3A_1886, %and3A_1885 : i32
      %add3A_1888 = arith.addi %sub3A_1883, %mul3A_1887 : i32
      %jit3A_1889 = arith.constant 16 : i32
      %div3A_1890 = arith.divsi %add3A_1888, %jit3A_1889 : i32
      %sign3A_1891 = arith.constant 0 : i32
      %sign3A_1892 = arith.cmpi sgt, %add3A_1888, %sign3A_1891 : i32
      %sign3A_1893 = arith.extui %sign3A_1892 : i1 to i32
      %sign3A_1894 = arith.constant 0 : i32
      %sign3A_1895 = arith.cmpi slt, %add3A_1888, %sign3A_1894 : i32
      %sign3A_1896 = arith.extui %sign3A_1895 : i1 to i32
      %sign3A_1897 = arith.subi %sign3A_1893, %sign3A_1896 : i32
      %sign3A_1898 = arith.constant 0 : i32
      %sign3A_1899 = arith.cmpi sgt, %jit3A_1889, %sign3A_1898 : i32
      %sign3A_1900 = arith.extui %sign3A_1899 : i1 to i32
      %sign3A_1901 = arith.constant 0 : i32
      %sign3A_1902 = arith.cmpi slt, %jit3A_1889, %sign3A_1901 : i32
      %sign3A_1903 = arith.extui %sign3A_1902 : i1 to i32
      %sign3A_1904 = arith.subi %sign3A_1900, %sign3A_1903 : i32
      %ne3A_1905 = arith.cmpi ne, %sign3A_1897, %sign3A_1904 : i32
      %rem3A_1906 = arith.remsi %add3A_1888, %jit3A_1889 : i32
      %ne3A_1907 = arith.constant 0 : i32
      %ne3A_1908 = arith.cmpi ne, %rem3A_1906, %ne3A_1907 : i32
      %and3A_1909 = arith.andi %ne3A_1905, %ne3A_1908 : i1
      %sub3A_1910 = arith.constant 1 : i32
      %sub3A_1911 = arith.subi %div3A_1890, %sub3A_1910 : i32
      %select_n3A_1912 = arith.select %and3A_1909, %sub3A_1911, %div3A_1890 : i32
      %sub3A_1913 = arith.constant 511 : i32
      %sub3A_1914 = arith.subi %sub3A_1913, %add3A_1888 : i32
      %shift_right_arithmetic3A_1915 = arith.constant 3 : i32
      %shift_right_arithmetic3A_1916 = arith.shrsi %add3A_1816, %shift_right_arithmetic3A_1915 : i32
      %mul3A_1917 = arith.constant 128 : i32
      %mul3A_1918 = arith.muli %mul3A_1917, %shift_right_arithmetic3A_1916 : i32
      %sub3A_1919 = arith.subi %sub3A_1914, %mul3A_1918 : i32
      %parallel_loop3A_1920 = arith.constant 0 : i32
      %parallel_loop3A_1921 = arith.constant 16 : i32
      %parallel_loop3A_1922 = arith.constant 1 : i32
      scf.for %parallel_loop3A_1940 = %parallel_loop3A_1920 to %parallel_loop3A_1921 step %parallel_loop3A_1922  : i32 {
        %parallel_loop3A_1941 = arith.addi %add3A_1888, %parallel_loop3A_1940 : i32
        %parallel_loop3A_1942 = arith.subi %sub3A_1919, %parallel_loop3A_1940 : i32
        %parallel_loop3A_1943 = arith.constant 0 : i32
        %parallel_loop3A_1944 = vector.broadcast %parallel_loop3A_1943 : i32 to vector<16xi32>
        %parallel_loop3A_1945 = arith.muli %iota3A, %parallel_loop3A_1944 : vector<16xi32>
        %parallel_loop3A_1946 = vector.broadcast %parallel_loop3A_1942 : i32 to vector<16xi32>
        %parallel_loop3A_1947 = arith.addi %parallel_loop3A_1946, %parallel_loop3A_1945 : vector<16xi32>
        %parallel_loop3A_1948 = arith.constant 0 : i32
        %parallel_loop3A_1949 = vector.broadcast %parallel_loop3A_1948 : i32 to vector<16xi32>
        %parallel_loop3A_1950 = arith.muli %iota3A, %parallel_loop3A_1949 : vector<16xi32>
        %parallel_loop3A_1951 = vector.broadcast %parallel_loop3A_1940 : i32 to vector<16xi32>
        %parallel_loop3A_1952 = arith.addi %parallel_loop3A_1951, %parallel_loop3A_1950 : vector<16xi32>
        %parallel_loop3A_1953 = arith.constant 1 : i32
        %parallel_loop3A_1954 = arith.addi %select_n3A_1912, %parallel_loop3A_1953 : i32
        %parallel_loop3A_1955 = arith.constant 16 : i32
        %parallel_loop3A_1956 = arith.addi %parallel_loop3A_1955, %parallel_loop3A_1941 : i32
        %parallel_loop3A_1957 = vector.broadcast %parallel_loop3A_1956 : i32 to vector<16xi32>
        %parallel_loop3A_1958 = arith.subi %parallel_loop3A_1957, %iota3A : vector<16xi32>
        %parallel_loop3A_1959 = arith.constant 0 : i32
        %parallel_loop3A_1960 = arith.constant 1 : i32
        %parallel_loop3A_1961 = scf.for %parallel_loop3A_2000 = %parallel_loop3A_1959 to %parallel_loop3A_1954 step %parallel_loop3A_1960 iter_args(%parallel_loop3A_2001 = %parallel_loop3A_1958) -> (vector<16xi32>)  : i32 {
          %parallel_loop3A_2002 = tpu.vector_load_idx %arg5[%parallel_loop3A_2001, %parallel_loop3A_1947] : memref<528x128xf32, #tpu.memory_space<vmem>>[vector<16xi32>, vector<16xi32>], vector<16xf32>,
          %parallel_loop3A_2003 = arith.constant 16 : i32
          %parallel_loop3A_2004 = arith.muli %parallel_loop3A_2000, %parallel_loop3A_2003 : i32
          %parallel_loop3A_2005 = arith.index_cast %parallel_loop3A_1940 : i32 to index
          %parallel_loop3A_2006 = arith.index_cast %parallel_loop3A_2004 : i32 to index
          %parallel_loop3A_2007 = tpu.vector_load %arg9[%parallel_loop3A_2005, %parallel_loop3A_2006] {strides = array<i32>} : memref<17x544xf32, #tpu.memory_space<vmem>>, vector<16xf32>,
          tpu.vector_store %arg9[%parallel_loop3A_2005, %parallel_loop3A_2006], %parallel_loop3A_2002 {strides = array<i32>} : memref<17x544xf32, #tpu.memory_space<vmem>>, vector<16xf32>,
          %parallel_loop3A_2008 = arith.constant 16 : i32
          %parallel_loop3A_2009 = vector.broadcast %parallel_loop3A_2008 : i32 to vector<16xi32>
          %parallel_loop3A_2010 = arith.subi %parallel_loop3A_2001, %parallel_loop3A_2009 : vector<16xi32>
          scf.yield %parallel_loop3A_2010 : vector<16xi32>
        } {sc.loop_unroll_factor = 8 : i64, sc.parallel_access}
        %parallel_loop3A_1962 = arith.subi %parallel_loop3A_1952, %iota3A : vector<16xi32>
        %parallel_loop3A_1963 = arith.constant 0 : i32
        %parallel_loop3A_1964 = vector.broadcast %parallel_loop3A_1963 : i32 to vector<16xi32>
        %parallel_loop3A_1965 = arith.maxsi %parallel_loop3A_1962, %parallel_loop3A_1964 : vector<16xi32>
        %parallel_loop3A_1966 = tpu.vector_load_idx %arg5[%parallel_loop3A_1965, %parallel_loop3A_1947] : memref<528x128xf32, #tpu.memory_space<vmem>>[vector<16xi32>, vector<16xi32>], vector<16xf32>,
        %parallel_loop3A_1967 = vector.broadcast %parallel_loop3A_1940 : i32 to vector<16xi32>
        %parallel_loop3A_1968 = arith.subi %iota3A, %parallel_loop3A_1967 : vector<16xi32>
        %parallel_loop3A_1969 = arith.constant 1 : i32
        %parallel_loop3A_1970 = vector.broadcast %parallel_loop3A_1969 : i32 to vector<16xi32>
        %parallel_loop3A_1971 = arith.subi %parallel_loop3A_1968, %parallel_loop3A_1970 : vector<16xi32>
        %parallel_loop3A_1972 = arith.constant 0 : i32
        %parallel_loop3A_1973 = vector.broadcast %parallel_loop3A_1972 : i32 to vector<16xi32>
        %parallel_loop3A_1974 = arith.maxsi %parallel_loop3A_1971, %parallel_loop3A_1973 : vector<16xi32>
        %parallel_loop3A_1975 = tpu.vector_load_idx %arg7[%parallel_loop3A_1952, %parallel_loop3A_1974] : memref<80x128xf32, #tpu.memory_space<vmem>>[vector<16xi32>, vector<16xi32>], vector<16xf32>,
        %parallel_loop3A_1976 = arith.constant 0 : i32
        %parallel_loop3A_1977 = vector.broadcast %parallel_loop3A_1976 : i32 to vector<16xi32>
        %parallel_loop3A_1978 = arith.cmpi sge, %parallel_loop3A_1962, %parallel_loop3A_1977 : vector<16xi32>
        %parallel_loop3A_1979 = arith.select %parallel_loop3A_1978, %parallel_loop3A_1966, %parallel_loop3A_1975 : vector<16xi1>, vector<16xf32>
        %parallel_loop3A_1980 = arith.constant 1 : i32
        %parallel_loop3A_1981 = arith.addi %select_n3A_1912, %parallel_loop3A_1980 : i32
        %parallel_loop3A_1982 = arith.constant 16 : i32
        %parallel_loop3A_1983 = arith.muli %parallel_loop3A_1981, %parallel_loop3A_1982 : i32
        %parallel_loop3A_1984 = arith.index_cast %parallel_loop3A_1940 : i32 to index
        %parallel_loop3A_1985 = arith.index_cast %parallel_loop3A_1983 : i32 to index
        %parallel_loop3A_1986 = tpu.vector_load %arg9[%parallel_loop3A_1984, %parallel_loop3A_1985] {strides = array<i32>} : memref<17x544xf32, #tpu.memory_space<vmem>>, vector<16xf32>,
        tpu.vector_store %arg9[%parallel_loop3A_1984, %parallel_loop3A_1985], %parallel_loop3A_1979 {strides = array<i32>} : memref<17x544xf32, #tpu.memory_space<vmem>>, vector<16xf32>,
        %parallel_loop3A_1987 = arith.constant 15 : i32
        %parallel_loop3A_1988 = arith.subi %parallel_loop3A_1987, %parallel_loop3A_1940 : i32
        %parallel_loop3A_1989 = arith.constant 2 : i32
        %parallel_loop3A_1990 = arith.addi %select_n3A_1912, %parallel_loop3A_1989 : i32
        %parallel_loop3A_1991 = arith.constant 16 : i32
        %parallel_loop3A_1992 = arith.muli %parallel_loop3A_1990, %parallel_loop3A_1991 : i32
        %parallel_loop3A_1993 = arith.subi %parallel_loop3A_1988, %parallel_loop3A_1992 : i32
        %parallel_loop3A_1994 = vector.broadcast %parallel_loop3A_1993 : i32 to vector<16xi32>
        %parallel_loop3A_1995 = arith.addi %parallel_loop3A_1994, %iota3A : vector<16xi32>
        %parallel_loop3A_1996 = arith.constant 2 : i32
        %parallel_loop3A_1997 = arith.addi %select_n3A_1912, %parallel_loop3A_1996 : i32
        %parallel_loop3A_1998 = arith.constant 34 : i32
        %parallel_loop3A_1999 = arith.constant 1 : i32
        scf.for %parallel_loop3A_2000 = %parallel_loop3A_1997 to %parallel_loop3A_1998 step %parallel_loop3A_1999  : i32 {
          %parallel_loop3A_2001 = arith.constant 16 : i32
          %parallel_loop3A_2002 = arith.muli %parallel_loop3A_2000, %parallel_loop3A_2001 : i32
          %parallel_loop3A_2003 = vector.broadcast %parallel_loop3A_2002 : i32 to vector<16xi32>
          %parallel_loop3A_2004 = arith.addi %parallel_loop3A_1995, %parallel_loop3A_2003 : vector<16xi32>
          %parallel_loop3A_2005 = arith.constant 7 : i32
          %parallel_loop3A_2006 = vector.broadcast %parallel_loop3A_2005 : i32 to vector<16xi32>
          %parallel_loop3A_2007 = arith.shrsi %parallel_loop3A_2004, %parallel_loop3A_2006 : vector<16xi32>
          %parallel_loop3A_2008 = arith.constant 4 : i32
          %parallel_loop3A_2009 = vector.broadcast %parallel_loop3A_2008 : i32 to vector<16xi32>
          %parallel_loop3A_2010 = arith.shli %parallel_loop3A_2007, %parallel_loop3A_2009 : vector<16xi32>
          %parallel_loop3A_2011 = arith.addi %parallel_loop3A_2010, %parallel_loop3A_1952 : vector<16xi32>
          %parallel_loop3A_2012 = arith.constant 127 : i32
          %parallel_loop3A_2013 = vector.broadcast %parallel_loop3A_2012 : i32 to vector<16xi32>
          %parallel_loop3A_2014 = arith.andi %parallel_loop3A_2004, %parallel_loop3A_2013 : vector<16xi32>
          %parallel_loop3A_2015 = tpu.vector_load_idx %arg7[%parallel_loop3A_2011, %parallel_loop3A_2014] : memref<80x128xf32, #tpu.memory_space<vmem>>[vector<16xi32>, vector<16xi32>], vector<16xf32>,
          %parallel_loop3A_2016 = arith.constant 16 : i32
          %parallel_loop3A_2017 = arith.muli %parallel_loop3A_2000, %parallel_loop3A_2016 : i32
          %parallel_loop3A_2018 = arith.index_cast %parallel_loop3A_1940 : i32 to index
          %parallel_loop3A_2019 = arith.index_cast %parallel_loop3A_2017 : i32 to index
          %parallel_loop3A_2020 = tpu.vector_load %arg9[%parallel_loop3A_2018, %parallel_loop3A_2019] {strides = array<i32>} : memref<17x544xf32, #tpu.memory_space<vmem>>, vector<16xf32>,
          tpu.vector_store %arg9[%parallel_loop3A_2018, %parallel_loop3A_2019], %parallel_loop3A_2015 {strides = array<i32>} : memref<17x544xf32, #tpu.memory_space<vmem>>, vector<16xf32>,
        } {sc.loop_unroll_factor = 8 : i64, sc.parallel_access}
      } {sc.loop_unroll_factor = 2 : i64, sc.parallel_access}
      %dma_start3A_1923 = arith.constant 0 : i32
      %dma_start3A_1924 = arith.constant 0 : i32
      %dma_start3A_1925 = tpu.memref_slice %arg9[%dma_start3A_1923, %dma_start3A_1924] : memref<17x544xf32, #tpu.memory_space<vmem>> -> memref<16x544xf32, #tpu.memory_space<vmem>>
      %dma_start3A_1926 = arith.constant 0 : i32
      %dma_start3A_1927 = tpu.memref_slice %arg4[%add3A, %add3A_1888, %dma_start3A_1926] : memref<32x512x544xf32, #tpu.memory_space<hbm>> -> memref<1x16x544xf32, #tpu.memory_space<hbm>>
      %dma_start3A_1928 = tpu.memref_squeeze %dma_start3A_1927 : memref<1x16x544xf32, #tpu.memory_space<hbm>> -> memref<16x544xf32, #tpu.memory_space<hbm>>
      %dma_start3A_1929 = arith.constant 0 : i32
      %dma_start3A_1930 = tpu.memref_slice %arg4[%add3A, %add3A_1888, %dma_start3A_1929] : memref<32x512x544xf32, #tpu.memory_space<hbm>> -> memref<1x16x544xf32, #tpu.memory_space<hbm>>
      %dma_start3A_1931 = tpu.memref_squeeze %dma_start3A_1930 : memref<1x16x544xf32, #tpu.memory_space<hbm>> -> memref<16x544xf32, #tpu.memory_space<hbm>>
      %dma_start3A_1932 = arith.constant 0 : i32
      %dma_start3A_1933 = arith.constant 0 : i32
      %dma_start3A_1934 = tpu.memref_slice %arg9[%dma_start3A_1932, %dma_start3A_1933] : memref<17x544xf32, #tpu.memory_space<vmem>> -> memref<16x544xf32, #tpu.memory_space<vmem>>
      tpu.enqueue_dma source(%dma_start3A_1934 : memref<16x544xf32, #tpu.memory_space<vmem>>) target(%dma_start3A_1931 : memref<16x544xf32, #tpu.memory_space<hbm>>) target_semaphore(%arg14 : memref<!tpu.dma_semaphore, #tpu.memory_space<semaphore_mem>>)
      %lt3A_1935 = arith.constant 15 : i32
      %lt3A_1936 = arith.cmpi slt, %scan3A_1680, %lt3A_1935 : i32
      %convert_element_type3A_1937 = arith.extui %lt3A_1936 : i1 to i32
      %cond3A_1938 = arith.constant 0 : i32
      %cond3A_1939 = arith.cmpi ne, %convert_element_type3A_1937, %cond3A_1938 : i32
      scf.if %cond3A_1939 {
        %add3A_1940 = arith.constant 2 : i32
        %add3A_1941 = arith.addi %add3A_1816, %add3A_1940 : i32
        %shift_right_arithmetic3A_1942 = arith.constant 3 : i32
        %shift_right_arithmetic3A_1943 = arith.shrsi %add3A_1941, %shift_right_arithmetic3A_1942 : i32
        %mul3A_1944 = arith.constant 128 : i32
        %mul3A_1945 = arith.muli %mul3A_1944, %shift_right_arithmetic3A_1943 : i32
        %sub3A_1946 = arith.constant 384 : i32
        %sub3A_1947 = arith.subi %sub3A_1946, %mul3A_1945 : i32
        %and3A_1948 = arith.constant 7 : i32
        %and3A_1949 = arith.andi %add3A_1941, %and3A_1948 : i32
        %mul3A_1950 = arith.constant 16 : i32
        %mul3A_1951 = arith.muli %mul3A_1950, %and3A_1949 : i32
        %add3A_1952 = arith.addi %sub3A_1947, %mul3A_1951 : i32
        %dma_start3A_1953 = arith.constant 0 : i32
        %dma_start3A_1954 = arith.constant 0 : i32
        %dma_start3A_1955 = tpu.memref_slice %arg7[%dma_start3A_1953, %dma_start3A_1954] : memref<80x128xf32, #tpu.memory_space<vmem>> -> memref<16x128xf32, #tpu.memory_space<vmem>>
        %dma_start3A_1956 = arith.constant 0 : i32
        %dma_start3A_1957 = tpu.memref_slice %arg2[%add3A, %add3A_1952, %dma_start3A_1956] : memref<32x512x512xf32, #tpu.memory_space<hbm>> -> memref<1x16x128xf32, #tpu.memory_space<hbm>>
        %dma_start3A_1958 = tpu.memref_squeeze %dma_start3A_1957 : memref<1x16x128xf32, #tpu.memory_space<hbm>> -> memref<16x128xf32, #tpu.memory_space<hbm>>
        %dma_start3A_1959 = arith.constant 0 : i32
        %dma_start3A_1960 = arith.constant 0 : i32
        %dma_start3A_1961 = tpu.memref_slice %arg7[%dma_start3A_1959, %dma_start3A_1960] : memref<80x128xf32, #tpu.memory_space<vmem>> -> memref<16x128xf32, #tpu.memory_space<vmem>>
        %dma_start3A_1962 = arith.constant 0 : i32
        %dma_start3A_1963 = tpu.memref_slice %arg2[%add3A, %add3A_1952, %dma_start3A_1962] : memref<32x512x512xf32, #tpu.memory_space<hbm>> -> memref<1x16x128xf32, #tpu.memory_space<hbm>>
        %dma_start3A_1964 = tpu.memref_squeeze %dma_start3A_1963 : memref<1x16x128xf32, #tpu.memory_space<hbm>> -> memref<16x128xf32, #tpu.memory_space<hbm>>
        tpu.enqueue_dma source(%dma_start3A_1964 : memref<16x128xf32, #tpu.memory_space<hbm>>) target(%dma_start3A_1961 : memref<16x128xf32, #tpu.memory_space<vmem>>) target_semaphore(%arg12 : memref<!tpu.dma_semaphore, #tpu.memory_space<semaphore_mem>>)
        %dma_start3A_1965 = arith.constant 16 : i32
        %dma_start3A_1966 = arith.constant 0 : i32
        %dma_start3A_1967 = tpu.memref_slice %arg7[%dma_start3A_1965, %dma_start3A_1966] : memref<80x128xf32, #tpu.memory_space<vmem>> -> memref<16x128xf32, #tpu.memory_space<vmem>>
        %dma_start3A_1968 = arith.constant 128 : i32
        %dma_start3A_1969 = tpu.memref_slice %arg2[%add3A, %add3A_1952, %dma_start3A_1968] : memref<32x512x512xf32, #tpu.memory_space<hbm>> -> memref<1x16x128xf32, #tpu.memory_space<hbm>>
        %dma_start3A_1970 = tpu.memref_squeeze %dma_start3A_1969 : memref<1x16x128xf32, #tpu.memory_space<hbm>> -> memref<16x128xf32, #tpu.memory_space<hbm>>
        %dma_start3A_1971 = arith.constant 16 : i32
        %dma_start3A_1972 = arith.constant 0 : i32
        %dma_start3A_1973 = tpu.memref_slice %arg7[%dma_start3A_1971, %dma_start3A_1972] : memref<80x128xf32, #tpu.memory_space<vmem>> -> memref<16x128xf32, #tpu.memory_space<vmem>>
        %dma_start3A_1974 = arith.constant 128 : i32
        %dma_start3A_1975 = tpu.memref_slice %arg2[%add3A, %add3A_1952, %dma_start3A_1974] : memref<32x512x512xf32, #tpu.memory_space<hbm>> -> memref<1x16x128xf32, #tpu.memory_space<hbm>>
        %dma_start3A_1976 = tpu.memref_squeeze %dma_start3A_1975 : memref<1x16x128xf32, #tpu.memory_space<hbm>> -> memref<16x128xf32, #tpu.memory_space<hbm>>
        tpu.enqueue_dma source(%dma_start3A_1976 : memref<16x128xf32, #tpu.memory_space<hbm>>) target(%dma_start3A_1973 : memref<16x128xf32, #tpu.memory_space<vmem>>) target_semaphore(%arg12 : memref<!tpu.dma_semaphore, #tpu.memory_space<semaphore_mem>>)
        %dma_start3A_1977 = arith.constant 32 : i32
        %dma_start3A_1978 = arith.constant 0 : i32
        %dma_start3A_1979 = tpu.memref_slice %arg7[%dma_start3A_1977, %dma_start3A_1978] : memref<80x128xf32, #tpu.memory_space<vmem>> -> memref<16x128xf32, #tpu.memory_space<vmem>>
        %dma_start3A_1980 = arith.constant 256 : i32
        %dma_start3A_1981 = tpu.memref_slice %arg2[%add3A, %add3A_1952, %dma_start3A_1980] : memref<32x512x512xf32, #tpu.memory_space<hbm>> -> memref<1x16x128xf32, #tpu.memory_space<hbm>>
        %dma_start3A_1982 = tpu.memref_squeeze %dma_start3A_1981 : memref<1x16x128xf32, #tpu.memory_space<hbm>> -> memref<16x128xf32, #tpu.memory_space<hbm>>
        %dma_start3A_1983 = arith.constant 32 : i32
        %dma_start3A_1984 = arith.constant 0 : i32
        %dma_start3A_1985 = tpu.memref_slice %arg7[%dma_start3A_1983, %dma_start3A_1984] : memref<80x128xf32, #tpu.memory_space<vmem>> -> memref<16x128xf32, #tpu.memory_space<vmem>>
        %dma_start3A_1986 = arith.constant 256 : i32
        %dma_start3A_1987 = tpu.memref_slice %arg2[%add3A, %add3A_1952, %dma_start3A_1986] : memref<32x512x512xf32, #tpu.memory_space<hbm>> -> memref<1x16x128xf32, #tpu.memory_space<hbm>>
        %dma_start3A_1988 = tpu.memref_squeeze %dma_start3A_1987 : memref<1x16x128xf32, #tpu.memory_space<hbm>> -> memref<16x128xf32, #tpu.memory_space<hbm>>
        tpu.enqueue_dma source(%dma_start3A_1988 : memref<16x128xf32, #tpu.memory_space<hbm>>) target(%dma_start3A_1985 : memref<16x128xf32, #tpu.memory_space<vmem>>) target_semaphore(%arg12 : memref<!tpu.dma_semaphore, #tpu.memory_space<semaphore_mem>>)
        %dma_start3A_1989 = arith.constant 48 : i32
        %dma_start3A_1990 = arith.constant 0 : i32
        %dma_start3A_1991 = tpu.memref_slice %arg7[%dma_start3A_1989, %dma_start3A_1990] : memref<80x128xf32, #tpu.memory_space<vmem>> -> memref<16x128xf32, #tpu.memory_space<vmem>>
        %dma_start3A_1992 = arith.constant 384 : i32
        %dma_start3A_1993 = tpu.memref_slice %arg2[%add3A, %add3A_1952, %dma_start3A_1992] : memref<32x512x512xf32, #tpu.memory_space<hbm>> -> memref<1x16x128xf32, #tpu.memory_space<hbm>>
        %dma_start3A_1994 = tpu.memref_squeeze %dma_start3A_1993 : memref<1x16x128xf32, #tpu.memory_space<hbm>> -> memref<16x128xf32, #tpu.memory_space<hbm>>
        %dma_start3A_1995 = arith.constant 48 : i32
        %dma_start3A_1996 = arith.constant 0 : i32
        %dma_start3A_1997 = tpu.memref_slice %arg7[%dma_start3A_1995, %dma_start3A_1996] : memref<80x128xf32, #tpu.memory_space<vmem>> -> memref<16x128xf32, #tpu.memory_space<vmem>>
        %dma_start3A_1998 = arith.constant 384 : i32
        %dma_start3A_1999 = tpu.memref_slice %arg2[%add3A, %add3A_1952, %dma_start3A_1998] : memref<32x512x512xf32, #tpu.memory_space<hbm>> -> memref<1x16x128xf32, #tpu.memory_space<hbm>>
        %dma_start3A_2000 = tpu.memref_squeeze %dma_start3A_1999 : memref<1x16x128xf32, #tpu.memory_space<hbm>> -> memref<16x128xf32, #tpu.memory_space<hbm>>
        tpu.enqueue_dma source(%dma_start3A_2000 : memref<16x128xf32, #tpu.memory_space<hbm>>) target(%dma_start3A_1997 : memref<16x128xf32, #tpu.memory_space<vmem>>) target_semaphore(%arg12 : memref<!tpu.dma_semaphore, #tpu.memory_space<semaphore_mem>>)
      } else {
      }
    }
    %scan3A_1652 = arith.constant 16 : i32
    %dma_wait3A = arith.constant 0 : i32
    %dma_wait3A_1653 = arith.constant 0 : i32
    %dma_wait3A_1654 = tpu.memref_slice %arg8[%dma_wait3A, %dma_wait3A_1653] : memref<17x544xf32, #tpu.memory_space<vmem>> -> memref<16x544xf32, #tpu.memory_space<vmem>>
    %dma_wait3A_1655 = arith.constant 0 : i32
    %dma_wait3A_1656 = arith.constant 0 : i32
    %dma_wait3A_1657 = tpu.memref_slice %arg4[%add3A, %dma_wait3A_1655, %dma_wait3A_1656] : memref<32x512x544xf32, #tpu.memory_space<hbm>> -> memref<1x16x544xf32, #tpu.memory_space<hbm>>
    %dma_wait3A_1658 = tpu.memref_squeeze %dma_wait3A_1657 : memref<1x16x544xf32, #tpu.memory_space<hbm>> -> memref<16x544xf32, #tpu.memory_space<hbm>>
    %dma_wait3A_1659 = arith.constant 0 : i32
    %dma_wait3A_1660 = arith.constant 0 : i32
    %dma_wait3A_1661 = tpu.memref_slice %arg4[%add3A, %dma_wait3A_1659, %dma_wait3A_1660] : memref<32x512x544xf32, #tpu.memory_space<hbm>> -> memref<1x16x544xf32, #tpu.memory_space<hbm>>
    %dma_wait3A_1662 = tpu.memref_squeeze %dma_wait3A_1661 : memref<1x16x544xf32, #tpu.memory_space<hbm>> -> memref<16x544xf32, #tpu.memory_space<hbm>>
    %dma_wait3A_1663 = arith.constant 0 : i32
    %dma_wait3A_1664 = arith.constant 0 : i32
    %dma_wait3A_1665 = tpu.memref_slice %arg8[%dma_wait3A_1663, %dma_wait3A_1664] : memref<17x544xf32, #tpu.memory_space<vmem>> -> memref<16x544xf32, #tpu.memory_space<vmem>>
    tpu.wait_dma2 semaphore(%arg13 : memref<!tpu.dma_semaphore, #tpu.memory_space<semaphore_mem>>) src(%dma_wait3A_1665 : memref<16x544xf32, #tpu.memory_space<vmem>>) dst(%dma_wait3A_1662 : memref<16x544xf32, #tpu.memory_space<hbm>>)
    %dma_wait3A_1666 = arith.constant 0 : i32
    %dma_wait3A_1667 = arith.constant 0 : i32
    %dma_wait3A_1668 = tpu.memref_slice %arg9[%dma_wait3A_1666, %dma_wait3A_1667] : memref<17x544xf32, #tpu.memory_space<vmem>> -> memref<16x544xf32, #tpu.memory_space<vmem>>
    %dma_wait3A_1669 = arith.constant 0 : i32
    %dma_wait3A_1670 = arith.constant 0 : i32
    %dma_wait3A_1671 = tpu.memref_slice %arg4[%add3A, %dma_wait3A_1669, %dma_wait3A_1670] : memref<32x512x544xf32, #tpu.memory_space<hbm>> -> memref<1x16x544xf32, #tpu.memory_space<hbm>>
    %dma_wait3A_1672 = tpu.memref_squeeze %dma_wait3A_1671 : memref<1x16x544xf32, #tpu.memory_space<hbm>> -> memref<16x544xf32, #tpu.memory_space<hbm>>
    %dma_wait3A_1673 = arith.constant 0 : i32
    %dma_wait3A_1674 = arith.constant 0 : i32
    %dma_wait3A_1675 = tpu.memref_slice %arg4[%add3A, %dma_wait3A_1673, %dma_wait3A_1674] : memref<32x512x544xf32, #tpu.memory_space<hbm>> -> memref<1x16x544xf32, #tpu.memory_space<hbm>>
    %dma_wait3A_1676 = tpu.memref_squeeze %dma_wait3A_1675 : memref<1x16x544xf32, #tpu.memory_space<hbm>> -> memref<16x544xf32, #tpu.memory_space<hbm>>
    %dma_wait3A_1677 = arith.constant 0 : i32
    %dma_wait3A_1678 = arith.constant 0 : i32
    %dma_wait3A_1679 = tpu.memref_slice %arg9[%dma_wait3A_1677, %dma_wait3A_1678] : memref<17x544xf32, #tpu.memory_space<vmem>> -> memref<16x544xf32, #tpu.memory_space<vmem>>
    tpu.wait_dma2 semaphore(%arg14 : memref<!tpu.dma_semaphore, #tpu.memory_space<semaphore_mem>>) src(%dma_wait3A_1679 : memref<16x544xf32, #tpu.memory_space<vmem>>) dst(%dma_wait3A_1676 : memref<16x544xf32, #tpu.memory_space<hbm>>)
    return
  }
}

</mosaic_0001>

<sc_bundles>
// kernel: kernel.3.cloned.1.call-start
scs
__scs_entry_jumppad:
0x0: {  	(pc) =	sbr.rel $0x88, $3  }
0x1: {  	(tag) =	ssettag $0x0;
	lr =	simm.s32 $0x1  }
0x2: {  	[smem:$0x3F9F] =	sst lr;
	_ =	strace $0xD0000000  }
0x3: {  	_ = 	snop  }
0x4: {  	_ = 	snop  }
0x5: {  	_ = 	snop  }
0x6: {  	_ = 	snop  }
0x7: {  	_ = 	snop  }
__scs_overlays_trampoline_lowered:
0x8: {  	[smem:$0x3FAE] =	sst s0  }
0x9: {  	[smem:$0x3FAF] =	sst s1  }
0xa: {  	[smem:$0x3FB0] =	sst s2  }
0xb: {  	[smem:$0x3FB1] =	sst s3  }
0xc: {  	[smem:$0x3FB2] =	sst s4  }
0xd: {  	[smem:$0x3FB3] =	sst s5  }
0xe: {  	[smem:$0x3FB4] =	sst s6  }
0xf: {  	[smem:$0x3FB5] =	sst s7  }
0x10: {  	[smem:$0x3FB6] =	sst s8  }
0x11: {  	[smem:$0x3FB7] =	sst s9;
	s0 =	simm.s32 @!p0 $0x0  }
0x12: {  	s1 =	sld [smem:$0x3F9D];
	s0 =	simm.s32 @p0 $0x1  }
0x13: {  	[smem:$0x3FB8] =	sst s0;
	s0 =	simm.s32 @!p1 $0x0  }
0x14: {  	s2 =	sld [smem:$0x3F9C];
	s0 =	simm.s32 @p1 $0x1  }
0x15: {  	[smem:$0x3FB9] =	sst s0;
	s0 =	simm.s32 @!p2 $0x0  }
0x16: {  	s3 =	sld [smem:$0x3FDB];
	s0 =	simm.s32 @p2 $0x1  }
0x17: {  	s4 =	simm.s32 $0x1BF5;
	[smem:$0x3FBB] =	sst s0  }
0x18: {  	s0 =	sld [smem:$0x3F9E];
	_ =	swait.ge [sflag:s4], $0x0  }
0x19: {  	s7 =	sld [smem:$0x3F9F]  }
0x1a: {  	s8 =	sadd.s32 $0xFFFFE003, lr  }
0x1b: {  	s9 =	sadd.s32 $0xFFFFFEF7, lr;
	s5 =	simm.s32 $0xFFFFFFFF;
	p2 =	slt.u32 s8, $0xFFFFF086  }
0x1c: {  	p1 =	slt.u32 s9, $0xF7A;
	s5 =	simm.s32 @!p2 $0x0  }
0x1d: {  	s5 =	simm.s32 @p1 $0x1;
	p0 =	seq.s32 s7, s2  }
0x1e: {  	s7 =	smul.u32 @!p0 $0xF7A, s2;
	p2 =	seq.s32 @!p0 s5, $0x0  }
0x1f: {  	s9 =	smul.u32 $0xF7A, s1;
	s8 =	simm.s32 @!p0 $0x1BF5;
	p2 =	por !p2, p0  }
0x20: {  	[sflag:s8] =	ssyncset.s32 @!p0 $0xFFFFF086;
	s6 =	sadd.s32 @!p0 s3, s7;
	s7 =	simm.s32 @!p0 $0x108  }
0x21: {  	s3 =	sadd.s32 s3, s9;
	s6 =	sadd.s32 @!p0 $0x88, s6;
	s7 =	simm.s32 @p2 $0x1082  }
0x22: {  	[simem:s7], [sflag:s8] =	dma.local @!p0 [hbm:s6], $0xF7A  }
0x23: {  	s9 =	sor.u32 $0xD0000000, s2;
	s6 =	simm.s32 $0x108;
	_ =	swait.ge @!p0 [sflag:s8], $0x0  }
0x24: {  	s3 =	sadd.s32 $0x88, s3;
	s6 =	simm.s32 @!p1 $0x1082;
	[sflag:s4] =	ssyncset.s32 $0xFFFFF086  }
0x25: {  	[simem:s6], [sflag:s4] =	dma.local [hbm:s3], $0xF7A  }
0x26: {  	[smem:$0x3F9F] =	sst s1;
	(tag) =	ssettag s2;
	_ =	strace s9  }
0x27: {  	s1 =	sld [smem:$0x3FAF]  }
0x28: {  	s2 =	sld [smem:$0x3FB0]  }
0x29: {  	s4 =	sld [smem:$0x3FB2]  }
0x2a: {  	p0 =	seq.s32 s5, $0x0;
	s5 =	sld [smem:$0x3FB3]  }
0x2b: {  	s6 =	sld [smem:$0x3FB4]  }
0x2c: {  	s7 =	sld [smem:$0x3FB5]  }
0x2d: {  	s3 =	simm.s32 $0x108;
	s8 =	sld [smem:$0x3FB6]  }
0x2e: {  	s3 =	simm.s32 @!p0 $0x1082;
	s9 =	sld [smem:$0x3FB7]  }
0x2f: {  	lr =	sadd.s32 s0, s3;
	s0 =	sld [smem:$0x3FAE]  }
0x30: {  	s3 =	sld [smem:$0x3FB1]  }
0x31: {  	[smem:$0x3FBA] =	sst s10  }
0x32: {  	s10 =	sld [smem:$0x3FB8];
	_ =	sdelay $0x3  }
0x33: {  	p0 =	seq.s32 s10, $0x1;
	s10 =	sld [smem:$0x3FBA];
	_ =	sdelay $0x3  }
0x34: {  	[smem:$0x3FBA] =	sst s10  }
0x35: {  	s10 =	sld [smem:$0x3FB9];
	_ =	sdelay $0x3  }
0x36: {  	p1 =	seq.s32 s10, $0x1;
	s10 =	sld [smem:$0x3FBA];
	_ =	sdelay $0x3  }
0x37: {  	[smem:$0x3FBA] =	sst s10  }
0x38: {  	s10 =	sld [smem:$0x3FBB]  }
0x39: {  	_ = 	snop;
	(pc) =	sbr.ind lr, $3  }
0x3a: {  	_ = 	snop  }
0x3b: {  	_ = 	snop  }
0x3c: {  	p2 =	seq.s32 s10, $0x1;
	s10 =	sld [smem:$0x3FBA]  }
0x3d: {  	_ =	shalt  }
0x3e: {  	_ =	shalt  }
0x3f: {  	_ =	shalt  }
0x40: {  	_ =	shalt  }
0x41: {  	_ =	shalt  }
0x42: {  	_ =	shalt  }
0x43: {  	_ =	shalt  }
0x44: {  	_ =	shalt  }
0x45: {  	_ =	shalt  }
0x46: {  	_ =	shalt  }
0x47: {  	_ =	shalt  }
0x48: {  	_ =	shalt  }
0x49: {  	_ =	shalt  }
0x4a: {  	_ =	shalt  }
0x4b: {  	_ =	shalt  }
0x4c: {  	_ =	shalt  }
0x4d: {  	_ =	shalt  }
0x4e: {  	_ =	shalt  }
0x4f: {  	_ =	shalt  }
0x50: {  	_ =	shalt  }
0x51: {  	_ =	shalt  }
0x52: {  	_ =	shalt  }
0x53: {  	_ =	shalt  }
0x54: {  	_ =	shalt  }
0x55: {  	_ =	shalt  }
0x56: {  	_ =	shalt  }
0x57: {  	_ =	shalt  }
0x58: {  	_ =	shalt  }
0x59: {  	_ =	shalt  }
0x5a: {  	_ =	shalt  }
0x5b: {  	_ =	shalt  }
0x5c: {  	_ =	shalt  }
0x5d: {  	_ =	shalt  }
0x5e: {  	_ =	shalt  }
0x5f: {  	_ =	shalt  }
0x60: {  	_ =	shalt  }
0x61: {  	_ =	shalt  }
0x62: {  	_ =	shalt  }
0x63: {  	_ =	shalt  }
0x64: {  	_ =	shalt  }
0x65: {  	_ =	shalt  }
0x66: {  	_ =	shalt  }
0x67: {  	_ =	shalt  }
0x68: {  	_ =	shalt  }
0x69: {  	_ =	shalt  }
0x6a: {  	_ =	shalt  }
0x6b: {  	_ =	shalt  }
0x6c: {  	_ =	shalt  }
0x6d: {  	_ =	shalt  }
0x6e: {  	_ =	shalt  }
0x6f: {  	_ =	shalt  }
0x70: {  	_ =	shalt  }
0x71: {  	_ =	shalt  }
0x72: {  	_ =	shalt  }
0x73: {  	_ =	shalt  }
0x74: {  	_ =	shalt  }
0x75: {  	_ =	shalt  }
0x76: {  	_ =	shalt  }
0x77: {  	_ =	shalt  }
0x78: {  	_ =	shalt  }
0x79: {  	_ =	shalt  }
0x7a: {  	_ =	shalt  }
0x7b: {  	_ =	shalt  }
0x7c: {  	_ =	shalt  }
0x7d: {  	_ =	shalt  }
0x7e: {  	_ =	shalt  }
0x7f: {  	_ =	shalt  }
0x80: {  	_ =	shalt  }
0x81: {  	_ =	shalt  }
0x82: {  	_ =	shalt  }
0x83: {  	_ =	shalt  }
0x84: {  	_ =	shalt  }
0x85: {  	_ =	shalt  }
0x86: {  	_ =	shalt  }
0x87: {  	_ =	shalt  }
.Lfunc_end0:
.L_simem_size_0:
called_computation_lowered:
.L_overlay_start_0:
0x88: {  	s2 =	sld [smem:$0x3FD9]  }
0x89: {  	s3 =	sld [smem:$0x3FFE];
	_ =	sdelay $0x1  }
0x8a: {  	s1 =	srdreg.scid  }
0x8b: {  	s0 =	sand.u32 $0x1, s1  }
0x8c: {  	s17 =	sshll.u32 s0, $0xA;
	s2 =	sadd.s32 s3, s2  }
0x8d: {  	s2 =	sadd.s32 s2, s17  }
0x8e: {  	[smem:$0x3FC6] =	sst s2  }
0x8f: {  	_ = 	snop  }
0x90: {  	s2 =	sld [smem:$0x3FC9]  }
0x91: {  	s18 =	sld [smem:$0x3FC8];
	(tm) =	ssettm $0x1  }
0x92: {  	s4 =	sld [smem:$0x3FFB];
	_ =	sdelay $0x3  }
0x93: {  	_ =	strace s4  }
0x94: {  	s4 =	sld [smem:$0x3FFC];
	_ =	sdelay $0x3  }
0x95: {  	_ =	strace s4  }
0x96: {  	s4 =	sld [smem:$0x3FFD];
	_ =	sdelay $0x3  }
0x97: {  	_ =	strace s4  }
0x98: {  	_ =	strace $0x8FFFFFFF  }
0x99: {  	s19 =	sld [smem:$0x3FDB];
	_ =	sdelay $0x1  }
0x9a: {  	s5 =	simm.s32 $_scs_section_size  }
0x9b: {  	s6 =	simm.s32 $_size__tile_overlayer_lowered;
	s7 =	simm.s32 $_tile_overlayer_lowered  }
0x9c: {  	s22 =	simm.s32 $0x1BFF;
	s21 =	sshll.u32 s7, $0x1;
	s4 =	sadd.s32 s5, s19  }
0x9d: {  	s8 =	simm.s32 $0x0;
	s20 =	sshll.u32 s6, $0x1;
	s6 =	sadd.s32 s21, s4  }
0x9e: {  	[timem:s8], [sflag:s22] =	dma.local [hbm:s6], s20  }
0x9f: {  	_ =	swait.ge [sflag:s22], s20  }
0xa0: {  	s5 =	ssub.s32 $0x0, s20;
	[sflag:s22] =	ssyncset.done $0x0  }
0xa1: {  	[sflag:s22] =	ssyncadd.s32 s5;
	_ =	sdelay $0x1  }
0xa2: {  	s23 =	simm.s32 $0x1B8B  }
0xa3: {  	_ =	swait.ge [sflag:s23], $0x1  }
0xa4: {  	[sflag:s23] =	ssyncset.done $0x0  }
0xa5: {  	s25 =	simm.s32 $0x1B8E;
	s24 =	sld [smem:$0x3FFE];
	[sflag:s23] =	ssyncadd.s32 $0xFFFFFFFF  }
0xa6: {  	s26 =	simm.s32 $execute0_lowered;
	[smem:$0x3FD2] =	sst s25  }
0xa7: {  	s6 =	sshll.u32 s26, $0x1;
	_ =	strace $0x80000046;
	[dreg:$0x1] =	wrdreg $0xFFFFFFFF  }
0xa8: {  	s28 =	simm.s32 $_size_execute0_lowered;
	s4 =	sadd.s32 s4, s6;
	[dreg:$0x0] =	wrdreg $0x0  }
0xa9: {  	s6 =	sshll.u32 s28, $0x1;
	[dreg:$0x2] =	wrdreg s4  }
0xaa: {  	[dreg:$0x3] =	wrdreg s6  }
0xab: {  	[dreg:$0x4] =	wrdreg $0xC0  }
0xac: {  	_ =	task [dreg:s8], $0x5FFFF  }
0xad: {  	[dreg:$0x1] =	wrdreg $0xFFFFFFFF  }
0xae: {  	[dreg:$0x0] =	wrdreg $0x60  }
0xaf: {  	[dreg:$0x2] =	wrdreg s2  }
0xb0: {  	[dreg:$0x3] =	wrdreg s18  }
0xb1: {  	[dreg:$0x4] =	wrdreg s24  }
0xb2: {  	[dreg:$0x5] =	wrdreg $0x9  }
0xb3: {  	_ =	task.clear_ibuf [dreg:s8], $0x6FFFF;
	_ =	strace $0x90000046  }
0xb4: {  	s29 =	simm.s32 $0x9;
	_ =	strace $0x80000048  }
0xb5: {  	_ =	swait.ge [sflag:s29], $0x1  }
0xb6: {  	[sflag:s29] =	ssyncadd.s32 $0xFFFFFFFF  }
0xb7: {  	_ =	strace $0x90000048  }
0xb8: {  	_ =	sfence  }
0xb9: {  	s30 =	sld [smem:$0x0];
	_ =	sdelay $0x2  }
0xba: {  	s31 =	sshll.u32 s1, $0xD;
	s1 =	sshrl.u32 s1, $0x2  }
0xbb: {  	s3 =	sand.u32 $0x4000, s31;
	s1 =	sadd.s32 s1, s30  }
0xbc: {  	s0 =	sor.u32 s3, s0;
	s1 =	sshll.u32 s1, $0x11  }
0xbd: {  	s0 =	sor.u32 s1, s0  }
0xbe: {  	s0 =	sadd.s32 $0x8F2B, s0  }
0xbf: {  	[sflag:s0] =	ssyncadd.remote.s32 $0x1  }
0xc0: {  	_ =	sfence.sel $0xFFFF  }
0xc1: {  	[dreg:$0x0] =	wrdreg $0xFFFFFFFF;
	(pc) =	sbr.abs _section_cstart, $3  }
0xc2: {  	[dreg:$0x1] =	wrdreg $0xFFFFFFFF  }
0xc3: {  	_ =	task.clear_ibuf [dreg:s8], $0x2FFFF;
	_ =	strace $0x9FFFFFFF  }
0xc4: {  	(tm) =	ssettm $0x7FFFFFFF  }
0xc5: {  	_ =	shalt  }
tec
execute0_lowered:
.L_overlay_start_1:
0x0: {  	(tag) =	ssettag $0x1  }
0x1: {  	s7 =	rddreg [dreg:$0x0]  }
0x2: {  	s0 =	rddreg [dreg:$0x1]  }
0x3: {  	s1 =	rddreg [dreg:$0x2]  }
0x4: {  	s2 =	srdreg.scid;
	s4 =	stileid.u32  }
0x5: {  	s3 =	simm.s32 $0x0;
	s2 =	sand.u32 $0x1, s2;
	s4 =	sshll.u32 s4, $0x1  }
0x6: {  	[smem:$0x7FF] =	sst s3;
	s1 =	sadd.s32 $0x400, s1;
	s26 =	sadd.s32 $0x80, s7  }
0x7: {  	s28 =	sadd.s32 $0x100, s7;
	_ =	strace $0x80000047;
	[dreg:$0x8] =	wrdreg s1  }
0x8: {  	s5 =	ssub.s32 $0x2, s2;
	s2 =	sor.u32 s2, s4;
	[dreg:$0x17] =	wrdreg s26  }
0x9: {  	s29 =	sadd.s32 $0x180, s7;
	[dreg:$0x18] =	wrdreg s28;
	s6 =	sshll.u32 s2, $0xF  }
0xa: {  	[dreg:$0x19] =	wrdreg s29;
	s24 =	smul.u32 $0x50000, s2;
	s0 =	sadd.s32 s0, s6  }
0xb: {  	s15 =	sshll.u32 s2, $0x12;
	[dreg:$0x10] =	wrdreg s0  }
0xc: {  	s14 =	sadd.s32 s6, s7;
	s25 =	sor.u32 $0x30000, s15;
	[dreg:$0x15] =	wrdreg s24  }
0xd: {  	s8 =	sadd.s32 $0x6000, s14;
	[dreg:$0x16] =	wrdreg s25  }
0xe: {  	s16 =	sadd.s32 $0x6080, s14;
	[dreg:$0x9] =	wrdreg s8  }
0xf: {  	s17 =	sadd.s32 $0x6100, s14;
	[dreg:$0xa] =	wrdreg s16  }
0x10: {  	s18 =	sadd.s32 $0x6180, s14;
	[dreg:$0xb] =	wrdreg s17  }
0x11: {  	s19 =	sadd.s32 $0x6400, s14;
	[dreg:$0xc] =	wrdreg s18  }
0x12: {  	s20 =	sadd.s32 $0x6480, s14;
	[dreg:$0xd] =	wrdreg s19  }
0x13: {  	s21 =	sadd.s32 $0x6500, s14;
	[dreg:$0xe] =	wrdreg s20  }
0x14: {  	s4 =	sadd.s32 $0x6580, s14;
	[dreg:$0xf] =	wrdreg s21  }
.Ltmp0:
0x15: {  	s22 =	sadd.s32 $0x180, s0;
	[dreg:$0x11] =	wrdreg s4;
	(pc) =	sbr.rel .LBB2_1-.Ltmp0, $4  }
0x16: {  	s12 =	sshrl.u32 s5, $0x1;
	s23 =	sadd.s32 $0x100, s0;
	[dreg:$0x12] =	wrdreg s22  }
0x17: {  	s13 =	ssub.s32 s5, s12;
	s0 =	sadd.s32 $0x80, s0;
	[dreg:$0x13] =	wrdreg s23  }
0x18: {  	s30 =	simm.s32 $0x13000;
	v0 =	vlaneseq.u32;
	s31 =	smax.u32 s13, $0x1;
	[dreg:$0x14] =	wrdreg s0  }
0x19: {  	v1 =	vimm.f32 $0.0e+00;
	v2 =	vmul.u32 $0xFFFFFFFF, v0;
	v3 =	vadd.s32 $0xFFFFFFFF, v0;
	s2 =	simm.s32 $0x0;
	[dreg:$0x1a] =	wrdreg s31;
	s20 =	simm.s32 $0x10800  }
.LBB2_98:
0x1a: {  	s0 =	simm.s32 $0x4  }
0x1b: {  	_ =	swait.ge [sflag:s0], $0x2800  }
0x1c: {  	[sflag:s0] =	ssyncset.done $0x0  }
0x1d: {  	s1 =	simm.s32 $0x5;
	[sflag:s0] =	ssyncadd.s32 $0xFFFFD800  }
0x1e: {  	_ =	swait.ge [sflag:s1], $0x2800  }
0x1f: {  	s2 =	rddreg [dreg:$0x1b]  }
0x20: {  	s31 =	rddreg [dreg:$0x1a];
	s2 =	sadd.s32 $0x1, s2  }
0x21: {  	p0 =	sne.s32 s2, s31  }
.Ltmp1:
0x22: {  	_ = 	snop;
	(pc) =	sbr.rel @!p0 .LBB2_99-.Ltmp1, $3  }
0x23: {  	_ =	sdelay $0x1  }
0x24: {  	[sflag:s1] =	ssyncset.done $0x0  }
0x25: {  	[sflag:s1] =	ssyncadd.s32 $0xFFFFD800  }
.LBB2_1:
0x26: {  	[tilespmem:$0x10000] =	vst v1  }
0x27: {  	[tilespmem:$0x10010] =	vst v1  }
0x28: {  	[tilespmem:$0x10020] =	vst v1  }
0x29: {  	[tilespmem:$0x10030] =	vst v1  }
0x2a: {  	[tilespmem:$0x10040] =	vst v1  }
0x2b: {  	[tilespmem:$0x10050] =	vst v1  }
0x2c: {  	[tilespmem:$0x10060] =	vst v1  }
0x2d: {  	[tilespmem:$0x10070] =	vst v1  }
0x2e: {  	[tilespmem:$0x10080] =	vst v1  }
0x2f: {  	[tilespmem:$0x10090] =	vst v1  }
0x30: {  	[tilespmem:$0x100A0] =	vst v1  }
0x31: {  	[tilespmem:$0x100B0] =	vst v1  }
0x32: {  	[tilespmem:$0x100C0] =	vst v1  }
0x33: {  	[tilespmem:$0x100D0] =	vst v1  }
0x34: {  	[tilespmem:$0x100E0] =	vst v1  }
0x35: {  	[tilespmem:$0x100F0] =	vst v1  }
0x36: {  	[tilespmem:$0x10100] =	vst v1  }
0x37: {  	[tilespmem:$0x10110] =	vst v1  }
0x38: {  	[tilespmem:$0x10120] =	vst v1  }
0x39: {  	[tilespmem:$0x10130] =	vst v1  }
0x3a: {  	[tilespmem:$0x10140] =	vst v1  }
0x3b: {  	[tilespmem:$0x10150] =	vst v1  }
0x3c: {  	[tilespmem:$0x10160] =	vst v1  }
0x3d: {  	[tilespmem:$0x10170] =	vst v1  }
0x3e: {  	[tilespmem:$0x10180] =	vst v1  }
0x3f: {  	[tilespmem:$0x10190] =	vst v1  }
0x40: {  	[tilespmem:$0x101A0] =	vst v1  }
0x41: {  	[tilespmem:$0x101B0] =	vst v1  }
0x42: {  	[tilespmem:$0x101C0] =	vst v1  }
0x43: {  	[tilespmem:$0x101D0] =	vst v1  }
0x44: {  	[tilespmem:$0x101E0] =	vst v1  }
0x45: {  	[tilespmem:$0x101F0] =	vst v1  }
0x46: {  	[tilespmem:$0x10200] =	vst v1  }
0x47: {  	[tilespmem:$0x10210] =	vst v1  }
0x48: {  	[tilespmem:$0x10220] =	vst v1  }
0x49: {  	[tilespmem:$0x10230] =	vst v1  }
0x4a: {  	[tilespmem:$0x10240] =	vst v1  }
0x4b: {  	[tilespmem:$0x10250] =	vst v1  }
0x4c: {  	[tilespmem:$0x10260] =	vst v1  }
0x4d: {  	[tilespmem:$0x10270] =	vst v1  }
0x4e: {  	[tilespmem:$0x10280] =	vst v1  }
0x4f: {  	[tilespmem:$0x10290] =	vst v1  }
0x50: {  	[tilespmem:$0x102A0] =	vst v1  }
0x51: {  	[tilespmem:$0x102B0] =	vst v1  }
0x52: {  	[tilespmem:$0x102C0] =	vst v1  }
0x53: {  	[tilespmem:$0x102D0] =	vst v1  }
0x54: {  	[tilespmem:$0x102E0] =	vst v1  }
0x55: {  	[tilespmem:$0x102F0] =	vst v1  }
0x56: {  	[tilespmem:$0x10300] =	vst v1  }
0x57: {  	[tilespmem:$0x10310] =	vst v1  }
0x58: {  	[tilespmem:$0x10320] =	vst v1  }
0x59: {  	[tilespmem:$0x10330] =	vst v1  }
0x5a: {  	[tilespmem:$0x10340] =	vst v1  }
0x5b: {  	[tilespmem:$0x10350] =	vst v1  }
0x5c: {  	[tilespmem:$0x10360] =	vst v1  }
0x5d: {  	[tilespmem:$0x10370] =	vst v1  }
0x5e: {  	[tilespmem:$0x10380] =	vst v1  }
0x5f: {  	[tilespmem:$0x10390] =	vst v1  }
0x60: {  	[tilespmem:$0x103A0] =	vst v1  }
0x61: {  	[tilespmem:$0x103B0] =	vst v1  }
0x62: {  	[tilespmem:$0x103C0] =	vst v1  }
0x63: {  	[tilespmem:$0x103D0] =	vst v1  }
0x64: {  	[tilespmem:$0x103E0] =	vst v1  }
0x65: {  	[tilespmem:$0x103F0] =	vst v1  }
0x66: {  	[tilespmem:$0x10400] =	vst v1  }
0x67: {  	[tilespmem:$0x10410] =	vst v1  }
0x68: {  	[tilespmem:$0x10420] =	vst v1  }
0x69: {  	[tilespmem:$0x10430] =	vst v1  }
0x6a: {  	[tilespmem:$0x10440] =	vst v1  }
0x6b: {  	[tilespmem:$0x10450] =	vst v1  }
0x6c: {  	[tilespmem:$0x10460] =	vst v1  }
0x6d: {  	[tilespmem:$0x10470] =	vst v1  }
0x6e: {  	[tilespmem:$0x10480] =	vst v1  }
0x6f: {  	[tilespmem:$0x10490] =	vst v1  }
0x70: {  	[tilespmem:$0x104A0] =	vst v1  }
0x71: {  	[tilespmem:$0x104B0] =	vst v1  }
0x72: {  	[tilespmem:$0x104C0] =	vst v1  }
0x73: {  	[tilespmem:$0x104D0] =	vst v1  }
0x74: {  	[tilespmem:$0x104E0] =	vst v1  }
0x75: {  	[tilespmem:$0x104F0] =	vst v1  }
0x76: {  	[tilespmem:$0x10500] =	vst v1  }
0x77: {  	[tilespmem:$0x10510] =	vst v1  }
0x78: {  	[tilespmem:$0x10520] =	vst v1  }
0x79: {  	[tilespmem:$0x10530] =	vst v1  }
0x7a: {  	[tilespmem:$0x10540] =	vst v1  }
0x7b: {  	[tilespmem:$0x10550] =	vst v1  }
0x7c: {  	[tilespmem:$0x10560] =	vst v1  }
0x7d: {  	[tilespmem:$0x10570] =	vst v1  }
0x7e: {  	[tilespmem:$0x10580] =	vst v1  }
0x7f: {  	[tilespmem:$0x10590] =	vst v1  }
0x80: {  	[tilespmem:$0x105A0] =	vst v1  }
0x81: {  	[tilespmem:$0x105B0] =	vst v1  }
0x82: {  	[tilespmem:$0x105C0] =	vst v1  }
0x83: {  	[tilespmem:$0x105D0] =	vst v1  }
0x84: {  	[tilespmem:$0x105E0] =	vst v1  }
0x85: {  	[tilespmem:$0x105F0] =	vst v1  }
0x86: {  	[tilespmem:$0x10600] =	vst v1  }
0x87: {  	[tilespmem:$0x10610] =	vst v1  }
0x88: {  	[tilespmem:$0x10620] =	vst v1  }
0x89: {  	[tilespmem:$0x10630] =	vst v1  }
0x8a: {  	[tilespmem:$0x10640] =	vst v1  }
0x8b: {  	[tilespmem:$0x10650] =	vst v1  }
0x8c: {  	[tilespmem:$0x10660] =	vst v1  }
0x8d: {  	[tilespmem:$0x10670] =	vst v1  }
0x8e: {  	[tilespmem:$0x10680] =	vst v1  }
0x8f: {  	[tilespmem:$0x10690] =	vst v1  }
0x90: {  	[tilespmem:$0x106A0] =	vst v1  }
0x91: {  	[tilespmem:$0x106B0] =	vst v1  }
0x92: {  	[tilespmem:$0x106C0] =	vst v1  }
0x93: {  	[tilespmem:$0x106D0] =	vst v1  }
0x94: {  	[tilespmem:$0x106E0] =	vst v1  }
0x95: {  	[tilespmem:$0x106F0] =	vst v1  }
0x96: {  	[tilespmem:$0x10700] =	vst v1  }
0x97: {  	[tilespmem:$0x10710] =	vst v1  }
0x98: {  	[tilespmem:$0x10720] =	vst v1  }
0x99: {  	[tilespmem:$0x10730] =	vst v1  }
0x9a: {  	[tilespmem:$0x10740] =	vst v1  }
0x9b: {  	[tilespmem:$0x10750] =	vst v1  }
0x9c: {  	[tilespmem:$0x10760] =	vst v1  }
0x9d: {  	[tilespmem:$0x10770] =	vst v1  }
0x9e: {  	[tilespmem:$0x10780] =	vst v1  }
0x9f: {  	[tilespmem:$0x10790] =	vst v1  }
0xa0: {  	[tilespmem:$0x107A0] =	vst v1  }
0xa1: {  	[tilespmem:$0x107B0] =	vst v1  }
0xa2: {  	[tilespmem:$0x107C0] =	vst v1  }
0xa3: {  	[tilespmem:$0x107D0] =	vst v1  }
0xa4: {  	[tilespmem:$0x107E0] =	vst v1  }
0xa5: {  	[tilespmem:$0x107F0] =	vst v1  }
0xa6: {  	[tilespmem:$0x12800] =	vst v1  }
0xa7: {  	[tilespmem:$0x12810] =	vst v1  }
0xa8: {  	[tilespmem:$0x12820] =	vst v1  }
0xa9: {  	[tilespmem:$0x12830] =	vst v1  }
0xaa: {  	[tilespmem:$0x12840] =	vst v1  }
0xab: {  	[tilespmem:$0x12850] =	vst v1  }
0xac: {  	[tilespmem:$0x12860] =	vst v1  }
0xad: {  	[tilespmem:$0x12870] =	vst v1  }
0xae: {  	[tilespmem:$0x12880] =	vst v1  }
0xaf: {  	[tilespmem:$0x12890] =	vst v1  }
0xb0: {  	[tilespmem:$0x128A0] =	vst v1  }
0xb1: {  	[tilespmem:$0x128B0] =	vst v1  }
0xb2: {  	[tilespmem:$0x128C0] =	vst v1  }
0xb3: {  	[tilespmem:$0x128D0] =	vst v1  }
0xb4: {  	[tilespmem:$0x128E0] =	vst v1  }
0xb5: {  	[tilespmem:$0x128F0] =	vst v1  }
0xb6: {  	[tilespmem:$0x12900] =	vst v1  }
0xb7: {  	[tilespmem:$0x12910] =	vst v1  }
0xb8: {  	[tilespmem:$0x12920] =	vst v1  }
0xb9: {  	[tilespmem:$0x12930] =	vst v1  }
0xba: {  	[tilespmem:$0x12940] =	vst v1  }
0xbb: {  	[tilespmem:$0x12950] =	vst v1  }
0xbc: {  	[tilespmem:$0x12960] =	vst v1  }
0xbd: {  	[tilespmem:$0x12970] =	vst v1  }
0xbe: {  	[tilespmem:$0x12980] =	vst v1  }
0xbf: {  	[tilespmem:$0x12990] =	vst v1  }
0xc0: {  	[tilespmem:$0x129A0] =	vst v1  }
0xc1: {  	[tilespmem:$0x129B0] =	vst v1  }
0xc2: {  	[tilespmem:$0x129C0] =	vst v1  }
0xc3: {  	[tilespmem:$0x129D0] =	vst v1  }
0xc4: {  	[tilespmem:$0x129E0] =	vst v1  }
0xc5: {  	[tilespmem:$0x129F0] =	vst v1  }
0xc6: {  	[tilespmem:$0x12A00] =	vst v1  }
0xc7: {  	[tilespmem:$0x12A10] =	vst v1  }
0xc8: {  	[tilespmem:$0x12A20] =	vst v1  }
0xc9: {  	[tilespmem:$0x12A30] =	vst v1  }
0xca: {  	[tilespmem:$0x12A40] =	vst v1  }
0xcb: {  	[tilespmem:$0x12A50] =	vst v1  }
0xcc: {  	[tilespmem:$0x12A60] =	vst v1  }
0xcd: {  	[tilespmem:$0x12A70] =	vst v1  }
0xce: {  	[tilespmem:$0x12A80] =	vst v1  }
0xcf: {  	[tilespmem:$0x12A90] =	vst v1  }
0xd0: {  	[tilespmem:$0x12AA0] =	vst v1  }
0xd1: {  	[tilespmem:$0x12AB0] =	vst v1  }
0xd2: {  	[tilespmem:$0x12AC0] =	vst v1  }
0xd3: {  	[tilespmem:$0x12AD0] =	vst v1  }
0xd4: {  	[tilespmem:$0x12AE0] =	vst v1  }
0xd5: {  	[tilespmem:$0x12AF0] =	vst v1  }
0xd6: {  	[tilespmem:$0x12B00] =	vst v1  }
0xd7: {  	[tilespmem:$0x12B10] =	vst v1  }
0xd8: {  	[tilespmem:$0x12B20] =	vst v1  }
0xd9: {  	[tilespmem:$0x12B30] =	vst v1  }
0xda: {  	[tilespmem:$0x12B40] =	vst v1  }
0xdb: {  	[tilespmem:$0x12B50] =	vst v1  }
0xdc: {  	[tilespmem:$0x12B60] =	vst v1  }
0xdd: {  	[tilespmem:$0x12B70] =	vst v1  }
0xde: {  	[tilespmem:$0x12B80] =	vst v1  }
0xdf: {  	[tilespmem:$0x12B90] =	vst v1  }
0xe0: {  	[tilespmem:$0x12BA0] =	vst v1  }
0xe1: {  	[tilespmem:$0x12BB0] =	vst v1  }
0xe2: {  	[tilespmem:$0x12BC0] =	vst v1  }
0xe3: {  	[tilespmem:$0x12BD0] =	vst v1  }
0xe4: {  	[tilespmem:$0x12BE0] =	vst v1  }
0xe5: {  	[tilespmem:$0x12BF0] =	vst v1  }
0xe6: {  	[tilespmem:$0x12C00] =	vst v1  }
0xe7: {  	[tilespmem:$0x12C10] =	vst v1  }
0xe8: {  	[tilespmem:$0x12C20] =	vst v1  }
0xe9: {  	[tilespmem:$0x12C30] =	vst v1  }
0xea: {  	[tilespmem:$0x12C40] =	vst v1  }
0xeb: {  	[tilespmem:$0x12C50] =	vst v1  }
0xec: {  	[tilespmem:$0x12C60] =	vst v1  }
0xed: {  	[tilespmem:$0x12C70] =	vst v1  }
0xee: {  	[tilespmem:$0x12C80] =	vst v1  }
0xef: {  	[tilespmem:$0x12C90] =	vst v1  }
0xf0: {  	[tilespmem:$0x12CA0] =	vst v1  }
0xf1: {  	[tilespmem:$0x12CB0] =	vst v1  }
0xf2: {  	[tilespmem:$0x12CC0] =	vst v1  }
0xf3: {  	[tilespmem:$0x12CD0] =	vst v1  }
0xf4: {  	[tilespmem:$0x12CE0] =	vst v1  }
0xf5: {  	[tilespmem:$0x12CF0] =	vst v1  }
0xf6: {  	[tilespmem:$0x12D00] =	vst v1  }
0xf7: {  	[tilespmem:$0x12D10] =	vst v1  }
0xf8: {  	[tilespmem:$0x12D20] =	vst v1  }
0xf9: {  	[tilespmem:$0x12D30] =	vst v1  }
0xfa: {  	[tilespmem:$0x12D40] =	vst v1  }
0xfb: {  	[tilespmem:$0x12D50] =	vst v1  }
0xfc: {  	[tilespmem:$0x12D60] =	vst v1  }
0xfd: {  	[tilespmem:$0x12D70] =	vst v1  }
0xfe: {  	[tilespmem:$0x12D80] =	vst v1  }
0xff: {  	[tilespmem:$0x12D90] =	vst v1  }
0x100: {  	[tilespmem:$0x12DA0] =	vst v1  }
0x101: {  	[tilespmem:$0x12DB0] =	vst v1  }
0x102: {  	[tilespmem:$0x12DC0] =	vst v1  }
0x103: {  	[tilespmem:$0x12DD0] =	vst v1  }
0x104: {  	[tilespmem:$0x12DE0] =	vst v1  }
0x105: {  	[tilespmem:$0x12DF0] =	vst v1  }
0x106: {  	[tilespmem:$0x12E00] =	vst v1  }
0x107: {  	[tilespmem:$0x12E10] =	vst v1  }
0x108: {  	[tilespmem:$0x12E20] =	vst v1  }
0x109: {  	[tilespmem:$0x12E30] =	vst v1  }
0x10a: {  	[tilespmem:$0x12E40] =	vst v1  }
0x10b: {  	[tilespmem:$0x12E50] =	vst v1  }
0x10c: {  	[tilespmem:$0x12E60] =	vst v1  }
0x10d: {  	[tilespmem:$0x12E70] =	vst v1  }
0x10e: {  	[tilespmem:$0x12E80] =	vst v1  }
0x10f: {  	[tilespmem:$0x12E90] =	vst v1  }
0x110: {  	[tilespmem:$0x12EA0] =	vst v1  }
0x111: {  	[tilespmem:$0x12EB0] =	vst v1  }
0x112: {  	[tilespmem:$0x12EC0] =	vst v1  }
0x113: {  	[tilespmem:$0x12ED0] =	vst v1  }
0x114: {  	[tilespmem:$0x12EE0] =	vst v1  }
0x115: {  	[tilespmem:$0x12EF0] =	vst v1  }
0x116: {  	[tilespmem:$0x12F00] =	vst v1  }
0x117: {  	[tilespmem:$0x12F10] =	vst v1  }
0x118: {  	[tilespmem:$0x12F20] =	vst v1  }
0x119: {  	[tilespmem:$0x12F30] =	vst v1  }
0x11a: {  	[tilespmem:$0x12F40] =	vst v1  }
0x11b: {  	[tilespmem:$0x12F50] =	vst v1  }
0x11c: {  	[tilespmem:$0x12F60] =	vst v1  }
0x11d: {  	[tilespmem:$0x12F70] =	vst v1  }
0x11e: {  	[tilespmem:$0x12F80] =	vst v1  }
0x11f: {  	[tilespmem:$0x12F90] =	vst v1  }
0x120: {  	[tilespmem:$0x12FA0] =	vst v1  }
0x121: {  	[tilespmem:$0x12FB0] =	vst v1  }
0x122: {  	[tilespmem:$0x12FC0] =	vst v1  }
0x123: {  	[tilespmem:$0x12FD0] =	vst v1  }
0x124: {  	[tilespmem:$0x157D0] =	vst v1  }
0x125: {  	[tilespmem:$0x157B0] =	vst v1  }
0x126: {  	[tilespmem:$0x157A0] =	vst v1  }
0x127: {  	[tilespmem:$0x157F0] =	vst v1  }
0x128: {  	[tilespmem:$0x12FF0] =	vst v1  }
0x129: {  	[tilespmem:$0x15000] =	vst v1  }
0x12a: {  	[tilespmem:$0x15010] =	vst v1  }
0x12b: {  	[tilespmem:$0x15020] =	vst v1  }
0x12c: {  	[tilespmem:$0x15030] =	vst v1  }
0x12d: {  	[tilespmem:$0x15040] =	vst v1  }
0x12e: {  	[tilespmem:$0x15050] =	vst v1  }
0x12f: {  	[tilespmem:$0x15060] =	vst v1  }
0x130: {  	[tilespmem:$0x15070] =	vst v1  }
0x131: {  	[tilespmem:$0x15080] =	vst v1  }
0x132: {  	[tilespmem:$0x15090] =	vst v1  }
0x133: {  	[tilespmem:$0x150A0] =	vst v1  }
0x134: {  	[tilespmem:$0x150B0] =	vst v1  }
0x135: {  	[tilespmem:$0x150C0] =	vst v1  }
0x136: {  	[tilespmem:$0x150D0] =	vst v1  }
0x137: {  	[tilespmem:$0x150E0] =	vst v1  }
0x138: {  	[tilespmem:$0x150F0] =	vst v1  }
0x139: {  	[tilespmem:$0x15100] =	vst v1  }
0x13a: {  	[tilespmem:$0x15110] =	vst v1  }
0x13b: {  	[tilespmem:$0x15120] =	vst v1  }
0x13c: {  	[tilespmem:$0x15130] =	vst v1  }
0x13d: {  	[tilespmem:$0x15140] =	vst v1  }
0x13e: {  	[tilespmem:$0x15150] =	vst v1  }
0x13f: {  	[tilespmem:$0x15160] =	vst v1  }
0x140: {  	[tilespmem:$0x15170] =	vst v1  }
0x141: {  	[tilespmem:$0x15180] =	vst v1  }
0x142: {  	[tilespmem:$0x15190] =	vst v1  }
0x143: {  	[tilespmem:$0x151A0] =	vst v1  }
0x144: {  	[tilespmem:$0x151B0] =	vst v1  }
0x145: {  	[tilespmem:$0x151C0] =	vst v1  }
0x146: {  	[tilespmem:$0x151D0] =	vst v1  }
0x147: {  	[tilespmem:$0x151E0] =	vst v1  }
0x148: {  	[tilespmem:$0x151F0] =	vst v1  }
0x149: {  	[tilespmem:$0x15200] =	vst v1  }
0x14a: {  	[tilespmem:$0x15210] =	vst v1  }
0x14b: {  	[tilespmem:$0x15220] =	vst v1  }
0x14c: {  	[tilespmem:$0x15230] =	vst v1  }
0x14d: {  	[tilespmem:$0x15240] =	vst v1  }
0x14e: {  	[tilespmem:$0x15250] =	vst v1  }
0x14f: {  	[tilespmem:$0x15260] =	vst v1  }
0x150: {  	[tilespmem:$0x15270] =	vst v1  }
0x151: {  	[tilespmem:$0x15280] =	vst v1  }
0x152: {  	[tilespmem:$0x15290] =	vst v1  }
0x153: {  	[tilespmem:$0x152A0] =	vst v1  }
0x154: {  	[tilespmem:$0x152B0] =	vst v1  }
0x155: {  	[tilespmem:$0x152C0] =	vst v1  }
0x156: {  	[tilespmem:$0x152D0] =	vst v1  }
0x157: {  	[tilespmem:$0x152E0] =	vst v1  }
0x158: {  	[tilespmem:$0x152F0] =	vst v1  }
0x159: {  	[tilespmem:$0x15300] =	vst v1  }
0x15a: {  	[tilespmem:$0x15310] =	vst v1  }
0x15b: {  	[tilespmem:$0x15320] =	vst v1  }
0x15c: {  	[tilespmem:$0x15330] =	vst v1  }
0x15d: {  	[tilespmem:$0x15340] =	vst v1  }
0x15e: {  	[tilespmem:$0x15350] =	vst v1  }
0x15f: {  	[tilespmem:$0x15360] =	vst v1  }
0x160: {  	[tilespmem:$0x15370] =	vst v1  }
0x161: {  	[tilespmem:$0x15380] =	vst v1  }
0x162: {  	[tilespmem:$0x15390] =	vst v1  }
0x163: {  	[tilespmem:$0x153A0] =	vst v1  }
0x164: {  	[tilespmem:$0x153B0] =	vst v1  }
0x165: {  	[tilespmem:$0x153C0] =	vst v1  }
0x166: {  	[tilespmem:$0x153D0] =	vst v1  }
0x167: {  	[tilespmem:$0x153E0] =	vst v1  }
0x168: {  	[tilespmem:$0x153F0] =	vst v1  }
0x169: {  	[tilespmem:$0x15400] =	vst v1  }
0x16a: {  	[tilespmem:$0x15410] =	vst v1  }
0x16b: {  	[tilespmem:$0x15420] =	vst v1  }
0x16c: {  	[tilespmem:$0x15430] =	vst v1  }
0x16d: {  	[tilespmem:$0x15440] =	vst v1  }
0x16e: {  	[tilespmem:$0x15450] =	vst v1  }
0x16f: {  	[tilespmem:$0x15460] =	vst v1  }
0x170: {  	[tilespmem:$0x15470] =	vst v1  }
0x171: {  	[tilespmem:$0x15480] =	vst v1  }
0x172: {  	[tilespmem:$0x15490] =	vst v1  }
0x173: {  	[tilespmem:$0x154A0] =	vst v1  }
0x174: {  	[tilespmem:$0x154B0] =	vst v1  }
0x175: {  	[tilespmem:$0x154C0] =	vst v1  }
0x176: {  	[tilespmem:$0x154D0] =	vst v1  }
0x177: {  	[tilespmem:$0x154E0] =	vst v1  }
0x178: {  	[tilespmem:$0x154F0] =	vst v1  }
0x179: {  	[tilespmem:$0x15500] =	vst v1  }
0x17a: {  	[tilespmem:$0x15510] =	vst v1  }
0x17b: {  	[tilespmem:$0x15520] =	vst v1  }
0x17c: {  	[tilespmem:$0x15530] =	vst v1  }
0x17d: {  	[tilespmem:$0x15540] =	vst v1  }
0x17e: {  	[tilespmem:$0x15550] =	vst v1  }
0x17f: {  	[tilespmem:$0x15560] =	vst v1  }
0x180: {  	[tilespmem:$0x15570] =	vst v1  }
0x181: {  	[tilespmem:$0x15580] =	vst v1  }
0x182: {  	[tilespmem:$0x15590] =	vst v1  }
0x183: {  	[tilespmem:$0x155A0] =	vst v1  }
0x184: {  	[tilespmem:$0x155B0] =	vst v1  }
0x185: {  	[tilespmem:$0x155C0] =	vst v1  }
0x186: {  	[tilespmem:$0x155D0] =	vst v1  }
0x187: {  	[tilespmem:$0x155E0] =	vst v1  }
0x188: {  	[tilespmem:$0x155F0] =	vst v1  }
0x189: {  	[tilespmem:$0x15600] =	vst v1  }
0x18a: {  	[tilespmem:$0x15610] =	vst v1  }
0x18b: {  	[tilespmem:$0x15620] =	vst v1  }
0x18c: {  	[tilespmem:$0x15630] =	vst v1  }
0x18d: {  	[tilespmem:$0x15640] =	vst v1  }
0x18e: {  	[tilespmem:$0x15650] =	vst v1  }
0x18f: {  	[tilespmem:$0x15660] =	vst v1  }
0x190: {  	[tilespmem:$0x15670] =	vst v1  }
0x191: {  	[tilespmem:$0x15680] =	vst v1  }
0x192: {  	[tilespmem:$0x15690] =	vst v1  }
0x193: {  	[tilespmem:$0x156A0] =	vst v1  }
0x194: {  	[tilespmem:$0x156B0] =	vst v1  }
0x195: {  	[tilespmem:$0x156C0] =	vst v1  }
0x196: {  	[tilespmem:$0x156D0] =	vst v1  }
0x197: {  	[tilespmem:$0x156E0] =	vst v1  }
0x198: {  	[tilespmem:$0x156F0] =	vst v1  }
0x199: {  	[tilespmem:$0x15700] =	vst v1  }
0x19a: {  	[tilespmem:$0x15710] =	vst v1  }
0x19b: {  	[tilespmem:$0x15720] =	vst v1  }
0x19c: {  	[tilespmem:$0x15730] =	vst v1  }
0x19d: {  	[tilespmem:$0x15740] =	vst v1  }
0x19e: {  	[tilespmem:$0x15750] =	vst v1  }
0x19f: {  	[tilespmem:$0x15760] =	vst v1  }
0x1a0: {  	[tilespmem:$0x15770] =	vst v1  }
0x1a1: {  	[tilespmem:$0x15780] =	vst v1  }
0x1a2: {  	[tilespmem:$0x15790] =	vst v1  }
0x1a3: {  	[dreg:$0x1b] =	wrdreg s2;
	[tilespmem:$0x157C0] =	vst v1  }
0x1a4: {  	s0 =	rddreg [dreg:$0x9];
	[tilespmem:$0x12FE0] =	vst v1  }
0x1a5: {  	[tilespmem:$0x157E0] =	vst v1;
	s1 =	simm.s32 $0x400;
	s16 =	simm.s32 $0x1000;
	s17 =	rddreg [dreg:$0xa]  }
0x1a6: {  	[tilespmem:s20], [sflag:$0x2] =	stream.strided.gather [hbm4b:s0+s1], $0x800, s16, s1, $0x38;
	[tilespmem:$0x1D000] =	vst v63  }
0x1a7: {  	s4 =	simm.s32 $0x11000;
	s18 =	rddreg [dreg:$0xb]  }
0x1a8: {  	[tilespmem:s4], [sflag:$0x2] =	stream.strided.gather [hbm4b:s17+s1], $0x800, s16, s1, $0x38;
	[tilespmem:$0x1D000] =	vst v63  }
0x1a9: {  	s19 =	simm.s32 $0x11800;
	s21 =	rddreg [dreg:$0xc]  }
0x1aa: {  	[tilespmem:s19], [sflag:$0x2] =	stream.strided.gather [hbm4b:s18+s1], $0x800, s16, s1, $0x38;
	[tilespmem:$0x1D000] =	vst v63  }
0x1ab: {  	s22 =	simm.s32 $0x12000;
	s23 =	rddreg [dreg:$0xd]  }
0x1ac: {  	[tilespmem:s22], [sflag:$0x2] =	stream.strided.gather [hbm4b:s21+s1], $0x800, s16, s1, $0x38;
	[tilespmem:$0x1D000] =	vst v63  }
0x1ad: {  	s24 =	rddreg [dreg:$0xe]  }
0x1ae: {  	[tilespmem:s30], [sflag:$0x3] =	stream.strided.gather [hbm4b:s23+s1], $0x800, s16, s1, $0x38;
	[tilespmem:$0x1D000] =	vst v63  }
0x1af: {  	s25 =	simm.s32 $0x13800;
	s26 =	rddreg [dreg:$0xf]  }
0x1b0: {  	[tilespmem:s25], [sflag:$0x3] =	stream.strided.gather [hbm4b:s24+s1], $0x800, s16, s1, $0x38;
	[tilespmem:$0x1D000] =	vst v63  }
0x1b1: {  	s28 =	simm.s32 $0x14000;
	s29 =	rddreg [dreg:$0x11];
	s31 =	simm.s32 $0x14800  }
0x1b2: {  	[tilespmem:s28], [sflag:$0x3] =	stream.strided.gather [hbm4b:s26+s1], $0x800, s16, s1, $0x38;
	[tilespmem:$0x1D000] =	vst v63  }
0x1b3: {  	s6 =	simm.s32 $0x0;
	s11 =	simm.s32 $0x0;
	s0 =	simm.s32 $0x0  }
0x1b4: {  	[tilespmem:s31], [sflag:$0x3] =	stream.strided.gather [hbm4b:s29+s1], $0x800, s16, s1, $0x38;
	[tilespmem:$0x1D000] =	vst v63  }
.LBB2_2:
0x1b5: {  	[dreg:$0x1d] =	wrdreg s0  }
0x1b6: {  	p0 =	sgt.s32 s11, $0x7;
	s1 =	sand.u32 $0x3, s0;
	s5 =	rddreg [dreg:$0x13]  }
0x1b7: {  	s10 =	sand.u32 $0xFFFFFF80, s6;
	s24 =	simm.s32 $0x2;
	p1 =	seq.s32 @p0 s11, $0x8  }
0x1b8: {  	s9 =	sshll.u32 s1, $0x5;
	p2 =	por !p1, !p0;
	p3 =	por p1, !p0  }
0x1b9: {  	s0 =	simm.s32 @!p2 $0x400;
	s2 =	simm.s32 @!p2 $0x1000;
	s4 =	simm.s32 @!p2 $0x0  }
0x1ba: {  	[tilespmem:s4], [sflag:$0x1] =	stream.strided.gather @!p2 [hbm4b:s5+s0], $0x8800, s2, s0, $0x38;
	[tilespmem:$0x1D000] =	vst v63  }
0x1bb: {  	s1 =	sshll.u32 s1, $0x8;
	p3 =	seq.s32 @!p3 s11, $0xC;
	s2 =	simm.s32 @!p2 $0x1  }
0x1bc: {  	s0 =	ssub.s32 s9, s10;
	p1 =	por @p0 !p3, p1;
	s10 =	smov.u32 s6  }
0x1bd: {  	_ =	swait.ge @!p2 [sflag:s2], $0x8800;
	s4 =	sadd.s32 $0x190, s0;
	s18 =	sshll.u32 s10, $0x3  }
0x1be: {  	s19 =	sadd.s32 $0x220, s0;
	[sflag:s2] =	ssyncset.done @!p2 $0x0;
	s7 =	rddreg [dreg:$0x12]  }
0x1bf: {  	s12 =	sshrl.u32 s4, $0x4;
	[sflag:s2] =	ssyncadd.s32 @!p2 $0xFFFF7800;
	p2 =	por p1, !p0  }
0x1c0: {  	s13 =	sadd.s32 $0x1, s12;
	s14 =	ssub.s32 $0x0, s12;
	p1 =	seq.s32 @!p0 s11, $0x0  }
0x1c1: {  	s2 =	simm.s32 @!p2 $0x400;
	s5 =	simm.s32 @!p2 $0x1000;
	s6 =	simm.s32 @!p2 $0x0  }
0x1c2: {  	[tilespmem:s6], [sflag:$0x1] =	stream.strided.gather @!p2 [hbm4b:s7+s2], $0x4800, s5, s2, $0x38;
	[tilespmem:$0x1D000] =	vst v63  }
0x1c3: {  	s4 =	simm.s32 @!p2 $0x1;
	p3 =	por p1, p0;
	s6 =	sand.u32 $0x18, s14  }
0x1c4: {  	p3 =	seq.s32 @!p3 s11, $0x4;
	s2 =	sshll.u32 s12, $0x7;
	_ =	swait.ge @!p2 [sflag:s4], $0x4800  }
0x1c5: {  	s15 =	sadd.s32 s6, s13;
	s6 =	sadd.s32 s6, s12;
	s9 =	rddreg [dreg:$0x10]  }
0x1c6: {  	s2 =	sadd.s32 $0x100, s2;
	[sflag:s4] =	ssyncset.done @!p2 $0x0;
	[dreg:$0x1f] =	wrdreg s15  }
0x1c7: {  	s6 =	sadd.s32 $0x2, s6;
	[sflag:s4] =	ssyncadd.s32 @!p2 $0xFFFFB800;
	p2 =	por !p1, p0  }
0x1c8: {  	s4 =	simm.s32 @!p2 $0x400;
	s7 =	simm.s32 @!p2 $0x1000;
	s8 =	simm.s32 @!p2 $0x0  }
0x1c9: {  	[tilespmem:s8], [sflag:$0x1] =	stream.strided.gather @!p2 [hbm4b:s9+s4], $0x10000, s7, s4, $0x38;
	[tilespmem:$0x1D000] =	vst v63  }
0x1ca: {  	p1 =	por @!p0 !p3, p1;
	s16 =	sshll.u32 s6, $0x7;
	s4 =	simm.s32 @!p2 $0x1  }
0x1cb: {  	p0 =	por p1, p0;
	_ =	swait.ge @!p2 [sflag:s4], $0x10000;
	[dreg:$0x1c] =	wrdreg s10  }
0x1cc: {  	s17 =	sshll.u32 s6, $0x4;
	s7 =	simm.s32 @!p0 $0x1000;
	[smem:$0x7E5] =	sst s16  }
0x1cd: {  	s8 =	simm.s32 @!p0 $0x0;
	[sflag:s4] =	ssyncset.done @!p2 $0x0;
	s9 =	rddreg [dreg:$0x14]  }
0x1ce: {  	[smem:$0x7E6] =	sst s17;
	[sflag:s4] =	ssyncadd.s32 @!p2 $0xFFFF0000;
	s4 =	simm.s32 @!p0 $0x400  }
0x1cf: {  	[tilespmem:s8], [sflag:$0x1] =	stream.strided.gather @!p0 [hbm4b:s9+s4], $0xC800, s7, s4, $0x38;
	[tilespmem:$0x1D000] =	vst v63  }
0x1d0: {  	s22 =	sadd.s32 $0x180, s0;
	[smem:$0x7E7] =	sst s2;
	s4 =	simm.s32 @!p0 $0x1  }
0x1d1: {  	s0 =	sadd.s32 $0x210, s0;
	s2 =	sand.u32 $0xFFFFFC00, s18;
	_ =	swait.ge @!p0 [sflag:s4], $0xC800  }
0x1d2: {  	s21 =	sshrl.u32 s13, $0x3;
	s18 =	ssub.s32 s1, s2;
	[sflag:s4] =	ssyncset.done @!p0 $0x0  }
0x1d3: {  	s1 =	sand.u32 $0x7, s21;
	[smem:$0x7E8] =	sst s19;
	[sflag:s4] =	ssyncadd.s32 @!p0 $0xFFFF3800  }
0x1d4: {  	s25 =	sshrl.u32 s22, $0x4;
	s26 =	sshll.u32 s1, $0x3;
	_ =	swait.ge [sflag:s24], $0x800  }
0x1d5: {  	s28 =	ssub.s32 $0x20, s25;
	s5 =	sadd.s32 $0xFFFFFFFF, s26;
	[sflag:s24] =	ssyncset.done $0x0  }
0x1d6: {  	s29 =	sand.u32 $0x38, s28;
	[smem:$0x7E9] =	sst s5;
	[sflag:s24] =	ssyncadd.s32 $0xFFFFF800  }
0x1d7: {  	s14 =	sshll.u32 s11, $0x5;
	s31 =	sshll.u32 s1, $0xA;
	_ =	swait.ge [sflag:s24], $0x800  }
0x1d8: {  	s1 =	sshll.u32 s1, $0x7;
	s5 =	sadd.s32 s29, s25;
	[smem:$0x7EA] =	sst s31  }
0x1d9: {  	s8 =	sadd.s32 $0x2, s5;
	s5 =	sor.u32 $0x1, s5;
	[smem:$0x7EB] =	sst s1  }
0x1da: {  	s9 =	sshll.u32 s8, $0x7;
	[sflag:s24] =	ssyncset.done $0x0;
	[smem:$0x7EC] =	sst s5  }
0x1db: {  	s12 =	sshrl.u32 s22, $0x7;
	[smem:$0x7ED] =	sst s9;
	[sflag:s24] =	ssyncadd.s32 $0xFFFFF800  }
0x1dc: {  	s13 =	sshll.u32 s12, $0x3;
	s1 =	sshll.u32 s8, $0x4;
	_ =	swait.ge [sflag:s24], $0x800  }
0x1dd: {  	s15 =	sand.u32 $0x180, s14;
	[smem:$0x7EE] =	sst s1;
	[sflag:s24] =	ssyncset.done $0x0  }
0x1de: {  	s10 =	sshll.u32 s25, $0x7;
	[smem:$0x7EF] =	sst s0;
	[sflag:s24] =	ssyncadd.s32 $0xFFFFF800  }
0x1df: {  	s0 =	sadd.s32 $0xFFFFFFFF, s13;
	_ =	swait.ge [sflag:s24], $0x800;
	[dreg:$0x1e] =	wrdreg s11  }
0x1e0: {  	p1 =	seq.s32 s11, $0x0;
	s23 =	sadd.s32 $0x100, s10;
	[smem:$0x7F0] =	sst s0  }
0x1e1: {  	s16 =	sand.u32 $0x60, s14;
	s2 =	sand.u32 $0xFFFFFF80, s22;
	[smem:$0x7F1] =	sst s14  }
0x1e2: {  	s1 =	sshll.u32 s12, $0xA;
	[sflag:s24] =	ssyncset.done $0x0;
	[smem:$0x7F2] =	sst s15  }
0x1e3: {  	s0 =	simm.s32 @!p1 $0x4;
	[smem:$0x7F3] =	sst s1;
	[sflag:s24] =	ssyncadd.s32 $0xFFFFF800  }
0x1e4: {  	s4 =	ssub.s32 s16, s15;
	_ =	swait.ge @!p1 [sflag:s0], $0x2800;
	[dreg:$0x7] =	wrdreg s23  }
0x1e5: {  	s28 =	sxor.u32 $0x7F, s16;
	s17 =	sadd.s32 $0x180, s4;
	[smem:$0x7F4] =	sst s2  }
0x1e6: {  	s26 =	sadd.s32 $0x190, s4;
	s4 =	simm.s32 $0x0;
	[smem:$0x7F5] =	sst s17  }
0x1e7: {  	s25 =	sshrl.u32 s17, $0x4;
	s19 =	sshll.u32 s17, $0x3;
	[smem:$0x7F7] =	sst s26  }
0x1e8: {  	s29 =	sor.u32 $0x10, s16;
	s21 =	ssub.s32 $0x20, s25;
	[smem:$0x7F8] =	sst s28  }
0x1e9: {  	s22 =	sadd.s32 $0x2, s25;
	s8 =	sand.u32 $0xFFFFFF8, s25;
	[smem:$0x7F9] =	sst s16  }
0x1ea: {  	s31 =	sshll.u32 s22, $0x4;
	s5 =	simm.s32 $0x0;
	[smem:$0x7FA] =	sst s22  }
.Ltmp2:
0x1eb: {  	p2 =	seq.s32 s8, $0x0;
	[smem:$0x7FB] =	sst s31;
	(pc) =	sbr.rel .LBB2_3-.Ltmp2, $4  }
0x1ec: {  	s15 =	simm.s32 $0x0;
	s24 =	sand.u32 $0x38, s21;
	[smem:$0x7FC] =	sst s25  }
0x1ed: {  	[sflag:s0] =	ssyncset.done @!p1 $0x0;
	s17 =	sadd.s32 s22, s24;
	[smem:$0x7FD] =	sst s8  }
0x1ee: {  	[sflag:s0] =	ssyncadd.s32 @!p1 $0xFFFFD800;
	s0 =	sand.u32 $0x7FFFFC00, s19;
	[dreg:$0x4] =	wrdreg s17  }
0x1ef: {  	v4 =	vmov s29;
	p0 =	seq.s32 s24, $0x0;
	p3 =	sgt.u32 s17, $0x21;
	[smem:$0x7F6] =	sst s0  }
.LBB2_47:
0x1f0: {  	p4 =	slt.u32 s15, $0xE  }
.Ltmp3:
0x1f1: {  	s4 =	sld [smem:$0x7E4];
	(pc) =	sbr.rel @!p4 .LBB2_48-.Ltmp3, $3  }
0x1f2: {  	s5 =	sld [smem:$0x7E3];
	_ =	sdelay $0x1  }
0x1f3: {  	s0 =	sadd.s32 $0x2, s15  }
0x1f4: {  	s15 =	smov.u32 s0;
	s4 =	sadd.s32 $0x1, s4;
	s5 =	sadd.s32 $0x2, s5  }
.LBB2_3:
0x1f5: {  	s1 =	sld [smem:$0x7F8]  }
.Ltmp4:
0x1f6: {  	s2 =	sld [smem:$0x7F7];
	(pc) =	sbr.rel @p2 .LBB2_13-.Ltmp4, $3  }
0x1f7: {  	_ =	sdelay $0x1  }
0x1f8: {  	s0 =	sshrl.u32 s15, $0x3;
	s1 =	ssub.s32 s1, s15;
	s2 =	sor.u32 s2, s15  }
0x1f9: {  	[smem:$0x7E4] =	sst s4;
	s0 =	smul.u32 $0x5000, s0;
	v6 =	vmov s1;
	v7 =	vadd.s32 s2, v2  }
0x1fa: {  	p6 =	sgt.u32 s8, $0x8  }
.Ltmp5:
0x1fb: {  	s1 =	sand.u32 $0x3, s4;
	v15 =	vor.u32 $0xFFFFF800, v6;
	v17 =	vor.u32 $0xFFFFF000, v6;
	(pc) =	sbr.rel @!p6 .LBB2_5-.Ltmp5, $4  }
0x1fc: {  	v18 =	vor.u32 $0xFFFFE800, v6;
	v5 =	vor.u32 $0xFFFFE000, v6;
	v8 =	vor.u32 $0xFFFFD800, v6;
	s1 =	sshll.u32 s1, $0xA  }
0x1fd: {  	v20 =	vor.u32 $0xFFFFD000, v6;
	v22 =	vor.u32 $0xFFFFC800, v6;
	v12 =	vshll.u32 v7, $0x7;
	s1 =	sor.u32 s1, s0  }
0x1fe: {  	v9 =	vor.u32 v6, v12;
	v11 =	vadd.s32 v15, v12;
	v10 =	vadd.s32 v22, v12;
	s1 =	sshra.s32 s1, $0x2  }
0x1ff: {  	p4 =	por $0x0, $0x0;
	p5 =	por $0x0, $0x0;
	v14 =	vadd.s32 v17, v12;
	v13 =	vadd.s32 v18, v12;
	v23 =	vadd.s32 v20, v12;
	s2 =	sadd.s32 $0x15840, s1  }
0x200: {  	_ = 	snop  }
0x201: {  	v7 =	vadd.s32 $0xFFFFFF80, v7  }
0x202: {  	v19 =	vadd.s32 v8, v12;
	v31 =	vadd.s32 v5, v12;
	p6 =	sgt.u32 s8, $0x10;
	v12 =	vshll.u32 v7, $0x7  }
.Ltmp6:
0x203: {  	v28 =	vadd.s32 v20, v12;
	(pc) =	sbr.rel @!p6 .LBB2_7-.Ltmp6, $4  }
0x204: {  	v30 =	vld.idx.msk [tilespmem:v9+s3+$0x0], $0xffff;
	v27 =	vadd.s32 v17, v12  }
0x205: {  	v16 =	vld.idx.msk [tilespmem:v10+s3+$0x0], $0xffff;
	v25 =	vadd.s32 v18, v12  }
0x206: {  	v21 =	vld.idx.msk [tilespmem:v11+s3+$0x0], $0xffff  }
0x207: {  	p4 =	por $0x1, $0x1;
	v9 =	vor.u32 v6, v12;
	v32 =	vadd.s32 v15, v12;
	v10 =	vadd.s32 v22, v12;
	v19 =	vld.idx.msk [tilespmem:v19+s3+$0x0], $0xffff  }
0x208: {  	_ =	sdelay $0x3  }
0x209: {  	v11 =	vld.idx.msk [tilespmem:v23+s3+$0x0], $0xffff  }
0x20a: {  	v23 =	vadd.s32 v8, v12;
	v33 =	vld.idx.msk [tilespmem:v14+s3+$0x0], $0xffff  }
0x20b: {  	v24 =	vld.idx.msk [tilespmem:v13+s3+$0x0], $0xffff;
	p6 =	sgt.u32 s8, $0x18;
	[tilespmem:s2+$0xFFFFFFC0] =	vst v30  }
.Ltmp7:
0x20c: {  	v26 =	vld.idx.msk [tilespmem:v31+s3+$0x0], $0xffff;
	v7 =	vadd.s32 $0xFFFFFF80, v7;
	[tilespmem:s2+$0x30] =	vst v16;
	(pc) =	sbr.rel @!p6 .LBB2_9-.Ltmp7, $4  }
0x20d: {  	v29 =	vld.idx.msk [tilespmem:v9+s3+$0x0], $0xffff;
	v30 =	vadd.s32 v5, v12;
	v12 =	vshll.u32 v7, $0x7;
	[tilespmem:s2+$0xFFFFFFD0] =	vst v21  }
0x20e: {  	v16 =	vld.idx.msk [tilespmem:v10+s3+$0x0], $0xffff;
	v9 =	vor.u32 v6, v12;
	v10 =	vadd.s32 v22, v12;
	[tilespmem:s2+$0x10] =	vst v19  }
0x20f: {  	s1 =	sadd.s32 $0x400, s2;
	s10 =	simm.s32 $0x18;
	v14 =	vadd.s32 v17, v12;
	v13 =	vadd.s32 v18, v12;
	v19 =	vld.idx.msk [tilespmem:v23+s3+$0x0], $0xffff;
	[tilespmem:s2+$0x20] =	vst v11  }
0x210: {  	p5 =	por $0x1, $0x1;
	s4 =	smov.u32 s2;
	s6 =	smov.u32 s1;
	v21 =	vld.idx.msk [tilespmem:v32+s3+$0x0], $0xffff;
	v11 =	vadd.s32 v15, v12;
	v23 =	vadd.s32 v20, v12;
	[tilespmem:s2+$0xFFFFFFE0] =	vst v33  }
.LBB2_10:
0x211: {  	s10 =	sadd.s32 $0x8, s10;
	v31 =	vadd.s32 v5, v12;
	v32 =	vadd.s32 v8, v12;
	v33 =	vld.idx.msk [tilespmem:v28+s3+$0x0], $0xffff;
	s1 =	sadd.s32 $0x400, s1;
	[tilespmem:s4+$0x0] =	vst v26;
	v28 =	vmov v23  }
0x212: {  	p6 =	slt.u32 s10, s8;
	v34 =	vld.idx.msk [tilespmem:v27+s3+$0x0], $0xffff;
	[tilespmem:s4+$0xFFFFFFF0] =	vst v24;
	v27 =	vmov v14;
	s4 =	smov.u32 s6;
	s6 =	smov.u32 s1  }
0x213: {  	v24 =	vld.idx.msk [tilespmem:v25+s3+$0x0], $0xffff;
	[tilespmem:s4+$0x30] =	vst v16;
	v25 =	vmov v13  }
0x214: {  	v26 =	vld.idx.msk [tilespmem:v30+s3+$0x0], $0xffff;
	[tilespmem:s4+$0x10] =	vst v19;
	v30 =	vmov v31  }
.Ltmp8:
0x215: {  	[tilespmem:s4+$0xFFFFFFC0] =	vst v29;
	v29 =	vld.idx.msk [tilespmem:v9+s3+$0x0], $0xffff;
	(pc) =	sbr.rel @p6 .LBB2_10-.Ltmp8, $4  }
0x216: {  	v7 =	vadd.s32 $0xFFFFFF80, v7;
	v16 =	vld.idx.msk [tilespmem:v10+s3+$0x0], $0xffff;
	[tilespmem:s4+$0xFFFFFFD0] =	vst v21  }
0x217: {  	v12 =	vshll.u32 v7, $0x7;
	v19 =	vld.idx.msk [tilespmem:v32+s3+$0x0], $0xffff;
	[tilespmem:s4+$0x20] =	vst v33  }
0x218: {  	v9 =	vor.u32 v6, v12;
	v10 =	vadd.s32 v22, v12;
	v21 =	vld.idx.msk [tilespmem:v11+s3+$0x0], $0xffff;
	v11 =	vadd.s32 v15, v12  }
0x219: {  	v14 =	vadd.s32 v17, v12;
	v13 =	vadd.s32 v18, v12;
	v23 =	vadd.s32 v20, v12;
	[tilespmem:s4+$0xFFFFFFE0] =	vst v34  }
0x21a: {  	v15 =	vmovc v28;
	v17 =	vmovc v27;
	v18 =	vmov v25;
	v31 =	vmov v30;
	v30 =	vmov v29  }
.LBB2_12:
0x21b: {  	_ =	sdelay $0x3  }
0x21c: {  	v15 =	vld.idx.msk @p4 [tilespmem:v15+s3+$0x0], $0xffff;
	[tilespmem:s4+$0x0] =	vst @p5 v26  }
0x21d: {  	v17 =	vld.idx.msk @p4 [tilespmem:v17+s3+$0x0], $0xffff;
	[tilespmem:s4+$0xFFFFFFF0] =	vst @p5 v24;
	s4 =	smov.u32 @p4 s6  }
0x21e: {  	v8 =	vadd.s32 v8, v12;
	v18 =	vld.idx.msk @p4 [tilespmem:v18+s3+$0x0], $0xffff;
	[tilespmem:s4+$0x30] =	vst @p4 v16  }
0x21f: {  	v10 =	vld.idx.msk [tilespmem:v10+s3+$0x0], $0xffff;
	[tilespmem:s4+$0x10] =	vst @p4 v19  }
0x220: {  	v9 =	vld.idx.msk [tilespmem:v9+s3+$0x0], $0xffff;
	[tilespmem:s4+$0xFFFFFFC0] =	vst @p4 v30  }
0x221: {  	v11 =	vld.idx.msk [tilespmem:v11+s3+$0x0], $0xffff;
	[tilespmem:s4+$0xFFFFFFD0] =	vst @p4 v21  }
0x222: {  	v5 =	vadd.s32 v5, v12;
	s1 =	sadd.s32 @p4 $0x400, s1;
	v63 =	vld.idx.msk [tilespmem:v23+s3+$0x0], $0xffff;
	[tilespmem:s4+$0x20] =	vst @p4 v15  }
0x223: {  	s2 =	smov.u32 @p4 s1;
	v8 =	vld.idx.msk [tilespmem:v8+s3+$0x0], $0xffff;
	[tilespmem:s4+$0xFFFFFFE0] =	vst @p4 v17  }
0x224: {  	v14 =	vld.idx.msk [tilespmem:v14+s3+$0x0], $0xffff;
	[tilespmem:s2+$0x30] =	vst v10  }
0x225: {  	v16 =	vld.idx.msk @p4 [tilespmem:v31+s3+$0x0], $0xffff;
	[tilespmem:s2+$0xFFFFFFC0] =	vst v9  }
0x226: {  	[tilespmem:s2+$0xFFFFFFD0] =	vst v11  }
0x227: {  	v5 =	vld.idx.msk [tilespmem:v5+s3+$0x0], $0xffff;
	[tilespmem:s2+$0x20] =	vst v63  }
0x228: {  	[tilespmem:s2+$0x10] =	vst v8;
	v8 =	vld.idx.msk [tilespmem:v13+s3+$0x0], $0xffff  }
0x229: {  	s4 =	smov.u32 @p4 s4;
	v15 =	vpsel p4, v18, v0;
	[tilespmem:s2+$0xFFFFFFE0] =	vst v14  }
0x22a: {  	v12 =	vpsel p4, v16, v0;
	[tilespmem:s4+$0xFFFFFFF0] =	vst @p4 v15  }
0x22b: {  	[tilespmem:s4+$0x0] =	vst @p4 v12  }
0x22c: {  	[tilespmem:s2+$0x0] =	vst v5  }
0x22d: {  	v7 =	vadd.s32 $0xFFFFFF80, v7;
	[tilespmem:s2+$0xFFFFFFF0] =	vst v8  }
.LBB2_13:
0x22e: {  	[smem:$0x7E3] =	sst s5;
	s1 =	sand.u32 $0x7, s5  }
0x22f: {  	s2 =	sshll.u32 s15, $0x7;
	s4 =	sld [smem:$0x7F3];
	s1 =	sshll.u32 s1, $0x9  }
0x230: {  	s6 =	sld [smem:$0x7F0];
	s31 =	sshra.s32 s0, $0x2;
	s1 =	sor.u32 s1, s0  }
0x231: {  	s12 =	sand.u32 $0x300, s2;
	s0 =	sadd.s32 $0x15800, s31;
	s1 =	sshra.s32 s1, $0x2  }
0x232: {  	v5 =	vmov s15;
	s2 =	sld [smem:$0x7F4];
	s7 =	sadd.s32 $0x158F0, s1;
	s1 =	sadd.s32 s12, s0  }
.LBB2_14:
0x233: {  	v8 =	vshll.u32 v7, $0x7  }
0x234: {  	v8 =	vor.u32 v6, v8;
	_ =	sdelay $0x3  }
0x235: {  	s6 =	sadd.s32 $0x1, s6  }
0x236: {  	p4 =	slt.u32 s6, s25;
	v8 =	vld.idx.msk [tilespmem:v8+s3+$0x0], $0xffff  }
.Ltmp9:
0x237: {  	_ = 	snop;
	(pc) =	sbr.rel @p4 .LBB2_14-.Ltmp9, $4  }
0x238: {  	s10 =	sand.u32 $0xFFFFFC00, s4  }
0x239: {  	s11 =	sand.u32 $0x70, s2;
	s10 =	sadd.s32 s10, s1  }
0x23a: {  	s10 =	sadd.s32 s11, s10  }
0x23b: {  	v7 =	vadd.s32 $0xFFFFFFF0, v7;
	s4 =	sadd.s32 $0x80, s4;
	s2 =	sadd.s32 $0x10, s2;
	[tilespmem:s10+$0x0] =	vst v8  }
0x23c: {  	v7 =	vadd.s32 v2, v5;
	v8 =	vsub.s32 v3, v5  }
0x23d: {  	vm0 =	vlt.s32 v7, $0x0;
	vm1 =	vgt.s32 v8, $0x0  }
0x23e: {  	v7 =	vsel vm0, $0x0, v7;
	v8 =	vnsel vm1, $0x0, v8  }
0x23f: {  	v10 =	vshll.u32 v5, $0x7;
	v7 =	vshll.u32 v7, $0x7;
	v9 =	vand.u32 $0x7FFFFF80, v8  }
0x240: {  	v6 =	vor.u32 v6, v7;
	v7 =	vand.u32 $0x7F, v8;
	v8 =	vadd.s32 v10, v9  }
0x241: {  	v7 =	vor.u32 v7, v8;
	_ =	sdelay $0x3  }
0x242: {  	v6 =	vld.idx.msk [tilespmem:v6+s3+$0x0], $0xffff  }
0x243: {  	s1 =	sld [smem:$0x7F6];
	v7 =	vld.idx.msk [tilespmem:v7+s20+$0x0], $0xffff  }
0x244: {  	s29 =	sld [smem:$0x7FB]  }
.Ltmp10:
0x245: {  	_ = 	snop;
	(pc) =	sbr.rel @p0 .LBB2_23-.Ltmp10, $4  }
0x246: {  	_ = 	snop  }
0x247: {  	s9 =	sadd.s32 s1, s0;
	s26 =	sadd.s32 s29, s15  }
0x248: {  	s31 =	sadd.s32 s12, s9;
	s2 =	ssub.s32 $0xF, s26;
	v6 =	vsel vm0, v7, v6  }
0x249: {  	[smem:$0x7E2] =	sst s15;
	[tilespmem:v4+s31+$0x0 ss:$0x1] =	vst.idx.msk $0xffff, v6;
	v6 =	vadd.s32 s2, v0  }
0x24a: {  	s1 =	sld [smem:$0x7EF];
	_ =	sdelay $0x2  }
0x24b: {  	v7 =	vmov s12;
	s4 =	sadd.s32 $0xFFFFFF90, s1;
	s6 =	sadd.s32 $0xFFFFFFB0, s1  }
0x24c: {  	v8 =	vadd.s32 s1, v6;
	s11 =	sadd.s32 $0xFFFFFFC0, s1;
	s13 =	sadd.s32 $0xFFFFFFD0, s1;
	v9 =	vadd.s32 s4, v6;
	v10 =	vadd.s32 s6, v6  }
0x24d: {  	s14 =	sadd.s32 $0xFFFFFFE0, s1;
	s15 =	sadd.s32 $0xFFFFFFF0, s1;
	s2 =	sor.u32 $0x10, s4;
	v11 =	vshrl.u32 v8, $0x3;
	v16 =	vadd.s32 s11, v6;
	v17 =	vadd.s32 s13, v6  }
0x24e: {  	v18 =	vadd.s32 s14, v6;
	v19 =	vadd.s32 s15, v6;
	v13 =	vadd.s32 s2, v6  }
0x24f: {  	v12 =	vshrl.u32 v9, $0x3;
	v15 =	vshrl.u32 v10, $0x3;
	v14 =	vshrl.u32 v13, $0x3  }
0x250: {  	v20 =	vshrl.u32 v16, $0x3;
	v21 =	vshrl.u32 v17, $0x3;
	v14 =	vand.u32 $0x1FFFFF0, v14  }
0x251: {  	s5 =	sld [smem:$0x7FA];
	v22 =	vshrl.u32 v18, $0x3;
	v11 =	vand.u32 $0x1FFFFF0, v11;
	v14 =	vadd.s32 v5, v14  }
0x252: {  	v9 =	vand.u32 $0x7F, v9;
	v13 =	vand.u32 $0x7F, v13;
	v14 =	vshll.u32 v14, $0x7  }
0x253: {  	[smem:$0x7E1] =	sst s12;
	v10 =	vand.u32 $0x7F, v10;
	v16 =	vand.u32 $0x7F, v16;
	v13 =	vor.u32 v13, v14  }
0x254: {  	p4 =	por $0x0, $0x0;
	s5 =	sadd.s32 $0x8, s5;
	s29 =	sadd.s32 $0x80, s1;
	v25 =	vand.u32 $0x7F, v17;
	v26 =	vand.u32 $0x7F, v18;
	v17 =	vand.u32 $0x7F, v19  }
0x255: {  	s22 =	smov.u32 s5;
	s10 =	sand.u32 $0x70, s6;
	s6 =	sand.u32 $0x70, s14;
	v18 =	vand.u32 $0x7F, v8;
	v12 =	vand.u32 $0x1FFFFF0, v12;
	v15 =	vand.u32 $0x1FFFFF0, v15  }
0x256: {  	s12 =	sand.u32 $0x70, s11;
	s11 =	sand.u32 $0x70, s15;
	[smem:$0x7DE] =	sst s6;
	v20 =	vand.u32 $0x1FFFFF0, v20;
	v21 =	vand.u32 $0x1FFFFF0, v21;
	v22 =	vand.u32 $0x1FFFFF0, v22  }
0x257: {  	p5 =	slt.u32 s5, s17;
	s24 =	sand.u32 $0x70, s4;
	[smem:$0x7DF] =	sst s11;
	v11 =	vadd.s32 v5, v11;
	v12 =	vadd.s32 v5, v12;
	v15 =	vadd.s32 v5, v15  }
0x258: {  	s16 =	sand.u32 $0x70, s13;
	s13 =	sadd.s32 $0x0, s23;
	s5 =	smov.u32 s17;
	v20 =	vadd.s32 v5, v20;
	v21 =	vadd.s32 v5, v21;
	v22 =	vadd.s32 v5, v22;
	v24 =	vld.idx.msk [tilespmem:v13+s20+$0x0], $0xffff  }
.Ltmp11:
0x259: {  	s14 =	sand.u32 $0x70, s1;
	s6 =	sadd.s32 $0x0, s18;
	v12 =	vshll.u32 v12, $0x7;
	v23 =	vshll.u32 v15, $0x7;
	v20 =	vshll.u32 v20, $0x7;
	(pc) =	sbr.rel @!p5 .LBB2_17-.Ltmp11, $4  }
0x25a: {  	s4 =	sand.u32 $0xFFFFFC00, s13;
	s2 =	sand.u32 $0x70, s2;
	s15 =	sadd.s32 $0xE00, s6;
	v21 =	vshll.u32 v21, $0x7;
	v22 =	vshll.u32 v22, $0x7;
	v14 =	vshrl.u32 v19, $0x3  }
0x25b: {  	s31 =	sadd.s32 $0xE80, s6;
	v15 =	vshll.u32 v11, $0x7;
	v11 =	vor.u32 v10, v23;
	v14 =	vand.u32 $0x1FFFFF0, v14;
	[smem:$0x7E0] =	sst s14;
	s14 =	sadd.s32 s4, s0  }
0x25c: {  	s19 =	sadd.s32 $0xF00, s6;
	s17 =	sadd.s32 $0xF80, s6;
	v10 =	vor.u32 v16, v20;
	v8 =	vor.u32 v26, v22;
	v14 =	vadd.s32 v5, v14;
	s2 =	sadd.s32 s2, s14  }
0x25d: {  	s21 =	sadd.s32 $0x1000, s6;
	s28 =	sadd.s32 $0x1080, s6;
	s13 =	sand.u32 $0xFFFFFC00, s15;
	v14 =	vshll.u32 v14, $0x7;
	v13 =	vor.u32 v9, v12;
	v9 =	vor.u32 v25, v21;
	[tilespmem:v7+s2+$0x0 ss:$0x1] =	vst.idx.msk $0xffff, v24  }
0x25e: {  	[smem:$0x7DB] =	sst s7  }
0x25f: {  	[smem:$0x7DC] =	sst s26;
	s4 =	sadd.s32 $0xFFFFFF90, s29;
	s11 =	sadd.s32 $0xFFFFFFB0, s29;
	v16 =	vadd.s32 s29, v6;
	v12 =	vor.u32 v17, v14  }
0x260: {  	[smem:$0x7DD] =	sst s9;
	v19 =	vor.u32 v18, v15;
	s15 =	sadd.s32 $0xFFFFFFC0, s29;
	s20 =	sadd.s32 $0xFFFFFFD0, s29;
	v14 =	vadd.s32 s4, v6;
	v17 =	vadd.s32 s11, v6  }
0x261: {  	s25 =	sadd.s32 $0xFFFFFFE0, s29;
	s1 =	sadd.s32 $0xFFFFFFF0, s29;
	s3 =	sor.u32 $0x10, s4;
	v15 =	vshrl.u32 v16, $0x3;
	v21 =	vadd.s32 s15, v6;
	v23 =	vadd.s32 s20, v6  }
0x262: {  	s30 =	simm.s32 $0x10800;
	s6 =	sand.u32 $0xFFFFFC00, s31;
	s19 =	sand.u32 $0xFFFFFC00, s19;
	v24 =	vadd.s32 s25, v6;
	v26 =	vadd.s32 s1, v6;
	v20 =	vadd.s32 s3, v6  }
0x263: {  	s13 =	sadd.s32 s13, s0;
	s14 =	sadd.s32 s24, s14;
	s7 =	sand.u32 $0xFFFFFC00, s17;
	v13 =	vld.idx.msk [tilespmem:v13+s30+$0x0], $0xffff;
	v18 =	vshrl.u32 v14, $0x3;
	v25 =	vshrl.u32 v17, $0x3;
	v22 =	vshrl.u32 v20, $0x3  }
0x264: {  	s8 =	sand.u32 $0xFFFFFC00, s21;
	s9 =	sand.u32 $0xFFFFFC00, s28;
	s26 =	simm.s32 $0x400;
	v27 =	vshrl.u32 v21, $0x3;
	v28 =	vshrl.u32 v23, $0x3;
	v22 =	vand.u32 $0x1FFFFF0, v22  }
0x265: {  	p4 =	por $0x1, $0x1;
	s6 =	sadd.s32 s6, s0;
	s13 =	sadd.s32 s10, s13;
	v29 =	vshrl.u32 v24, $0x3;
	v62 =	vshrl.u32 v26, $0x3;
	v22 =	vadd.s32 v5, v22  }
0x266: {  	s2 =	sadd.s32 s19, s0;
	s17 =	sadd.s32 s7, s0;
	s24 =	sand.u32 $0x70, s4;
	v15 =	vand.u32 $0x1FFFFF0, v15;
	v20 =	vand.u32 $0x7F, v20;
	v22 =	vshll.u32 v22, $0x7  }
0x267: {  	v11 =	vld.idx.msk [tilespmem:v11+s30+$0x0], $0xffff;
	s21 =	sadd.s32 s8, s0;
	s28 =	sadd.s32 s9, s0;
	s10 =	sand.u32 $0x70, s11;
	v21 =	vand.u32 $0x7F, v21;
	v63 =	vand.u32 $0x7F, v24;
	v20 =	vor.u32 v20, v22  }
0x268: {  	v10 =	vld.idx.msk [tilespmem:v10+s30+$0x0], $0xffff;
	s11 =	sld [smem:$0x7DE];
	s4 =	sand.u32 $0x70, s29;
	s31 =	sadd.s32 s12, s6;
	v18 =	vand.u32 $0x1FFFFF0, v18;
	v25 =	vand.u32 $0x1FFFFF0, v25;
	v27 =	vand.u32 $0x1FFFFF0, v27;
	[tilespmem:v7+s14+$0x0 ss:$0x1] =	vst.idx.msk $0xffff, v13  }
0x269: {  	v9 =	vld.idx.msk [tilespmem:v9+s30+$0x0], $0xffff;
	s19 =	sadd.s32 s16, s2;
	s6 =	sadd.s32 $0x8, s22;
	v28 =	vand.u32 $0x1FFFFF0, v28;
	v29 =	vand.u32 $0x1FFFFF0, v29;
	v18 =	vadd.s32 v5, v18;
	s14 =	sld [smem:$0x7DF]  }
0x26a: {  	v8 =	vld.idx.msk [tilespmem:v8+s30+$0x0], $0xffff;
	s12 =	sand.u32 $0x70, s15;
	s16 =	sand.u32 $0x70, s20;
	v25 =	vadd.s32 v5, v25;
	v27 =	vadd.s32 v5, v27;
	v28 =	vadd.s32 v5, v28;
	s2 =	sld [smem:$0x7E0]  }
0x26b: {  	s15 =	sand.u32 $0x70, s25;
	s20 =	sand.u32 $0x70, s1;
	s25 =	sand.u32 $0x70, s3;
	v29 =	vadd.s32 v5, v29;
	v30 =	vshll.u32 v18, $0x7;
	v25 =	vshll.u32 v25, $0x7  }
0x26c: {  	p5 =	slt.u32 s6, s5;
	s17 =	sadd.s32 s11, s17;
	v27 =	vshll.u32 v27, $0x7;
	v28 =	vshll.u32 v28, $0x7;
	v29 =	vshll.u32 v29, $0x7;
	[tilespmem:v7+s13+$0x0 ss:$0x1] =	vst.idx.msk $0xffff, v11;
	s1 =	sadd.s32 s14, s21;
	v20 =	vld.idx.msk [tilespmem:v20+s30+$0x0], $0xffff  }
.Ltmp12:
0x26d: {  	v18 =	vand.u32 $0x7F, v16;
	v13 =	vadd.s32 v5, v15;
	v22 =	vand.u32 $0x1FFFFF0, v62;
	[tilespmem:v7+s31+$0x0 ss:$0x1] =	vst.idx.msk $0xffff, v10;
	s11 =	sadd.s32 s2, s28;
	s21 =	sadd.s32 $0x400, s23;
	(pc) =	sbr.rel @!p5 .LBB2_19-.Ltmp12, $4  }
0x26e: {  	v11 =	vand.u32 $0x7F, v14;
	v15 =	vshll.u32 v13, $0x7;
	v10 =	vand.u32 $0x7F, v17;
	[tilespmem:v7+s19+$0x0 ss:$0x1] =	vst.idx.msk $0xffff, v9;
	s28 =	sadd.s32 $0x400, s18;
	s2 =	sadd.s32 $0x80, s29;
	s13 =	sand.u32 $0xFFFFFC00, s21  }
0x26f: {  	v12 =	vld.idx.msk [tilespmem:v12+s30+$0x0], $0xffff;
	v9 =	vand.u32 $0x7F, v23;
	v17 =	vand.u32 $0x7F, v26;
	[tilespmem:v7+s17+$0x0 ss:$0x1] =	vst.idx.msk $0xffff, v8;
	v8 =	vor.u32 v63, v29;
	s22 =	sadd.s32 $0xE00, s28;
	s31 =	sadd.s32 $0xE80, s28;
	s14 =	sadd.s32 s13, s0  }
0x270: {  	v16 =	vld.idx.msk [tilespmem:v19+s30+$0x0], $0xffff;
	v22 =	vadd.s32 v5, v22;
	v13 =	vor.u32 v11, v30;
	v11 =	vor.u32 v10, v25;
	s19 =	sadd.s32 $0xF00, s28;
	s17 =	sadd.s32 $0xF80, s28;
	s13 =	sadd.s32 s25, s14  }
0x271: {  	v10 =	vor.u32 v21, v27;
	v9 =	vor.u32 v9, v28;
	v14 =	vshll.u32 v22, $0x7;
	s21 =	sadd.s32 $0x1000, s28;
	s28 =	sadd.s32 $0x1080, s28;
	[tilespmem:v7+s13+$0x0 ss:$0x1] =	vst.idx.msk $0xffff, v20;
	s13 =	sand.u32 $0xFFFFFC00, s22  }
.LBB2_20:
0x272: {  	s22 =	sadd.s32 $0xFFFFFF90, s2;
	s3 =	smov.u32 s23  }
0x273: {  	s25 =	sadd.s32 $0xFFFFFFB0, s2;
	s6 =	sadd.s32 $0x8, s6;
	s5 =	rddreg [dreg:$0x4]  }
0x274: {  	v19 =	vadd.s32 s2, v6;
	v14 =	vor.u32 v17, v14;
	s9 =	sadd.s32 $0xFFFFFFD0, s2;
	s7 =	sadd.s32 $0xFFFFFFE0, s2;
	s8 =	sadd.s32 $0xFFFFFFF0, s2  }
0x275: {  	v15 =	vor.u32 v18, v15;
	s31 =	sand.u32 $0xFFFFFC00, s31;
	s19 =	sand.u32 $0xFFFFFC00, s19;
	s17 =	sand.u32 $0xFFFFFC00, s17;
	v17 =	vadd.s32 s22, v6;
	v18 =	vadd.s32 s25, v6  }
0x276: {  	s13 =	sadd.s32 s13, s0;
	s21 =	sand.u32 $0xFFFFFC00, s21;
	[tilespmem:v7+s1+$0x0 ss:$0x1] =	vst.idx.msk $0xffff, v12;
	s29 =	sor.u32 $0x10, s22;
	v20 =	vshrl.u32 v19, $0x3;
	v23 =	vadd.s32 s9, v6;
	v24 =	vadd.s32 s7, v6  }
0x277: {  	s28 =	sand.u32 $0xFFFFFC00, s28;
	s26 =	sadd.s32 $0x400, s26;
	s1 =	sadd.s32 $0xFFFFFFC0, s2;
	v26 =	vadd.s32 s8, v6;
	[tilespmem:v7+s11+$0x0 ss:$0x1] =	vst.idx.msk $0xffff, v16;
	v12 =	vshrl.u32 v17, $0x3;
	v16 =	vadd.s32 s29, v6  }
0x278: {  	p5 =	slt.u32 s6, s5;
	s31 =	sadd.s32 s31, s0;
	s19 =	sadd.s32 s19, s0;
	v21 =	vadd.s32 s1, v6;
	v25 =	vshrl.u32 v18, $0x3;
	v22 =	vshrl.u32 v16, $0x3  }
0x279: {  	s17 =	sadd.s32 s17, s0;
	s22 =	sand.u32 $0x70, s22;
	s21 =	sadd.s32 s21, s0;
	v28 =	vshrl.u32 v23, $0x3;
	v29 =	vshrl.u32 v24, $0x3;
	v22 =	vand.u32 $0x1FFFFF0, v22  }
0x27a: {  	v11 =	vld.idx.msk [tilespmem:v11+s30+$0x0], $0xffff;
	s28 =	sadd.s32 s28, s0;
	s23 =	sand.u32 $0x70, s25;
	s25 =	smov.u32 s18;
	v20 =	vand.u32 $0x1FFFFF0, v20;
	v23 =	vand.u32 $0x7F, v23;
	v22 =	vadd.s32 v5, v22  }
0x27b: {  	v10 =	vld.idx.msk [tilespmem:v10+s30+$0x0], $0xffff;
	s9 =	sand.u32 $0x70, s9;
	s7 =	sand.u32 $0x70, s7;
	s8 =	sand.u32 $0x70, s8;
	v24 =	vand.u32 $0x7F, v24;
	v16 =	vand.u32 $0x7F, v16;
	v22 =	vshll.u32 v22, $0x7  }
0x27c: {  	v9 =	vld.idx.msk [tilespmem:v9+s30+$0x0], $0xffff;
	s5 =	sand.u32 $0x70, s2;
	s13 =	sadd.s32 s10, s13;
	s2 =	sadd.s32 $0x80, s2;
	v27 =	vshrl.u32 v21, $0x3;
	v30 =	vand.u32 $0x1FFFFF0, v12;
	v22 =	vor.u32 v16, v22  }
0x27d: {  	v8 =	vld.idx.msk [tilespmem:v8+s30+$0x0], $0xffff;
	s18 =	sand.u32 $0x70, s1;
	s31 =	sadd.s32 s12, s31;
	s19 =	sadd.s32 s16, s19;
	v25 =	vand.u32 $0x1FFFFF0, v25;
	v28 =	vand.u32 $0x1FFFFF0, v28;
	v21 =	vand.u32 $0x7F, v21  }
0x27e: {  	s17 =	sadd.s32 s15, s17;
	s1 =	sadd.s32 s20, s21;
	s11 =	sadd.s32 s4, s28;
	v27 =	vand.u32 $0x1FFFFF0, v27;
	v25 =	vadd.s32 v5, v25;
	v28 =	vadd.s32 v5, v28  }
0x27f: {  	s20 =	sadd.s32 s24, s14;
	s24 =	smov.u32 s22;
	s10 =	smov.u32 s23;
	v12 =	vld.idx.msk [tilespmem:v14+s30+$0x0], $0xffff;
	v14 =	vand.u32 $0x1FFFFF0, v29;
	v27 =	vadd.s32 v5, v27;
	v25 =	vshll.u32 v25, $0x7;
	[tilespmem:v7+s13+$0x0 ss:$0x1] =	vst.idx.msk $0xffff, v11  }
0x280: {  	v13 =	vld.idx.msk [tilespmem:v13+s30+$0x0], $0xffff;
	s23 =	smov.u32 s3;
	s16 =	smov.u32 s9;
	s15 =	smov.u32 s7;
	v62 =	vshll.u32 v28, $0x7;
	v11 =	vand.u32 $0x7F, v17;
	[tilespmem:v7+s31+$0x0 ss:$0x1] =	vst.idx.msk $0xffff, v10;
	v10 =	vand.u32 $0x7F, v18  }
0x281: {  	s4 =	smov.u32 s5;
	s21 =	sadd.s32 s26, s3;
	s22 =	sadd.s32 s26, s25;
	[tilespmem:v7+s19+$0x0 ss:$0x1] =	vst.idx.msk $0xffff, v9;
	v17 =	vand.u32 $0x7F, v26;
	v18 =	vand.u32 $0x7F, v19;
	v14 =	vadd.s32 v5, v14;
	v22 =	vld.idx.msk [tilespmem:v22+s30+$0x0], $0xffff  }
.Ltmp13:
0x282: {  	s29 =	sand.u32 $0x70, s29;
	s12 =	smov.u32 s18;
	[tilespmem:v7+s17+$0x0 ss:$0x1] =	vst.idx.msk $0xffff, v8;
	v9 =	vor.u32 v23, v62;
	v16 =	vshrl.u32 v26, $0x3;
	v63 =	vshll.u32 v14, $0x7;
	(pc) =	sbr.rel @p5 .LBB2_20-.Ltmp13, $4  }
0x283: {  	s18 =	smov.u32 s25;
	s5 =	sand.u32 $0xFFFFFC00, s21;
	s25 =	sadd.s32 $0xE00, s22;
	v61 =	vand.u32 $0x1FFFFF0, v16;
	v16 =	vld.idx.msk [tilespmem:v15+s30+$0x0], $0xffff;
	v15 =	vadd.s32 v5, v30;
	v8 =	vor.u32 v24, v63  }
0x284: {  	s21 =	sadd.s32 $0x1000, s22;
	s28 =	sadd.s32 $0x1080, s22;
	s14 =	sadd.s32 s5, s0;
	v29 =	vadd.s32 v5, v61;
	v30 =	vshll.u32 v15, $0x7;
	v15 =	vadd.s32 v5, v20  }
0x285: {  	[tilespmem:v7+s20+$0x0 ss:$0x1] =	vst.idx.msk $0xffff, v13;
	s20 =	smov.u32 s8;
	s31 =	sadd.s32 $0xE80, s22;
	s5 =	sadd.s32 s29, s14;
	v20 =	vshll.u32 v27, $0x7;
	v14 =	vshll.u32 v29, $0x7;
	v13 =	vor.u32 v11, v30  }
0x286: {  	s19 =	sadd.s32 $0xF00, s22;
	s17 =	sadd.s32 $0xF80, s22;
	s13 =	sand.u32 $0xFFFFFC00, s25;
	v15 =	vshll.u32 v15, $0x7;
	v11 =	vor.u32 v10, v25;
	v10 =	vor.u32 v21, v20;
	[tilespmem:v7+s5+$0x0 ss:$0x1] =	vst.idx.msk $0xffff, v22  }
0x287: {  	[smem:$0x7DE] =	sst s15  }
0x288: {  	s25 =	sld [smem:$0x7FC]  }
0x289: {  	s26 =	rddreg [dreg:$0x4]  }
0x28a: {  	s8 =	sld [smem:$0x7FD]  }
0x28b: {  	s15 =	sld [smem:$0x7E2]  }
0x28c: {  	s6 =	smov.u32 s20;
	s9 =	sld [smem:$0x7DD]  }
0x28d: {  	s29 =	smov.u32 s4;
	s20 =	simm.s32 $0x10800;
	s22 =	sld [smem:$0x7DC]  }
0x28e: {  	s30 =	simm.s32 $0x13000;
	s3 =	simm.s32 $0x0;
	s7 =	sld [smem:$0x7DB]  }
.LBB2_22:
0x28f: {  	_ =	sdelay $0x3  }
0x290: {  	v13 =	vld.idx.msk [tilespmem:v13+s20+$0x0], $0xffff  }
0x291: {  	v11 =	vld.idx.msk [tilespmem:v11+s20+$0x0], $0xffff  }
0x292: {  	v10 =	vld.idx.msk [tilespmem:v10+s20+$0x0], $0xffff  }
0x293: {  	v14 =	vor.u32 v17, v14;
	[tilespmem:v7+s1+$0x0 ss:$0x1] =	vst.idx.msk @p4 $0xffff, v12  }
0x294: {  	v15 =	vor.u32 v18, v15;
	[tilespmem:v7+s11+$0x0 ss:$0x1] =	vst.idx.msk @p4 $0xffff, v16;
	s11 =	sand.u32 $0xFFFFFC00, s31;
	s2 =	sadd.s32 s13, s0;
	s4 =	sadd.s32 s24, s14  }
0x295: {  	s1 =	sadd.s32 s11, s0;
	s2 =	sadd.s32 s10, s2;
	[tilespmem:v7+s4+$0x0 ss:$0x1] =	vst.idx.msk $0xffff, v13  }
0x296: {  	v9 =	vld.idx.msk [tilespmem:v9+s20+$0x0], $0xffff;
	s1 =	sadd.s32 s12, s1;
	[tilespmem:v7+s2+$0x0 ss:$0x1] =	vst.idx.msk $0xffff, v11  }
0x297: {  	v8 =	vld.idx.msk [tilespmem:v8+s20+$0x0], $0xffff;
	[tilespmem:v7+s1+$0x0 ss:$0x1] =	vst.idx.msk $0xffff, v10  }
0x298: {  	s5 =	sand.u32 $0xFFFFFC00, s19;
	v62 =	vld.idx.msk [tilespmem:v14+s20+$0x0], $0xffff;
	s31 =	sld [smem:$0x7DE]  }
0x299: {  	s19 =	sand.u32 $0xFFFFFC00, s17;
	s5 =	sadd.s32 s5, s0;
	v63 =	vld.idx.msk [tilespmem:v15+s20+$0x0], $0xffff  }
0x29a: {  	s24 =	sand.u32 $0xFFFFFC00, s21;
	s5 =	sadd.s32 s16, s5;
	s4 =	sadd.s32 s19, s0  }
0x29b: {  	s28 =	sand.u32 $0xFFFFFC00, s28;
	s2 =	sadd.s32 s24, s0;
	[tilespmem:v7+s5+$0x0 ss:$0x1] =	vst.idx.msk $0xffff, v9;
	s4 =	sadd.s32 s31, s4  }
0x29c: {  	s1 =	sadd.s32 s28, s0;
	s2 =	sadd.s32 s6, s2;
	[tilespmem:v7+s4+$0x0 ss:$0x1] =	vst.idx.msk $0xffff, v8  }
0x29d: {  	s1 =	sadd.s32 s29, s1;
	[tilespmem:v7+s2+$0x0 ss:$0x1] =	vst.idx.msk $0xffff, v62  }
0x29e: {  	[tilespmem:v7+s1+$0x0 ss:$0x1] =	vst.idx.msk $0xffff, v63  }
0x29f: {  	s17 =	smov.u32 s26;
	s26 =	smov.u32 s22;
	s12 =	sld [smem:$0x7E1]  }
.LBB2_23:
.Ltmp14:
0x2a0: {  	(pc) =	sbr.rel @p3 .LBB2_25-.Ltmp14, $4  }
0x2a1: {  	_ = 	snop  }
0x2a2: {  	s1 =	sld [smem:$0x7EE]  }
0x2a3: {  	s2 =	sld [smem:$0x7ED]  }
0x2a4: {  	s4 =	sld [smem:$0x7EC]  }
.LBB2_24:
0x2a5: {  	v7 =	vadd.s32 s1, v6  }
0x2a6: {  	v8 =	vshrl.u32 v7, $0x3  }
0x2a7: {  	v8 =	vand.u32 $0x1FFFFF0, v8  }
0x2a8: {  	v8 =	vadd.s32 v5, v8  }
0x2a9: {  	v7 =	vand.u32 $0x7F, v7;
	v8 =	vshll.u32 v8, $0x7  }
0x2aa: {  	v7 =	vor.u32 v7, v8;
	_ =	sdelay $0x3  }
0x2ab: {  	s4 =	sadd.s32 $0x1, s4  }
0x2ac: {  	p4 =	slt.u32 s4, $0x21;
	v7 =	vld.idx.msk [tilespmem:v7+s20+$0x0], $0xffff  }
.Ltmp15:
0x2ad: {  	s5 =	sand.u32 $0x7FFFFC00, s2;
	(pc) =	sbr.rel @p4 .LBB2_24-.Ltmp15, $4  }
0x2ae: {  	s6 =	sand.u32 $0x70, s1;
	s5 =	sadd.s32 s5, s0  }
0x2af: {  	s5 =	sadd.s32 s6, s5  }
0x2b0: {  	s5 =	sadd.s32 s12, s5  }
0x2b1: {  	s2 =	sadd.s32 $0x80, s2;
	s1 =	sadd.s32 $0x10, s1;
	[tilespmem:s5+$0x0] =	vst v7  }
.LBB2_25:
0x2b2: {  	s1 =	sld [smem:$0x7F8]  }
.Ltmp16:
0x2b3: {  	s2 =	sld [smem:$0x7F7];
	(pc) =	sbr.rel @p2 .LBB2_35-.Ltmp16, $4  }
0x2b4: {  	_ = 	snop  }
0x2b5: {  	s6 =	sor.u32 $0x1, s15  }
0x2b6: {  	s1 =	ssub.s32 s1, s6;
	s2 =	sor.u32 s2, s6  }
0x2b7: {  	v6 =	vmov s1;
	v7 =	vadd.s32 s2, v2  }
0x2b8: {  	p6 =	sgt.u32 s8, $0x8  }
.Ltmp17:
0x2b9: {  	v16 =	vor.u32 $0xFFFFF800, v6;
	v17 =	vor.u32 $0xFFFFF000, v6;
	(pc) =	sbr.rel @!p6 .LBB2_27-.Ltmp17, $4  }
0x2ba: {  	v18 =	vor.u32 $0xFFFFE800, v6;
	v5 =	vor.u32 $0xFFFFE000, v6;
	v8 =	vor.u32 $0xFFFFD800, v6  }
0x2bb: {  	v20 =	vor.u32 $0xFFFFD000, v6;
	v22 =	vor.u32 $0xFFFFC800, v6;
	v12 =	vshll.u32 v7, $0x7  }
0x2bc: {  	v9 =	vor.u32 v6, v12;
	v11 =	vadd.s32 v16, v12;
	v10 =	vadd.s32 v22, v12  }
0x2bd: {  	p4 =	por $0x0, $0x0;
	p5 =	por $0x0, $0x0;
	v14 =	vadd.s32 v17, v12;
	v13 =	vadd.s32 v18, v12;
	v23 =	vadd.s32 v20, v12  }
0x2be: {  	_ = 	snop  }
0x2bf: {  	v7 =	vadd.s32 $0xFFFFFF80, v7  }
0x2c0: {  	v19 =	vadd.s32 v8, v12;
	v31 =	vadd.s32 v5, v12;
	p6 =	sgt.u32 s8, $0x10;
	v12 =	vshll.u32 v7, $0x7  }
.Ltmp18:
0x2c1: {  	v28 =	vadd.s32 v20, v12;
	(pc) =	sbr.rel @!p6 .LBB2_29-.Ltmp18, $4  }
0x2c2: {  	v30 =	vld.idx.msk [tilespmem:v9+s3+$0x0], $0xffff;
	v27 =	vadd.s32 v17, v12  }
0x2c3: {  	v15 =	vld.idx.msk [tilespmem:v10+s3+$0x0], $0xffff;
	v25 =	vadd.s32 v18, v12  }
0x2c4: {  	v21 =	vld.idx.msk [tilespmem:v11+s3+$0x0], $0xffff  }
0x2c5: {  	p4 =	por $0x1, $0x1;
	v9 =	vor.u32 v6, v12;
	v32 =	vadd.s32 v16, v12;
	v10 =	vadd.s32 v22, v12;
	v19 =	vld.idx.msk [tilespmem:v19+s3+$0x0], $0xffff  }
0x2c6: {  	_ =	sdelay $0x3  }
0x2c7: {  	v11 =	vld.idx.msk [tilespmem:v23+s3+$0x0], $0xffff  }
0x2c8: {  	v23 =	vadd.s32 v8, v12;
	v33 =	vld.idx.msk [tilespmem:v14+s3+$0x0], $0xffff  }
0x2c9: {  	v24 =	vld.idx.msk [tilespmem:v13+s3+$0x0], $0xffff;
	p6 =	sgt.u32 s8, $0x18;
	[tilespmem:s7+$0xFFFFFF90] =	vst v30  }
.Ltmp19:
0x2ca: {  	v26 =	vld.idx.msk [tilespmem:v31+s3+$0x0], $0xffff;
	v7 =	vadd.s32 $0xFFFFFF80, v7;
	[tilespmem:s7+$0x0] =	vst v15;
	(pc) =	sbr.rel @!p6 .LBB2_31-.Ltmp19, $4  }
0x2cb: {  	v29 =	vld.idx.msk [tilespmem:v9+s3+$0x0], $0xffff;
	v30 =	vadd.s32 v5, v12;
	v12 =	vshll.u32 v7, $0x7;
	[tilespmem:s7+$0xFFFFFFA0] =	vst v21  }
0x2cc: {  	v15 =	vld.idx.msk [tilespmem:v10+s3+$0x0], $0xffff;
	v9 =	vor.u32 v6, v12;
	v10 =	vadd.s32 v22, v12;
	[tilespmem:s7+$0xFFFFFFE0] =	vst v19  }
0x2cd: {  	s1 =	sadd.s32 $0x400, s7;
	s10 =	simm.s32 $0x18;
	v14 =	vadd.s32 v17, v12;
	v13 =	vadd.s32 v18, v12;
	v19 =	vld.idx.msk [tilespmem:v23+s3+$0x0], $0xffff;
	[tilespmem:s7+$0xFFFFFFF0] =	vst v11  }
0x2ce: {  	p5 =	por $0x1, $0x1;
	s2 =	smov.u32 s7;
	s4 =	smov.u32 s1;
	v21 =	vld.idx.msk [tilespmem:v32+s3+$0x0], $0xffff;
	v11 =	vadd.s32 v16, v12;
	v23 =	vadd.s32 v20, v12;
	[tilespmem:s7+$0xFFFFFFB0] =	vst v33  }
.LBB2_32:
0x2cf: {  	s10 =	sadd.s32 $0x8, s10;
	v31 =	vadd.s32 v5, v12;
	v32 =	vadd.s32 v8, v12;
	v33 =	vld.idx.msk [tilespmem:v28+s3+$0x0], $0xffff;
	s1 =	sadd.s32 $0x400, s1;
	[tilespmem:s2+$0xFFFFFFD0] =	vst v26;
	v28 =	vmov v23  }
0x2d0: {  	p6 =	slt.u32 s10, s8;
	v34 =	vld.idx.msk [tilespmem:v27+s3+$0x0], $0xffff;
	[tilespmem:s2+$0xFFFFFFC0] =	vst v24;
	v27 =	vmov v14;
	s2 =	smov.u32 s4;
	s4 =	smov.u32 s1  }
0x2d1: {  	v24 =	vld.idx.msk [tilespmem:v25+s3+$0x0], $0xffff;
	[tilespmem:s2+$0x0] =	vst v15;
	v25 =	vmov v13  }
0x2d2: {  	v26 =	vld.idx.msk [tilespmem:v30+s3+$0x0], $0xffff;
	[tilespmem:s2+$0xFFFFFFE0] =	vst v19;
	v30 =	vmov v31  }
.Ltmp20:
0x2d3: {  	[tilespmem:s2+$0xFFFFFF90] =	vst v29;
	v29 =	vld.idx.msk [tilespmem:v9+s3+$0x0], $0xffff;
	(pc) =	sbr.rel @p6 .LBB2_32-.Ltmp20, $4  }
0x2d4: {  	v7 =	vadd.s32 $0xFFFFFF80, v7;
	v15 =	vld.idx.msk [tilespmem:v10+s3+$0x0], $0xffff;
	[tilespmem:s2+$0xFFFFFFA0] =	vst v21  }
0x2d5: {  	v12 =	vshll.u32 v7, $0x7;
	v19 =	vld.idx.msk [tilespmem:v32+s3+$0x0], $0xffff;
	[tilespmem:s2+$0xFFFFFFF0] =	vst v33  }
0x2d6: {  	v9 =	vor.u32 v6, v12;
	v10 =	vadd.s32 v22, v12;
	v21 =	vld.idx.msk [tilespmem:v11+s3+$0x0], $0xffff;
	v11 =	vadd.s32 v16, v12  }
0x2d7: {  	v14 =	vadd.s32 v17, v12;
	v13 =	vadd.s32 v18, v12;
	v23 =	vadd.s32 v20, v12;
	[tilespmem:s2+$0xFFFFFFB0] =	vst v34  }
0x2d8: {  	v16 =	vmovc v28;
	v17 =	vmovc v27;
	v18 =	vmov v25;
	v31 =	vmov v30;
	v30 =	vmov v29  }
.LBB2_34:
0x2d9: {  	_ =	sdelay $0x3  }
0x2da: {  	v16 =	vld.idx.msk @p4 [tilespmem:v16+s3+$0x0], $0xffff;
	[tilespmem:s2+$0xFFFFFFD0] =	vst @p5 v26  }
0x2db: {  	v17 =	vld.idx.msk @p4 [tilespmem:v17+s3+$0x0], $0xffff;
	[tilespmem:s2+$0xFFFFFFC0] =	vst @p5 v24;
	s2 =	smov.u32 @p4 s4  }
0x2dc: {  	v8 =	vadd.s32 v8, v12;
	v10 =	vld.idx.msk [tilespmem:v10+s3+$0x0], $0xffff;
	[tilespmem:s2+$0x0] =	vst @p4 v15  }
0x2dd: {  	v9 =	vld.idx.msk [tilespmem:v9+s3+$0x0], $0xffff;
	[tilespmem:s2+$0xFFFFFFE0] =	vst @p4 v19  }
0x2de: {  	v11 =	vld.idx.msk [tilespmem:v11+s3+$0x0], $0xffff;
	[tilespmem:s2+$0xFFFFFF90] =	vst @p4 v30  }
0x2df: {  	v63 =	vld.idx.msk [tilespmem:v23+s3+$0x0], $0xffff;
	[tilespmem:s2+$0xFFFFFFA0] =	vst @p4 v21  }
0x2e0: {  	v5 =	vadd.s32 v5, v12;
	s1 =	sadd.s32 @p4 $0x400, s1;
	v14 =	vld.idx.msk [tilespmem:v14+s3+$0x0], $0xffff;
	[tilespmem:s2+$0xFFFFFFF0] =	vst @p4 v16  }
0x2e1: {  	s7 =	smov.u32 @p4 s1;
	v8 =	vld.idx.msk [tilespmem:v8+s3+$0x0], $0xffff;
	[tilespmem:s2+$0xFFFFFFB0] =	vst @p4 v17  }
0x2e2: {  	v15 =	vld.idx.msk @p4 [tilespmem:v31+s3+$0x0], $0xffff;
	[tilespmem:s7+$0x0] =	vst v10  }
0x2e3: {  	v18 =	vld.idx.msk @p4 [tilespmem:v18+s3+$0x0], $0xffff;
	[tilespmem:s7+$0xFFFFFF90] =	vst v9  }
0x2e4: {  	[tilespmem:s7+$0xFFFFFFA0] =	vst v11  }
0x2e5: {  	v5 =	vld.idx.msk [tilespmem:v5+s3+$0x0], $0xffff;
	[tilespmem:s7+$0xFFFFFFF0] =	vst v63  }
0x2e6: {  	[tilespmem:s7+$0xFFFFFFE0] =	vst v8;
	v8 =	vld.idx.msk [tilespmem:v13+s3+$0x0], $0xffff  }
0x2e7: {  	s2 =	smov.u32 @p4 s2;
	[tilespmem:s7+$0xFFFFFFB0] =	vst v14;
	v12 =	vpsel p4, v15, v0  }
0x2e8: {  	v15 =	vpsel p4, v18, v0;
	[tilespmem:s2+$0xFFFFFFD0] =	vst @p4 v12  }
0x2e9: {  	[tilespmem:s2+$0xFFFFFFC0] =	vst @p4 v15  }
0x2ea: {  	[tilespmem:s7+$0xFFFFFFD0] =	vst v5  }
0x2eb: {  	v7 =	vadd.s32 $0xFFFFFF80, v7;
	[tilespmem:s7+$0xFFFFFFC0] =	vst v8  }
.LBB2_35:
0x2ec: {  	s1 =	sshll.u32 s6, $0x7;
	s2 =	sld [smem:$0x7F4]  }
0x2ed: {  	s4 =	sld [smem:$0x7F3];
	s24 =	sand.u32 $0x380, s1  }
0x2ee: {  	v5 =	vmov s6;
	s6 =	sld [smem:$0x7F0];
	s1 =	sadd.s32 s24, s0  }
.LBB2_36:
0x2ef: {  	v8 =	vshll.u32 v7, $0x7  }
0x2f0: {  	v8 =	vor.u32 v6, v8;
	_ =	sdelay $0x3  }
0x2f1: {  	s6 =	sadd.s32 $0x1, s6  }
0x2f2: {  	p4 =	slt.u32 s6, s25;
	v8 =	vld.idx.msk [tilespmem:v8+s3+$0x0], $0xffff  }
.Ltmp21:
0x2f3: {  	_ = 	snop;
	(pc) =	sbr.rel @p4 .LBB2_36-.Ltmp21, $4  }
0x2f4: {  	s5 =	sand.u32 $0xFFFFFC00, s4  }
0x2f5: {  	s7 =	sand.u32 $0x70, s2;
	s5 =	sadd.s32 s5, s1  }
0x2f6: {  	s5 =	sadd.s32 s7, s5  }
0x2f7: {  	v7 =	vadd.s32 $0xFFFFFFF0, v7;
	s4 =	sadd.s32 $0x80, s4;
	s2 =	sadd.s32 $0x10, s2;
	[tilespmem:s5+$0x0] =	vst v8  }
0x2f8: {  	v7 =	vadd.s32 v2, v5;
	v8 =	vsub.s32 v3, v5  }
0x2f9: {  	vm0 =	vlt.s32 v7, $0x0;
	vm1 =	vgt.s32 v8, $0x0  }
0x2fa: {  	v7 =	vsel vm0, $0x0, v7;
	v8 =	vnsel vm1, $0x0, v8  }
0x2fb: {  	v10 =	vshll.u32 v5, $0x7;
	v7 =	vshll.u32 v7, $0x7;
	v9 =	vand.u32 $0x7FFFFF80, v8  }
0x2fc: {  	v6 =	vor.u32 v6, v7;
	v7 =	vand.u32 $0x7F, v8;
	v8 =	vadd.s32 v10, v9  }
0x2fd: {  	v7 =	vor.u32 v7, v8;
	_ =	sdelay $0x3  }
0x2fe: {  	v6 =	vld.idx.msk [tilespmem:v6+s3+$0x0], $0xffff  }
0x2ff: {  	v7 =	vld.idx.msk [tilespmem:v7+s20+$0x0], $0xffff;
	_ =	sdelay $0x1  }
.Ltmp22:
0x300: {  	_ = 	snop;
	(pc) =	sbr.rel @p0 .LBB2_45-.Ltmp22, $3  }
0x301: {  	_ =	sdelay $0x1  }
0x302: {  	s1 =	sadd.s32 s24, s9;
	s2 =	ssub.s32 $0xE, s26;
	v6 =	vsel vm0, v7, v6  }
0x303: {  	[tilespmem:v4+s1+$0x0 ss:$0x1] =	vst.idx.msk $0xffff, v6;
	v6 =	vadd.s32 s2, v0  }
0x304: {  	s13 =	sld [smem:$0x7EF];
	_ =	sdelay $0x2  }
0x305: {  	v7 =	vmov s24;
	s4 =	sadd.s32 $0xFFFFFF90, s13;
	s5 =	sadd.s32 $0xFFFFFFB0, s13  }
0x306: {  	v8 =	vadd.s32 s13, v6;
	s7 =	sadd.s32 $0xFFFFFFC0, s13;
	s8 =	sadd.s32 $0xFFFFFFD0, s13;
	v9 =	vadd.s32 s4, v6;
	v10 =	vadd.s32 s5, v6  }
0x307: {  	s9 =	sadd.s32 $0xFFFFFFE0, s13;
	s11 =	sadd.s32 $0xFFFFFFF0, s13;
	s2 =	sor.u32 $0x10, s4;
	v11 =	vshrl.u32 v8, $0x3;
	v16 =	vadd.s32 s7, v6;
	v17 =	vadd.s32 s8, v6  }
0x308: {  	v18 =	vadd.s32 s9, v6;
	v19 =	vadd.s32 s11, v6;
	v13 =	vadd.s32 s2, v6  }
0x309: {  	v12 =	vshrl.u32 v9, $0x3;
	v15 =	vshrl.u32 v10, $0x3;
	v14 =	vshrl.u32 v13, $0x3  }
0x30a: {  	v20 =	vshrl.u32 v16, $0x3;
	v21 =	vshrl.u32 v17, $0x3;
	v14 =	vand.u32 $0x1FFFFF0, v14  }
0x30b: {  	v22 =	vshrl.u32 v18, $0x3;
	v11 =	vand.u32 $0x1FFFFF0, v11;
	v14 =	vadd.s32 v5, v14  }
0x30c: {  	s1 =	sld [smem:$0x7FA];
	v9 =	vand.u32 $0x7F, v9;
	v13 =	vand.u32 $0x7F, v13;
	v14 =	vshll.u32 v14, $0x7  }
0x30d: {  	v10 =	vand.u32 $0x7F, v10;
	v16 =	vand.u32 $0x7F, v16;
	v13 =	vor.u32 v13, v14  }
0x30e: {  	v25 =	vand.u32 $0x7F, v17;
	v26 =	vand.u32 $0x7F, v18;
	v17 =	vand.u32 $0x7F, v19  }
0x30f: {  	s1 =	sadd.s32 $0x8, s1;
	v18 =	vand.u32 $0x7F, v8;
	v12 =	vand.u32 $0x1FFFFF0, v12;
	v15 =	vand.u32 $0x1FFFFF0, v15  }
0x310: {  	p4 =	por $0x0, $0x0;
	s31 =	sadd.s32 $0x80, s13;
	p5 =	slt.u32 s1, s17;
	v20 =	vand.u32 $0x1FFFFF0, v20;
	v21 =	vand.u32 $0x1FFFFF0, v21;
	v22 =	vand.u32 $0x1FFFFF0, v22  }
0x311: {  	s6 =	sand.u32 $0x70, s4;
	s10 =	sand.u32 $0x70, s5;
	s12 =	sand.u32 $0x70, s7;
	v11 =	vadd.s32 v5, v11;
	v12 =	vadd.s32 v5, v12;
	v15 =	vadd.s32 v5, v15  }
0x312: {  	s16 =	sand.u32 $0x70, s8;
	s22 =	sand.u32 $0x70, s9;
	s8 =	sand.u32 $0x70, s11;
	v20 =	vadd.s32 v5, v20;
	v21 =	vadd.s32 v5, v21;
	v22 =	vadd.s32 v5, v22;
	v24 =	vld.idx.msk [tilespmem:v13+s20+$0x0], $0xffff  }
.Ltmp23:
0x313: {  	s7 =	sadd.s32 $0x0, s23;
	s11 =	sadd.s32 $0x0, s18;
	v12 =	vshll.u32 v12, $0x7;
	v23 =	vshll.u32 v15, $0x7;
	v20 =	vshll.u32 v20, $0x7;
	(pc) =	sbr.rel @!p5 .LBB2_39-.Ltmp23, $4  }
0x314: {  	s9 =	sand.u32 $0x70, s13;
	s4 =	sand.u32 $0xFFFFFC00, s7;
	s26 =	sadd.s32 $0xE00, s11;
	v21 =	vshll.u32 v21, $0x7;
	v22 =	vshll.u32 v22, $0x7;
	v14 =	vshrl.u32 v19, $0x3  }
0x315: {  	s2 =	sand.u32 $0x70, s2;
	s28 =	sadd.s32 $0xE80, s11;
	s14 =	sadd.s32 s4, s0;
	v15 =	vshll.u32 v11, $0x7;
	v11 =	vor.u32 v10, v23;
	v14 =	vand.u32 $0x1FFFFF0, v14  }
0x316: {  	s19 =	sadd.s32 $0xF00, s11;
	s17 =	sadd.s32 $0xF80, s11;
	s2 =	sadd.s32 s2, s14;
	v10 =	vor.u32 v16, v20;
	v8 =	vor.u32 v26, v22;
	v14 =	vadd.s32 v5, v14  }
0x317: {  	s21 =	sadd.s32 $0x1000, s11;
	s29 =	sadd.s32 $0x1080, s11;
	s26 =	sand.u32 $0xFFFFFC00, s26;
	v14 =	vshll.u32 v14, $0x7;
	v13 =	vor.u32 v9, v12;
	v9 =	vor.u32 v25, v21;
	[tilespmem:v7+s2+$0x0 ss:$0x1] =	vst.idx.msk $0xffff, v24  }
0x318: {  	[smem:$0x7D8] =	sst s24  }
0x319: {  	s4 =	sadd.s32 $0xFFFFFF90, s31;
	s5 =	sadd.s32 $0xFFFFFFB0, s31;
	[smem:$0x7D9] =	sst s8  }
0x31a: {  	v16 =	vadd.s32 s31, v6;
	v12 =	vor.u32 v17, v14;
	s7 =	sadd.s32 $0xFFFFFFC0, s31;
	s8 =	sadd.s32 $0xFFFFFFD0, s31;
	[smem:$0x7DA] =	sst s9  }
0x31b: {  	v19 =	vor.u32 v18, v15;
	s9 =	sadd.s32 $0xFFFFFFE0, s31;
	s11 =	sadd.s32 $0xFFFFFFF0, s31;
	s2 =	sand.u32 $0xFFFFFC00, s28;
	v14 =	vadd.s32 s4, v6;
	v17 =	vadd.s32 s5, v6  }
0x31c: {  	s15 =	sand.u32 $0xFFFFFC00, s19;
	s13 =	smov.u32 s18;
	s24 =	sor.u32 $0x10, s4;
	v15 =	vshrl.u32 v16, $0x3;
	v21 =	vadd.s32 s7, v6;
	v23 =	vadd.s32 s8, v6;
	v13 =	vld.idx.msk [tilespmem:v13+s20+$0x0], $0xffff  }
0x31d: {  	s26 =	sadd.s32 s26, s0;
	s25 =	smov.u32 s23;
	s14 =	sadd.s32 s6, s14;
	v24 =	vadd.s32 s9, v6;
	v26 =	vadd.s32 s11, v6;
	v11 =	vld.idx.msk [tilespmem:v11+s20+$0x0], $0xffff;
	v20 =	vadd.s32 s24, v6  }
0x31e: {  	s30 =	simm.s32 $0x10800;
	p4 =	por $0x1, $0x1;
	s2 =	sadd.s32 s2, s0;
	v10 =	vld.idx.msk [tilespmem:v10+s20+$0x0], $0xffff;
	v18 =	vshrl.u32 v14, $0x3;
	v25 =	vshrl.u32 v17, $0x3;
	v22 =	vshrl.u32 v20, $0x3  }
0x31f: {  	s18 =	sadd.s32 s10, s26;
	s6 =	sand.u32 $0x70, s4;
	v9 =	vld.idx.msk [tilespmem:v9+s20+$0x0], $0xffff;
	s10 =	sand.u32 $0x70, s5;
	v27 =	vshrl.u32 v21, $0x3;
	v28 =	vshrl.u32 v23, $0x3;
	v22 =	vand.u32 $0x1FFFFF0, v22  }
0x320: {  	v8 =	vld.idx.msk [tilespmem:v8+s20+$0x0], $0xffff;
	s4 =	sand.u32 $0x70, s11;
	s20 =	sand.u32 $0x70, s31;
	s19 =	sadd.s32 s12, s2;
	v29 =	vshrl.u32 v24, $0x3;
	v62 =	vshrl.u32 v26, $0x3;
	v22 =	vadd.s32 v5, v22  }
0x321: {  	s12 =	sadd.s32 s15, s0;
	s2 =	sadd.s32 $0x8, s1;
	s15 =	rddreg [dreg:$0x4];
	v15 =	vand.u32 $0x1FFFFF0, v15;
	v20 =	vand.u32 $0x7F, v20;
	v22 =	vshll.u32 v22, $0x7  }
0x322: {  	v21 =	vand.u32 $0x7F, v21;
	s24 =	sand.u32 $0x70, s24;
	v63 =	vand.u32 $0x7F, v24;
	s23 =	sadd.s32 s16, s12;
	p5 =	slt.u32 s2, s15;
	v20 =	vor.u32 v20, v22  }
0x323: {  	v18 =	vand.u32 $0x1FFFFF0, v18;
	s16 =	sand.u32 $0xFFFFFC00, s17;
	s17 =	sand.u32 $0xFFFFFC00, s21;
	v25 =	vand.u32 $0x1FFFFF0, v25;
	v27 =	vand.u32 $0x1FFFFF0, v27;
	s21 =	sand.u32 $0xFFFFFC00, s29  }
0x324: {  	v28 =	vand.u32 $0x1FFFFF0, v28;
	s12 =	sand.u32 $0x70, s7;
	s15 =	sand.u32 $0x70, s9;
	s9 =	sadd.s32 $0x400, s25;
	v18 =	vadd.s32 v5, v18;
	v25 =	vadd.s32 v5, v25  }
0x325: {  	v29 =	vand.u32 $0x1FFFFF0, v29;
	s25 =	smov.u32 s13;
	s13 =	sadd.s32 $0x400, s13;
	s1 =	sadd.s32 s16, s0;
	v27 =	vadd.s32 v5, v27;
	v28 =	vadd.s32 v5, v28;
	[tilespmem:v7+s14+$0x0 ss:$0x1] =	vst.idx.msk $0xffff, v13  }
0x326: {  	s17 =	sadd.s32 s17, s0;
	s21 =	sadd.s32 s21, s0;
	v29 =	vadd.s32 v5, v29;
	v30 =	vshll.u32 v18, $0x7;
	v25 =	vshll.u32 v25, $0x7;
	s7 =	sld [smem:$0x7D9]  }
0x327: {  	s16 =	sand.u32 $0x70, s8;
	s28 =	sadd.s32 $0xE80, s13;
	v27 =	vshll.u32 v27, $0x7;
	v28 =	vshll.u32 v28, $0x7;
	v29 =	vshll.u32 v29, $0x7;
	s8 =	sld [smem:$0x7DA];
	[tilespmem:v7+s18+$0x0 ss:$0x1] =	vst.idx.msk $0xffff, v11;
	v20 =	vld.idx.msk [tilespmem:v20+s30+$0x0], $0xffff  }
.Ltmp24:
0x328: {  	s29 =	sadd.s32 $0x1080, s13;
	s26 =	sadd.s32 s22, s1;
	v18 =	vand.u32 $0x7F, v16;
	v13 =	vadd.s32 v5, v15;
	v22 =	vand.u32 $0x1FFFFF0, v62;
	[tilespmem:v7+s19+$0x0 ss:$0x1] =	vst.idx.msk $0xffff, v10;
	(pc) =	sbr.rel @!p5 .LBB2_41-.Ltmp24, $4  }
0x329: {  	s22 =	simm.s32 $0x400;
	v11 =	vand.u32 $0x7F, v14;
	v15 =	vshll.u32 v13, $0x7;
	v10 =	vand.u32 $0x7F, v17;
	[tilespmem:v7+s23+$0x0 ss:$0x1] =	vst.idx.msk $0xffff, v9;
	s1 =	sadd.s32 s7, s17;
	s7 =	sand.u32 $0xFFFFFC00, s9  }
0x32a: {  	v12 =	vld.idx.msk [tilespmem:v12+s30+$0x0], $0xffff;
	s18 =	sadd.s32 $0xE00, s13;
	v9 =	vand.u32 $0x7F, v23;
	s19 =	sadd.s32 $0xF00, s13;
	v17 =	vand.u32 $0x7F, v26;
	[tilespmem:v7+s26+$0x0 ss:$0x1] =	vst.idx.msk $0xffff, v8;
	v8 =	vor.u32 v63, v29;
	s14 =	sadd.s32 s7, s0  }
0x32b: {  	v16 =	vld.idx.msk [tilespmem:v19+s30+$0x0], $0xffff;
	v22 =	vadd.s32 v5, v22;
	v13 =	vor.u32 v11, v30;
	v11 =	vor.u32 v10, v25;
	s11 =	sadd.s32 s8, s21;
	s17 =	sadd.s32 $0xF80, s13;
	s26 =	sadd.s32 s24, s14  }
0x32c: {  	v10 =	vor.u32 v21, v27;
	v9 =	vor.u32 v9, v28;
	v14 =	vshll.u32 v22, $0x7;
	s21 =	sadd.s32 $0x1000, s13;
	s24 =	sadd.s32 $0x80, s31;
	[tilespmem:v7+s26+$0x0 ss:$0x1] =	vst.idx.msk $0xffff, v20;
	s26 =	sand.u32 $0xFFFFFC00, s18  }
.LBB2_42:
0x32d: {  	s5 =	sadd.s32 $0xFFFFFF90, s24;
	s7 =	sadd.s32 $0xFFFFFFB0, s24  }
0x32e: {  	v19 =	vadd.s32 s24, v6;
	s2 =	sadd.s32 $0x8, s2;
	v14 =	vor.u32 v17, v14;
	s8 =	rddreg [dreg:$0x4];
	s9 =	sadd.s32 $0xFFFFFFE0, s24  }
0x32f: {  	v15 =	vor.u32 v18, v15;
	s18 =	sand.u32 $0xFFFFFC00, s28;
	s19 =	sand.u32 $0xFFFFFC00, s19;
	v17 =	vadd.s32 s5, v6;
	s31 =	sor.u32 $0x10, s5;
	v18 =	vadd.s32 s7, v6  }
0x330: {  	[tilespmem:v7+s1+$0x0 ss:$0x1] =	vst.idx.msk $0xffff, v12;
	s1 =	sadd.s32 $0xFFFFFFC0, s24;
	v20 =	vshrl.u32 v19, $0x3;
	p5 =	slt.u32 s2, s8;
	s8 =	sadd.s32 $0xFFFFFFD0, s24;
	v24 =	vadd.s32 s9, v6;
	v12 =	vshrl.u32 v17, $0x3  }
0x331: {  	s17 =	sand.u32 $0xFFFFFC00, s17;
	s23 =	sadd.s32 s26, s0;
	s21 =	sand.u32 $0xFFFFFC00, s21;
	[tilespmem:v7+s11+$0x0 ss:$0x1] =	vst.idx.msk $0xffff, v16;
	v16 =	vadd.s32 s31, v6;
	v21 =	vadd.s32 s1, v6;
	v23 =	vadd.s32 s8, v6  }
0x332: {  	s13 =	sand.u32 $0xFFFFFC00, s29;
	s22 =	sadd.s32 $0x400, s22;
	s18 =	sadd.s32 s18, s0;
	v25 =	vshrl.u32 v18, $0x3;
	v29 =	vshrl.u32 v24, $0x3;
	v22 =	vshrl.u32 v16, $0x3  }
0x333: {  	v13 =	vld.idx.msk [tilespmem:v13+s30+$0x0], $0xffff;
	s19 =	sadd.s32 s19, s0;
	s17 =	sadd.s32 s17, s0;
	s11 =	sadd.s32 $0xFFFFFFF0, s24;
	v20 =	vand.u32 $0x1FFFFF0, v20;
	v24 =	vand.u32 $0x7F, v24;
	v22 =	vand.u32 $0x1FFFFF0, v22  }
0x334: {  	v11 =	vld.idx.msk [tilespmem:v11+s30+$0x0], $0xffff;
	s5 =	sand.u32 $0x70, s5;
	s21 =	sadd.s32 s21, s0;
	s26 =	sadd.s32 s13, s0;
	v26 =	vadd.s32 s11, v6;
	v27 =	vshrl.u32 v21, $0x3;
	v22 =	vadd.s32 v5, v22  }
0x335: {  	v10 =	vld.idx.msk [tilespmem:v10+s30+$0x0], $0xffff;
	s7 =	sand.u32 $0x70, s7;
	s9 =	sand.u32 $0x70, s9;
	s13 =	sand.u32 $0x70, s24;
	v28 =	vshrl.u32 v23, $0x3;
	v16 =	vand.u32 $0x7F, v16;
	v22 =	vshll.u32 v22, $0x7  }
0x336: {  	v9 =	vld.idx.msk [tilespmem:v9+s30+$0x0], $0xffff;
	s23 =	sadd.s32 s10, s23;
	s28 =	sand.u32 $0x70, s1;
	s8 =	sand.u32 $0x70, s8;
	v30 =	vand.u32 $0x1FFFFF0, v12;
	v25 =	vand.u32 $0x1FFFFF0, v25;
	v22 =	vor.u32 v16, v22  }
0x337: {  	v8 =	vld.idx.msk [tilespmem:v8+s30+$0x0], $0xffff;
	s29 =	sand.u32 $0x70, s11;
	s11 =	sadd.s32 s20, s26;
	s20 =	sadd.s32 s6, s14;
	v21 =	vand.u32 $0x7F, v21;
	v23 =	vand.u32 $0x7F, v23;
	v27 =	vand.u32 $0x1FFFFF0, v27  }
0x338: {  	s18 =	sadd.s32 s12, s18;
	s19 =	sadd.s32 s16, s19;
	s17 =	sadd.s32 s15, s17;
	v28 =	vand.u32 $0x1FFFFF0, v28;
	v25 =	vadd.s32 v5, v25;
	v12 =	vld.idx.msk [tilespmem:v14+s30+$0x0], $0xffff;
	v14 =	vand.u32 $0x1FFFFF0, v29;
	[tilespmem:v7+s20+$0x0 ss:$0x1] =	vst.idx.msk $0xffff, v13  }
0x339: {  	s1 =	sadd.s32 s4, s21;
	s10 =	smov.u32 s7;
	s15 =	smov.u32 s9;
	v27 =	vadd.s32 v5, v27;
	v28 =	vadd.s32 v5, v28;
	v25 =	vshll.u32 v25, $0x7;
	[tilespmem:v7+s23+$0x0 ss:$0x1] =	vst.idx.msk $0xffff, v11  }
0x33a: {  	s21 =	rddreg [dreg:$0x7];
	s31 =	sand.u32 $0x70, s31;
	s24 =	sadd.s32 $0x80, s24;
	v11 =	vand.u32 $0x7F, v17;
	[tilespmem:v7+s18+$0x0 ss:$0x1] =	vst.idx.msk $0xffff, v10;
	v10 =	vand.u32 $0x7F, v18;
	v17 =	vand.u32 $0x7F, v26  }
0x33b: {  	s6 =	smov.u32 s5;
	s12 =	smov.u32 s28;
	s16 =	smov.u32 s8;
	[tilespmem:v7+s19+$0x0 ss:$0x1] =	vst.idx.msk $0xffff, v9;
	v18 =	vand.u32 $0x7F, v19;
	v14 =	vadd.s32 v5, v14;
	v62 =	vshll.u32 v28, $0x7;
	v22 =	vld.idx.msk [tilespmem:v22+s30+$0x0], $0xffff  }
.Ltmp25:
0x33c: {  	s5 =	sadd.s32 s22, s21;
	s4 =	smov.u32 s29;
	[tilespmem:v7+s17+$0x0 ss:$0x1] =	vst.idx.msk $0xffff, v8;
	v16 =	vshrl.u32 v26, $0x3;
	v63 =	vshll.u32 v14, $0x7;
	v9 =	vor.u32 v23, v62;
	(pc) =	sbr.rel @p5 .LBB2_42-.Ltmp25, $4  }
0x33d: {  	s5 =	sand.u32 $0xFFFFFC00, s5;
	s20 =	smov.u32 s13;
	s23 =	sadd.s32 s22, s25;
	v61 =	vand.u32 $0x1FFFFF0, v16;
	v16 =	vld.idx.msk [tilespmem:v15+s30+$0x0], $0xffff;
	v15 =	vadd.s32 v5, v30;
	v8 =	vor.u32 v24, v63  }
0x33e: {  	s14 =	sadd.s32 s5, s0;
	s26 =	sadd.s32 $0xE00, s23;
	s28 =	sadd.s32 $0xE80, s23;
	v29 =	vadd.s32 v5, v61;
	v30 =	vshll.u32 v15, $0x7;
	v15 =	vadd.s32 v5, v20  }
0x33f: {  	s19 =	sadd.s32 $0xF00, s23;
	s5 =	sadd.s32 s31, s14;
	s17 =	sadd.s32 $0xF80, s23;
	v20 =	vshll.u32 v27, $0x7;
	v14 =	vshll.u32 v29, $0x7;
	v13 =	vor.u32 v11, v30  }
0x340: {  	s21 =	sadd.s32 $0x1000, s23;
	s29 =	sadd.s32 $0x1080, s23;
	s26 =	sand.u32 $0xFFFFFC00, s26;
	v15 =	vshll.u32 v15, $0x7;
	v11 =	vor.u32 v10, v25;
	v10 =	vor.u32 v21, v20;
	[tilespmem:v7+s5+$0x0 ss:$0x1] =	vst.idx.msk $0xffff, v22  }
0x341: {  	s23 =	rddreg [dreg:$0x7]  }
0x342: {  	s22 =	smov.u32 s15;
	s18 =	smov.u32 s25;
	s25 =	sld [smem:$0x7FC]  }
0x343: {  	s8 =	smov.u32 s4;
	s9 =	smov.u32 s20;
	s15 =	sld [smem:$0x7E2]  }
0x344: {  	s20 =	simm.s32 $0x10800;
	s30 =	simm.s32 $0x13000;
	s24 =	sld [smem:$0x7D8]  }
.LBB2_44:
0x345: {  	_ =	sdelay $0x3  }
0x346: {  	v14 =	vor.u32 v17, v14;
	v13 =	vld.idx.msk [tilespmem:v13+s20+$0x0], $0xffff  }
0x347: {  	v15 =	vor.u32 v18, v15;
	v11 =	vld.idx.msk [tilespmem:v11+s20+$0x0], $0xffff  }
0x348: {  	v10 =	vld.idx.msk [tilespmem:v10+s20+$0x0], $0xffff  }
0x349: {  	[tilespmem:v7+s1+$0x0 ss:$0x1] =	vst.idx.msk @p4 $0xffff, v12;
	v9 =	vld.idx.msk [tilespmem:v9+s20+$0x0], $0xffff  }
0x34a: {  	[tilespmem:v7+s11+$0x0 ss:$0x1] =	vst.idx.msk @p4 $0xffff, v16;
	s13 =	sand.u32 $0xFFFFFC00, s28;
	s2 =	sadd.s32 s26, s0;
	v8 =	vld.idx.msk [tilespmem:v8+s20+$0x0], $0xffff;
	s4 =	sadd.s32 s6, s14  }
0x34b: {  	s5 =	sand.u32 $0xFFFFFC00, s19;
	s1 =	sadd.s32 s13, s0;
	s2 =	sadd.s32 s10, s2;
	v62 =	vld.idx.msk [tilespmem:v14+s20+$0x0], $0xffff;
	[tilespmem:v7+s4+$0x0 ss:$0x1] =	vst.idx.msk $0xffff, v13  }
0x34c: {  	s26 =	sand.u32 $0xFFFFFC00, s17;
	s5 =	sadd.s32 s5, s0;
	s1 =	sadd.s32 s12, s1;
	v63 =	vld.idx.msk [tilespmem:v15+s20+$0x0], $0xffff;
	[tilespmem:v7+s2+$0x0 ss:$0x1] =	vst.idx.msk $0xffff, v11  }
0x34d: {  	s28 =	sand.u32 $0xFFFFFC00, s21;
	s5 =	sadd.s32 s16, s5;
	s4 =	sadd.s32 s26, s0;
	[tilespmem:v7+s1+$0x0 ss:$0x1] =	vst.idx.msk $0xffff, v10  }
0x34e: {  	s31 =	sand.u32 $0xFFFFFC00, s29;
	s2 =	sadd.s32 s28, s0;
	[tilespmem:v7+s5+$0x0 ss:$0x1] =	vst.idx.msk $0xffff, v9;
	s4 =	sadd.s32 s22, s4  }
0x34f: {  	s1 =	sadd.s32 s31, s0;
	s2 =	sadd.s32 s8, s2;
	[tilespmem:v7+s4+$0x0 ss:$0x1] =	vst.idx.msk $0xffff, v8  }
0x350: {  	s1 =	sadd.s32 s9, s1;
	[tilespmem:v7+s2+$0x0 ss:$0x1] =	vst.idx.msk $0xffff, v62  }
0x351: {  	[tilespmem:v7+s1+$0x0 ss:$0x1] =	vst.idx.msk $0xffff, v63  }
0x352: {  	s8 =	sld [smem:$0x7FD]  }
0x353: {  	s17 =	rddreg [dreg:$0x4]  }
.LBB2_45:
.Ltmp26:
0x354: {  	(pc) =	sbr.rel @p3 .LBB2_47-.Ltmp26, $4  }
0x355: {  	_ = 	snop  }
0x356: {  	s1 =	sld [smem:$0x7EE]  }
0x357: {  	s2 =	sld [smem:$0x7ED]  }
0x358: {  	s4 =	sld [smem:$0x7EC]  }
.LBB2_46:
0x359: {  	v7 =	vadd.s32 s1, v6  }
0x35a: {  	v8 =	vshrl.u32 v7, $0x3  }
0x35b: {  	v8 =	vand.u32 $0x1FFFFF0, v8  }
0x35c: {  	v8 =	vadd.s32 v5, v8  }
0x35d: {  	v7 =	vand.u32 $0x7F, v7;
	v8 =	vshll.u32 v8, $0x7  }
0x35e: {  	v7 =	vor.u32 v7, v8;
	_ =	sdelay $0x3  }
0x35f: {  	s4 =	sadd.s32 $0x1, s4  }
0x360: {  	p4 =	slt.u32 s4, $0x21;
	v7 =	vld.idx.msk [tilespmem:v7+s20+$0x0], $0xffff  }
.Ltmp27:
0x361: {  	s5 =	sand.u32 $0x7FFFFC00, s2;
	(pc) =	sbr.rel @p4 .LBB2_46-.Ltmp27, $4  }
0x362: {  	s6 =	sand.u32 $0x70, s1;
	s5 =	sadd.s32 s5, s0  }
0x363: {  	s5 =	sadd.s32 s6, s5  }
0x364: {  	s5 =	sadd.s32 s24, s5  }
0x365: {  	s2 =	sadd.s32 $0x80, s2;
	s1 =	sadd.s32 $0x10, s1;
	[tilespmem:s5+$0x0] =	vst v7  }
.Ltmp28:
0x366: {  	_ = 	snop;
	(pc) =	sbr.rel .LBB2_47-.Ltmp28, $1  }
0x367: {  	_ =	sdelay $0x3  }
.LBB2_5:
.Ltmp29:
0x368: {  	(pc) =	sbr.rel .LBB2_12-.Ltmp29, $2  }
0x369: {  	_ =	sdelay $0x2  }
0x36a: {  	s1 =	smov.u32 s2  }
.LBB2_17:
.Ltmp30:
0x36b: {  	(pc) =	sbr.rel .LBB2_22-.Ltmp30, $4  }
0x36c: {  	_ = 	snop  }
0x36d: {  	s15 =	sld [smem:$0x7E2]  }
0x36e: {  	s6 =	sld [smem:$0x7DF]  }
0x36f: {  	s22 =	smov.u32 s26;
	s29 =	sld [smem:$0x7E0];
	s26 =	smov.u32 s5  }
.LBB2_27:
.Ltmp31:
0x370: {  	(pc) =	sbr.rel .LBB2_34-.Ltmp31, $2  }
0x371: {  	_ =	sdelay $0x2  }
0x372: {  	s1 =	smov.u32 s7  }
.LBB2_39:
.Ltmp32:
0x373: {  	(pc) =	sbr.rel .LBB2_44-.Ltmp32, $2  }
0x374: {  	_ =	sdelay $0x2  }
0x375: {  	_ = 	snop  }
.LBB2_7:
.Ltmp33:
0x376: {  	(pc) =	sbr.rel .LBB2_12-.Ltmp33, $3  }
0x377: {  	_ =	sdelay $0x1  }
0x378: {  	v15 =	vmov v23;
	v17 =	vmov v14  }
0x379: {  	v18 =	vmovc v13;
	s1 =	smov.u32 s2;
	v23 =	vmovc v28;
	v14 =	vmov v27;
	s6 =	smov.u32 s2;
	v13 =	vmov v25;
	v11 =	vmov v32  }
.LBB2_19:
0x37a: {  	[smem:$0x7DE] =	sst s15  }
0x37b: {  	s25 =	sld [smem:$0x7FC]  }
0x37c: {  	s26 =	rddreg [dreg:$0x4]  }
.Ltmp34:
0x37d: {  	s8 =	sld [smem:$0x7FD];
	(pc) =	sbr.rel .LBB2_22-.Ltmp34, $4  }
0x37e: {  	s15 =	sld [smem:$0x7E2]  }
0x37f: {  	s6 =	smov.u32 s20;
	s9 =	sld [smem:$0x7DD]  }
0x380: {  	s29 =	smov.u32 s4;
	s20 =	simm.s32 $0x10800;
	s22 =	sld [smem:$0x7DC]  }
0x381: {  	s30 =	simm.s32 $0x13000;
	s3 =	simm.s32 $0x0;
	s7 =	sld [smem:$0x7DB]  }
.LBB2_29:
.Ltmp35:
0x382: {  	(pc) =	sbr.rel .LBB2_34-.Ltmp35, $3  }
0x383: {  	_ =	sdelay $0x1  }
0x384: {  	v16 =	vmov v23;
	v17 =	vmov v14  }
0x385: {  	v18 =	vmovc v13;
	s1 =	smov.u32 s7;
	v23 =	vmovc v28;
	v14 =	vmov v27;
	s4 =	smov.u32 s7;
	v13 =	vmov v25;
	v11 =	vmov v32  }
.LBB2_41:
.Ltmp36:
0x386: {  	(pc) =	sbr.rel .LBB2_44-.Ltmp36, $4  }
0x387: {  	s23 =	rddreg [dreg:$0x7]  }
0x388: {  	s22 =	smov.u32 s15;
	s18 =	smov.u32 s25;
	s25 =	sld [smem:$0x7FC]  }
0x389: {  	s8 =	smov.u32 s4;
	s9 =	smov.u32 s20;
	s15 =	sld [smem:$0x7E2]  }
0x38a: {  	s20 =	simm.s32 $0x10800;
	s30 =	simm.s32 $0x13000;
	s24 =	sld [smem:$0x7D8]  }
.LBB2_9:
.Ltmp37:
0x38b: {  	(pc) =	sbr.rel .LBB2_12-.Ltmp37, $2  }
0x38c: {  	_ =	sdelay $0x2  }
0x38d: {  	v15 =	vmovc v28;
	s4 =	smov.u32 s2;
	v17 =	vmovc v27;
	s6 =	smov.u32 s1;
	v18 =	vmov v25;
	v31 =	vmov v30;
	v30 =	vmov v29  }
.LBB2_31:
.Ltmp38:
0x38e: {  	(pc) =	sbr.rel .LBB2_34-.Ltmp38, $2  }
0x38f: {  	_ =	sdelay $0x2  }
0x390: {  	v16 =	vmovc v28;
	s2 =	smov.u32 s7;
	v17 =	vmovc v27;
	s4 =	smov.u32 s1;
	v18 =	vmov v25;
	v31 =	vmov v30;
	v30 =	vmov v29  }
.LBB2_48:
0x391: {  	s0 =	sld [smem:$0x7F5];
	_ =	sdelay $0x2  }
0x392: {  	s0 =	sshrl.u32 s0, $0x3  }
0x393: {  	s0 =	smul.u32 $0x1400, s0  }
0x394: {  	s1 =	rddreg [dreg:$0x15]  }
0x395: {  	s0 =	sadd.s32 s1, s0  }
0x396: {  	s11 =	rddreg [dreg:$0x8];
	s0 =	sshrl.u32 s0, $0x3  }
0x397: {  	s12 =	simm.s32 $0x15800;
	s0 =	sadd.s32 s11, s0  }
0x398: {  	[hbm4b:s0+s3] =	stream.linear.scatter [tilespmem:s12], [sflag:$0x4], $0x2800, $0x38;
	[tilespmem:$0x1D000] =	vst v63  }
0x399: {  	s0 =	sld [smem:$0x7F1]  }
0x39a: {  	s13 =	rddreg [dreg:$0x1e]  }
0x39b: {  	p0 =	seq.s32 s13, $0xF  }
0x39c: {  	s0 =	sadd.s32 @!p0 $0x20, s0  }
0x39d: {  	s1 =	sand.u32 @!p0 $0x380, s0;
	s0 =	sand.u32 @!p0 $0x60, s0  }
0x39e: {  	s0 =	ssub.s32 @!p0 s0, s1  }
0x39f: {  	s1 =	rddreg [dreg:$0x16];
	s0 =	sshll.u32 @!p0 s0, $0x9  }
0x3a0: {  	s0 =	sadd.s32 @!p0 s0, s1  }
0x3a1: {  	s2 =	simm.s32 @!p0 $0x400;
	s1 =	rddreg [dreg:$0x0];
	s0 =	sshrl.u32 @!p0 s0, $0x3  }
0x3a2: {  	s4 =	simm.s32 @!p0 $0x1000;
	s5 =	simm.s32 @!p0 $0x10800;
	s1 =	sadd.s32 @!p0 s1, s0  }
0x3a3: {  	[tilespmem:s5], [sflag:$0x2] =	stream.strided.gather @!p0 [hbm4b:s1+s2], $0x800, s4, s2, $0x38;
	[tilespmem:$0x1D000] =	vst v63  }
0x3a4: {  	s1 =	rddreg [dreg:$0x17]  }
0x3a5: {  	s5 =	simm.s32 @!p0 $0x11000;
	s1 =	sadd.s32 @!p0 s0, s1  }
0x3a6: {  	[tilespmem:s5], [sflag:$0x2] =	stream.strided.gather @!p0 [hbm4b:s1+s2], $0x800, s4, s2, $0x38;
	[tilespmem:$0x1D000] =	vst v63  }
0x3a7: {  	s1 =	rddreg [dreg:$0x18]  }
0x3a8: {  	s5 =	simm.s32 @!p0 $0x11800;
	s1 =	sadd.s32 @!p0 s0, s1  }
0x3a9: {  	[tilespmem:s5], [sflag:$0x2] =	stream.strided.gather @!p0 [hbm4b:s1+s2], $0x800, s4, s2, $0x38;
	[tilespmem:$0x1D000] =	vst v63  }
0x3aa: {  	s5 =	simm.s32 @!p0 $0x0  }
0x3ab: {  	s14 =	simm.s32 $0x3;
	s1 =	rddreg [dreg:$0x19];
	s5 =	simm.s32 @p0 $0x1  }
0x3ac: {  	s0 =	sadd.s32 @!p0 s0, s1;
	s1 =	simm.s32 @!p0 $0x12000;
	[smem:$0x7CF] =	sst s5  }
0x3ad: {  	[tilespmem:s1], [sflag:$0x2] =	stream.strided.gather @!p0 [hbm4b:s0+s2], $0x800, s4, s2, $0x38;
	[tilespmem:$0x1D000] =	vst v63  }
0x3ae: {  	_ =	swait.ge [sflag:s14], $0x800  }
0x3af: {  	[sflag:s14] =	ssyncset.done $0x0  }
0x3b0: {  	[sflag:s14] =	ssyncadd.s32 $0xFFFFF800  }
0x3b1: {  	_ =	swait.ge [sflag:s14], $0x800  }
0x3b2: {  	[sflag:s14] =	ssyncset.done $0x0  }
0x3b3: {  	[sflag:s14] =	ssyncadd.s32 $0xFFFFF800  }
0x3b4: {  	_ =	swait.ge [sflag:s14], $0x800  }
0x3b5: {  	[sflag:s14] =	ssyncset.done $0x0  }
0x3b6: {  	[sflag:s14] =	ssyncadd.s32 $0xFFFFF800  }
0x3b7: {  	_ =	swait.ge [sflag:s14], $0x800  }
0x3b8: {  	[sflag:s14] =	ssyncset.done $0x0  }
0x3b9: {  	s0 =	simm.s32 @!p1 $0x5;
	[sflag:s14] =	ssyncadd.s32 $0xFFFFF800  }
0x3ba: {  	s15 =	sld [smem:$0x7F9];
	_ =	swait.ge @!p1 [sflag:s0], $0x2800  }
0x3bb: {  	s17 =	sld [smem:$0x7F2]  }
0x3bc: {  	s28 =	simm.s32 $0x0;
	s4 =	simm.s32 $0x0;
	[dreg:$0x6] =	wrdreg s18  }
0x3bd: {  	s16 =	sor.u32 $0x190, s15;
	[sflag:s0] =	ssyncset.done @!p1 $0x0;
	s19 =	ssub.s32 $0x6F, s15  }
0x3be: {  	[sflag:s0] =	ssyncadd.s32 @!p1 $0xFFFFD800;
	[smem:$0x7D0] =	sst s19;
	s1 =	ssub.s32 s16, s17  }
0x3bf: {  	s21 =	sshrl.u32 s1, $0x4;
	[smem:$0x7D1] =	sst s1;
	s1 =	sadd.s32 $0x10, s1  }
0x3c0: {  	s22 =	sadd.s32 $0x1, s21;
	[smem:$0x7D2] =	sst s1;
	s24 =	ssub.s32 $0x0, s21  }
0x3c1: {  	s26 =	sadd.s32 $0x2, s21;
	[smem:$0x7D6] =	sst s21;
	s25 =	sand.u32 $0x38, s22  }
0x3c2: {  	s23 =	sshll.u32 s22, $0x4;
	s0 =	sshll.u32 s22, $0x7;
	s29 =	sand.u32 $0x18, s24  }
.Ltmp39:
0x3c3: {  	s31 =	sshll.u32 s26, $0x4;
	[smem:$0x7D5] =	sst s26;
	(pc) =	sbr.rel .LBB2_49-.Ltmp39, $4  }
0x3c4: {  	s22 =	simm.s32 $0x0;
	s1 =	sand.u32 $0x60, s23;
	[smem:$0x7D4] =	sst s31  }
0x3c5: {  	s0 =	sand.u32 $0x1C00, s0;
	s15 =	sadd.s32 s26, s29;
	[smem:$0x7D7] =	sst s25  }
0x3c6: {  	p1 =	seq.s32 s25, $0x0;
	p2 =	sle.u32 s25, s21;
	[smem:$0x7D3] =	sst s0  }
0x3c7: {  	p3 =	seq.s32 s29, $0x0;
	p4 =	sgt.u32 s15, $0x21;
	v4 =	vmov s1;
	[dreg:$0x5] =	wrdreg s15  }
.LBB2_95:
0x3c8: {  	p0 =	slt.u32 s22, $0xE  }
.Ltmp40:
0x3c9: {  	_ = 	snop;
	(pc) =	sbr.rel @!p0 .LBB2_96-.Ltmp40, $3  }
0x3ca: {  	s4 =	sld [smem:$0x7CE];
	_ =	sdelay $0x1  }
0x3cb: {  	s0 =	sadd.s32 $0x2, s22;
	s28 =	sadd.s32 $0x2, s28  }
0x3cc: {  	s6 =	rddreg [dreg:$0x1c];
	s22 =	smov.u32 s0;
	s4 =	sadd.s32 $0x1, s4  }
.LBB2_49:
0x3cd: {  	s1 =	sld [smem:$0x7D0]  }
.Ltmp41:
0x3ce: {  	s2 =	sld [smem:$0x7D2];
	(pc) =	sbr.rel @p1 .LBB2_52-.Ltmp41, $3  }
0x3cf: {  	_ =	sdelay $0x1  }
0x3d0: {  	s0 =	sshrl.u32 s22, $0x3;
	s1 =	ssub.s32 s1, s22;
	s2 =	sadd.s32 s22, s2  }
0x3d1: {  	[smem:$0x7CE] =	sst s4;
	s29 =	smul.u32 $0x5000, s0;
	v6 =	vmov s1;
	v5 =	vadd.s32 s2, v2  }
0x3d2: {  	p0 =	sgt.u32 s25, $0x8  }
.Ltmp42:
0x3d3: {  	s0 =	sand.u32 $0x3, s4;
	v15 =	vor.u32 $0xFFFFF800, v6;
	v17 =	vor.u32 $0xFFFFF000, v6;
	(pc) =	sbr.rel @!p0 .LBB2_51-.Ltmp42, $4  }
0x3d4: {  	v18 =	vor.u32 $0xFFFFE800, v6;
	v7 =	vor.u32 $0xFFFFE000, v6;
	v8 =	vor.u32 $0xFFFFD800, v6;
	s0 =	sshll.u32 s0, $0xA  }
0x3d5: {  	v20 =	vor.u32 $0xFFFFD000, v6;
	v22 =	vor.u32 $0xFFFFC800, v6;
	v12 =	vshll.u32 v5, $0x7;
	s0 =	sor.u32 s0, s29  }
0x3d6: {  	v9 =	vor.u32 v6, v12;
	v11 =	vadd.s32 v15, v12;
	v10 =	vadd.s32 v22, v12;
	s0 =	sshra.s32 s0, $0x2  }
0x3d7: {  	p5 =	por $0x0, $0x0;
	p6 =	por $0x0, $0x0;
	v14 =	vadd.s32 v17, v12;
	v13 =	vadd.s32 v18, v12;
	v23 =	vadd.s32 v20, v12;
	s0 =	sadd.s32 $0x19440, s0  }
0x3d8: {  	_ = 	snop  }
0x3d9: {  	v5 =	vadd.s32 $0xFFFFFF80, v5  }
0x3da: {  	v19 =	vadd.s32 v8, v12;
	v31 =	vadd.s32 v7, v12;
	p0 =	sgt.u32 s25, $0x10;
	v12 =	vshll.u32 v5, $0x7  }
.Ltmp43:
0x3db: {  	v28 =	vadd.s32 v20, v12;
	(pc) =	sbr.rel @!p0 .LBB2_57-.Ltmp43, $4  }
0x3dc: {  	v30 =	vld.idx.msk [tilespmem:v9+s3+$0x0], $0xffff;
	v27 =	vadd.s32 v17, v12  }
0x3dd: {  	v16 =	vld.idx.msk [tilespmem:v10+s3+$0x0], $0xffff;
	v25 =	vadd.s32 v18, v12  }
0x3de: {  	v21 =	vld.idx.msk [tilespmem:v11+s3+$0x0], $0xffff  }
0x3df: {  	p5 =	por $0x1, $0x1;
	v9 =	vor.u32 v6, v12;
	v32 =	vadd.s32 v15, v12;
	v10 =	vadd.s32 v22, v12;
	v19 =	vld.idx.msk [tilespmem:v19+s3+$0x0], $0xffff  }
0x3e0: {  	_ =	sdelay $0x3  }
0x3e1: {  	v11 =	vld.idx.msk [tilespmem:v23+s3+$0x0], $0xffff  }
0x3e2: {  	v23 =	vadd.s32 v8, v12;
	v33 =	vld.idx.msk [tilespmem:v14+s3+$0x0], $0xffff  }
0x3e3: {  	v24 =	vld.idx.msk [tilespmem:v13+s3+$0x0], $0xffff;
	p0 =	sgt.u32 s25, $0x18;
	[tilespmem:s0+$0xFFFFFFC0] =	vst v30  }
.Ltmp44:
0x3e4: {  	v26 =	vld.idx.msk [tilespmem:v31+s3+$0x0], $0xffff;
	v5 =	vadd.s32 $0xFFFFFF80, v5;
	[tilespmem:s0+$0x30] =	vst v16;
	(pc) =	sbr.rel @!p0 .LBB2_59-.Ltmp44, $4  }
0x3e5: {  	v29 =	vld.idx.msk [tilespmem:v9+s3+$0x0], $0xffff;
	v30 =	vadd.s32 v7, v12;
	v12 =	vshll.u32 v5, $0x7;
	[tilespmem:s0+$0xFFFFFFD0] =	vst v21  }
0x3e6: {  	v16 =	vld.idx.msk [tilespmem:v10+s3+$0x0], $0xffff;
	v9 =	vor.u32 v6, v12;
	v10 =	vadd.s32 v22, v12;
	[tilespmem:s0+$0x10] =	vst v19  }
0x3e7: {  	s1 =	sadd.s32 $0x400, s0;
	s5 =	simm.s32 $0x18;
	v14 =	vadd.s32 v17, v12;
	v13 =	vadd.s32 v18, v12;
	v19 =	vld.idx.msk [tilespmem:v23+s3+$0x0], $0xffff;
	[tilespmem:s0+$0x20] =	vst v11  }
0x3e8: {  	p6 =	por $0x1, $0x1;
	s2 =	smov.u32 s0;
	s4 =	smov.u32 s1;
	v21 =	vld.idx.msk [tilespmem:v32+s3+$0x0], $0xffff;
	v11 =	vadd.s32 v15, v12;
	v23 =	vadd.s32 v20, v12;
	[tilespmem:s0+$0xFFFFFFE0] =	vst v33  }
.LBB2_60:
0x3e9: {  	s5 =	sadd.s32 $0x8, s5;
	v31 =	vadd.s32 v7, v12;
	v32 =	vadd.s32 v8, v12;
	v33 =	vld.idx.msk [tilespmem:v28+s3+$0x0], $0xffff;
	s1 =	sadd.s32 $0x400, s1;
	[tilespmem:s2+$0x0] =	vst v26;
	v28 =	vmov v23  }
0x3ea: {  	p0 =	slt.u32 s5, s25;
	v34 =	vld.idx.msk [tilespmem:v27+s3+$0x0], $0xffff;
	[tilespmem:s2+$0xFFFFFFF0] =	vst v24;
	v27 =	vmov v14;
	s2 =	smov.u32 s4;
	s4 =	smov.u32 s1  }
0x3eb: {  	v24 =	vld.idx.msk [tilespmem:v25+s3+$0x0], $0xffff;
	[tilespmem:s2+$0x30] =	vst v16;
	v25 =	vmov v13  }
0x3ec: {  	v26 =	vld.idx.msk [tilespmem:v30+s3+$0x0], $0xffff;
	[tilespmem:s2+$0x10] =	vst v19;
	v30 =	vmov v31  }
.Ltmp45:
0x3ed: {  	[tilespmem:s2+$0xFFFFFFC0] =	vst v29;
	v29 =	vld.idx.msk [tilespmem:v9+s3+$0x0], $0xffff;
	(pc) =	sbr.rel @p0 .LBB2_60-.Ltmp45, $4  }
0x3ee: {  	v5 =	vadd.s32 $0xFFFFFF80, v5;
	v16 =	vld.idx.msk [tilespmem:v10+s3+$0x0], $0xffff;
	[tilespmem:s2+$0xFFFFFFD0] =	vst v21  }
0x3ef: {  	v12 =	vshll.u32 v5, $0x7;
	v19 =	vld.idx.msk [tilespmem:v32+s3+$0x0], $0xffff;
	[tilespmem:s2+$0x20] =	vst v33  }
0x3f0: {  	v9 =	vor.u32 v6, v12;
	v10 =	vadd.s32 v22, v12;
	v21 =	vld.idx.msk [tilespmem:v11+s3+$0x0], $0xffff;
	v11 =	vadd.s32 v15, v12  }
0x3f1: {  	v14 =	vadd.s32 v17, v12;
	v13 =	vadd.s32 v18, v12;
	v23 =	vadd.s32 v20, v12;
	[tilespmem:s2+$0xFFFFFFE0] =	vst v34  }
0x3f2: {  	v15 =	vmovc v28;
	v17 =	vmovc v27;
	v18 =	vmov v25;
	v31 =	vmov v30;
	v30 =	vmov v29  }
.LBB2_62:
0x3f3: {  	_ =	sdelay $0x3  }
0x3f4: {  	v15 =	vld.idx.msk @p5 [tilespmem:v15+s3+$0x0], $0xffff;
	[tilespmem:s2+$0x0] =	vst @p6 v26  }
0x3f5: {  	v17 =	vld.idx.msk @p5 [tilespmem:v17+s3+$0x0], $0xffff;
	[tilespmem:s2+$0xFFFFFFF0] =	vst @p6 v24;
	s2 =	smov.u32 @p5 s4  }
0x3f6: {  	v8 =	vadd.s32 v8, v12;
	v18 =	vld.idx.msk @p5 [tilespmem:v18+s3+$0x0], $0xffff;
	[tilespmem:s2+$0x30] =	vst @p5 v16  }
0x3f7: {  	v10 =	vld.idx.msk [tilespmem:v10+s3+$0x0], $0xffff;
	[tilespmem:s2+$0x10] =	vst @p5 v19  }
0x3f8: {  	v9 =	vld.idx.msk [tilespmem:v9+s3+$0x0], $0xffff;
	[tilespmem:s2+$0xFFFFFFC0] =	vst @p5 v30  }
0x3f9: {  	v11 =	vld.idx.msk [tilespmem:v11+s3+$0x0], $0xffff;
	[tilespmem:s2+$0xFFFFFFD0] =	vst @p5 v21  }
0x3fa: {  	v7 =	vadd.s32 v7, v12;
	s1 =	sadd.s32 @p5 $0x400, s1;
	v63 =	vld.idx.msk [tilespmem:v23+s3+$0x0], $0xffff;
	[tilespmem:s2+$0x20] =	vst @p5 v15  }
0x3fb: {  	s0 =	smov.u32 @p5 s1;
	v8 =	vld.idx.msk [tilespmem:v8+s3+$0x0], $0xffff;
	[tilespmem:s2+$0xFFFFFFE0] =	vst @p5 v17  }
0x3fc: {  	v14 =	vld.idx.msk [tilespmem:v14+s3+$0x0], $0xffff;
	[tilespmem:s0+$0x30] =	vst v10  }
0x3fd: {  	v16 =	vld.idx.msk @p5 [tilespmem:v31+s3+$0x0], $0xffff;
	[tilespmem:s0+$0xFFFFFFC0] =	vst v9  }
0x3fe: {  	[tilespmem:s0+$0xFFFFFFD0] =	vst v11  }
0x3ff: {  	v7 =	vld.idx.msk [tilespmem:v7+s3+$0x0], $0xffff;
	[tilespmem:s0+$0x20] =	vst v63  }
0x400: {  	[tilespmem:s0+$0x10] =	vst v8;
	v8 =	vld.idx.msk [tilespmem:v13+s3+$0x0], $0xffff  }
0x401: {  	s2 =	smov.u32 @p5 s2;
	v15 =	vpsel p5, v18, v0;
	[tilespmem:s0+$0xFFFFFFE0] =	vst v14  }
0x402: {  	v12 =	vpsel p5, v16, v0;
	[tilespmem:s2+$0xFFFFFFF0] =	vst @p5 v15  }
0x403: {  	[tilespmem:s2+$0x0] =	vst @p5 v12  }
0x404: {  	[tilespmem:s0+$0x0] =	vst v7  }
0x405: {  	v5 =	vadd.s32 $0xFFFFFF80, v5;
	[tilespmem:s0+$0xFFFFFFF0] =	vst v8  }
.LBB2_52:
.Ltmp46:
0x406: {  	(pc) =	sbr.rel @!p2 .LBB2_53-.Ltmp46, $3  }
0x407: {  	_ =	sdelay $0x1  }
0x408: {  	s0 =	sshll.u32 s22, $0x7  }
0x409: {  	s8 =	sand.u32 $0x300, s0  }
0x40a: {  	s0 =	sshra.s32 s29, $0x2;
	s1 =	sld [smem:$0x7EB]  }
0x40b: {  	s4 =	sld [smem:$0x7EA];
	s0 =	sadd.s32 s8, s0  }
0x40c: {  	s5 =	sld [smem:$0x7E9];
	s0 =	sadd.s32 $0x19400, s0  }
.LBB2_64:
0x40d: {  	v7 =	vshll.u32 v5, $0x7  }
0x40e: {  	v7 =	vor.u32 v6, v7;
	_ =	sdelay $0x3  }
0x40f: {  	s5 =	sadd.s32 $0x1, s5  }
0x410: {  	p0 =	slt.u32 s5, s21;
	v7 =	vld.idx.msk [tilespmem:v7+s3+$0x0], $0xffff  }
.Ltmp47:
0x411: {  	_ = 	snop;
	(pc) =	sbr.rel @p0 .LBB2_64-.Ltmp47, $4  }
0x412: {  	s6 =	sand.u32 $0xFFFFFC00, s4  }
0x413: {  	s7 =	sand.u32 $0x70, s1;
	s6 =	sadd.s32 s6, s0  }
0x414: {  	s6 =	sadd.s32 s7, s6  }
0x415: {  	v5 =	vadd.s32 $0xFFFFFFF0, v5;
	s4 =	sadd.s32 $0x80, s4;
	s1 =	sadd.s32 $0x10, s1;
	[tilespmem:s6+$0x0] =	vst v7  }
.LBB2_53:
0x416: {  	v5 =	vmov s22  }
0x417: {  	v7 =	vadd.s32 v2, v5;
	v8 =	vsub.s32 v3, v5  }
0x418: {  	vm0 =	vlt.s32 v7, $0x0;
	vm1 =	vgt.s32 v8, $0x0  }
0x419: {  	v7 =	vsel vm0, $0x0, v7;
	v8 =	vnsel vm1, $0x0, v8  }
0x41a: {  	v10 =	vshll.u32 v5, $0x7;
	v7 =	vshll.u32 v7, $0x7;
	v9 =	vand.u32 $0x7FFFFF80, v8  }
0x41b: {  	v6 =	vor.u32 v6, v7;
	v7 =	vand.u32 $0x7F, v8;
	v8 =	vadd.s32 v10, v9  }
0x41c: {  	v7 =	vor.u32 v7, v8;
	_ =	sdelay $0x3  }
0x41d: {  	v6 =	vld.idx.msk [tilespmem:v6+s3+$0x0], $0xffff  }
0x41e: {  	s1 =	sld [smem:$0x7D3];
	v7 =	vld.idx.msk [tilespmem:v7+s30+$0x0], $0xffff  }
0x41f: {  	s26 =	sld [smem:$0x7D4]  }
.Ltmp48:
0x420: {  	s0 =	sshra.s32 s29, $0x2;
	(pc) =	sbr.rel @p3 .LBB2_70-.Ltmp48, $4  }
0x421: {  	s0 =	sadd.s32 $0x19400, s0  }
0x422: {  	s9 =	sadd.s32 s1, s0;
	s10 =	sadd.s32 s26, s22  }
0x423: {  	[smem:$0x7CC] =	sst s22;
	s31 =	sadd.s32 s8, s9;
	s4 =	ssub.s32 $0xF, s10;
	v6 =	vsel vm0, v7, v6  }
0x424: {  	[smem:$0x7CD] =	sst s28;
	[tilespmem:v4+s31+$0x0 ss:$0x1] =	vst.idx.msk $0xffff, v6;
	v6 =	vadd.s32 s4, v0  }
0x425: {  	s12 =	sld [smem:$0x7E8];
	_ =	sdelay $0x2  }
0x426: {  	v7 =	vmov s8;
	s4 =	sadd.s32 $0xFFFFFFA0, s12;
	s1 =	sadd.s32 $0xFFFFFFF0, s12  }
0x427: {  	v8 =	vadd.s32 s12, v6;
	s5 =	sadd.s32 $0xFFFFFFB0, s12;
	s7 =	sadd.s32 $0xFFFFFFC0, s12;
	v9 =	vadd.s32 s4, v6;
	v10 =	vadd.s32 s1, v6  }
0x428: {  	s6 =	sadd.s32 $0xFFFFFF90, s12;
	s22 =	sadd.s32 $0xFFFFFFD0, s12;
	s23 =	sadd.s32 $0xFFFFFFE0, s12;
	v11 =	vshrl.u32 v8, $0x3;
	v12 =	vadd.s32 s5, v6;
	v13 =	vadd.s32 s7, v6  }
0x429: {  	[smem:$0x7C9] =	sst s10;
	v15 =	vadd.s32 s6, v6;
	v16 =	vadd.s32 s22, v6;
	v18 =	vadd.s32 s23, v6  }
0x42a: {  	[smem:$0x7CA] =	sst s9;
	v14 =	vshrl.u32 v10, $0x3;
	v17 =	vshrl.u32 v15, $0x3;
	v19 =	vshrl.u32 v9, $0x3  }
0x42b: {  	s26 =	sld [smem:$0x7D5];
	v10 =	vand.u32 $0x7F, v10;
	v20 =	vshrl.u32 v12, $0x3;
	v14 =	vand.u32 $0x1FFFFF0, v14  }
0x42c: {  	[smem:$0x7CB] =	sst s8;
	v21 =	vshrl.u32 v13, $0x3;
	v22 =	vshrl.u32 v18, $0x3;
	v14 =	vadd.s32 v5, v14  }
0x42d: {  	s2 =	sld [smem:$0x7E7];
	v11 =	vand.u32 $0x1FFFFF0, v11;
	v15 =	vand.u32 $0x7F, v15;
	v14 =	vshll.u32 v14, $0x7  }
0x42e: {  	p5 =	por $0x0, $0x0;
	s11 =	sadd.s32 $0x8, s26;
	s8 =	sand.u32 $0x70, s12;
	v9 =	vand.u32 $0x7F, v9;
	v12 =	vand.u32 $0x7F, v12;
	v10 =	vor.u32 v10, v14  }
0x42f: {  	p6 =	slt.u32 s11, s15;
	s31 =	sand.u32 $0x70, s6;
	s6 =	sand.u32 $0x70, s4;
	v13 =	vand.u32 $0x7F, v13;
	v18 =	vand.u32 $0x7F, v18;
	v19 =	vand.u32 $0x1FFFFF0, v19  }
0x430: {  	s24 =	sand.u32 $0x70, s5;
	s26 =	sand.u32 $0x70, s7;
	s19 =	sand.u32 $0x70, s22;
	v20 =	vand.u32 $0x1FFFFF0, v20;
	v21 =	vand.u32 $0x1FFFFF0, v21;
	v22 =	vand.u32 $0x1FFFFF0, v22  }
0x431: {  	s5 =	sand.u32 $0x70, s23;
	s7 =	sadd.s32 $0x0, s18;
	[smem:$0x7C8] =	sst s8;
	v11 =	vadd.s32 v5, v11;
	v19 =	vadd.s32 v5, v19;
	v20 =	vadd.s32 v5, v20  }
0x432: {  	s22 =	sadd.s32 $0x0, s2;
	s1 =	sand.u32 $0x70, s1;
	[smem:$0x7C7] =	sst s5;
	v21 =	vadd.s32 v5, v21;
	v22 =	vadd.s32 v5, v22;
	v24 =	vshll.u32 v19, $0x7  }
0x433: {  	s9 =	sadd.s32 $0xE00, s7;
	s10 =	sadd.s32 $0xE80, s7;
	s14 =	sadd.s32 $0x1080, s7;
	v20 =	vshll.u32 v20, $0x7;
	v14 =	vand.u32 $0x1FFFFF0, v17;
	v17 =	vshrl.u32 v16, $0x3;
	v10 =	vld.idx.msk [tilespmem:v10+s30+$0x0], $0xffff  }
.Ltmp49:
0x434: {  	s16 =	sadd.s32 $0xF00, s7;
	s20 =	sadd.s32 $0xF80, s7;
	v21 =	vshll.u32 v21, $0x7;
	v19 =	vand.u32 $0x7F, v8;
	v17 =	vand.u32 $0x1FFFFF0, v17;
	(pc) =	sbr.rel @!p6 .LBB2_55-.Ltmp49, $4  }
0x435: {  	s13 =	sadd.s32 $0x1000, s7;
	s4 =	sadd.s32 $0x1100, s7;
	s8 =	sand.u32 $0xFFFFFC00, s14;
	v16 =	vand.u32 $0x7F, v16;
	v14 =	vadd.s32 v5, v14;
	v17 =	vadd.s32 v5, v17  }
0x436: {  	s17 =	sand.u32 $0xFFFFFC00, s9;
	s5 =	sand.u32 $0xFFFFFC00, s10;
	s8 =	sadd.s32 s8, s0;
	v23 =	vshll.u32 v14, $0x7;
	v25 =	vshll.u32 v17, $0x7;
	v17 =	vshll.u32 v11, $0x7  }
0x437: {  	s23 =	sand.u32 $0xFFFFFC00, s16;
	s9 =	sand.u32 $0xFFFFFC00, s20;
	s1 =	sadd.s32 s1, s8;
	v15 =	vor.u32 v15, v23;
	v11 =	vor.u32 v9, v24;
	v9 =	vor.u32 v13, v21  }
0x438: {  	s10 =	sand.u32 $0xFFFFFC00, s13;
	s16 =	sand.u32 $0xFFFFFC00, s4;
	s4 =	sadd.s32 $0x80, s12;
	v14 =	vshll.u32 v22, $0x7;
	v8 =	vor.u32 v16, v25;
	[tilespmem:v7+s1+$0x0 ss:$0x1] =	vst.idx.msk $0xffff, v10;
	v10 =	vor.u32 v12, v20  }
0x439: {  	[smem:$0x7C6] =	sst s29;
	s7 =	sadd.s32 $0xFFFFFFA0, s4  }
0x43a: {  	s1 =	sadd.s32 $0xFFFFFFF0, s4;
	v13 =	vadd.s32 s4, v6;
	v12 =	vor.u32 v18, v14;
	s8 =	sadd.s32 $0xFFFFFFB0, s4;
	s14 =	sadd.s32 $0xFFFFFFC0, s4  }
0x43b: {  	v16 =	vor.u32 v19, v17;
	s12 =	smov.u32 s18;
	s21 =	sadd.s32 $0xFFFFFF90, s4;
	s20 =	sadd.s32 $0xFFFFFFD0, s4;
	v18 =	vadd.s32 s7, v6;
	v14 =	vadd.s32 s1, v6  }
0x43c: {  	s29 =	sadd.s32 $0xFFFFFFE0, s4;
	s13 =	sadd.s32 s17, s0;
	s5 =	sadd.s32 s5, s0;
	v17 =	vshrl.u32 v13, $0x3;
	v19 =	vadd.s32 s8, v6;
	v20 =	vadd.s32 s14, v6  }
0x43d: {  	s25 =	sadd.s32 s23, s0;
	s9 =	sadd.s32 s9, s0;
	s10 =	sadd.s32 s10, s0;
	v22 =	vadd.s32 s21, v6;
	v23 =	vadd.s32 s20, v6;
	v25 =	vadd.s32 s29, v6  }
0x43e: {  	s16 =	sadd.s32 s16, s0;
	p5 =	por $0x1, $0x1;
	s17 =	sadd.s32 s6, s13;
	v21 =	vshrl.u32 v14, $0x3;
	v24 =	vshrl.u32 v22, $0x3;
	v26 =	vshrl.u32 v18, $0x3  }
0x43f: {  	s23 =	sadd.s32 s24, s5;
	s5 =	sadd.s32 s26, s25;
	s13 =	sadd.s32 $0x8, s11;
	v14 =	vand.u32 $0x7F, v14;
	v27 =	vshrl.u32 v19, $0x3;
	v21 =	vand.u32 $0x1FFFFF0, v21  }
0x440: {  	v15 =	vld.idx.msk [tilespmem:v15+s30+$0x0], $0xffff;
	s26 =	sand.u32 $0xFFFFFC00, s22;
	s11 =	sand.u32 $0x70, s21;
	s6 =	sand.u32 $0x70, s7;
	v28 =	vshrl.u32 v20, $0x3;
	v59 =	vshrl.u32 v23, $0x3;
	v21 =	vadd.s32 v5, v21  }
0x441: {  	v11 =	vld.idx.msk [tilespmem:v11+s30+$0x0], $0xffff;
	s24 =	sand.u32 $0x70, s8;
	s28 =	sand.u32 $0x70, s20;
	s18 =	sand.u32 $0x70, s29;
	v29 =	vshrl.u32 v25, $0x3;
	v17 =	vand.u32 $0x1FFFFF0, v17;
	v21 =	vshll.u32 v21, $0x7  }
0x442: {  	v10 =	vld.idx.msk [tilespmem:v10+s30+$0x0], $0xffff;
	s7 =	sadd.s32 s19, s9;
	s19 =	sand.u32 $0x70, s4;
	s25 =	sld [smem:$0x7C8];
	v63 =	vand.u32 $0x7F, v19;
	v19 =	vand.u32 $0x7F, v13;
	v14 =	vor.u32 v14, v21  }
0x443: {  	v9 =	vld.idx.msk [tilespmem:v9+s30+$0x0], $0xffff;
	s29 =	simm.s32 $0x400;
	s1 =	sand.u32 $0x70, s1;
	s22 =	sadd.s32 s26, s0;
	v58 =	vand.u32 $0x1FFFFF0, v24;
	v26 =	vand.u32 $0x1FFFFF0, v26;
	v27 =	vand.u32 $0x1FFFFF0, v27  }
0x444: {  	v8 =	vld.idx.msk [tilespmem:v8+s30+$0x0], $0xffff;
	p6 =	slt.u32 s13, s15;
	v28 =	vand.u32 $0x1FFFFF0, v28;
	v24 =	vand.u32 $0x1FFFFF0, v59;
	s21 =	sadd.s32 s31, s22;
	s22 =	sld [smem:$0x7C7];
	v26 =	vadd.s32 v5, v26  }
0x445: {  	s26 =	sand.u32 $0x70, s14;
	v29 =	vand.u32 $0x1FFFFF0, v29;
	s31 =	sadd.s32 $0x400, s12;
	v27 =	vadd.s32 v5, v27;
	s14 =	sadd.s32 s25, s16;
	v28 =	vadd.s32 v5, v28;
	[tilespmem:v7+s21+$0x0 ss:$0x1] =	vst.idx.msk $0xffff, v15  }
0x446: {  	v24 =	vadd.s32 v5, v24;
	s12 =	sadd.s32 $0x1080, s31;
	s16 =	sadd.s32 $0xE00, s31;
	s25 =	sadd.s32 $0x1000, s31;
	v60 =	vshll.u32 v26, $0x7;
	v61 =	vshll.u32 v27, $0x7;
	[tilespmem:v7+s17+$0x0 ss:$0x1] =	vst.idx.msk $0xffff, v11  }
0x447: {  	v62 =	vshll.u32 v28, $0x7;
	s8 =	sand.u32 $0xFFFFFC00, s12;
	v24 =	vshll.u32 v24, $0x7;
	s12 =	sadd.s32 $0xF00, s31;
	v21 =	vadd.s32 v5, v58;
	s20 =	sadd.s32 s22, s10;
	[tilespmem:v7+s23+$0x0 ss:$0x1] =	vst.idx.msk $0xffff, v10;
	v30 =	vld.idx.msk [tilespmem:v14+s30+$0x0], $0xffff  }
.Ltmp50:
0x448: {  	s22 =	sadd.s32 $0x400, s2;
	v11 =	vadd.s32 v5, v17;
	s23 =	sadd.s32 $0xE80, s31;
	v10 =	vand.u32 $0x7F, v22;
	[tilespmem:v7+s5+$0x0 ss:$0x1] =	vst.idx.msk $0xffff, v9;
	v9 =	vand.u32 $0x7F, v18;
	(pc) =	sbr.rel @!p6 .LBB2_66-.Ltmp50, $4  }
0x449: {  	s17 =	sadd.s32 s8, s0;
	s21 =	sadd.s32 $0xF80, s31;
	[tilespmem:v7+s7+$0x0 ss:$0x1] =	vst.idx.msk $0xffff, v8;
	v8 =	vand.u32 $0x7F, v20;
	v20 =	vand.u32 $0x7F, v23;
	v18 =	vand.u32 $0x7F, v25;
	s31 =	sadd.s32 $0x1100, s31  }
0x44a: {  	v12 =	vld.idx.msk [tilespmem:v12+s30+$0x0], $0xffff;
	s10 =	sand.u32 $0xFFFFFC00, s25;
	v15 =	vshll.u32 v21, $0x7;
	s1 =	sadd.s32 s1, s17;
	v17 =	vshll.u32 v11, $0x7;
	s17 =	sand.u32 $0xFFFFFC00, s16;
	v11 =	vor.u32 v9, v60  }
0x44b: {  	v16 =	vld.idx.msk [tilespmem:v16+s30+$0x0], $0xffff;
	s5 =	sand.u32 $0xFFFFFC00, s23;
	s23 =	sand.u32 $0xFFFFFC00, s12;
	s9 =	sand.u32 $0xFFFFFC00, s21;
	v9 =	vor.u32 v8, v62;
	v8 =	vor.u32 v20, v24;
	v14 =	vadd.s32 v5, v29  }
0x44c: {  	s16 =	sand.u32 $0xFFFFFC00, s31;
	s21 =	smov.u32 s2;
	v15 =	vor.u32 v10, v15;
	v10 =	vor.u32 v63, v61;
	v14 =	vshll.u32 v14, $0x7;
	[tilespmem:v7+s1+$0x0 ss:$0x1] =	vst.idx.msk $0xffff, v30;
	s1 =	sadd.s32 $0x80, s4  }
.LBB2_67:
0x44d: {  	s7 =	sadd.s32 $0xFFFFFFA0, s1;
	s4 =	sadd.s32 $0xFFFFFFF0, s1;
	s13 =	sadd.s32 $0x8, s13  }
0x44e: {  	s31 =	smov.u32 s19;
	s8 =	sadd.s32 $0xFFFFFFB0, s1;
	s19 =	sadd.s32 $0xFFFFFFC0, s1  }
0x44f: {  	v13 =	vadd.s32 s1, v6;
	v14 =	vor.u32 v18, v14;
	s2 =	sadd.s32 $0xFFFFFF90, s1;
	s12 =	sadd.s32 $0xFFFFFFD0, s1;
	s25 =	smov.u32 s15  }
0x450: {  	v17 =	vor.u32 v19, v17;
	s22 =	sand.u32 $0xFFFFFC00, s22;
	s17 =	sadd.s32 s17, s0;
	s5 =	sadd.s32 s5, s0;
	[tilespmem:v7+s20+$0x0 ss:$0x1] =	vst.idx.msk $0xffff, v12;
	v18 =	vadd.s32 s7, v6;
	v12 =	vadd.s32 s4, v6  }
0x451: {  	s23 =	sadd.s32 s23, s0;
	s9 =	sadd.s32 s9, s0;
	s10 =	sadd.s32 s10, s0;
	v19 =	vshrl.u32 v13, $0x3;
	v20 =	vadd.s32 s8, v6;
	v21 =	vadd.s32 s19, v6  }
0x452: {  	s29 =	sadd.s32 $0x400, s29;
	p6 =	slt.u32 s13, s15;
	s15 =	sadd.s32 $0xFFFFFFE0, s1;
	v22 =	vadd.s32 s2, v6;
	v23 =	vadd.s32 s12, v6;
	[tilespmem:v7+s14+$0x0 ss:$0x1] =	vst.idx.msk $0xffff, v16;
	v16 =	vshrl.u32 v12, $0x3  }
0x453: {  	s20 =	smov.u32 s18;
	s2 =	sand.u32 $0x70, s2;
	s22 =	sadd.s32 s22, s0;
	v24 =	vshrl.u32 v22, $0x3;
	v25 =	vadd.s32 s15, v6;
	v26 =	vshrl.u32 v18, $0x3  }
0x454: {  	s7 =	sand.u32 $0x70, s7;
	s8 =	sand.u32 $0x70, s8;
	s12 =	sand.u32 $0x70, s12;
	v12 =	vand.u32 $0x7F, v12;
	v27 =	vshrl.u32 v20, $0x3;
	v16 =	vand.u32 $0x1FFFFF0, v16  }
0x455: {  	v11 =	vld.idx.msk [tilespmem:v11+s30+$0x0], $0xffff;
	s5 =	sadd.s32 s24, s5;
	s9 =	sadd.s32 s28, s9;
	s4 =	sand.u32 $0x70, s4;
	v28 =	vshrl.u32 v21, $0x3;
	v19 =	vand.u32 $0x1FFFFF0, v19;
	v16 =	vadd.s32 v5, v16  }
0x456: {  	v10 =	vld.idx.msk [tilespmem:v10+s30+$0x0], $0xffff;
	s14 =	sadd.s32 s16, s0;
	s16 =	sand.u32 $0x70, s19;
	s18 =	sand.u32 $0x70, s15;
	v20 =	vand.u32 $0x7F, v20;
	v21 =	vand.u32 $0x7F, v21;
	v16 =	vshll.u32 v16, $0x7  }
0x457: {  	v9 =	vld.idx.msk [tilespmem:v9+s30+$0x0], $0xffff;
	s19 =	sand.u32 $0x70, s1;
	s15 =	sadd.s32 s6, s17;
	s17 =	sadd.s32 s26, s23;
	v63 =	vand.u32 $0x7F, v23;
	v30 =	vshrl.u32 v25, $0x3;
	v29 =	vor.u32 v12, v16  }
0x458: {  	v15 =	vld.idx.msk [tilespmem:v15+s30+$0x0], $0xffff;
	s20 =	sadd.s32 s20, s10;
	s6 =	smov.u32 s7;
	s24 =	smov.u32 s8;
	v26 =	vand.u32 $0x1FFFFF0, v26;
	v27 =	vand.u32 $0x1FFFFF0, v27;
	v28 =	vand.u32 $0x1FFFFF0, v28  }
0x459: {  	v8 =	vld.idx.msk [tilespmem:v8+s30+$0x0], $0xffff;
	s7 =	rddreg [dreg:$0x6];
	s28 =	smov.u32 s12;
	s1 =	sadd.s32 $0x80, s1;
	v30 =	vand.u32 $0x1FFFFF0, v30;
	v58 =	vadd.s32 v5, v26;
	v59 =	vadd.s32 v5, v27  }
0x45a: {  	v24 =	vand.u32 $0x1FFFFF0, v24;
	s14 =	sadd.s32 s31, s14;
	s31 =	sadd.s32 s11, s22;
	s11 =	smov.u32 s2;
	v60 =	vadd.s32 v5, v28;
	v61 =	vadd.s32 v5, v30;
	[tilespmem:v7+s15+$0x0 ss:$0x1] =	vst.idx.msk $0xffff, v11  }
0x45b: {  	s26 =	smov.u32 s16;
	s22 =	sadd.s32 s29, s21;
	s2 =	sadd.s32 s29, s7;
	v26 =	vshll.u32 v59, $0x7;
	v27 =	vshll.u32 v60, $0x7;
	v11 =	vand.u32 $0x7F, v22;
	[tilespmem:v7+s5+$0x0 ss:$0x1] =	vst.idx.msk $0xffff, v10;
	v12 =	vld.idx.msk [tilespmem:v14+s30+$0x0], $0xffff  }
0x45c: {  	s8 =	sadd.s32 $0xE00, s2;
	s12 =	sadd.s32 $0xE80, s2;
	s16 =	sadd.s32 $0x1080, s2;
	v10 =	vand.u32 $0x7F, v18;
	[tilespmem:v7+s17+$0x0 ss:$0x1] =	vst.idx.msk $0xffff, v9;
	v18 =	vand.u32 $0x7F, v25;
	v16 =	vshrl.u32 v23, $0x3;
	v29 =	vld.idx.msk [tilespmem:v29+s30+$0x0], $0xffff  }
.Ltmp51:
0x45d: {  	s23 =	sadd.s32 $0xF00, s2;
	s15 =	sadd.s32 $0xF80, s2;
	v9 =	vor.u32 v21, v27;
	v14 =	vand.u32 $0x1FFFFF0, v16;
	v16 =	vld.idx.msk [tilespmem:v17+s30+$0x0], $0xffff;
	v17 =	vadd.s32 v5, v24;
	(pc) =	sbr.rel @p6 .LBB2_67-.Ltmp51, $4  }
0x45e: {  	s10 =	sand.u32 $0xFFFFFC00, s16;
	s16 =	sadd.s32 $0x1000, s2;
	s17 =	sand.u32 $0xFFFFFC00, s8;
	v24 =	vshll.u32 v58, $0x7;
	v14 =	vadd.s32 v5, v14;
	v62 =	vshll.u32 v17, $0x7  }
0x45f: {  	[tilespmem:v7+s31+$0x0 ss:$0x1] =	vst.idx.msk $0xffff, v15;
	s2 =	sadd.s32 $0x1100, s2;
	s5 =	sand.u32 $0xFFFFFC00, s12;
	s31 =	sadd.s32 s10, s0;
	v17 =	vadd.s32 v5, v19;
	v19 =	vand.u32 $0x7F, v13;
	v31 =	vshll.u32 v14, $0x7  }
0x460: {  	[tilespmem:v7+s9+$0x0 ss:$0x1] =	vst.idx.msk $0xffff, v8;
	s23 =	sand.u32 $0xFFFFFC00, s23;
	s9 =	sand.u32 $0xFFFFFC00, s15;
	s4 =	sadd.s32 s4, s31;
	v14 =	vshll.u32 v61, $0x7;
	v15 =	vor.u32 v11, v62;
	v11 =	vor.u32 v10, v24  }
0x461: {  	s15 =	smov.u32 s25;
	s10 =	sand.u32 $0xFFFFFC00, s16;
	s16 =	sand.u32 $0xFFFFFC00, s2;
	v17 =	vshll.u32 v17, $0x7;
	v10 =	vor.u32 v20, v26;
	v8 =	vor.u32 v63, v31;
	[tilespmem:v7+s4+$0x0 ss:$0x1] =	vst.idx.msk $0xffff, v29  }
0x462: {  	s7 =	smov.u32 s18;
	s18 =	rddreg [dreg:$0x6]  }
0x463: {  	s21 =	sld [smem:$0x7D6]  }
0x464: {  	s25 =	sld [smem:$0x7D7]  }
0x465: {  	s8 =	smov.u32 s19;
	s19 =	smov.u32 s28;
	s28 =	sld [smem:$0x7CD]  }
0x466: {  	s31 =	smov.u32 s11;
	s29 =	sld [smem:$0x7C6]  }
.LBB2_69:
0x467: {  	_ =	sdelay $0x3  }
0x468: {  	v13 =	vor.u32 v18, v14;
	v60 =	vld.idx.msk [tilespmem:v15+s30+$0x0], $0xffff  }
0x469: {  	v61 =	vor.u32 v19, v17;
	v11 =	vld.idx.msk [tilespmem:v11+s30+$0x0], $0xffff  }
0x46a: {  	s1 =	sand.u32 $0xFFFFFC00, s22;
	v10 =	vld.idx.msk [tilespmem:v10+s30+$0x0], $0xffff  }
0x46b: {  	[tilespmem:v7+s20+$0x0 ss:$0x1] =	vst.idx.msk @p5 $0xffff, v12;
	v9 =	vld.idx.msk [tilespmem:v9+s30+$0x0], $0xffff;
	s1 =	sadd.s32 s1, s0  }
0x46c: {  	[tilespmem:v7+s14+$0x0 ss:$0x1] =	vst.idx.msk @p5 $0xffff, v16;
	s2 =	sadd.s32 s17, s0;
	v8 =	vld.idx.msk [tilespmem:v8+s30+$0x0], $0xffff;
	s1 =	sadd.s32 s31, s1  }
0x46d: {  	s4 =	sadd.s32 s5, s0;
	s2 =	sadd.s32 s6, s2;
	v62 =	vld.idx.msk [tilespmem:v13+s30+$0x0], $0xffff;
	[tilespmem:v7+s1+$0x0 ss:$0x1] =	vst.idx.msk $0xffff, v60  }
0x46e: {  	s23 =	sadd.s32 s23, s0;
	s4 =	sadd.s32 s24, s4;
	v63 =	vld.idx.msk [tilespmem:v61+s30+$0x0], $0xffff;
	[tilespmem:v7+s2+$0x0 ss:$0x1] =	vst.idx.msk $0xffff, v11  }
0x46f: {  	s24 =	sadd.s32 s9, s0;
	s1 =	sadd.s32 s26, s23;
	[tilespmem:v7+s4+$0x0 ss:$0x1] =	vst.idx.msk $0xffff, v10  }
0x470: {  	s26 =	sadd.s32 s10, s0;
	s2 =	sadd.s32 s19, s24;
	[tilespmem:v7+s1+$0x0 ss:$0x1] =	vst.idx.msk $0xffff, v9  }
0x471: {  	s31 =	sadd.s32 s16, s0;
	s4 =	sadd.s32 s7, s26;
	[tilespmem:v7+s2+$0x0 ss:$0x1] =	vst.idx.msk $0xffff, v8  }
0x472: {  	s1 =	sadd.s32 s8, s31;
	[tilespmem:v7+s4+$0x0 ss:$0x1] =	vst.idx.msk $0xffff, v62  }
0x473: {  	[tilespmem:v7+s1+$0x0 ss:$0x1] =	vst.idx.msk $0xffff, v63  }
0x474: {  	s22 =	sld [smem:$0x7CC]  }
0x475: {  	s9 =	sld [smem:$0x7CA]  }
0x476: {  	s10 =	sld [smem:$0x7C9]  }
0x477: {  	s20 =	simm.s32 $0x10800;
	s8 =	sld [smem:$0x7CB]  }
.LBB2_70:
.Ltmp52:
0x478: {  	(pc) =	sbr.rel @p4 .LBB2_72-.Ltmp52, $4  }
0x479: {  	_ = 	snop  }
0x47a: {  	s1 =	sld [smem:$0x7E6]  }
0x47b: {  	s4 =	sld [smem:$0x7E5]  }
0x47c: {  	s5 =	rddreg [dreg:$0x1f]  }
.LBB2_71:
0x47d: {  	v7 =	vadd.s32 s1, v6  }
0x47e: {  	v8 =	vshrl.u32 v7, $0x3  }
0x47f: {  	v8 =	vand.u32 $0x1FFFFF0, v8  }
0x480: {  	v8 =	vadd.s32 v5, v8  }
0x481: {  	v7 =	vand.u32 $0x7F, v7;
	v8 =	vshll.u32 v8, $0x7  }
0x482: {  	v7 =	vor.u32 v7, v8;
	_ =	sdelay $0x3  }
0x483: {  	s5 =	sadd.s32 $0x1, s5  }
0x484: {  	p0 =	slt.u32 s5, $0x21;
	v7 =	vld.idx.msk [tilespmem:v7+s30+$0x0], $0xffff  }
.Ltmp53:
0x485: {  	s2 =	sand.u32 $0x7FFFFC00, s4;
	(pc) =	sbr.rel @p0 .LBB2_71-.Ltmp53, $4  }
0x486: {  	s6 =	sand.u32 $0x70, s1;
	s2 =	sadd.s32 s2, s0  }
0x487: {  	s2 =	sadd.s32 s6, s2  }
0x488: {  	s2 =	sadd.s32 s8, s2  }
0x489: {  	s4 =	sadd.s32 $0x80, s4;
	s1 =	sadd.s32 $0x10, s1;
	[tilespmem:s2+$0x0] =	vst v7  }
.LBB2_72:
0x48a: {  	s1 =	sld [smem:$0x7D0]  }
.Ltmp54:
0x48b: {  	s2 =	sld [smem:$0x7D2];
	(pc) =	sbr.rel @p1 .LBB2_75-.Ltmp54, $4  }
0x48c: {  	_ = 	snop  }
0x48d: {  	s11 =	sor.u32 $0x1, s22  }
0x48e: {  	s1 =	ssub.s32 s1, s11;
	s2 =	sadd.s32 s11, s2  }
0x48f: {  	v6 =	vmov s1;
	v5 =	vadd.s32 s2, v2  }
0x490: {  	p0 =	sgt.u32 s25, $0x8  }
.Ltmp55:
0x491: {  	s1 =	sand.u32 $0x7, s28;
	v15 =	vor.u32 $0xFFFFF800, v6;
	v17 =	vor.u32 $0xFFFFF000, v6;
	(pc) =	sbr.rel @!p0 .LBB2_74-.Ltmp55, $4  }
0x492: {  	v18 =	vor.u32 $0xFFFFE800, v6;
	v7 =	vor.u32 $0xFFFFE000, v6;
	v8 =	vor.u32 $0xFFFFD800, v6;
	s1 =	sshll.u32 s1, $0x9  }
0x493: {  	v20 =	vor.u32 $0xFFFFD000, v6;
	v22 =	vor.u32 $0xFFFFC800, v6;
	v12 =	vshll.u32 v5, $0x7;
	s1 =	sor.u32 s1, s29  }
0x494: {  	v9 =	vor.u32 v6, v12;
	v11 =	vadd.s32 v15, v12;
	v10 =	vadd.s32 v22, v12;
	s1 =	sshra.s32 s1, $0x2  }
0x495: {  	p5 =	por $0x0, $0x0;
	p6 =	por $0x0, $0x0;
	v14 =	vadd.s32 v17, v12;
	v13 =	vadd.s32 v18, v12;
	v23 =	vadd.s32 v20, v12;
	s2 =	sadd.s32 $0x194F0, s1  }
0x496: {  	_ = 	snop  }
0x497: {  	v5 =	vadd.s32 $0xFFFFFF80, v5  }
0x498: {  	v19 =	vadd.s32 v8, v12;
	v31 =	vadd.s32 v7, v12;
	p0 =	sgt.u32 s25, $0x10;
	v12 =	vshll.u32 v5, $0x7  }
.Ltmp56:
0x499: {  	v28 =	vadd.s32 v20, v12;
	(pc) =	sbr.rel @!p0 .LBB2_80-.Ltmp56, $4  }
0x49a: {  	v30 =	vld.idx.msk [tilespmem:v9+s3+$0x0], $0xffff;
	v27 =	vadd.s32 v17, v12  }
0x49b: {  	v16 =	vld.idx.msk [tilespmem:v10+s3+$0x0], $0xffff;
	v25 =	vadd.s32 v18, v12  }
0x49c: {  	v21 =	vld.idx.msk [tilespmem:v11+s3+$0x0], $0xffff  }
0x49d: {  	p5 =	por $0x1, $0x1;
	v9 =	vor.u32 v6, v12;
	v32 =	vadd.s32 v15, v12;
	v10 =	vadd.s32 v22, v12;
	v19 =	vld.idx.msk [tilespmem:v19+s3+$0x0], $0xffff  }
0x49e: {  	_ =	sdelay $0x3  }
0x49f: {  	v11 =	vld.idx.msk [tilespmem:v23+s3+$0x0], $0xffff  }
0x4a0: {  	v23 =	vadd.s32 v8, v12;
	v33 =	vld.idx.msk [tilespmem:v14+s3+$0x0], $0xffff  }
0x4a1: {  	v24 =	vld.idx.msk [tilespmem:v13+s3+$0x0], $0xffff;
	p0 =	sgt.u32 s25, $0x18;
	[tilespmem:s2+$0xFFFFFF90] =	vst v30  }
.Ltmp57:
0x4a2: {  	v26 =	vld.idx.msk [tilespmem:v31+s3+$0x0], $0xffff;
	v5 =	vadd.s32 $0xFFFFFF80, v5;
	[tilespmem:s2+$0x0] =	vst v16;
	(pc) =	sbr.rel @!p0 .LBB2_82-.Ltmp57, $4  }
0x4a3: {  	v29 =	vld.idx.msk [tilespmem:v9+s3+$0x0], $0xffff;
	v30 =	vadd.s32 v7, v12;
	v12 =	vshll.u32 v5, $0x7;
	[tilespmem:s2+$0xFFFFFFA0] =	vst v21  }
0x4a4: {  	v16 =	vld.idx.msk [tilespmem:v10+s3+$0x0], $0xffff;
	v9 =	vor.u32 v6, v12;
	v10 =	vadd.s32 v22, v12;
	[tilespmem:s2+$0xFFFFFFE0] =	vst v19  }
0x4a5: {  	s1 =	sadd.s32 $0x400, s2;
	s6 =	simm.s32 $0x18;
	v14 =	vadd.s32 v17, v12;
	v13 =	vadd.s32 v18, v12;
	v19 =	vld.idx.msk [tilespmem:v23+s3+$0x0], $0xffff;
	[tilespmem:s2+$0xFFFFFFF0] =	vst v11  }
0x4a6: {  	p6 =	por $0x1, $0x1;
	s4 =	smov.u32 s2;
	s5 =	smov.u32 s1;
	v21 =	vld.idx.msk [tilespmem:v32+s3+$0x0], $0xffff;
	v11 =	vadd.s32 v15, v12;
	v23 =	vadd.s32 v20, v12;
	[tilespmem:s2+$0xFFFFFFB0] =	vst v33  }
.LBB2_83:
0x4a7: {  	s6 =	sadd.s32 $0x8, s6;
	v31 =	vadd.s32 v7, v12;
	v32 =	vadd.s32 v8, v12;
	v33 =	vld.idx.msk [tilespmem:v28+s3+$0x0], $0xffff;
	s1 =	sadd.s32 $0x400, s1;
	[tilespmem:s4+$0xFFFFFFD0] =	vst v26;
	v28 =	vmov v23  }
0x4a8: {  	p0 =	slt.u32 s6, s25;
	v34 =	vld.idx.msk [tilespmem:v27+s3+$0x0], $0xffff;
	[tilespmem:s4+$0xFFFFFFC0] =	vst v24;
	v27 =	vmov v14;
	s4 =	smov.u32 s5;
	s5 =	smov.u32 s1  }
0x4a9: {  	v24 =	vld.idx.msk [tilespmem:v25+s3+$0x0], $0xffff;
	[tilespmem:s4+$0x0] =	vst v16;
	v25 =	vmov v13  }
0x4aa: {  	v26 =	vld.idx.msk [tilespmem:v30+s3+$0x0], $0xffff;
	[tilespmem:s4+$0xFFFFFFE0] =	vst v19;
	v30 =	vmov v31  }
.Ltmp58:
0x4ab: {  	[tilespmem:s4+$0xFFFFFF90] =	vst v29;
	v29 =	vld.idx.msk [tilespmem:v9+s3+$0x0], $0xffff;
	(pc) =	sbr.rel @p0 .LBB2_83-.Ltmp58, $4  }
0x4ac: {  	v5 =	vadd.s32 $0xFFFFFF80, v5;
	v16 =	vld.idx.msk [tilespmem:v10+s3+$0x0], $0xffff;
	[tilespmem:s4+$0xFFFFFFA0] =	vst v21  }
0x4ad: {  	v12 =	vshll.u32 v5, $0x7;
	v19 =	vld.idx.msk [tilespmem:v32+s3+$0x0], $0xffff;
	[tilespmem:s4+$0xFFFFFFF0] =	vst v33  }
0x4ae: {  	v9 =	vor.u32 v6, v12;
	v10 =	vadd.s32 v22, v12;
	v21 =	vld.idx.msk [tilespmem:v11+s3+$0x0], $0xffff;
	v11 =	vadd.s32 v15, v12  }
0x4af: {  	v14 =	vadd.s32 v17, v12;
	v13 =	vadd.s32 v18, v12;
	v23 =	vadd.s32 v20, v12;
	[tilespmem:s4+$0xFFFFFFB0] =	vst v34  }
0x4b0: {  	v15 =	vmovc v28;
	v17 =	vmovc v27;
	v18 =	vmov v25;
	v31 =	vmov v30;
	v30 =	vmov v29  }
.LBB2_85:
0x4b1: {  	_ =	sdelay $0x3  }
0x4b2: {  	v15 =	vld.idx.msk @p5 [tilespmem:v15+s3+$0x0], $0xffff;
	[tilespmem:s4+$0xFFFFFFD0] =	vst @p6 v26  }
0x4b3: {  	v17 =	vld.idx.msk @p5 [tilespmem:v17+s3+$0x0], $0xffff;
	[tilespmem:s4+$0xFFFFFFC0] =	vst @p6 v24;
	s4 =	smov.u32 @p5 s5  }
0x4b4: {  	v8 =	vadd.s32 v8, v12;
	v18 =	vld.idx.msk @p5 [tilespmem:v18+s3+$0x0], $0xffff;
	[tilespmem:s4+$0x0] =	vst @p5 v16  }
0x4b5: {  	v10 =	vld.idx.msk [tilespmem:v10+s3+$0x0], $0xffff;
	[tilespmem:s4+$0xFFFFFFE0] =	vst @p5 v19  }
0x4b6: {  	v9 =	vld.idx.msk [tilespmem:v9+s3+$0x0], $0xffff;
	[tilespmem:s4+$0xFFFFFF90] =	vst @p5 v30  }
0x4b7: {  	v11 =	vld.idx.msk [tilespmem:v11+s3+$0x0], $0xffff;
	[tilespmem:s4+$0xFFFFFFA0] =	vst @p5 v21  }
0x4b8: {  	v7 =	vadd.s32 v7, v12;
	s1 =	sadd.s32 @p5 $0x400, s1;
	v63 =	vld.idx.msk [tilespmem:v23+s3+$0x0], $0xffff;
	[tilespmem:s4+$0xFFFFFFF0] =	vst @p5 v15  }
0x4b9: {  	s2 =	smov.u32 @p5 s1;
	v8 =	vld.idx.msk [tilespmem:v8+s3+$0x0], $0xffff;
	[tilespmem:s4+$0xFFFFFFB0] =	vst @p5 v17  }
0x4ba: {  	v14 =	vld.idx.msk [tilespmem:v14+s3+$0x0], $0xffff;
	[tilespmem:s2+$0x0] =	vst v10  }
0x4bb: {  	v16 =	vld.idx.msk @p5 [tilespmem:v31+s3+$0x0], $0xffff;
	[tilespmem:s2+$0xFFFFFF90] =	vst v9  }
0x4bc: {  	[tilespmem:s2+$0xFFFFFFA0] =	vst v11  }
0x4bd: {  	v7 =	vld.idx.msk [tilespmem:v7+s3+$0x0], $0xffff;
	[tilespmem:s2+$0xFFFFFFF0] =	vst v63  }
0x4be: {  	[tilespmem:s2+$0xFFFFFFE0] =	vst v8;
	v8 =	vld.idx.msk [tilespmem:v13+s3+$0x0], $0xffff  }
0x4bf: {  	s4 =	smov.u32 @p5 s4;
	v15 =	vpsel p5, v18, v0;
	[tilespmem:s2+$0xFFFFFFB0] =	vst v14  }
0x4c0: {  	v12 =	vpsel p5, v16, v0;
	[tilespmem:s4+$0xFFFFFFC0] =	vst @p5 v15  }
0x4c1: {  	[tilespmem:s4+$0xFFFFFFD0] =	vst @p5 v12  }
0x4c2: {  	[tilespmem:s2+$0xFFFFFFD0] =	vst v7  }
0x4c3: {  	v5 =	vadd.s32 $0xFFFFFF80, v5;
	[tilespmem:s2+$0xFFFFFFC0] =	vst v8  }
.LBB2_75:
.Ltmp59:
0x4c4: {  	(pc) =	sbr.rel @!p2 .LBB2_76-.Ltmp59, $3  }
0x4c5: {  	_ =	sdelay $0x1  }
0x4c6: {  	s1 =	sshll.u32 s11, $0x7  }
0x4c7: {  	s12 =	sand.u32 $0x380, s1  }
0x4c8: {  	s4 =	sld [smem:$0x7EB]  }
0x4c9: {  	s5 =	sld [smem:$0x7EA]  }
0x4ca: {  	s1 =	sadd.s32 s12, s0;
	s6 =	sld [smem:$0x7E9]  }
.LBB2_87:
0x4cb: {  	v7 =	vshll.u32 v5, $0x7  }
0x4cc: {  	v7 =	vor.u32 v6, v7;
	_ =	sdelay $0x3  }
0x4cd: {  	s6 =	sadd.s32 $0x1, s6  }
0x4ce: {  	p0 =	slt.u32 s6, s21;
	v7 =	vld.idx.msk [tilespmem:v7+s3+$0x0], $0xffff  }
.Ltmp60:
0x4cf: {  	_ = 	snop;
	(pc) =	sbr.rel @p0 .LBB2_87-.Ltmp60, $4  }
0x4d0: {  	s7 =	sand.u32 $0xFFFFFC00, s5  }
0x4d1: {  	s8 =	sand.u32 $0x70, s4;
	s7 =	sadd.s32 s7, s1  }
0x4d2: {  	s7 =	sadd.s32 s8, s7  }
0x4d3: {  	v5 =	vadd.s32 $0xFFFFFFF0, v5;
	s5 =	sadd.s32 $0x80, s5;
	s4 =	sadd.s32 $0x10, s4;
	[tilespmem:s7+$0x0] =	vst v7  }
.LBB2_76:
0x4d4: {  	v5 =	vmov s11  }
0x4d5: {  	v7 =	vadd.s32 v2, v5;
	v8 =	vsub.s32 v3, v5  }
0x4d6: {  	vm0 =	vlt.s32 v7, $0x0;
	vm1 =	vgt.s32 v8, $0x0  }
0x4d7: {  	v7 =	vsel vm0, $0x0, v7;
	v8 =	vnsel vm1, $0x0, v8  }
0x4d8: {  	v10 =	vshll.u32 v5, $0x7;
	v7 =	vshll.u32 v7, $0x7;
	v9 =	vand.u32 $0x7FFFFF80, v8  }
0x4d9: {  	v6 =	vor.u32 v6, v7;
	v7 =	vand.u32 $0x7F, v8;
	v8 =	vadd.s32 v10, v9  }
0x4da: {  	v7 =	vor.u32 v7, v8;
	_ =	sdelay $0x3  }
0x4db: {  	v6 =	vld.idx.msk [tilespmem:v6+s3+$0x0], $0xffff  }
0x4dc: {  	v7 =	vld.idx.msk [tilespmem:v7+s30+$0x0], $0xffff;
	_ =	sdelay $0x1  }
.Ltmp61:
0x4dd: {  	_ = 	snop;
	(pc) =	sbr.rel @p3 .LBB2_93-.Ltmp61, $3  }
0x4de: {  	_ =	sdelay $0x1  }
0x4df: {  	s1 =	sadd.s32 s12, s9;
	s4 =	ssub.s32 $0xE, s10;
	v6 =	vsel vm0, v7, v6  }
0x4e0: {  	[tilespmem:v4+s1+$0x0 ss:$0x1] =	vst.idx.msk $0xffff, v6;
	v6 =	vadd.s32 s4, v0  }
0x4e1: {  	s20 =	sld [smem:$0x7E8];
	_ =	sdelay $0x2  }
0x4e2: {  	v7 =	vmov s12;
	s4 =	sadd.s32 $0xFFFFFFA0, s20;
	s1 =	sadd.s32 $0xFFFFFFF0, s20  }
0x4e3: {  	v8 =	vadd.s32 s20, v6;
	s7 =	sadd.s32 $0xFFFFFFB0, s20;
	s8 =	sadd.s32 $0xFFFFFFC0, s20;
	v9 =	vadd.s32 s4, v6;
	v10 =	vadd.s32 s1, v6  }
0x4e4: {  	s6 =	sadd.s32 $0xFFFFFF90, s20;
	s9 =	sadd.s32 $0xFFFFFFD0, s20;
	s10 =	sadd.s32 $0xFFFFFFE0, s20;
	v11 =	vshrl.u32 v8, $0x3;
	v12 =	vadd.s32 s7, v6;
	v13 =	vadd.s32 s8, v6  }
0x4e5: {  	v15 =	vadd.s32 s6, v6;
	v16 =	vadd.s32 s9, v6;
	v18 =	vadd.s32 s10, v6  }
0x4e6: {  	v14 =	vshrl.u32 v10, $0x3;
	v17 =	vshrl.u32 v15, $0x3;
	v19 =	vshrl.u32 v9, $0x3  }
0x4e7: {  	s5 =	sld [smem:$0x7D5];
	v10 =	vand.u32 $0x7F, v10;
	v20 =	vshrl.u32 v12, $0x3;
	v14 =	vand.u32 $0x1FFFFF0, v14  }
0x4e8: {  	v21 =	vshrl.u32 v13, $0x3;
	v22 =	vshrl.u32 v18, $0x3;
	v14 =	vadd.s32 v5, v14  }
0x4e9: {  	[smem:$0x7C5] =	sst s12;
	v11 =	vand.u32 $0x1FFFFF0, v11;
	v15 =	vand.u32 $0x7F, v15;
	v14 =	vshll.u32 v14, $0x7  }
0x4ea: {  	s2 =	sld [smem:$0x7E7];
	p5 =	por $0x0, $0x0;
	s5 =	sadd.s32 $0x8, s5;
	v9 =	vand.u32 $0x7F, v9;
	v12 =	vand.u32 $0x7F, v12;
	v10 =	vor.u32 v10, v14  }
0x4eb: {  	s24 =	sand.u32 $0x70, s20;
	p6 =	slt.u32 s5, s15;
	s29 =	sand.u32 $0x70, s6;
	v13 =	vand.u32 $0x7F, v13;
	v18 =	vand.u32 $0x7F, v18;
	v19 =	vand.u32 $0x1FFFFF0, v19  }
0x4ec: {  	s6 =	sand.u32 $0x70, s4;
	s11 =	sand.u32 $0x70, s7;
	s13 =	sand.u32 $0x70, s8;
	v20 =	vand.u32 $0x1FFFFF0, v20;
	v21 =	vand.u32 $0x1FFFFF0, v21;
	v22 =	vand.u32 $0x1FFFFF0, v22  }
0x4ed: {  	s19 =	sand.u32 $0x70, s9;
	s7 =	sand.u32 $0x70, s10;
	s8 =	sadd.s32 $0x0, s18;
	v11 =	vadd.s32 v5, v11;
	v19 =	vadd.s32 v5, v19;
	v20 =	vadd.s32 v5, v20  }
0x4ee: {  	s10 =	sadd.s32 $0x0, s2;
	s1 =	sand.u32 $0x70, s1;
	[smem:$0x7C4] =	sst s7;
	v21 =	vadd.s32 v5, v21;
	v22 =	vadd.s32 v5, v22;
	v24 =	vshll.u32 v19, $0x7  }
0x4ef: {  	s23 =	sadd.s32 $0xE00, s8;
	s26 =	sadd.s32 $0xE80, s8;
	s12 =	sadd.s32 $0x1080, s8;
	v20 =	vshll.u32 v20, $0x7;
	v14 =	vand.u32 $0x1FFFFF0, v17;
	v17 =	vshrl.u32 v16, $0x3;
	v10 =	vld.idx.msk [tilespmem:v10+s30+$0x0], $0xffff  }
.Ltmp62:
0x4f0: {  	s15 =	sadd.s32 $0xF00, s8;
	s14 =	sadd.s32 $0xF80, s8;
	v21 =	vshll.u32 v21, $0x7;
	v19 =	vand.u32 $0x7F, v8;
	v17 =	vand.u32 $0x1FFFFF0, v17;
	(pc) =	sbr.rel @!p6 .LBB2_78-.Ltmp62, $4  }
0x4f1: {  	s16 =	sadd.s32 $0x1000, s8;
	s4 =	sadd.s32 $0x1100, s8;
	s9 =	sand.u32 $0xFFFFFC00, s12;
	v16 =	vand.u32 $0x7F, v16;
	v14 =	vadd.s32 v5, v14;
	v17 =	vadd.s32 v5, v17  }
0x4f2: {  	s17 =	sand.u32 $0xFFFFFC00, s23;
	s31 =	sand.u32 $0xFFFFFC00, s26;
	s9 =	sadd.s32 s9, s0;
	v23 =	vshll.u32 v14, $0x7;
	v25 =	vshll.u32 v17, $0x7;
	v17 =	vshll.u32 v11, $0x7  }
0x4f3: {  	s23 =	sand.u32 $0xFFFFFC00, s15;
	s26 =	sand.u32 $0xFFFFFC00, s14;
	s1 =	sadd.s32 s1, s9;
	v15 =	vor.u32 v15, v23;
	v11 =	vor.u32 v9, v24;
	v9 =	vor.u32 v13, v21  }
0x4f4: {  	s28 =	sand.u32 $0xFFFFFC00, s16;
	s16 =	sand.u32 $0xFFFFFC00, s4;
	s4 =	sadd.s32 $0x80, s20;
	v14 =	vshll.u32 v22, $0x7;
	v8 =	vor.u32 v16, v25;
	[tilespmem:v7+s1+$0x0 ss:$0x1] =	vst.idx.msk $0xffff, v10;
	v10 =	vor.u32 v12, v20  }
0x4f5: {  	s7 =	sadd.s32 $0xFFFFFFA0, s4  }
0x4f6: {  	s1 =	sadd.s32 $0xFFFFFFF0, s4;
	v13 =	vadd.s32 s4, v6;
	v12 =	vor.u32 v18, v14;
	s8 =	sadd.s32 $0xFFFFFFB0, s4;
	s12 =	sadd.s32 $0xFFFFFFC0, s4  }
0x4f7: {  	v16 =	vor.u32 v19, v17;
	s14 =	sadd.s32 $0xFFFFFF90, s4;
	s15 =	sadd.s32 $0xFFFFFFD0, s4;
	s25 =	smov.u32 s18;
	v18 =	vadd.s32 s7, v6;
	v14 =	vadd.s32 s1, v6  }
0x4f8: {  	s18 =	sadd.s32 $0xFFFFFFE0, s4;
	s9 =	sadd.s32 s17, s0;
	s22 =	sadd.s32 s31, s0;
	v17 =	vshrl.u32 v13, $0x3;
	v19 =	vadd.s32 s8, v6;
	v20 =	vadd.s32 s12, v6  }
0x4f9: {  	s23 =	sadd.s32 s23, s0;
	s21 =	sadd.s32 s26, s0;
	s20 =	sadd.s32 s28, s0;
	v22 =	vadd.s32 s14, v6;
	v23 =	vadd.s32 s15, v6;
	v25 =	vadd.s32 s18, v6  }
0x4fa: {  	s16 =	sadd.s32 s16, s0;
	p5 =	por $0x1, $0x1;
	s17 =	sadd.s32 s6, s9;
	v21 =	vshrl.u32 v14, $0x3;
	v24 =	vshrl.u32 v22, $0x3;
	v26 =	vshrl.u32 v18, $0x3  }
0x4fb: {  	v15 =	vld.idx.msk [tilespmem:v15+s30+$0x0], $0xffff;
	s31 =	sadd.s32 s11, s22;
	s23 =	sadd.s32 s13, s23;
	s9 =	sadd.s32 $0x8, s5;
	v14 =	vand.u32 $0x7F, v14;
	v27 =	vshrl.u32 v19, $0x3;
	v21 =	vand.u32 $0x1FFFFF0, v21  }
0x4fc: {  	v11 =	vld.idx.msk [tilespmem:v11+s30+$0x0], $0xffff;
	s11 =	rddreg [dreg:$0x5];
	s13 =	sand.u32 $0xFFFFFC00, s10;
	s5 =	sand.u32 $0x70, s14;
	v28 =	vshrl.u32 v20, $0x3;
	v59 =	vshrl.u32 v23, $0x3;
	v21 =	vadd.s32 v5, v21  }
0x4fd: {  	v10 =	vld.idx.msk [tilespmem:v10+s30+$0x0], $0xffff;
	s6 =	sand.u32 $0x70, s7;
	s22 =	sand.u32 $0x70, s15;
	s18 =	sand.u32 $0x70, s18;
	v29 =	vshrl.u32 v25, $0x3;
	v17 =	vand.u32 $0x1FFFFF0, v17;
	v21 =	vshll.u32 v21, $0x7  }
0x4fe: {  	v9 =	vld.idx.msk [tilespmem:v9+s30+$0x0], $0xffff;
	s14 =	sadd.s32 s24, s16;
	s24 =	simm.s32 $0x400;
	s26 =	sadd.s32 s13, s0;
	v63 =	vand.u32 $0x7F, v19;
	v19 =	vand.u32 $0x7F, v13;
	v14 =	vor.u32 v14, v21  }
0x4ff: {  	v8 =	vld.idx.msk [tilespmem:v8+s30+$0x0], $0xffff;
	s13 =	sand.u32 $0x70, s12;
	s12 =	sadd.s32 s19, s21;
	v58 =	vand.u32 $0x1FFFFF0, v24;
	v26 =	vand.u32 $0x1FFFFF0, v26;
	v27 =	vand.u32 $0x1FFFFF0, v27;
	s21 =	sadd.s32 s29, s26  }
0x500: {  	s10 =	sadd.s32 $0x400, s2;
	s1 =	sand.u32 $0x70, s1;
	v28 =	vand.u32 $0x1FFFFF0, v28;
	v24 =	vand.u32 $0x1FFFFF0, v59;
	s26 =	sld [smem:$0x7C4];
	v26 =	vadd.s32 v5, v26;
	[tilespmem:v7+s21+$0x0 ss:$0x1] =	vst.idx.msk $0xffff, v15  }
0x501: {  	p6 =	slt.u32 s9, s11;
	s11 =	sand.u32 $0x70, s8;
	v29 =	vand.u32 $0x1FFFFF0, v29;
	s29 =	sadd.s32 $0x400, s25;
	v27 =	vadd.s32 v5, v27;
	v28 =	vadd.s32 v5, v28;
	[tilespmem:v7+s17+$0x0 ss:$0x1] =	vst.idx.msk $0xffff, v11  }
0x502: {  	s19 =	sand.u32 $0x70, s4;
	v24 =	vadd.s32 v5, v24;
	s15 =	sadd.s32 $0x1080, s29;
	s16 =	sadd.s32 $0xE80, s29;
	v60 =	vshll.u32 v26, $0x7;
	v11 =	vadd.s32 v5, v17;
	[tilespmem:v7+s31+$0x0 ss:$0x1] =	vst.idx.msk $0xffff, v10  }
0x503: {  	s17 =	sadd.s32 $0xE00, s29;
	v61 =	vshll.u32 v27, $0x7;
	v62 =	vshll.u32 v28, $0x7;
	s8 =	sand.u32 $0xFFFFFC00, s15;
	v24 =	vshll.u32 v24, $0x7;
	[tilespmem:v7+s23+$0x0 ss:$0x1] =	vst.idx.msk $0xffff, v9;
	s23 =	sadd.s32 $0xF00, s29;
	v30 =	vld.idx.msk [tilespmem:v14+s30+$0x0], $0xffff  }
.Ltmp63:
0x504: {  	v10 =	vand.u32 $0x7F, v22;
	v9 =	vand.u32 $0x7F, v18;
	[tilespmem:v7+s12+$0x0 ss:$0x1] =	vst.idx.msk $0xffff, v8;
	s21 =	sadd.s32 $0x1000, s29;
	v8 =	vand.u32 $0x7F, v20;
	s31 =	sand.u32 $0xFFFFFC00, s16;
	(pc) =	sbr.rel @!p6 .LBB2_89-.Ltmp63, $4  }
0x505: {  	v20 =	vand.u32 $0x7F, v23;
	v18 =	vand.u32 $0x7F, v25;
	v21 =	vadd.s32 v5, v58;
	s20 =	sadd.s32 s26, s20;
	s8 =	sadd.s32 s8, s0;
	s26 =	sadd.s32 $0xF80, s29  }
0x506: {  	v12 =	vld.idx.msk [tilespmem:v12+s30+$0x0], $0xffff;
	v17 =	vshll.u32 v11, $0x7;
	s17 =	sand.u32 $0xFFFFFC00, s17;
	s29 =	sadd.s32 $0x1100, s29;
	v11 =	vor.u32 v9, v60;
	s23 =	sand.u32 $0xFFFFFC00, s23;
	v9 =	vor.u32 v8, v62  }
0x507: {  	v16 =	vld.idx.msk [tilespmem:v16+s30+$0x0], $0xffff;
	s28 =	sand.u32 $0xFFFFFC00, s21;
	v8 =	vor.u32 v20, v24;
	s21 =	smov.u32 s2;
	v15 =	vshll.u32 v21, $0x7;
	s1 =	sadd.s32 s1, s8;
	v14 =	vadd.s32 v5, v29  }
0x508: {  	s26 =	sand.u32 $0xFFFFFC00, s26;
	s16 =	sand.u32 $0xFFFFFC00, s29;
	v15 =	vor.u32 v10, v15;
	v10 =	vor.u32 v63, v61;
	v14 =	vshll.u32 v14, $0x7;
	[tilespmem:v7+s1+$0x0 ss:$0x1] =	vst.idx.msk $0xffff, v30;
	s1 =	sadd.s32 $0x80, s4  }
.LBB2_90:
0x509: {  	s7 =	sadd.s32 $0xFFFFFFA0, s1  }
0x50a: {  	s4 =	sadd.s32 $0xFFFFFFF0, s1;
	s9 =	sadd.s32 $0x8, s9;
	s29 =	smov.u32 s19  }
0x50b: {  	v13 =	vadd.s32 s1, v6;
	v14 =	vor.u32 v18, v14;
	s8 =	sadd.s32 $0xFFFFFFB0, s1;
	s12 =	sadd.s32 $0xFFFFFFC0, s1;
	s2 =	rddreg [dreg:$0x5]  }
0x50c: {  	v17 =	vor.u32 v19, v17;
	s15 =	sadd.s32 $0xFFFFFFD0, s1;
	s19 =	sadd.s32 $0xFFFFFFE0, s1;
	s10 =	sand.u32 $0xFFFFFC00, s10;
	[tilespmem:v7+s20+$0x0 ss:$0x1] =	vst.idx.msk $0xffff, v12;
	v18 =	vadd.s32 s7, v6;
	v12 =	vadd.s32 s4, v6  }
0x50d: {  	s17 =	sadd.s32 s17, s0;
	s31 =	sadd.s32 s31, s0;
	s23 =	sadd.s32 s23, s0;
	v19 =	vshrl.u32 v13, $0x3;
	v20 =	vadd.s32 s8, v6;
	v21 =	vadd.s32 s12, v6  }
0x50e: {  	s26 =	sadd.s32 s26, s0;
	s20 =	smov.u32 s18;
	s18 =	sadd.s32 $0xFFFFFF90, s1;
	v23 =	vadd.s32 s15, v6;
	v25 =	vadd.s32 s19, v6;
	[tilespmem:v7+s14+$0x0 ss:$0x1] =	vst.idx.msk $0xffff, v16;
	v16 =	vshrl.u32 v12, $0x3  }
0x50f: {  	s28 =	sadd.s32 s28, s0;
	s24 =	sadd.s32 $0x400, s24;
	p6 =	slt.u32 s9, s2;
	v22 =	vadd.s32 s18, v6;
	v26 =	vshrl.u32 v18, $0x3;
	v12 =	vand.u32 $0x7F, v12  }
0x510: {  	s10 =	sadd.s32 s10, s0;
	s7 =	sand.u32 $0x70, s7;
	s8 =	sand.u32 $0x70, s8;
	v27 =	vshrl.u32 v20, $0x3;
	v28 =	vshrl.u32 v21, $0x3;
	v16 =	vand.u32 $0x1FFFFF0, v16  }
0x511: {  	v11 =	vld.idx.msk [tilespmem:v11+s30+$0x0], $0xffff;
	s12 =	sand.u32 $0x70, s12;
	s15 =	sand.u32 $0x70, s15;
	s23 =	sadd.s32 s13, s23;
	v30 =	vshrl.u32 v25, $0x3;
	v19 =	vand.u32 $0x1FFFFF0, v19;
	v16 =	vadd.s32 v5, v16  }
0x512: {  	v10 =	vld.idx.msk [tilespmem:v10+s30+$0x0], $0xffff;
	s26 =	sadd.s32 s22, s26;
	s4 =	sand.u32 $0x70, s4;
	s2 =	sand.u32 $0x70, s18;
	v20 =	vand.u32 $0x7F, v20;
	v21 =	vand.u32 $0x7F, v21;
	v16 =	vshll.u32 v16, $0x7  }
0x513: {  	v9 =	vld.idx.msk [tilespmem:v9+s30+$0x0], $0xffff;
	s14 =	sadd.s32 s16, s0;
	s18 =	sand.u32 $0x70, s19;
	s19 =	sand.u32 $0x70, s1;
	v63 =	vand.u32 $0x7F, v23;
	v24 =	vshrl.u32 v22, $0x3;
	v29 =	vor.u32 v12, v16  }
0x514: {  	v15 =	vld.idx.msk [tilespmem:v15+s30+$0x0], $0xffff;
	s16 =	sadd.s32 s6, s17;
	s17 =	sadd.s32 s11, s31;
	s20 =	sadd.s32 s20, s28;
	v26 =	vand.u32 $0x1FFFFF0, v26;
	v27 =	vand.u32 $0x1FFFFF0, v27;
	v28 =	vand.u32 $0x1FFFFF0, v28  }
0x515: {  	v8 =	vld.idx.msk [tilespmem:v8+s30+$0x0], $0xffff;
	s6 =	smov.u32 s7;
	s11 =	smov.u32 s8;
	s13 =	smov.u32 s12;
	v30 =	vand.u32 $0x1FFFFF0, v30;
	v58 =	vadd.s32 v5, v26;
	v59 =	vadd.s32 v5, v27  }
0x516: {  	s22 =	smov.u32 s15;
	s1 =	sadd.s32 $0x80, s1;
	s14 =	sadd.s32 s29, s14;
	v24 =	vand.u32 $0x1FFFFF0, v24;
	v60 =	vadd.s32 v5, v28;
	v61 =	vadd.s32 v5, v30;
	[tilespmem:v7+s16+$0x0 ss:$0x1] =	vst.idx.msk $0xffff, v11  }
0x517: {  	s29 =	sadd.s32 s5, s10;
	s5 =	smov.u32 s2;
	s2 =	sadd.s32 s24, s25;
	v26 =	vshll.u32 v59, $0x7;
	v27 =	vshll.u32 v60, $0x7;
	v11 =	vand.u32 $0x7F, v22;
	[tilespmem:v7+s17+$0x0 ss:$0x1] =	vst.idx.msk $0xffff, v10;
	v12 =	vld.idx.msk [tilespmem:v14+s30+$0x0], $0xffff  }
0x518: {  	s10 =	sadd.s32 s24, s21;
	s7 =	sadd.s32 $0xE00, s2;
	s8 =	sadd.s32 $0xE80, s2;
	v10 =	vand.u32 $0x7F, v18;
	[tilespmem:v7+s23+$0x0 ss:$0x1] =	vst.idx.msk $0xffff, v9;
	v18 =	vand.u32 $0x7F, v25;
	v16 =	vshrl.u32 v23, $0x3;
	v29 =	vld.idx.msk [tilespmem:v29+s30+$0x0], $0xffff  }
.Ltmp64:
0x519: {  	s15 =	sadd.s32 $0x1080, s2;
	s28 =	sadd.s32 $0x1000, s2;
	v9 =	vor.u32 v21, v27;
	v14 =	vand.u32 $0x1FFFFF0, v16;
	v16 =	vld.idx.msk [tilespmem:v17+s30+$0x0], $0xffff;
	v17 =	vadd.s32 v5, v24;
	(pc) =	sbr.rel @p6 .LBB2_90-.Ltmp64, $4  }
0x51a: {  	[tilespmem:v7+s29+$0x0 ss:$0x1] =	vst.idx.msk $0xffff, v15;
	s16 =	sadd.s32 $0xF00, s2;
	s29 =	sadd.s32 $0xF80, s2;
	s12 =	sand.u32 $0xFFFFFC00, s15;
	v24 =	vshll.u32 v58, $0x7;
	v14 =	vadd.s32 v5, v14;
	v62 =	vshll.u32 v17, $0x7  }
0x51b: {  	s17 =	sand.u32 $0xFFFFFC00, s7;
	s2 =	sadd.s32 $0x1100, s2;
	s12 =	sadd.s32 s12, s0;
	v17 =	vadd.s32 v5, v19;
	v19 =	vand.u32 $0x7F, v13;
	v31 =	vshll.u32 v14, $0x7  }
0x51c: {  	[tilespmem:v7+s26+$0x0 ss:$0x1] =	vst.idx.msk $0xffff, v8;
	s31 =	sand.u32 $0xFFFFFC00, s8;
	s28 =	sand.u32 $0xFFFFFC00, s28;
	s4 =	sadd.s32 s4, s12;
	v14 =	vshll.u32 v61, $0x7;
	v15 =	vor.u32 v11, v62;
	v11 =	vor.u32 v10, v24  }
0x51d: {  	s23 =	sand.u32 $0xFFFFFC00, s16;
	s26 =	sand.u32 $0xFFFFFC00, s29;
	s16 =	sand.u32 $0xFFFFFC00, s2;
	v17 =	vshll.u32 v17, $0x7;
	v10 =	vor.u32 v20, v26;
	v8 =	vor.u32 v63, v31;
	[tilespmem:v7+s4+$0x0 ss:$0x1] =	vst.idx.msk $0xffff, v29  }
0x51e: {  	s21 =	sld [smem:$0x7D6]  }
0x51f: {  	s7 =	smov.u32 s18;
	s18 =	smov.u32 s25;
	s25 =	sld [smem:$0x7D7]  }
0x520: {  	s24 =	smov.u32 s19;
	s15 =	rddreg [dreg:$0x5]  }
0x521: {  	s19 =	smov.u32 s22;
	s29 =	smov.u32 s5;
	s22 =	sld [smem:$0x7CC]  }
.LBB2_92:
0x522: {  	_ =	sdelay $0x3  }
0x523: {  	v13 =	vor.u32 v18, v14;
	v60 =	vld.idx.msk [tilespmem:v15+s30+$0x0], $0xffff  }
0x524: {  	v61 =	vor.u32 v19, v17;
	v11 =	vld.idx.msk [tilespmem:v11+s30+$0x0], $0xffff  }
0x525: {  	s1 =	sand.u32 $0xFFFFFC00, s10;
	v10 =	vld.idx.msk [tilespmem:v10+s30+$0x0], $0xffff  }
0x526: {  	[tilespmem:v7+s20+$0x0 ss:$0x1] =	vst.idx.msk @p5 $0xffff, v12;
	v9 =	vld.idx.msk [tilespmem:v9+s30+$0x0], $0xffff;
	s1 =	sadd.s32 s1, s0  }
0x527: {  	[tilespmem:v7+s14+$0x0 ss:$0x1] =	vst.idx.msk @p5 $0xffff, v16;
	s2 =	sadd.s32 s17, s0;
	v8 =	vld.idx.msk [tilespmem:v8+s30+$0x0], $0xffff;
	s1 =	sadd.s32 s29, s1  }
0x528: {  	s4 =	sadd.s32 s31, s0;
	s2 =	sadd.s32 s6, s2;
	v62 =	vld.idx.msk [tilespmem:v13+s30+$0x0], $0xffff;
	[tilespmem:v7+s1+$0x0 ss:$0x1] =	vst.idx.msk $0xffff, v60  }
0x529: {  	s23 =	sadd.s32 s23, s0;
	s4 =	sadd.s32 s11, s4;
	v63 =	vld.idx.msk [tilespmem:v61+s30+$0x0], $0xffff;
	[tilespmem:v7+s2+$0x0 ss:$0x1] =	vst.idx.msk $0xffff, v11  }
0x52a: {  	s26 =	sadd.s32 s26, s0;
	s1 =	sadd.s32 s13, s23;
	[tilespmem:v7+s4+$0x0 ss:$0x1] =	vst.idx.msk $0xffff, v10  }
0x52b: {  	s29 =	sadd.s32 s28, s0;
	s2 =	sadd.s32 s19, s26;
	[tilespmem:v7+s1+$0x0 ss:$0x1] =	vst.idx.msk $0xffff, v9  }
0x52c: {  	s31 =	sadd.s32 s16, s0;
	s4 =	sadd.s32 s7, s29;
	[tilespmem:v7+s2+$0x0 ss:$0x1] =	vst.idx.msk $0xffff, v8  }
0x52d: {  	s1 =	sadd.s32 s24, s31;
	[tilespmem:v7+s4+$0x0 ss:$0x1] =	vst.idx.msk $0xffff, v62  }
0x52e: {  	[tilespmem:v7+s1+$0x0 ss:$0x1] =	vst.idx.msk $0xffff, v63  }
0x52f: {  	s28 =	sld [smem:$0x7CD]  }
0x530: {  	s20 =	simm.s32 $0x10800;
	s12 =	sld [smem:$0x7C5]  }
.LBB2_93:
.Ltmp65:
0x531: {  	(pc) =	sbr.rel @p4 .LBB2_95-.Ltmp65, $4  }
0x532: {  	_ = 	snop  }
0x533: {  	s1 =	sld [smem:$0x7E6]  }
0x534: {  	s4 =	sld [smem:$0x7E5]  }
0x535: {  	s5 =	rddreg [dreg:$0x1f]  }
.LBB2_94:
0x536: {  	v7 =	vadd.s32 s1, v6  }
0x537: {  	v8 =	vshrl.u32 v7, $0x3  }
0x538: {  	v8 =	vand.u32 $0x1FFFFF0, v8  }
0x539: {  	v8 =	vadd.s32 v5, v8  }
0x53a: {  	v7 =	vand.u32 $0x7F, v7;
	v8 =	vshll.u32 v8, $0x7  }
0x53b: {  	v7 =	vor.u32 v7, v8;
	_ =	sdelay $0x3  }
0x53c: {  	s5 =	sadd.s32 $0x1, s5  }
0x53d: {  	p0 =	slt.u32 s5, $0x21;
	v7 =	vld.idx.msk [tilespmem:v7+s30+$0x0], $0xffff  }
.Ltmp66:
0x53e: {  	s2 =	sand.u32 $0x7FFFFC00, s4;
	(pc) =	sbr.rel @p0 .LBB2_94-.Ltmp66, $4  }
0x53f: {  	s6 =	sand.u32 $0x70, s1;
	s2 =	sadd.s32 s2, s0  }
0x540: {  	s2 =	sadd.s32 s6, s2  }
0x541: {  	s2 =	sadd.s32 s12, s2  }
0x542: {  	s4 =	sadd.s32 $0x80, s4;
	s1 =	sadd.s32 $0x10, s1;
	[tilespmem:s2+$0x0] =	vst v7  }
.Ltmp67:
0x543: {  	_ = 	snop;
	(pc) =	sbr.rel .LBB2_95-.Ltmp67, $1  }
0x544: {  	_ =	sdelay $0x3  }
.LBB2_51:
.Ltmp68:
0x545: {  	(pc) =	sbr.rel .LBB2_62-.Ltmp68, $2  }
0x546: {  	_ =	sdelay $0x2  }
0x547: {  	s1 =	smov.u32 s0  }
.LBB2_55:
.Ltmp69:
0x548: {  	(pc) =	sbr.rel .LBB2_69-.Ltmp69, $3  }
0x549: {  	_ =	sdelay $0x1  }
0x54a: {  	s7 =	sld [smem:$0x7C7]  }
0x54b: {  	s8 =	sld [smem:$0x7C8]  }
.LBB2_74:
.Ltmp70:
0x54c: {  	(pc) =	sbr.rel .LBB2_85-.Ltmp70, $2  }
0x54d: {  	_ =	sdelay $0x2  }
0x54e: {  	s1 =	smov.u32 s2  }
.LBB2_78:
.Ltmp71:
0x54f: {  	(pc) =	sbr.rel .LBB2_92-.Ltmp71, $3  }
0x550: {  	_ =	sdelay $0x1  }
0x551: {  	s15 =	rddreg [dreg:$0x5]  }
0x552: {  	s7 =	sld [smem:$0x7C4]  }
.LBB2_57:
.Ltmp72:
0x553: {  	(pc) =	sbr.rel .LBB2_62-.Ltmp72, $3  }
0x554: {  	_ =	sdelay $0x1  }
0x555: {  	v15 =	vmov v23;
	v17 =	vmov v14  }
0x556: {  	v18 =	vmovc v13;
	s1 =	smov.u32 s0;
	v23 =	vmovc v28;
	v14 =	vmov v27;
	s4 =	smov.u32 s0;
	v13 =	vmov v25;
	v11 =	vmov v32  }
.LBB2_66:
.Ltmp73:
0x557: {  	s7 =	smov.u32 s18;
	s18 =	rddreg [dreg:$0x6];
	(pc) =	sbr.rel .LBB2_69-.Ltmp73, $4  }
0x558: {  	s21 =	sld [smem:$0x7D6]  }
0x559: {  	s25 =	sld [smem:$0x7D7]  }
0x55a: {  	s8 =	smov.u32 s19;
	s19 =	smov.u32 s28;
	s28 =	sld [smem:$0x7CD]  }
0x55b: {  	s31 =	smov.u32 s11;
	s29 =	sld [smem:$0x7C6]  }
.LBB2_80:
.Ltmp74:
0x55c: {  	(pc) =	sbr.rel .LBB2_85-.Ltmp74, $3  }
0x55d: {  	_ =	sdelay $0x1  }
0x55e: {  	v15 =	vmov v23;
	v17 =	vmov v14  }
0x55f: {  	v18 =	vmovc v13;
	s1 =	smov.u32 s2;
	v23 =	vmovc v28;
	v14 =	vmov v27;
	s5 =	smov.u32 s2;
	v13 =	vmov v25;
	v11 =	vmov v32  }
.LBB2_89:
.Ltmp75:
0x560: {  	(pc) =	sbr.rel .LBB2_92-.Ltmp75, $4  }
0x561: {  	s21 =	sld [smem:$0x7D6]  }
0x562: {  	s7 =	smov.u32 s18;
	s18 =	smov.u32 s25;
	s25 =	sld [smem:$0x7D7]  }
0x563: {  	s24 =	smov.u32 s19;
	s15 =	rddreg [dreg:$0x5]  }
0x564: {  	s19 =	smov.u32 s22;
	s29 =	smov.u32 s5;
	s22 =	sld [smem:$0x7CC]  }
.LBB2_59:
.Ltmp76:
0x565: {  	(pc) =	sbr.rel .LBB2_62-.Ltmp76, $2  }
0x566: {  	_ =	sdelay $0x2  }
0x567: {  	v15 =	vmovc v28;
	s2 =	smov.u32 s0;
	v17 =	vmovc v27;
	s4 =	smov.u32 s1;
	v18 =	vmov v25;
	v31 =	vmov v30;
	v30 =	vmov v29  }
.LBB2_82:
.Ltmp77:
0x568: {  	(pc) =	sbr.rel .LBB2_85-.Ltmp77, $2  }
0x569: {  	_ =	sdelay $0x2  }
0x56a: {  	v15 =	vmovc v28;
	s4 =	smov.u32 s2;
	v17 =	vmovc v27;
	s5 =	smov.u32 s1;
	v18 =	vmov v25;
	v31 =	vmov v30;
	v30 =	vmov v29  }
.LBB2_96:
0x56b: {  	s0 =	sld [smem:$0x7D1]  }
0x56c: {  	s31 =	sld [smem:$0x7CF];
	_ =	sdelay $0x1  }
0x56d: {  	s0 =	sshrl.u32 s0, $0x3  }
0x56e: {  	p0 =	seq.s32 s31, $0x1;
	s0 =	smul.u32 $0x1400, s0  }
.Ltmp78:
0x56f: {  	s1 =	rddreg [dreg:$0x15];
	(pc) =	sbr.rel @p0 .LBB2_98-.Ltmp78, $4  }
0x570: {  	s0 =	sadd.s32 s1, s0  }
0x571: {  	s28 =	rddreg [dreg:$0x8];
	s0 =	sshrl.u32 s0, $0x3  }
0x572: {  	s29 =	simm.s32 $0x19400;
	s0 =	sadd.s32 s28, s0  }
0x573: {  	[hbm4b:s0+s3] =	stream.linear.scatter [tilespmem:s29], [sflag:$0x5], $0x2800, $0x38;
	[tilespmem:$0x1D000] =	vst v63  }
0x574: {  	s0 =	sld [smem:$0x7F1];
	_ =	sdelay $0x2  }
0x575: {  	s0 =	sadd.s32 $0x30, s0  }
0x576: {  	s1 =	sand.u32 $0x380, s0;
	s0 =	sand.u32 $0x70, s0  }
0x577: {  	s0 =	ssub.s32 s0, s1  }
0x578: {  	s22 =	rddreg [dreg:$0x16];
	s0 =	sshll.u32 s0, $0x9  }
0x579: {  	s23 =	rddreg [dreg:$0x0];
	s2 =	simm.s32 $0x400;
	s0 =	sadd.s32 s0, s22  }
0x57a: {  	s4 =	simm.s32 $0x1000;
	s24 =	rddreg [dreg:$0x17];
	s0 =	sshrl.u32 s0, $0x3  }
0x57b: {  	s5 =	simm.s32 $0x13800;
	s25 =	rddreg [dreg:$0x18];
	s1 =	sadd.s32 s23, s0  }
0x57c: {  	[tilespmem:s30], [sflag:$0x3] =	stream.strided.gather [hbm4b:s1+s2], $0x800, s4, s2, $0x38;
	[tilespmem:$0x1D000] =	vst v63  }
0x57d: {  	s26 =	simm.s32 $0x14000;
	s28 =	rddreg [dreg:$0x19];
	s1 =	sadd.s32 s0, s24  }
0x57e: {  	[tilespmem:s5], [sflag:$0x3] =	stream.strided.gather [hbm4b:s1+s2], $0x800, s4, s2, $0x38;
	[tilespmem:$0x1D000] =	vst v63  }
.Ltmp79:
0x57f: {  	s11 =	rddreg [dreg:$0x1e];
	s1 =	sadd.s32 s0, s25;
	(pc) =	sbr.rel .LBB2_2-.Ltmp79, $4  }
0x580: {  	[tilespmem:s26], [sflag:$0x3] =	stream.strided.gather [hbm4b:s1+s2], $0x800, s4, s2, $0x38;
	[tilespmem:$0x1D000] =	vst v63  }
0x581: {  	s29 =	simm.s32 $0x14800;
	s31 =	rddreg [dreg:$0x1d];
	s0 =	sadd.s32 s0, s28  }
0x582: {  	[tilespmem:s29], [sflag:$0x3] =	stream.strided.gather [hbm4b:s0+s2], $0x800, s4, s2, $0x38;
	[tilespmem:$0x1D000] =	vst v63  }
0x583: {  	s6 =	sadd.s32 $0x20, s6;
	s11 =	sadd.s32 $0x1, s11;
	s0 =	sadd.s32 $0x1, s31  }
.LBB2_99:
0x584: {  	_ =	sfence.sel $0x180000  }
0x585: {  	[bflag:$0x0] =	sbarrier.arrive $0xFFFF  }
0x586: {  	_ =	strace $0x90000047  }
0x587: {  	s0 =	stileid.u32;
	[bflag:$0x2] =	sbarrier.arrive $0xFFFF  }
0x588: {  	p0 =	sne.s32 s0, $0x0;
	s0 =	rddreg [dreg:$0x3]  }
0x589: {  	s0 =	sadd.s32 @!p0 $0x100000, s0  }
0x58a: {  	[sflag:s0] =	ssyncadd.tile.s32 @!p0 $0x1;
	_ =	shalt  }
.Lfunc_end2:
_tile_overlayer_lowered:
.L_overlay_start_2:
0x58b: {  	(tag) =	ssettag $0x2  }
0x58c: {  	s0 =	rddreg [dreg:$0x0];
	s2 =	stileid.u32  }
0x58d: {  	s1 =	rddreg [dreg:$0x1];
	p0 =	sne.s32 s2, $0x0  }
0x58e: {  	s3 =	rddreg [dreg:$0x2];
	[bflag:$0x3] =	sbarrier.arrive $0xFFFF;
	s2 =	simm.s32 @!p0 $0x1C06  }
0x58f: {  	[timem:s3], [sflag:s2] =	dma.local @!p0 [hbm:s0], s1  }
0x590: {  	s0 =	simm.s32 @!p0 $0x6  }
0x591: {  	_ =	swait.ge @!p0 [sflag:s0], s1  }
0x592: {  	s1 =	ssub.s32 @!p0 $0x0, s1;
	[sflag:s0] =	ssyncset.done @!p0 $0x0  }
0x593: {  	[sflag:s0] =	ssyncadd.s32 @!p0 s1  }
0x594: {  	[bflag:$0x3] =	sbarrier.arrive $0xFFFF  }
0x595: {  	_ =	shalt  }

</sc_bundles>
